<compile_context>
chip_gen: v7x
topology: tpu7x:2x2x1
jax: 0.10.2.dev20260603
libtpu: 0.0.44.dev20260713+nightly
codegen_flags: <defaults>
</compile_context>

<pallas_src>
import functools

import jax
import jax.numpy as jnp
from jax import lax
from jax.experimental import pallas as pl
from jax.experimental.pallas import tpu as pltpu
from jax.experimental.pallas import tpu_sc as plsc

N = 10000
F = 128
H = 128
C = 40
CP = 48
E = 320000
NC = 2
NS = 16
NW = NC * NS
NP = 10240
K = 128
NCHUNK = 80
EW = K * NCHUNK
GC = 16
NGRP = NCHUNK // GC
EP = NW * EW
RT = NP // NS
BN_EPS = 1e-5
B = 1024
G = NP // B


def _sc_mesh():
    return plsc.VectorSubcoreMesh(core_axis_name="c", subcore_axis_name="s")


def _zero_acc(zbuf, acc, s, d):
    for r in range(16):
        for j in range(d // 16):
            zbuf[r, pl.ds(j * 16, 16)] = jnp.zeros((16,), jnp.float32)
    row0 = s * RT

    def body(i, carry):
        pltpu.sync_copy(zbuf, acc.at[pl.ds(row0 + i * 16, 16)])
        return carry

    lax.fori_loop(0, RT // 16, body, 0)


@functools.cache
def _make_deg():
    @functools.partial(
        pl.kernel,
        out_type=jax.ShapeDtypeStruct((NC * NP, 16), jnp.float32),
        mesh=_sc_mesh(),
        scratch_types=[
            pltpu.VMEM((16, 16), jnp.float32),
            pltpu.VMEM((K, 16), jnp.float32),
            pltpu.VMEM((NCHUNK, K), jnp.int32),
            pltpu.VMEM_SHARED((NP, 16), jnp.float32),
            pltpu.SemaphoreType.DMA,
        ],
    )
    def deg_kernel(dst_hbm, out_hbm, zbuf, ones, idx, acc, sem):
        c = lax.axis_index("c")
        s = lax.axis_index("s")
        wid = s * NC + c
        _zero_acc(zbuf, acc, s, 16)
        for r in range(K):
            ones[r, :] = jnp.ones((16,), jnp.float32)
        pltpu.sync_copy(dst_hbm.at[wid], idx)
        plsc.subcore_barrier()

        def fire(k, carry):
            pltpu.async_copy(ones, acc.at[idx.at[k]], sem, add=True)
            return carry

        lax.fori_loop(0, NCHUNK, fire, 0)

        def drain(k, carry):
            pltpu.make_async_copy(ones, acc.at[idx.at[k]], sem).wait()
            return carry

        lax.fori_loop(0, NCHUNK, drain, 0)
        plsc.subcore_barrier()
        row0 = s * RT
        pltpu.sync_copy(acc.at[pl.ds(row0, RT)], out_hbm.at[pl.ds(c * NP + row0, RT)])

    return deg_kernel


@functools.cache
def _make_prop(d):
    @functools.partial(
        pl.kernel,
        out_type=jax.ShapeDtypeStruct((NC * NP, d), jnp.float32),
        mesh=_sc_mesh(),
        scratch_types=[
            pltpu.VMEM((16, d), jnp.float32),
            pltpu.VMEM((GC, K), jnp.int32),
            pltpu.VMEM((GC, K), jnp.int32),
            pltpu.VMEM((K, d), jnp.float32),
            pltpu.VMEM((K, d), jnp.float32),
            pltpu.VMEM_SHARED((NP, d), jnp.float32),
            pltpu.SemaphoreType.DMA,
        ],
        compiler_params=pltpu.CompilerParams(use_tc_tiling_on_sc=(d % 128 == 0)),
    )
    def prop(y_hbm, src_hbm, dst_hbm, out_hbm, zbuf, idx_s, idx_d, rows0, rows1, acc, sem):
        c = lax.axis_index("c")
        s = lax.axis_index("s")
        wid = s * NC + c
        _zero_acc(zbuf, acc, s, d)
        plsc.subcore_barrier()

        def gather(k, buf):
            pltpu.async_copy(y_hbm.at[idx_s.at[k]], buf, sem)

        def gather_wait(k, buf):
            pltpu.make_async_copy(y_hbm.at[idx_s.at[k]], buf, sem).wait()

        def scatter(k, buf):
            pltpu.sync_copy(buf, acc.at[idx_d.at[k]], add=True)

        def group(g, carry):
            pltpu.sync_copy(src_hbm.at[wid, pl.ds(g * GC, GC)], idx_s)
            pltpu.sync_copy(dst_hbm.at[wid, pl.ds(g * GC, GC)], idx_d)
            gather(0, rows0)

            def body(i, c2):
                k = i * 2
                gather(k + 1, rows1)
                gather_wait(k, rows0)
                scatter(k, rows0)

                @pl.when(k + 2 < GC)
                def _():
                    gather(k + 2, rows0)

                gather_wait(k + 1, rows1)
                scatter(k + 1, rows1)
                return c2

            lax.fori_loop(0, GC // 2, body, 0)
            return carry

        lax.fori_loop(0, NGRP, group, 0)
        plsc.subcore_barrier()
        row0 = s * RT
        pltpu.sync_copy(acc.at[pl.ds(row0, RT)], out_hbm.at[pl.ds(c * NP + row0, RT)])

    return prop


def _dis(deg_ref):
    deg = deg_ref[0][:, 0:1] + deg_ref[1][:, 0:1] + 1.0
    return lax.rsqrt(deg)


def _tc1_body(deg_ref, x_ref, w_ref, y_ref):
    y_ref[...] = (
        jnp.dot(x_ref[...], w_ref[...], preferred_element_type=jnp.float32)
        * _dis(deg_ref)
    )


def _tc2a_body(acc_ref, y1_ref, deg_ref, b1_ref, hpre_ref, stats_ref):
    i = pl.program_id(0)
    hp = (acc_ref[0] + acc_ref[1] + y1_ref[...]) * _dis(deg_ref) + b1_ref[...]
    row = i * B + lax.broadcasted_iota(jnp.int32, (B, 1), 0)
    hp = jnp.where(row < N, hp, 0.0)
    hpre_ref[...] = hp
    st = jnp.concatenate(
        [jnp.sum(hp, axis=0, keepdims=True), jnp.sum(hp * hp, axis=0, keepdims=True)],
        axis=0,
    )

    @pl.when(i == 0)
    def _():
        stats_ref[...] = st

    @pl.when(i > 0)
    def _():
        stats_ref[...] += st


def _tc2b_body(hpre_ref, stats_ref, deg_ref, gamma_ref, beta_ref, w2_ref, y2_ref):
    mean = stats_ref[0:1] / N
    var = stats_ref[1:2] / N - mean * mean
    h = (hpre_ref[...] - mean) * lax.rsqrt(var + BN_EPS) * gamma_ref[...] + beta_ref[...]
    h = jnp.maximum(h, 0.0)
    y2_ref[...] = (
        jnp.dot(h, w2_ref[...], preferred_element_type=jnp.float32) * _dis(deg_ref)
    )


def _tc3_body(acc_ref, y2_ref, deg_ref, b2_ref, out_ref):
    z = (acc_ref[0] + acc_ref[1] + y2_ref[...]) * _dis(deg_ref) + b2_ref[...]
    col = lax.broadcasted_iota(jnp.int32, (B, CP), 1)
    valid = col < C
    m = jnp.max(jnp.where(valid, z, -1e30), axis=1, keepdims=True)
    ex = jnp.where(valid, jnp.exp(z - m), 0.0)
    out_ref[...] = z - m - jnp.log(jnp.sum(ex, axis=1, keepdims=True))


def _deg_spec():
    return pl.BlockSpec((2, B, 16), lambda i: (0, i, 0))


def _row_spec(d):
    return pl.BlockSpec((B, d), lambda i: (i, 0))


def _full_spec(r, d):
    return pl.BlockSpec((r, d), lambda i: (0, 0))


_tc1 = pl.pallas_call(
    _tc1_body,
    grid=(G,),
    in_specs=[_deg_spec(), _row_spec(F), _full_spec(F, H)],
    out_specs=_row_spec(H),
    out_shape=jax.ShapeDtypeStruct((NP, H), jnp.float32),
)

_tc2a = pl.pallas_call(
    _tc2a_body,
    grid=(G,),
    in_specs=[
        pl.BlockSpec((2, B, H), lambda i: (0, i, 0)),
        _row_spec(H),
        _deg_spec(),
        _full_spec(1, H),
    ],
    out_specs=[_row_spec(H), _full_spec(2, H)],
    out_shape=[
        jax.ShapeDtypeStruct((NP, H), jnp.float32),
        jax.ShapeDtypeStruct((2, H), jnp.float32),
    ],
)

_tc2b = pl.pallas_call(
    _tc2b_body,
    grid=(G,),
    in_specs=[
        _row_spec(H),
        _full_spec(2, H),
        _deg_spec(),
        _full_spec(1, H),
        _full_spec(1, H),
        _full_spec(H, CP),
    ],
    out_specs=_row_spec(CP),
    out_shape=jax.ShapeDtypeStruct((NP, CP), jnp.float32),
)

_tc3 = pl.pallas_call(
    _tc3_body,
    grid=(G,),
    in_specs=[
        pl.BlockSpec((2, B, CP), lambda i: (0, i, 0)),
        _row_spec(CP),
        _deg_spec(),
        _full_spec(1, CP),
    ],
    out_specs=_row_spec(CP),
    out_shape=jax.ShapeDtypeStruct((NP, CP), jnp.float32),
)


def kernel(x, edge_index, W1, b1, gamma, beta, W2, b2):
    ei = edge_index.astype(jnp.int32)
    pad = jnp.full((EP - E,), N, jnp.int32)
    src = jnp.concatenate([ei[0], pad]).reshape(NW, NCHUNK, K)
    dst = jnp.concatenate([ei[1], pad]).reshape(NW, NCHUNK, K)
    xp = jnp.pad(x, ((0, NP - N), (0, 0)))
    degacc = _make_deg()(dst).reshape(2, NP, 16)
    y1 = _tc1(degacc, xp, W1)
    acc1 = _make_prop(H)(y1, src, dst).reshape(2, NP, H)
    hpre, stats = _tc2a(acc1, y1, degacc, b1.reshape(1, H))
    W2p = jnp.pad(W2, ((0, 0), (0, CP - C)))
    y2 = _tc2b(hpre, stats, degacc, gamma.reshape(1, H), beta.reshape(1, H), W2p)
    acc2 = _make_prop(CP)(y2, src, dst).reshape(2, NP, CP)
    z = _tc3(acc2, y2, degacc, jnp.pad(b2, (0, CP - C)).reshape(1, CP))
    return z[:N, :C]

# --- scband reference (transcript-rebuilt; emitter-appended) ---
"""Pipeline reference for scband-gcn-71433896067547 (READ-ONLY COPY).

The authoritative reference and input builder live on the scoring server;
editing this copy changes nothing except your own understanding.
"""

import jax, jax.numpy as jnp
import numpy as np

NUM_NODES = 10000
NUM_FEATURES = 128
HIDDEN = 128
NUM_CLASSES = 40
NUM_EDGES = 320000


def gcn_conv(x, edge_index, W, b):
    # x: [N, in], edge_index: [2, E] with row=source, col=target (PyG flow source_to_target)
    n = x.shape[0]
    x = x @ W
    src = edge_index[0]
    dst = edge_index[1]
    # add self loops
    loop = jnp.arange(n, dtype=edge_index.dtype)
    src = jnp.concatenate([src, loop])
    dst = jnp.concatenate([dst, loop])
    # symmetric normalization D^{-1/2} (A+I) D^{-1/2}; degree computed on target
    deg = jnp.zeros((n,), dtype=x.dtype).at[dst].add(1.0)
    deg_inv_sqrt = jnp.where(deg > 0, jax.lax.rsqrt(jnp.maximum(deg, 1e-12)), 0.0)
    norm = deg_inv_sqrt[src] * deg_inv_sqrt[dst]
    msg = x[src] * norm[:, None]
    out = jnp.zeros((n, x.shape[1]), dtype=x.dtype).at[dst].add(msg)
    return out + b


def batch_norm(x, gamma, beta, eps=1e-5):
    mean = jnp.mean(x, axis=0)
    var = jnp.var(x, axis=0)
    xhat = (x - mean) * jax.lax.rsqrt(var + eps)
    return xhat * gamma + beta


def setup_inputs(seed: int = 0) -> dict:
    key = jax.random.key(seed)
    k_x, k_e, k_w1, k_w2 = jax.random.split(key, 4)
    x = jax.random.normal(k_x, (NUM_NODES, NUM_FEATURES), dtype=jnp.float32)
    edge_index = jax.random.randint(k_e, (2, NUM_EDGES), 0, NUM_NODES, dtype=jnp.int64)
    s1 = 1.0 / np.sqrt(NUM_FEATURES)
    s2 = 1.0 / np.sqrt(HIDDEN)
    W1 = jax.random.uniform(k_w1, (NUM_FEATURES, HIDDEN), minval=-s1, maxval=s1, dtype=jnp.float32)
    b1 = jnp.zeros((HIDDEN,), dtype=jnp.float32)
    gamma = jnp.ones((HIDDEN,), dtype=jnp.float32)
    beta = jnp.zeros((HIDDEN,), dtype=jnp.float32)
    W2 = jax.random.uniform(k_w2, (HIDDEN, NUM_CLASSES), minval=-s2, maxval=s2, dtype=jnp.float32)
    b2 = jnp.zeros((NUM_CLASSES,), dtype=jnp.float32)
    return {"x": x, "edge_index": edge_index, "W1": W1, "b1": b1, "gamma": gamma, "beta": beta, "W2": W2, "b2": b2}


def reference(x, edge_index, W1, b1, gamma, beta, W2, b2):
    h = gcn_conv(x, edge_index, W1, b1)
    h = batch_norm(h, gamma, beta)
    h = jax.nn.relu(h)
    # dropout is identity in eval mode
    h = gcn_conv(h, edge_index, W2, b2)
    return jax.nn.log_softmax(h, axis=1)

if __name__ == "__main__":
    import jax
    _d = setup_inputs()
    print(jax.jit(kernel)(*tuple(_d.values())))

</pallas_src>

<mosaic_0001>
#map = affine_map<(d0, d1) -> (0, 0)>
#map1 = affine_map<(d0, d1) -> (0, 0, 0)>
module attributes {stable_mosaic.version = 14 : i64} {
  func.func @prop(%arg0: i32, %arg1: i32, %arg2: memref<10240x128xf32, #tpu.memory_space<hbm>>, %arg3: memref<32x80x128xi32, #tpu.memory_space<hbm>>, %arg4: memref<32x80x128xi32, #tpu.memory_space<hbm>>, %arg5: memref<20480x128xf32, #tpu.memory_space<hbm>>, %arg6: memref<16x128xf32, #tpu.memory_space<vmem>>, %arg7: memref<16x128xi32, #tpu.memory_space<vmem>>, %arg8: memref<16x128xi32, #tpu.memory_space<vmem>>, %arg9: memref<128x128xf32, #tpu.memory_space<vmem>>, %arg10: memref<128x128xf32, #tpu.memory_space<vmem>>, %arg11: memref<10240x128xf32, #tpu.memory_space<vmem_shared>>, %arg12: memref<!tpu.dma_semaphore, #tpu.memory_space<semaphore_mem>>) attributes {dimension_semantics = [#tpu.dimension_semantics<core_parallel>, #tpu.dimension_semantics<subcore_parallel>], iteration_bounds = array<i64: 2, 16>, scalar_prefetch = 0 : i64, scratch_operands = 7 : i64, tpu.core_type = #tpu.core_type<sc_vector_subcore>, window_params = [{transform_indices = #map}, {transform_indices = #map1}, {transform_indices = #map1}, {transform_indices = #map}]} {
    %mul3A = arith.constant 2 : i32
    %mul3A_0 = arith.muli %arg1, %mul3A : i32
    %add3A = arith.addi %mul3A_0, %arg0 : i32
    %broadcast_in_dim3A = arith.constant 0.000000e+00 : f32
    %broadcast_in_dim3A_1 = vector.broadcast %broadcast_in_dim3A : f32 to vector<16xf32>
    %swap3A = arith.constant 0 : i32
    %swap3A_2 = arith.index_cast %swap3A : i32 to index
    %swap3A_3 = arith.constant 0 : index
    %swap3A_4 = tpu.vector_load %arg6[%swap3A_2, %swap3A_3] {strides = array<i32>} : memref<16x128xf32, #tpu.memory_space<vmem>>, vector<1x16xf32>,
    %swap3A_5 = vector.shape_cast %swap3A_4 : vector<1x16xf32> to vector<16xf32>
    %swap3A_6 = vector.shape_cast %broadcast_in_dim3A_1 : vector<16xf32> to vector<1x16xf32>
    tpu.vector_store %arg6[%swap3A_2, %swap3A_3], %swap3A_6 {strides = array<i32>} : memref<16x128xf32, #tpu.memory_space<vmem>>, vector<1x16xf32>,
    %broadcast_in_dim3A_7 = arith.constant 0.000000e+00 : f32
    %broadcast_in_dim3A_8 = vector.broadcast %broadcast_in_dim3A_7 : f32 to vector<16xf32>
    %swap3A_9 = arith.constant 0 : i32
    %swap3A_10 = arith.index_cast %swap3A_9 : i32 to index
    %swap3A_11 = arith.constant 16 : index
    %swap3A_12 = tpu.vector_load %arg6[%swap3A_10, %swap3A_11] {strides = array<i32>} : memref<16x128xf32, #tpu.memory_space<vmem>>, vector<1x16xf32>,
    %swap3A_13 = vector.shape_cast %swap3A_12 : vector<1x16xf32> to vector<16xf32>
    %swap3A_14 = vector.shape_cast %broadcast_in_dim3A_8 : vector<16xf32> to vector<1x16xf32>
    tpu.vector_store %arg6[%swap3A_10, %swap3A_11], %swap3A_14 {strides = array<i32>} : memref<16x128xf32, #tpu.memory_space<vmem>>, vector<1x16xf32>,
    %broadcast_in_dim3A_15 = arith.constant 0.000000e+00 : f32
    %broadcast_in_dim3A_16 = vector.broadcast %broadcast_in_dim3A_15 : f32 to vector<16xf32>
    %swap3A_17 = arith.constant 0 : i32
    %swap3A_18 = arith.index_cast %swap3A_17 : i32 to index
    %swap3A_19 = arith.constant 32 : index
    %swap3A_20 = tpu.vector_load %arg6[%swap3A_18, %swap3A_19] {strides = array<i32>} : memref<16x128xf32, #tpu.memory_space<vmem>>, vector<1x16xf32>,
    %swap3A_21 = vector.shape_cast %swap3A_20 : vector<1x16xf32> to vector<16xf32>
    %swap3A_22 = vector.shape_cast %broadcast_in_dim3A_16 : vector<16xf32> to vector<1x16xf32>
    tpu.vector_store %arg6[%swap3A_18, %swap3A_19], %swap3A_22 {strides = array<i32>} : memref<16x128xf32, #tpu.memory_space<vmem>>, vector<1x16xf32>,
    %broadcast_in_dim3A_23 = arith.constant 0.000000e+00 : f32
    %broadcast_in_dim3A_24 = vector.broadcast %broadcast_in_dim3A_23 : f32 to vector<16xf32>
    %swap3A_25 = arith.constant 0 : i32
    %swap3A_26 = arith.index_cast %swap3A_25 : i32 to index
    %swap3A_27 = arith.constant 48 : index
    %swap3A_28 = tpu.vector_load %arg6[%swap3A_26, %swap3A_27] {strides = array<i32>} : memref<16x128xf32, #tpu.memory_space<vmem>>, vector<1x16xf32>,
    %swap3A_29 = vector.shape_cast %swap3A_28 : vector<1x16xf32> to vector<16xf32>
    %swap3A_30 = vector.shape_cast %broadcast_in_dim3A_24 : vector<16xf32> to vector<1x16xf32>
    tpu.vector_store %arg6[%swap3A_26, %swap3A_27], %swap3A_30 {strides = array<i32>} : memref<16x128xf32, #tpu.memory_space<vmem>>, vector<1x16xf32>,
    %broadcast_in_dim3A_31 = arith.constant 0.000000e+00 : f32
    %broadcast_in_dim3A_32 = vector.broadcast %broadcast_in_dim3A_31 : f32 to vector<16xf32>
    %swap3A_33 = arith.constant 0 : i32
    %swap3A_34 = arith.index_cast %swap3A_33 : i32 to index
    %swap3A_35 = arith.constant 64 : index
    %swap3A_36 = tpu.vector_load %arg6[%swap3A_34, %swap3A_35] {strides = array<i32>} : memref<16x128xf32, #tpu.memory_space<vmem>>, vector<1x16xf32>,
    %swap3A_37 = vector.shape_cast %swap3A_36 : vector<1x16xf32> to vector<16xf32>
    %swap3A_38 = vector.shape_cast %broadcast_in_dim3A_32 : vector<16xf32> to vector<1x16xf32>
    tpu.vector_store %arg6[%swap3A_34, %swap3A_35], %swap3A_38 {strides = array<i32>} : memref<16x128xf32, #tpu.memory_space<vmem>>, vector<1x16xf32>,
    %broadcast_in_dim3A_39 = arith.constant 0.000000e+00 : f32
    %broadcast_in_dim3A_40 = vector.broadcast %broadcast_in_dim3A_39 : f32 to vector<16xf32>
    %swap3A_41 = arith.constant 0 : i32
    %swap3A_42 = arith.index_cast %swap3A_41 : i32 to index
    %swap3A_43 = arith.constant 80 : index
    %swap3A_44 = tpu.vector_load %arg6[%swap3A_42, %swap3A_43] {strides = array<i32>} : memref<16x128xf32, #tpu.memory_space<vmem>>, vector<1x16xf32>,
    %swap3A_45 = vector.shape_cast %swap3A_44 : vector<1x16xf32> to vector<16xf32>
    %swap3A_46 = vector.shape_cast %broadcast_in_dim3A_40 : vector<16xf32> to vector<1x16xf32>
    tpu.vector_store %arg6[%swap3A_42, %swap3A_43], %swap3A_46 {strides = array<i32>} : memref<16x128xf32, #tpu.memory_space<vmem>>, vector<1x16xf32>,
    %broadcast_in_dim3A_47 = arith.constant 0.000000e+00 : f32
    %broadcast_in_dim3A_48 = vector.broadcast %broadcast_in_dim3A_47 : f32 to vector<16xf32>
    %swap3A_49 = arith.constant 0 : i32
    %swap3A_50 = arith.index_cast %swap3A_49 : i32 to index
    %swap3A_51 = arith.constant 96 : index
    %swap3A_52 = tpu.vector_load %arg6[%swap3A_50, %swap3A_51] {strides = array<i32>} : memref<16x128xf32, #tpu.memory_space<vmem>>, vector<1x16xf32>,
    %swap3A_53 = vector.shape_cast %swap3A_52 : vector<1x16xf32> to vector<16xf32>
    %swap3A_54 = vector.shape_cast %broadcast_in_dim3A_48 : vector<16xf32> to vector<1x16xf32>
    tpu.vector_store %arg6[%swap3A_50, %swap3A_51], %swap3A_54 {strides = array<i32>} : memref<16x128xf32, #tpu.memory_space<vmem>>, vector<1x16xf32>,
    %broadcast_in_dim3A_55 = arith.constant 0.000000e+00 : f32
    %broadcast_in_dim3A_56 = vector.broadcast %broadcast_in_dim3A_55 : f32 to vector<16xf32>
    %swap3A_57 = arith.constant 0 : i32
    %swap3A_58 = arith.index_cast %swap3A_57 : i32 to index
    %swap3A_59 = arith.constant 112 : index
    %swap3A_60 = tpu.vector_load %arg6[%swap3A_58, %swap3A_59] {strides = array<i32>} : memref<16x128xf32, #tpu.memory_space<vmem>>, vector<1x16xf32>,
    %swap3A_61 = vector.shape_cast %swap3A_60 : vector<1x16xf32> to vector<16xf32>
    %swap3A_62 = vector.shape_cast %broadcast_in_dim3A_56 : vector<16xf32> to vector<1x16xf32>
    tpu.vector_store %arg6[%swap3A_58, %swap3A_59], %swap3A_62 {strides = array<i32>} : memref<16x128xf32, #tpu.memory_space<vmem>>, vector<1x16xf32>,
    %broadcast_in_dim3A_63 = arith.constant 0.000000e+00 : f32
    %broadcast_in_dim3A_64 = vector.broadcast %broadcast_in_dim3A_63 : f32 to vector<16xf32>
    %swap3A_65 = arith.constant 1 : i32
    %swap3A_66 = arith.index_cast %swap3A_65 : i32 to index
    %swap3A_67 = arith.constant 0 : index
    %swap3A_68 = tpu.vector_load %arg6[%swap3A_66, %swap3A_67] {strides = array<i32>} : memref<16x128xf32, #tpu.memory_space<vmem>>, vector<1x16xf32>,
    %swap3A_69 = vector.shape_cast %swap3A_68 : vector<1x16xf32> to vector<16xf32>
    %swap3A_70 = vector.shape_cast %broadcast_in_dim3A_64 : vector<16xf32> to vector<1x16xf32>
    tpu.vector_store %arg6[%swap3A_66, %swap3A_67], %swap3A_70 {strides = array<i32>} : memref<16x128xf32, #tpu.memory_space<vmem>>, vector<1x16xf32>,
    %broadcast_in_dim3A_71 = arith.constant 0.000000e+00 : f32
    %broadcast_in_dim3A_72 = vector.broadcast %broadcast_in_dim3A_71 : f32 to vector<16xf32>
    %swap3A_73 = arith.constant 1 : i32
    %swap3A_74 = arith.index_cast %swap3A_73 : i32 to index
    %swap3A_75 = arith.constant 16 : index
    %swap3A_76 = tpu.vector_load %arg6[%swap3A_74, %swap3A_75] {strides = array<i32>} : memref<16x128xf32, #tpu.memory_space<vmem>>, vector<1x16xf32>,
    %swap3A_77 = vector.shape_cast %swap3A_76 : vector<1x16xf32> to vector<16xf32>
    %swap3A_78 = vector.shape_cast %broadcast_in_dim3A_72 : vector<16xf32> to vector<1x16xf32>
    tpu.vector_store %arg6[%swap3A_74, %swap3A_75], %swap3A_78 {strides = array<i32>} : memref<16x128xf32, #tpu.memory_space<vmem>>, vector<1x16xf32>,
    %broadcast_in_dim3A_79 = arith.constant 0.000000e+00 : f32
    %broadcast_in_dim3A_80 = vector.broadcast %broadcast_in_dim3A_79 : f32 to vector<16xf32>
    %swap3A_81 = arith.constant 1 : i32
    %swap3A_82 = arith.index_cast %swap3A_81 : i32 to index
    %swap3A_83 = arith.constant 32 : index
    %swap3A_84 = tpu.vector_load %arg6[%swap3A_82, %swap3A_83] {strides = array<i32>} : memref<16x128xf32, #tpu.memory_space<vmem>>, vector<1x16xf32>,
    %swap3A_85 = vector.shape_cast %swap3A_84 : vector<1x16xf32> to vector<16xf32>
    %swap3A_86 = vector.shape_cast %broadcast_in_dim3A_80 : vector<16xf32> to vector<1x16xf32>
    tpu.vector_store %arg6[%swap3A_82, %swap3A_83], %swap3A_86 {strides = array<i32>} : memref<16x128xf32, #tpu.memory_space<vmem>>, vector<1x16xf32>,
    %broadcast_in_dim3A_87 = arith.constant 0.000000e+00 : f32
    %broadcast_in_dim3A_88 = vector.broadcast %broadcast_in_dim3A_87 : f32 to vector<16xf32>
    %swap3A_89 = arith.constant 1 : i32
    %swap3A_90 = arith.index_cast %swap3A_89 : i32 to index
    %swap3A_91 = arith.constant 48 : index
    %swap3A_92 = tpu.vector_load %arg6[%swap3A_90, %swap3A_91] {strides = array<i32>} : memref<16x128xf32, #tpu.memory_space<vmem>>, vector<1x16xf32>,
    %swap3A_93 = vector.shape_cast %swap3A_92 : vector<1x16xf32> to vector<16xf32>
    %swap3A_94 = vector.shape_cast %broadcast_in_dim3A_88 : vector<16xf32> to vector<1x16xf32>
    tpu.vector_store %arg6[%swap3A_90, %swap3A_91], %swap3A_94 {strides = array<i32>} : memref<16x128xf32, #tpu.memory_space<vmem>>, vector<1x16xf32>,
    %broadcast_in_dim3A_95 = arith.constant 0.000000e+00 : f32
    %broadcast_in_dim3A_96 = vector.broadcast %broadcast_in_dim3A_95 : f32 to vector<16xf32>
    %swap3A_97 = arith.constant 1 : i32
    %swap3A_98 = arith.index_cast %swap3A_97 : i32 to index
    %swap3A_99 = arith.constant 64 : index
    %swap3A_100 = tpu.vector_load %arg6[%swap3A_98, %swap3A_99] {strides = array<i32>} : memref<16x128xf32, #tpu.memory_space<vmem>>, vector<1x16xf32>,
    %swap3A_101 = vector.shape_cast %swap3A_100 : vector<1x16xf32> to vector<16xf32>
    %swap3A_102 = vector.shape_cast %broadcast_in_dim3A_96 : vector<16xf32> to vector<1x16xf32>
    tpu.vector_store %arg6[%swap3A_98, %swap3A_99], %swap3A_102 {strides = array<i32>} : memref<16x128xf32, #tpu.memory_space<vmem>>, vector<1x16xf32>,
    %broadcast_in_dim3A_103 = arith.constant 0.000000e+00 : f32
    %broadcast_in_dim3A_104 = vector.broadcast %broadcast_in_dim3A_103 : f32 to vector<16xf32>
    %swap3A_105 = arith.constant 1 : i32
    %swap3A_106 = arith.index_cast %swap3A_105 : i32 to index
    %swap3A_107 = arith.constant 80 : index
    %swap3A_108 = tpu.vector_load %arg6[%swap3A_106, %swap3A_107] {strides = array<i32>} : memref<16x128xf32, #tpu.memory_space<vmem>>, vector<1x16xf32>,
    %swap3A_109 = vector.shape_cast %swap3A_108 : vector<1x16xf32> to vector<16xf32>
    %swap3A_110 = vector.shape_cast %broadcast_in_dim3A_104 : vector<16xf32> to vector<1x16xf32>
    tpu.vector_store %arg6[%swap3A_106, %swap3A_107], %swap3A_110 {strides = array<i32>} : memref<16x128xf32, #tpu.memory_space<vmem>>, vector<1x16xf32>,
    %broadcast_in_dim3A_111 = arith.constant 0.000000e+00 : f32
    %broadcast_in_dim3A_112 = vector.broadcast %broadcast_in_dim3A_111 : f32 to vector<16xf32>
    %swap3A_113 = arith.constant 1 : i32
    %swap3A_114 = arith.index_cast %swap3A_113 : i32 to index
    %swap3A_115 = arith.constant 96 : index
    %swap3A_116 = tpu.vector_load %arg6[%swap3A_114, %swap3A_115] {strides = array<i32>} : memref<16x128xf32, #tpu.memory_space<vmem>>, vector<1x16xf32>,
    %swap3A_117 = vector.shape_cast %swap3A_116 : vector<1x16xf32> to vector<16xf32>
    %swap3A_118 = vector.shape_cast %broadcast_in_dim3A_112 : vector<16xf32> to vector<1x16xf32>
    tpu.vector_store %arg6[%swap3A_114, %swap3A_115], %swap3A_118 {strides = array<i32>} : memref<16x128xf32, #tpu.memory_space<vmem>>, vector<1x16xf32>,
    %broadcast_in_dim3A_119 = arith.constant 0.000000e+00 : f32
    %broadcast_in_dim3A_120 = vector.broadcast %broadcast_in_dim3A_119 : f32 to vector<16xf32>
    %swap3A_121 = arith.constant 1 : i32
    %swap3A_122 = arith.index_cast %swap3A_121 : i32 to index
    %swap3A_123 = arith.constant 112 : index
    %swap3A_124 = tpu.vector_load %arg6[%swap3A_122, %swap3A_123] {strides = array<i32>} : memref<16x128xf32, #tpu.memory_space<vmem>>, vector<1x16xf32>,
    %swap3A_125 = vector.shape_cast %swap3A_124 : vector<1x16xf32> to vector<16xf32>
    %swap3A_126 = vector.shape_cast %broadcast_in_dim3A_120 : vector<16xf32> to vector<1x16xf32>
    tpu.vector_store %arg6[%swap3A_122, %swap3A_123], %swap3A_126 {strides = array<i32>} : memref<16x128xf32, #tpu.memory_space<vmem>>, vector<1x16xf32>,
    %broadcast_in_dim3A_127 = arith.constant 0.000000e+00 : f32
    %broadcast_in_dim3A_128 = vector.broadcast %broadcast_in_dim3A_127 : f32 to vector<16xf32>
    %swap3A_129 = arith.constant 2 : i32
    %swap3A_130 = arith.index_cast %swap3A_129 : i32 to index
    %swap3A_131 = arith.constant 0 : index
    %swap3A_132 = tpu.vector_load %arg6[%swap3A_130, %swap3A_131] {strides = array<i32>} : memref<16x128xf32, #tpu.memory_space<vmem>>, vector<1x16xf32>,
    %swap3A_133 = vector.shape_cast %swap3A_132 : vector<1x16xf32> to vector<16xf32>
    %swap3A_134 = vector.shape_cast %broadcast_in_dim3A_128 : vector<16xf32> to vector<1x16xf32>
    tpu.vector_store %arg6[%swap3A_130, %swap3A_131], %swap3A_134 {strides = array<i32>} : memref<16x128xf32, #tpu.memory_space<vmem>>, vector<1x16xf32>,
    %broadcast_in_dim3A_135 = arith.constant 0.000000e+00 : f32
    %broadcast_in_dim3A_136 = vector.broadcast %broadcast_in_dim3A_135 : f32 to vector<16xf32>
    %swap3A_137 = arith.constant 2 : i32
    %swap3A_138 = arith.index_cast %swap3A_137 : i32 to index
    %swap3A_139 = arith.constant 16 : index
    %swap3A_140 = tpu.vector_load %arg6[%swap3A_138, %swap3A_139] {strides = array<i32>} : memref<16x128xf32, #tpu.memory_space<vmem>>, vector<1x16xf32>,
    %swap3A_141 = vector.shape_cast %swap3A_140 : vector<1x16xf32> to vector<16xf32>
    %swap3A_142 = vector.shape_cast %broadcast_in_dim3A_136 : vector<16xf32> to vector<1x16xf32>
    tpu.vector_store %arg6[%swap3A_138, %swap3A_139], %swap3A_142 {strides = array<i32>} : memref<16x128xf32, #tpu.memory_space<vmem>>, vector<1x16xf32>,
    %broadcast_in_dim3A_143 = arith.constant 0.000000e+00 : f32
    %broadcast_in_dim3A_144 = vector.broadcast %broadcast_in_dim3A_143 : f32 to vector<16xf32>
    %swap3A_145 = arith.constant 2 : i32
    %swap3A_146 = arith.index_cast %swap3A_145 : i32 to index
    %swap3A_147 = arith.constant 32 : index
    %swap3A_148 = tpu.vector_load %arg6[%swap3A_146, %swap3A_147] {strides = array<i32>} : memref<16x128xf32, #tpu.memory_space<vmem>>, vector<1x16xf32>,
    %swap3A_149 = vector.shape_cast %swap3A_148 : vector<1x16xf32> to vector<16xf32>
    %swap3A_150 = vector.shape_cast %broadcast_in_dim3A_144 : vector<16xf32> to vector<1x16xf32>
    tpu.vector_store %arg6[%swap3A_146, %swap3A_147], %swap3A_150 {strides = array<i32>} : memref<16x128xf32, #tpu.memory_space<vmem>>, vector<1x16xf32>,
    %broadcast_in_dim3A_151 = arith.constant 0.000000e+00 : f32
    %broadcast_in_dim3A_152 = vector.broadcast %broadcast_in_dim3A_151 : f32 to vector<16xf32>
    %swap3A_153 = arith.constant 2 : i32
    %swap3A_154 = arith.index_cast %swap3A_153 : i32 to index
    %swap3A_155 = arith.constant 48 : index
    %swap3A_156 = tpu.vector_load %arg6[%swap3A_154, %swap3A_155] {strides = array<i32>} : memref<16x128xf32, #tpu.memory_space<vmem>>, vector<1x16xf32>,
    %swap3A_157 = vector.shape_cast %swap3A_156 : vector<1x16xf32> to vector<16xf32>
    %swap3A_158 = vector.shape_cast %broadcast_in_dim3A_152 : vector<16xf32> to vector<1x16xf32>
    tpu.vector_store %arg6[%swap3A_154, %swap3A_155], %swap3A_158 {strides = array<i32>} : memref<16x128xf32, #tpu.memory_space<vmem>>, vector<1x16xf32>,
    %broadcast_in_dim3A_159 = arith.constant 0.000000e+00 : f32
    %broadcast_in_dim3A_160 = vector.broadcast %broadcast_in_dim3A_159 : f32 to vector<16xf32>
    %swap3A_161 = arith.constant 2 : i32
    %swap3A_162 = arith.index_cast %swap3A_161 : i32 to index
    %swap3A_163 = arith.constant 64 : index
    %swap3A_164 = tpu.vector_load %arg6[%swap3A_162, %swap3A_163] {strides = array<i32>} : memref<16x128xf32, #tpu.memory_space<vmem>>, vector<1x16xf32>,
    %swap3A_165 = vector.shape_cast %swap3A_164 : vector<1x16xf32> to vector<16xf32>
    %swap3A_166 = vector.shape_cast %broadcast_in_dim3A_160 : vector<16xf32> to vector<1x16xf32>
    tpu.vector_store %arg6[%swap3A_162, %swap3A_163], %swap3A_166 {strides = array<i32>} : memref<16x128xf32, #tpu.memory_space<vmem>>, vector<1x16xf32>,
    %broadcast_in_dim3A_167 = arith.constant 0.000000e+00 : f32
    %broadcast_in_dim3A_168 = vector.broadcast %broadcast_in_dim3A_167 : f32 to vector<16xf32>
    %swap3A_169 = arith.constant 2 : i32
    %swap3A_170 = arith.index_cast %swap3A_169 : i32 to index
    %swap3A_171 = arith.constant 80 : index
    %swap3A_172 = tpu.vector_load %arg6[%swap3A_170, %swap3A_171] {strides = array<i32>} : memref<16x128xf32, #tpu.memory_space<vmem>>, vector<1x16xf32>,
    %swap3A_173 = vector.shape_cast %swap3A_172 : vector<1x16xf32> to vector<16xf32>
    %swap3A_174 = vector.shape_cast %broadcast_in_dim3A_168 : vector<16xf32> to vector<1x16xf32>
    tpu.vector_store %arg6[%swap3A_170, %swap3A_171], %swap3A_174 {strides = array<i32>} : memref<16x128xf32, #tpu.memory_space<vmem>>, vector<1x16xf32>,
    %broadcast_in_dim3A_175 = arith.constant 0.000000e+00 : f32
    %broadcast_in_dim3A_176 = vector.broadcast %broadcast_in_dim3A_175 : f32 to vector<16xf32>
    %swap3A_177 = arith.constant 2 : i32
    %swap3A_178 = arith.index_cast %swap3A_177 : i32 to index
    %swap3A_179 = arith.constant 96 : index
    %swap3A_180 = tpu.vector_load %arg6[%swap3A_178, %swap3A_179] {strides = array<i32>} : memref<16x128xf32, #tpu.memory_space<vmem>>, vector<1x16xf32>,
    %swap3A_181 = vector.shape_cast %swap3A_180 : vector<1x16xf32> to vector<16xf32>
    %swap3A_182 = vector.shape_cast %broadcast_in_dim3A_176 : vector<16xf32> to vector<1x16xf32>
    tpu.vector_store %arg6[%swap3A_178, %swap3A_179], %swap3A_182 {strides = array<i32>} : memref<16x128xf32, #tpu.memory_space<vmem>>, vector<1x16xf32>,
    %broadcast_in_dim3A_183 = arith.constant 0.000000e+00 : f32
    %broadcast_in_dim3A_184 = vector.broadcast %broadcast_in_dim3A_183 : f32 to vector<16xf32>
    %swap3A_185 = arith.constant 2 : i32
    %swap3A_186 = arith.index_cast %swap3A_185 : i32 to index
    %swap3A_187 = arith.constant 112 : index
    %swap3A_188 = tpu.vector_load %arg6[%swap3A_186, %swap3A_187] {strides = array<i32>} : memref<16x128xf32, #tpu.memory_space<vmem>>, vector<1x16xf32>,
    %swap3A_189 = vector.shape_cast %swap3A_188 : vector<1x16xf32> to vector<16xf32>
    %swap3A_190 = vector.shape_cast %broadcast_in_dim3A_184 : vector<16xf32> to vector<1x16xf32>
    tpu.vector_store %arg6[%swap3A_186, %swap3A_187], %swap3A_190 {strides = array<i32>} : memref<16x128xf32, #tpu.memory_space<vmem>>, vector<1x16xf32>,
    %broadcast_in_dim3A_191 = arith.constant 0.000000e+00 : f32
    %broadcast_in_dim3A_192 = vector.broadcast %broadcast_in_dim3A_191 : f32 to vector<16xf32>
    %swap3A_193 = arith.constant 3 : i32
    %swap3A_194 = arith.index_cast %swap3A_193 : i32 to index
    %swap3A_195 = arith.constant 0 : index
    %swap3A_196 = tpu.vector_load %arg6[%swap3A_194, %swap3A_195] {strides = array<i32>} : memref<16x128xf32, #tpu.memory_space<vmem>>, vector<1x16xf32>,
    %swap3A_197 = vector.shape_cast %swap3A_196 : vector<1x16xf32> to vector<16xf32>
    %swap3A_198 = vector.shape_cast %broadcast_in_dim3A_192 : vector<16xf32> to vector<1x16xf32>
    tpu.vector_store %arg6[%swap3A_194, %swap3A_195], %swap3A_198 {strides = array<i32>} : memref<16x128xf32, #tpu.memory_space<vmem>>, vector<1x16xf32>,
    %broadcast_in_dim3A_199 = arith.constant 0.000000e+00 : f32
    %broadcast_in_dim3A_200 = vector.broadcast %broadcast_in_dim3A_199 : f32 to vector<16xf32>
    %swap3A_201 = arith.constant 3 : i32
    %swap3A_202 = arith.index_cast %swap3A_201 : i32 to index
    %swap3A_203 = arith.constant 16 : index
    %swap3A_204 = tpu.vector_load %arg6[%swap3A_202, %swap3A_203] {strides = array<i32>} : memref<16x128xf32, #tpu.memory_space<vmem>>, vector<1x16xf32>,
    %swap3A_205 = vector.shape_cast %swap3A_204 : vector<1x16xf32> to vector<16xf32>
    %swap3A_206 = vector.shape_cast %broadcast_in_dim3A_200 : vector<16xf32> to vector<1x16xf32>
    tpu.vector_store %arg6[%swap3A_202, %swap3A_203], %swap3A_206 {strides = array<i32>} : memref<16x128xf32, #tpu.memory_space<vmem>>, vector<1x16xf32>,
    %broadcast_in_dim3A_207 = arith.constant 0.000000e+00 : f32
    %broadcast_in_dim3A_208 = vector.broadcast %broadcast_in_dim3A_207 : f32 to vector<16xf32>
    %swap3A_209 = arith.constant 3 : i32
    %swap3A_210 = arith.index_cast %swap3A_209 : i32 to index
    %swap3A_211 = arith.constant 32 : index
    %swap3A_212 = tpu.vector_load %arg6[%swap3A_210, %swap3A_211] {strides = array<i32>} : memref<16x128xf32, #tpu.memory_space<vmem>>, vector<1x16xf32>,
    %swap3A_213 = vector.shape_cast %swap3A_212 : vector<1x16xf32> to vector<16xf32>
    %swap3A_214 = vector.shape_cast %broadcast_in_dim3A_208 : vector<16xf32> to vector<1x16xf32>
    tpu.vector_store %arg6[%swap3A_210, %swap3A_211], %swap3A_214 {strides = array<i32>} : memref<16x128xf32, #tpu.memory_space<vmem>>, vector<1x16xf32>,
    %broadcast_in_dim3A_215 = arith.constant 0.000000e+00 : f32
    %broadcast_in_dim3A_216 = vector.broadcast %broadcast_in_dim3A_215 : f32 to vector<16xf32>
    %swap3A_217 = arith.constant 3 : i32
    %swap3A_218 = arith.index_cast %swap3A_217 : i32 to index
    %swap3A_219 = arith.constant 48 : index
    %swap3A_220 = tpu.vector_load %arg6[%swap3A_218, %swap3A_219] {strides = array<i32>} : memref<16x128xf32, #tpu.memory_space<vmem>>, vector<1x16xf32>,
    %swap3A_221 = vector.shape_cast %swap3A_220 : vector<1x16xf32> to vector<16xf32>
    %swap3A_222 = vector.shape_cast %broadcast_in_dim3A_216 : vector<16xf32> to vector<1x16xf32>
    tpu.vector_store %arg6[%swap3A_218, %swap3A_219], %swap3A_222 {strides = array<i32>} : memref<16x128xf32, #tpu.memory_space<vmem>>, vector<1x16xf32>,
    %broadcast_in_dim3A_223 = arith.constant 0.000000e+00 : f32
    %broadcast_in_dim3A_224 = vector.broadcast %broadcast_in_dim3A_223 : f32 to vector<16xf32>
    %swap3A_225 = arith.constant 3 : i32
    %swap3A_226 = arith.index_cast %swap3A_225 : i32 to index
    %swap3A_227 = arith.constant 64 : index
    %swap3A_228 = tpu.vector_load %arg6[%swap3A_226, %swap3A_227] {strides = array<i32>} : memref<16x128xf32, #tpu.memory_space<vmem>>, vector<1x16xf32>,
    %swap3A_229 = vector.shape_cast %swap3A_228 : vector<1x16xf32> to vector<16xf32>
    %swap3A_230 = vector.shape_cast %broadcast_in_dim3A_224 : vector<16xf32> to vector<1x16xf32>
    tpu.vector_store %arg6[%swap3A_226, %swap3A_227], %swap3A_230 {strides = array<i32>} : memref<16x128xf32, #tpu.memory_space<vmem>>, vector<1x16xf32>,
    %broadcast_in_dim3A_231 = arith.constant 0.000000e+00 : f32
    %broadcast_in_dim3A_232 = vector.broadcast %broadcast_in_dim3A_231 : f32 to vector<16xf32>
    %swap3A_233 = arith.constant 3 : i32
    %swap3A_234 = arith.index_cast %swap3A_233 : i32 to index
    %swap3A_235 = arith.constant 80 : index
    %swap3A_236 = tpu.vector_load %arg6[%swap3A_234, %swap3A_235] {strides = array<i32>} : memref<16x128xf32, #tpu.memory_space<vmem>>, vector<1x16xf32>,
    %swap3A_237 = vector.shape_cast %swap3A_236 : vector<1x16xf32> to vector<16xf32>
    %swap3A_238 = vector.shape_cast %broadcast_in_dim3A_232 : vector<16xf32> to vector<1x16xf32>
    tpu.vector_store %arg6[%swap3A_234, %swap3A_235], %swap3A_238 {strides = array<i32>} : memref<16x128xf32, #tpu.memory_space<vmem>>, vector<1x16xf32>,
    %broadcast_in_dim3A_239 = arith.constant 0.000000e+00 : f32
    %broadcast_in_dim3A_240 = vector.broadcast %broadcast_in_dim3A_239 : f32 to vector<16xf32>
    %swap3A_241 = arith.constant 3 : i32
    %swap3A_242 = arith.index_cast %swap3A_241 : i32 to index
    %swap3A_243 = arith.constant 96 : index
    %swap3A_244 = tpu.vector_load %arg6[%swap3A_242, %swap3A_243] {strides = array<i32>} : memref<16x128xf32, #tpu.memory_space<vmem>>, vector<1x16xf32>,
    %swap3A_245 = vector.shape_cast %swap3A_244 : vector<1x16xf32> to vector<16xf32>
    %swap3A_246 = vector.shape_cast %broadcast_in_dim3A_240 : vector<16xf32> to vector<1x16xf32>
    tpu.vector_store %arg6[%swap3A_242, %swap3A_243], %swap3A_246 {strides = array<i32>} : memref<16x128xf32, #tpu.memory_space<vmem>>, vector<1x16xf32>,
    %broadcast_in_dim3A_247 = arith.constant 0.000000e+00 : f32
    %broadcast_in_dim3A_248 = vector.broadcast %broadcast_in_dim3A_247 : f32 to vector<16xf32>
    %swap3A_249 = arith.constant 3 : i32
    %swap3A_250 = arith.index_cast %swap3A_249 : i32 to index
    %swap3A_251 = arith.constant 112 : index
    %swap3A_252 = tpu.vector_load %arg6[%swap3A_250, %swap3A_251] {strides = array<i32>} : memref<16x128xf32, #tpu.memory_space<vmem>>, vector<1x16xf32>,
    %swap3A_253 = vector.shape_cast %swap3A_252 : vector<1x16xf32> to vector<16xf32>
    %swap3A_254 = vector.shape_cast %broadcast_in_dim3A_248 : vector<16xf32> to vector<1x16xf32>
    tpu.vector_store %arg6[%swap3A_250, %swap3A_251], %swap3A_254 {strides = array<i32>} : memref<16x128xf32, #tpu.memory_space<vmem>>, vector<1x16xf32>,
    %broadcast_in_dim3A_255 = arith.constant 0.000000e+00 : f32
    %broadcast_in_dim3A_256 = vector.broadcast %broadcast_in_dim3A_255 : f32 to vector<16xf32>
    %swap3A_257 = arith.constant 4 : i32
    %swap3A_258 = arith.index_cast %swap3A_257 : i32 to index
    %swap3A_259 = arith.constant 0 : index
    %swap3A_260 = tpu.vector_load %arg6[%swap3A_258, %swap3A_259] {strides = array<i32>} : memref<16x128xf32, #tpu.memory_space<vmem>>, vector<1x16xf32>,
    %swap3A_261 = vector.shape_cast %swap3A_260 : vector<1x16xf32> to vector<16xf32>
    %swap3A_262 = vector.shape_cast %broadcast_in_dim3A_256 : vector<16xf32> to vector<1x16xf32>
    tpu.vector_store %arg6[%swap3A_258, %swap3A_259], %swap3A_262 {strides = array<i32>} : memref<16x128xf32, #tpu.memory_space<vmem>>, vector<1x16xf32>,
    %broadcast_in_dim3A_263 = arith.constant 0.000000e+00 : f32
    %broadcast_in_dim3A_264 = vector.broadcast %broadcast_in_dim3A_263 : f32 to vector<16xf32>
    %swap3A_265 = arith.constant 4 : i32
    %swap3A_266 = arith.index_cast %swap3A_265 : i32 to index
    %swap3A_267 = arith.constant 16 : index
    %swap3A_268 = tpu.vector_load %arg6[%swap3A_266, %swap3A_267] {strides = array<i32>} : memref<16x128xf32, #tpu.memory_space<vmem>>, vector<1x16xf32>,
    %swap3A_269 = vector.shape_cast %swap3A_268 : vector<1x16xf32> to vector<16xf32>
    %swap3A_270 = vector.shape_cast %broadcast_in_dim3A_264 : vector<16xf32> to vector<1x16xf32>
    tpu.vector_store %arg6[%swap3A_266, %swap3A_267], %swap3A_270 {strides = array<i32>} : memref<16x128xf32, #tpu.memory_space<vmem>>, vector<1x16xf32>,
    %broadcast_in_dim3A_271 = arith.constant 0.000000e+00 : f32
    %broadcast_in_dim3A_272 = vector.broadcast %broadcast_in_dim3A_271 : f32 to vector<16xf32>
    %swap3A_273 = arith.constant 4 : i32
    %swap3A_274 = arith.index_cast %swap3A_273 : i32 to index
    %swap3A_275 = arith.constant 32 : index
    %swap3A_276 = tpu.vector_load %arg6[%swap3A_274, %swap3A_275] {strides = array<i32>} : memref<16x128xf32, #tpu.memory_space<vmem>>, vector<1x16xf32>,
    %swap3A_277 = vector.shape_cast %swap3A_276 : vector<1x16xf32> to vector<16xf32>
    %swap3A_278 = vector.shape_cast %broadcast_in_dim3A_272 : vector<16xf32> to vector<1x16xf32>
    tpu.vector_store %arg6[%swap3A_274, %swap3A_275], %swap3A_278 {strides = array<i32>} : memref<16x128xf32, #tpu.memory_space<vmem>>, vector<1x16xf32>,
    %broadcast_in_dim3A_279 = arith.constant 0.000000e+00 : f32
    %broadcast_in_dim3A_280 = vector.broadcast %broadcast_in_dim3A_279 : f32 to vector<16xf32>
    %swap3A_281 = arith.constant 4 : i32
    %swap3A_282 = arith.index_cast %swap3A_281 : i32 to index
    %swap3A_283 = arith.constant 48 : index
    %swap3A_284 = tpu.vector_load %arg6[%swap3A_282, %swap3A_283] {strides = array<i32>} : memref<16x128xf32, #tpu.memory_space<vmem>>, vector<1x16xf32>,
    %swap3A_285 = vector.shape_cast %swap3A_284 : vector<1x16xf32> to vector<16xf32>
    %swap3A_286 = vector.shape_cast %broadcast_in_dim3A_280 : vector<16xf32> to vector<1x16xf32>
    tpu.vector_store %arg6[%swap3A_282, %swap3A_283], %swap3A_286 {strides = array<i32>} : memref<16x128xf32, #tpu.memory_space<vmem>>, vector<1x16xf32>,
    %broadcast_in_dim3A_287 = arith.constant 0.000000e+00 : f32
    %broadcast_in_dim3A_288 = vector.broadcast %broadcast_in_dim3A_287 : f32 to vector<16xf32>
    %swap3A_289 = arith.constant 4 : i32
    %swap3A_290 = arith.index_cast %swap3A_289 : i32 to index
    %swap3A_291 = arith.constant 64 : index
    %swap3A_292 = tpu.vector_load %arg6[%swap3A_290, %swap3A_291] {strides = array<i32>} : memref<16x128xf32, #tpu.memory_space<vmem>>, vector<1x16xf32>,
    %swap3A_293 = vector.shape_cast %swap3A_292 : vector<1x16xf32> to vector<16xf32>
    %swap3A_294 = vector.shape_cast %broadcast_in_dim3A_288 : vector<16xf32> to vector<1x16xf32>
    tpu.vector_store %arg6[%swap3A_290, %swap3A_291], %swap3A_294 {strides = array<i32>} : memref<16x128xf32, #tpu.memory_space<vmem>>, vector<1x16xf32>,
    %broadcast_in_dim3A_295 = arith.constant 0.000000e+00 : f32
    %broadcast_in_dim3A_296 = vector.broadcast %broadcast_in_dim3A_295 : f32 to vector<16xf32>
    %swap3A_297 = arith.constant 4 : i32
    %swap3A_298 = arith.index_cast %swap3A_297 : i32 to index
    %swap3A_299 = arith.constant 80 : index
    %swap3A_300 = tpu.vector_load %arg6[%swap3A_298, %swap3A_299] {strides = array<i32>} : memref<16x128xf32, #tpu.memory_space<vmem>>, vector<1x16xf32>,
    %swap3A_301 = vector.shape_cast %swap3A_300 : vector<1x16xf32> to vector<16xf32>
    %swap3A_302 = vector.shape_cast %broadcast_in_dim3A_296 : vector<16xf32> to vector<1x16xf32>
    tpu.vector_store %arg6[%swap3A_298, %swap3A_299], %swap3A_302 {strides = array<i32>} : memref<16x128xf32, #tpu.memory_space<vmem>>, vector<1x16xf32>,
    %broadcast_in_dim3A_303 = arith.constant 0.000000e+00 : f32
    %broadcast_in_dim3A_304 = vector.broadcast %broadcast_in_dim3A_303 : f32 to vector<16xf32>
    %swap3A_305 = arith.constant 4 : i32
    %swap3A_306 = arith.index_cast %swap3A_305 : i32 to index
    %swap3A_307 = arith.constant 96 : index
    %swap3A_308 = tpu.vector_load %arg6[%swap3A_306, %swap3A_307] {strides = array<i32>} : memref<16x128xf32, #tpu.memory_space<vmem>>, vector<1x16xf32>,
    %swap3A_309 = vector.shape_cast %swap3A_308 : vector<1x16xf32> to vector<16xf32>
    %swap3A_310 = vector.shape_cast %broadcast_in_dim3A_304 : vector<16xf32> to vector<1x16xf32>
    tpu.vector_store %arg6[%swap3A_306, %swap3A_307], %swap3A_310 {strides = array<i32>} : memref<16x128xf32, #tpu.memory_space<vmem>>, vector<1x16xf32>,
    %broadcast_in_dim3A_311 = arith.constant 0.000000e+00 : f32
    %broadcast_in_dim3A_312 = vector.broadcast %broadcast_in_dim3A_311 : f32 to vector<16xf32>
    %swap3A_313 = arith.constant 4 : i32
    %swap3A_314 = arith.index_cast %swap3A_313 : i32 to index
    %swap3A_315 = arith.constant 112 : index
    %swap3A_316 = tpu.vector_load %arg6[%swap3A_314, %swap3A_315] {strides = array<i32>} : memref<16x128xf32, #tpu.memory_space<vmem>>, vector<1x16xf32>,
    %swap3A_317 = vector.shape_cast %swap3A_316 : vector<1x16xf32> to vector<16xf32>
    %swap3A_318 = vector.shape_cast %broadcast_in_dim3A_312 : vector<16xf32> to vector<1x16xf32>
    tpu.vector_store %arg6[%swap3A_314, %swap3A_315], %swap3A_318 {strides = array<i32>} : memref<16x128xf32, #tpu.memory_space<vmem>>, vector<1x16xf32>,
    %broadcast_in_dim3A_319 = arith.constant 0.000000e+00 : f32
    %broadcast_in_dim3A_320 = vector.broadcast %broadcast_in_dim3A_319 : f32 to vector<16xf32>
    %swap3A_321 = arith.constant 5 : i32
    %swap3A_322 = arith.index_cast %swap3A_321 : i32 to index
    %swap3A_323 = arith.constant 0 : index
    %swap3A_324 = tpu.vector_load %arg6[%swap3A_322, %swap3A_323] {strides = array<i32>} : memref<16x128xf32, #tpu.memory_space<vmem>>, vector<1x16xf32>,
    %swap3A_325 = vector.shape_cast %swap3A_324 : vector<1x16xf32> to vector<16xf32>
    %swap3A_326 = vector.shape_cast %broadcast_in_dim3A_320 : vector<16xf32> to vector<1x16xf32>
    tpu.vector_store %arg6[%swap3A_322, %swap3A_323], %swap3A_326 {strides = array<i32>} : memref<16x128xf32, #tpu.memory_space<vmem>>, vector<1x16xf32>,
    %broadcast_in_dim3A_327 = arith.constant 0.000000e+00 : f32
    %broadcast_in_dim3A_328 = vector.broadcast %broadcast_in_dim3A_327 : f32 to vector<16xf32>
    %swap3A_329 = arith.constant 5 : i32
    %swap3A_330 = arith.index_cast %swap3A_329 : i32 to index
    %swap3A_331 = arith.constant 16 : index
    %swap3A_332 = tpu.vector_load %arg6[%swap3A_330, %swap3A_331] {strides = array<i32>} : memref<16x128xf32, #tpu.memory_space<vmem>>, vector<1x16xf32>,
    %swap3A_333 = vector.shape_cast %swap3A_332 : vector<1x16xf32> to vector<16xf32>
    %swap3A_334 = vector.shape_cast %broadcast_in_dim3A_328 : vector<16xf32> to vector<1x16xf32>
    tpu.vector_store %arg6[%swap3A_330, %swap3A_331], %swap3A_334 {strides = array<i32>} : memref<16x128xf32, #tpu.memory_space<vmem>>, vector<1x16xf32>,
    %broadcast_in_dim3A_335 = arith.constant 0.000000e+00 : f32
    %broadcast_in_dim3A_336 = vector.broadcast %broadcast_in_dim3A_335 : f32 to vector<16xf32>
    %swap3A_337 = arith.constant 5 : i32
    %swap3A_338 = arith.index_cast %swap3A_337 : i32 to index
    %swap3A_339 = arith.constant 32 : index
    %swap3A_340 = tpu.vector_load %arg6[%swap3A_338, %swap3A_339] {strides = array<i32>} : memref<16x128xf32, #tpu.memory_space<vmem>>, vector<1x16xf32>,
    %swap3A_341 = vector.shape_cast %swap3A_340 : vector<1x16xf32> to vector<16xf32>
    %swap3A_342 = vector.shape_cast %broadcast_in_dim3A_336 : vector<16xf32> to vector<1x16xf32>
    tpu.vector_store %arg6[%swap3A_338, %swap3A_339], %swap3A_342 {strides = array<i32>} : memref<16x128xf32, #tpu.memory_space<vmem>>, vector<1x16xf32>,
    %broadcast_in_dim3A_343 = arith.constant 0.000000e+00 : f32
    %broadcast_in_dim3A_344 = vector.broadcast %broadcast_in_dim3A_343 : f32 to vector<16xf32>
    %swap3A_345 = arith.constant 5 : i32
    %swap3A_346 = arith.index_cast %swap3A_345 : i32 to index
    %swap3A_347 = arith.constant 48 : index
    %swap3A_348 = tpu.vector_load %arg6[%swap3A_346, %swap3A_347] {strides = array<i32>} : memref<16x128xf32, #tpu.memory_space<vmem>>, vector<1x16xf32>,
    %swap3A_349 = vector.shape_cast %swap3A_348 : vector<1x16xf32> to vector<16xf32>
    %swap3A_350 = vector.shape_cast %broadcast_in_dim3A_344 : vector<16xf32> to vector<1x16xf32>
    tpu.vector_store %arg6[%swap3A_346, %swap3A_347], %swap3A_350 {strides = array<i32>} : memref<16x128xf32, #tpu.memory_space<vmem>>, vector<1x16xf32>,
    %broadcast_in_dim3A_351 = arith.constant 0.000000e+00 : f32
    %broadcast_in_dim3A_352 = vector.broadcast %broadcast_in_dim3A_351 : f32 to vector<16xf32>
    %swap3A_353 = arith.constant 5 : i32
    %swap3A_354 = arith.index_cast %swap3A_353 : i32 to index
    %swap3A_355 = arith.constant 64 : index
    %swap3A_356 = tpu.vector_load %arg6[%swap3A_354, %swap3A_355] {strides = array<i32>} : memref<16x128xf32, #tpu.memory_space<vmem>>, vector<1x16xf32>,
    %swap3A_357 = vector.shape_cast %swap3A_356 : vector<1x16xf32> to vector<16xf32>
    %swap3A_358 = vector.shape_cast %broadcast_in_dim3A_352 : vector<16xf32> to vector<1x16xf32>
    tpu.vector_store %arg6[%swap3A_354, %swap3A_355], %swap3A_358 {strides = array<i32>} : memref<16x128xf32, #tpu.memory_space<vmem>>, vector<1x16xf32>,
    %broadcast_in_dim3A_359 = arith.constant 0.000000e+00 : f32
    %broadcast_in_dim3A_360 = vector.broadcast %broadcast_in_dim3A_359 : f32 to vector<16xf32>
    %swap3A_361 = arith.constant 5 : i32
    %swap3A_362 = arith.index_cast %swap3A_361 : i32 to index
    %swap3A_363 = arith.constant 80 : index
    %swap3A_364 = tpu.vector_load %arg6[%swap3A_362, %swap3A_363] {strides = array<i32>} : memref<16x128xf32, #tpu.memory_space<vmem>>, vector<1x16xf32>,
    %swap3A_365 = vector.shape_cast %swap3A_364 : vector<1x16xf32> to vector<16xf32>
    %swap3A_366 = vector.shape_cast %broadcast_in_dim3A_360 : vector<16xf32> to vector<1x16xf32>
    tpu.vector_store %arg6[%swap3A_362, %swap3A_363], %swap3A_366 {strides = array<i32>} : memref<16x128xf32, #tpu.memory_space<vmem>>, vector<1x16xf32>,
    %broadcast_in_dim3A_367 = arith.constant 0.000000e+00 : f32
    %broadcast_in_dim3A_368 = vector.broadcast %broadcast_in_dim3A_367 : f32 to vector<16xf32>
    %swap3A_369 = arith.constant 5 : i32
    %swap3A_370 = arith.index_cast %swap3A_369 : i32 to index
    %swap3A_371 = arith.constant 96 : index
    %swap3A_372 = tpu.vector_load %arg6[%swap3A_370, %swap3A_371] {strides = array<i32>} : memref<16x128xf32, #tpu.memory_space<vmem>>, vector<1x16xf32>,
    %swap3A_373 = vector.shape_cast %swap3A_372 : vector<1x16xf32> to vector<16xf32>
    %swap3A_374 = vector.shape_cast %broadcast_in_dim3A_368 : vector<16xf32> to vector<1x16xf32>
    tpu.vector_store %arg6[%swap3A_370, %swap3A_371], %swap3A_374 {strides = array<i32>} : memref<16x128xf32, #tpu.memory_space<vmem>>, vector<1x16xf32>,
    %broadcast_in_dim3A_375 = arith.constant 0.000000e+00 : f32
    %broadcast_in_dim3A_376 = vector.broadcast %broadcast_in_dim3A_375 : f32 to vector<16xf32>
    %swap3A_377 = arith.constant 5 : i32
    %swap3A_378 = arith.index_cast %swap3A_377 : i32 to index
    %swap3A_379 = arith.constant 112 : index
    %swap3A_380 = tpu.vector_load %arg6[%swap3A_378, %swap3A_379] {strides = array<i32>} : memref<16x128xf32, #tpu.memory_space<vmem>>, vector<1x16xf32>,
    %swap3A_381 = vector.shape_cast %swap3A_380 : vector<1x16xf32> to vector<16xf32>
    %swap3A_382 = vector.shape_cast %broadcast_in_dim3A_376 : vector<16xf32> to vector<1x16xf32>
    tpu.vector_store %arg6[%swap3A_378, %swap3A_379], %swap3A_382 {strides = array<i32>} : memref<16x128xf32, #tpu.memory_space<vmem>>, vector<1x16xf32>,
    %broadcast_in_dim3A_383 = arith.constant 0.000000e+00 : f32
    %broadcast_in_dim3A_384 = vector.broadcast %broadcast_in_dim3A_383 : f32 to vector<16xf32>
    %swap3A_385 = arith.constant 6 : i32
    %swap3A_386 = arith.index_cast %swap3A_385 : i32 to index
    %swap3A_387 = arith.constant 0 : index
    %swap3A_388 = tpu.vector_load %arg6[%swap3A_386, %swap3A_387] {strides = array<i32>} : memref<16x128xf32, #tpu.memory_space<vmem>>, vector<1x16xf32>,
    %swap3A_389 = vector.shape_cast %swap3A_388 : vector<1x16xf32> to vector<16xf32>
    %swap3A_390 = vector.shape_cast %broadcast_in_dim3A_384 : vector<16xf32> to vector<1x16xf32>
    tpu.vector_store %arg6[%swap3A_386, %swap3A_387], %swap3A_390 {strides = array<i32>} : memref<16x128xf32, #tpu.memory_space<vmem>>, vector<1x16xf32>,
    %broadcast_in_dim3A_391 = arith.constant 0.000000e+00 : f32
    %broadcast_in_dim3A_392 = vector.broadcast %broadcast_in_dim3A_391 : f32 to vector<16xf32>
    %swap3A_393 = arith.constant 6 : i32
    %swap3A_394 = arith.index_cast %swap3A_393 : i32 to index
    %swap3A_395 = arith.constant 16 : index
    %swap3A_396 = tpu.vector_load %arg6[%swap3A_394, %swap3A_395] {strides = array<i32>} : memref<16x128xf32, #tpu.memory_space<vmem>>, vector<1x16xf32>,
    %swap3A_397 = vector.shape_cast %swap3A_396 : vector<1x16xf32> to vector<16xf32>
    %swap3A_398 = vector.shape_cast %broadcast_in_dim3A_392 : vector<16xf32> to vector<1x16xf32>
    tpu.vector_store %arg6[%swap3A_394, %swap3A_395], %swap3A_398 {strides = array<i32>} : memref<16x128xf32, #tpu.memory_space<vmem>>, vector<1x16xf32>,
    %broadcast_in_dim3A_399 = arith.constant 0.000000e+00 : f32
    %broadcast_in_dim3A_400 = vector.broadcast %broadcast_in_dim3A_399 : f32 to vector<16xf32>
    %swap3A_401 = arith.constant 6 : i32
    %swap3A_402 = arith.index_cast %swap3A_401 : i32 to index
    %swap3A_403 = arith.constant 32 : index
    %swap3A_404 = tpu.vector_load %arg6[%swap3A_402, %swap3A_403] {strides = array<i32>} : memref<16x128xf32, #tpu.memory_space<vmem>>, vector<1x16xf32>,
    %swap3A_405 = vector.shape_cast %swap3A_404 : vector<1x16xf32> to vector<16xf32>
    %swap3A_406 = vector.shape_cast %broadcast_in_dim3A_400 : vector<16xf32> to vector<1x16xf32>
    tpu.vector_store %arg6[%swap3A_402, %swap3A_403], %swap3A_406 {strides = array<i32>} : memref<16x128xf32, #tpu.memory_space<vmem>>, vector<1x16xf32>,
    %broadcast_in_dim3A_407 = arith.constant 0.000000e+00 : f32
    %broadcast_in_dim3A_408 = vector.broadcast %broadcast_in_dim3A_407 : f32 to vector<16xf32>
    %swap3A_409 = arith.constant 6 : i32
    %swap3A_410 = arith.index_cast %swap3A_409 : i32 to index
    %swap3A_411 = arith.constant 48 : index
    %swap3A_412 = tpu.vector_load %arg6[%swap3A_410, %swap3A_411] {strides = array<i32>} : memref<16x128xf32, #tpu.memory_space<vmem>>, vector<1x16xf32>,
    %swap3A_413 = vector.shape_cast %swap3A_412 : vector<1x16xf32> to vector<16xf32>
    %swap3A_414 = vector.shape_cast %broadcast_in_dim3A_408 : vector<16xf32> to vector<1x16xf32>
    tpu.vector_store %arg6[%swap3A_410, %swap3A_411], %swap3A_414 {strides = array<i32>} : memref<16x128xf32, #tpu.memory_space<vmem>>, vector<1x16xf32>,
    %broadcast_in_dim3A_415 = arith.constant 0.000000e+00 : f32
    %broadcast_in_dim3A_416 = vector.broadcast %broadcast_in_dim3A_415 : f32 to vector<16xf32>
    %swap3A_417 = arith.constant 6 : i32
    %swap3A_418 = arith.index_cast %swap3A_417 : i32 to index
    %swap3A_419 = arith.constant 64 : index
    %swap3A_420 = tpu.vector_load %arg6[%swap3A_418, %swap3A_419] {strides = array<i32>} : memref<16x128xf32, #tpu.memory_space<vmem>>, vector<1x16xf32>,
    %swap3A_421 = vector.shape_cast %swap3A_420 : vector<1x16xf32> to vector<16xf32>
    %swap3A_422 = vector.shape_cast %broadcast_in_dim3A_416 : vector<16xf32> to vector<1x16xf32>
    tpu.vector_store %arg6[%swap3A_418, %swap3A_419], %swap3A_422 {strides = array<i32>} : memref<16x128xf32, #tpu.memory_space<vmem>>, vector<1x16xf32>,
    %broadcast_in_dim3A_423 = arith.constant 0.000000e+00 : f32
    %broadcast_in_dim3A_424 = vector.broadcast %broadcast_in_dim3A_423 : f32 to vector<16xf32>
    %swap3A_425 = arith.constant 6 : i32
    %swap3A_426 = arith.index_cast %swap3A_425 : i32 to index
    %swap3A_427 = arith.constant 80 : index
    %swap3A_428 = tpu.vector_load %arg6[%swap3A_426, %swap3A_427] {strides = array<i32>} : memref<16x128xf32, #tpu.memory_space<vmem>>, vector<1x16xf32>,
    %swap3A_429 = vector.shape_cast %swap3A_428 : vector<1x16xf32> to vector<16xf32>
    %swap3A_430 = vector.shape_cast %broadcast_in_dim3A_424 : vector<16xf32> to vector<1x16xf32>
    tpu.vector_store %arg6[%swap3A_426, %swap3A_427], %swap3A_430 {strides = array<i32>} : memref<16x128xf32, #tpu.memory_space<vmem>>, vector<1x16xf32>,
    %broadcast_in_dim3A_431 = arith.constant 0.000000e+00 : f32
    %broadcast_in_dim3A_432 = vector.broadcast %broadcast_in_dim3A_431 : f32 to vector<16xf32>
    %swap3A_433 = arith.constant 6 : i32
    %swap3A_434 = arith.index_cast %swap3A_433 : i32 to index
    %swap3A_435 = arith.constant 96 : index
    %swap3A_436 = tpu.vector_load %arg6[%swap3A_434, %swap3A_435] {strides = array<i32>} : memref<16x128xf32, #tpu.memory_space<vmem>>, vector<1x16xf32>,
    %swap3A_437 = vector.shape_cast %swap3A_436 : vector<1x16xf32> to vector<16xf32>
    %swap3A_438 = vector.shape_cast %broadcast_in_dim3A_432 : vector<16xf32> to vector<1x16xf32>
    tpu.vector_store %arg6[%swap3A_434, %swap3A_435], %swap3A_438 {strides = array<i32>} : memref<16x128xf32, #tpu.memory_space<vmem>>, vector<1x16xf32>,
    %broadcast_in_dim3A_439 = arith.constant 0.000000e+00 : f32
    %broadcast_in_dim3A_440 = vector.broadcast %broadcast_in_dim3A_439 : f32 to vector<16xf32>
    %swap3A_441 = arith.constant 6 : i32
    %swap3A_442 = arith.index_cast %swap3A_441 : i32 to index
    %swap3A_443 = arith.constant 112 : index
    %swap3A_444 = tpu.vector_load %arg6[%swap3A_442, %swap3A_443] {strides = array<i32>} : memref<16x128xf32, #tpu.memory_space<vmem>>, vector<1x16xf32>,
    %swap3A_445 = vector.shape_cast %swap3A_444 : vector<1x16xf32> to vector<16xf32>
    %swap3A_446 = vector.shape_cast %broadcast_in_dim3A_440 : vector<16xf32> to vector<1x16xf32>
    tpu.vector_store %arg6[%swap3A_442, %swap3A_443], %swap3A_446 {strides = array<i32>} : memref<16x128xf32, #tpu.memory_space<vmem>>, vector<1x16xf32>,
    %broadcast_in_dim3A_447 = arith.constant 0.000000e+00 : f32
    %broadcast_in_dim3A_448 = vector.broadcast %broadcast_in_dim3A_447 : f32 to vector<16xf32>
    %swap3A_449 = arith.constant 7 : i32
    %swap3A_450 = arith.index_cast %swap3A_449 : i32 to index
    %swap3A_451 = arith.constant 0 : index
    %swap3A_452 = tpu.vector_load %arg6[%swap3A_450, %swap3A_451] {strides = array<i32>} : memref<16x128xf32, #tpu.memory_space<vmem>>, vector<1x16xf32>,
    %swap3A_453 = vector.shape_cast %swap3A_452 : vector<1x16xf32> to vector<16xf32>
    %swap3A_454 = vector.shape_cast %broadcast_in_dim3A_448 : vector<16xf32> to vector<1x16xf32>
    tpu.vector_store %arg6[%swap3A_450, %swap3A_451], %swap3A_454 {strides = array<i32>} : memref<16x128xf32, #tpu.memory_space<vmem>>, vector<1x16xf32>,
    %broadcast_in_dim3A_455 = arith.constant 0.000000e+00 : f32
    %broadcast_in_dim3A_456 = vector.broadcast %broadcast_in_dim3A_455 : f32 to vector<16xf32>
    %swap3A_457 = arith.constant 7 : i32
    %swap3A_458 = arith.index_cast %swap3A_457 : i32 to index
    %swap3A_459 = arith.constant 16 : index
    %swap3A_460 = tpu.vector_load %arg6[%swap3A_458, %swap3A_459] {strides = array<i32>} : memref<16x128xf32, #tpu.memory_space<vmem>>, vector<1x16xf32>,
    %swap3A_461 = vector.shape_cast %swap3A_460 : vector<1x16xf32> to vector<16xf32>
    %swap3A_462 = vector.shape_cast %broadcast_in_dim3A_456 : vector<16xf32> to vector<1x16xf32>
    tpu.vector_store %arg6[%swap3A_458, %swap3A_459], %swap3A_462 {strides = array<i32>} : memref<16x128xf32, #tpu.memory_space<vmem>>, vector<1x16xf32>,
    %broadcast_in_dim3A_463 = arith.constant 0.000000e+00 : f32
    %broadcast_in_dim3A_464 = vector.broadcast %broadcast_in_dim3A_463 : f32 to vector<16xf32>
    %swap3A_465 = arith.constant 7 : i32
    %swap3A_466 = arith.index_cast %swap3A_465 : i32 to index
    %swap3A_467 = arith.constant 32 : index
    %swap3A_468 = tpu.vector_load %arg6[%swap3A_466, %swap3A_467] {strides = array<i32>} : memref<16x128xf32, #tpu.memory_space<vmem>>, vector<1x16xf32>,
    %swap3A_469 = vector.shape_cast %swap3A_468 : vector<1x16xf32> to vector<16xf32>
    %swap3A_470 = vector.shape_cast %broadcast_in_dim3A_464 : vector<16xf32> to vector<1x16xf32>
    tpu.vector_store %arg6[%swap3A_466, %swap3A_467], %swap3A_470 {strides = array<i32>} : memref<16x128xf32, #tpu.memory_space<vmem>>, vector<1x16xf32>,
    %broadcast_in_dim3A_471 = arith.constant 0.000000e+00 : f32
    %broadcast_in_dim3A_472 = vector.broadcast %broadcast_in_dim3A_471 : f32 to vector<16xf32>
    %swap3A_473 = arith.constant 7 : i32
    %swap3A_474 = arith.index_cast %swap3A_473 : i32 to index
    %swap3A_475 = arith.constant 48 : index
    %swap3A_476 = tpu.vector_load %arg6[%swap3A_474, %swap3A_475] {strides = array<i32>} : memref<16x128xf32, #tpu.memory_space<vmem>>, vector<1x16xf32>,
    %swap3A_477 = vector.shape_cast %swap3A_476 : vector<1x16xf32> to vector<16xf32>
    %swap3A_478 = vector.shape_cast %broadcast_in_dim3A_472 : vector<16xf32> to vector<1x16xf32>
    tpu.vector_store %arg6[%swap3A_474, %swap3A_475], %swap3A_478 {strides = array<i32>} : memref<16x128xf32, #tpu.memory_space<vmem>>, vector<1x16xf32>,
    %broadcast_in_dim3A_479 = arith.constant 0.000000e+00 : f32
    %broadcast_in_dim3A_480 = vector.broadcast %broadcast_in_dim3A_479 : f32 to vector<16xf32>
    %swap3A_481 = arith.constant 7 : i32
    %swap3A_482 = arith.index_cast %swap3A_481 : i32 to index
    %swap3A_483 = arith.constant 64 : index
    %swap3A_484 = tpu.vector_load %arg6[%swap3A_482, %swap3A_483] {strides = array<i32>} : memref<16x128xf32, #tpu.memory_space<vmem>>, vector<1x16xf32>,
    %swap3A_485 = vector.shape_cast %swap3A_484 : vector<1x16xf32> to vector<16xf32>
    %swap3A_486 = vector.shape_cast %broadcast_in_dim3A_480 : vector<16xf32> to vector<1x16xf32>
    tpu.vector_store %arg6[%swap3A_482, %swap3A_483], %swap3A_486 {strides = array<i32>} : memref<16x128xf32, #tpu.memory_space<vmem>>, vector<1x16xf32>,
    %broadcast_in_dim3A_487 = arith.constant 0.000000e+00 : f32
    %broadcast_in_dim3A_488 = vector.broadcast %broadcast_in_dim3A_487 : f32 to vector<16xf32>
    %swap3A_489 = arith.constant 7 : i32
    %swap3A_490 = arith.index_cast %swap3A_489 : i32 to index
    %swap3A_491 = arith.constant 80 : index
    %swap3A_492 = tpu.vector_load %arg6[%swap3A_490, %swap3A_491] {strides = array<i32>} : memref<16x128xf32, #tpu.memory_space<vmem>>, vector<1x16xf32>,
    %swap3A_493 = vector.shape_cast %swap3A_492 : vector<1x16xf32> to vector<16xf32>
    %swap3A_494 = vector.shape_cast %broadcast_in_dim3A_488 : vector<16xf32> to vector<1x16xf32>
    tpu.vector_store %arg6[%swap3A_490, %swap3A_491], %swap3A_494 {strides = array<i32>} : memref<16x128xf32, #tpu.memory_space<vmem>>, vector<1x16xf32>,
    %broadcast_in_dim3A_495 = arith.constant 0.000000e+00 : f32
    %broadcast_in_dim3A_496 = vector.broadcast %broadcast_in_dim3A_495 : f32 to vector<16xf32>
    %swap3A_497 = arith.constant 7 : i32
    %swap3A_498 = arith.index_cast %swap3A_497 : i32 to index
    %swap3A_499 = arith.constant 96 : index
    %swap3A_500 = tpu.vector_load %arg6[%swap3A_498, %swap3A_499] {strides = array<i32>} : memref<16x128xf32, #tpu.memory_space<vmem>>, vector<1x16xf32>,
    %swap3A_501 = vector.shape_cast %swap3A_500 : vector<1x16xf32> to vector<16xf32>
    %swap3A_502 = vector.shape_cast %broadcast_in_dim3A_496 : vector<16xf32> to vector<1x16xf32>
    tpu.vector_store %arg6[%swap3A_498, %swap3A_499], %swap3A_502 {strides = array<i32>} : memref<16x128xf32, #tpu.memory_space<vmem>>, vector<1x16xf32>,
    %broadcast_in_dim3A_503 = arith.constant 0.000000e+00 : f32
    %broadcast_in_dim3A_504 = vector.broadcast %broadcast_in_dim3A_503 : f32 to vector<16xf32>
    %swap3A_505 = arith.constant 7 : i32
    %swap3A_506 = arith.index_cast %swap3A_505 : i32 to index
    %swap3A_507 = arith.constant 112 : index
    %swap3A_508 = tpu.vector_load %arg6[%swap3A_506, %swap3A_507] {strides = array<i32>} : memref<16x128xf32, #tpu.memory_space<vmem>>, vector<1x16xf32>,
    %swap3A_509 = vector.shape_cast %swap3A_508 : vector<1x16xf32> to vector<16xf32>
    %swap3A_510 = vector.shape_cast %broadcast_in_dim3A_504 : vector<16xf32> to vector<1x16xf32>
    tpu.vector_store %arg6[%swap3A_506, %swap3A_507], %swap3A_510 {strides = array<i32>} : memref<16x128xf32, #tpu.memory_space<vmem>>, vector<1x16xf32>,
    %broadcast_in_dim3A_511 = arith.constant 0.000000e+00 : f32
    %broadcast_in_dim3A_512 = vector.broadcast %broadcast_in_dim3A_511 : f32 to vector<16xf32>
    %swap3A_513 = arith.constant 8 : i32
    %swap3A_514 = arith.index_cast %swap3A_513 : i32 to index
    %swap3A_515 = arith.constant 0 : index
    %swap3A_516 = tpu.vector_load %arg6[%swap3A_514, %swap3A_515] {strides = array<i32>} : memref<16x128xf32, #tpu.memory_space<vmem>>, vector<1x16xf32>,
    %swap3A_517 = vector.shape_cast %swap3A_516 : vector<1x16xf32> to vector<16xf32>
    %swap3A_518 = vector.shape_cast %broadcast_in_dim3A_512 : vector<16xf32> to vector<1x16xf32>
    tpu.vector_store %arg6[%swap3A_514, %swap3A_515], %swap3A_518 {strides = array<i32>} : memref<16x128xf32, #tpu.memory_space<vmem>>, vector<1x16xf32>,
    %broadcast_in_dim3A_519 = arith.constant 0.000000e+00 : f32
    %broadcast_in_dim3A_520 = vector.broadcast %broadcast_in_dim3A_519 : f32 to vector<16xf32>
    %swap3A_521 = arith.constant 8 : i32
    %swap3A_522 = arith.index_cast %swap3A_521 : i32 to index
    %swap3A_523 = arith.constant 16 : index
    %swap3A_524 = tpu.vector_load %arg6[%swap3A_522, %swap3A_523] {strides = array<i32>} : memref<16x128xf32, #tpu.memory_space<vmem>>, vector<1x16xf32>,
    %swap3A_525 = vector.shape_cast %swap3A_524 : vector<1x16xf32> to vector<16xf32>
    %swap3A_526 = vector.shape_cast %broadcast_in_dim3A_520 : vector<16xf32> to vector<1x16xf32>
    tpu.vector_store %arg6[%swap3A_522, %swap3A_523], %swap3A_526 {strides = array<i32>} : memref<16x128xf32, #tpu.memory_space<vmem>>, vector<1x16xf32>,
    %broadcast_in_dim3A_527 = arith.constant 0.000000e+00 : f32
    %broadcast_in_dim3A_528 = vector.broadcast %broadcast_in_dim3A_527 : f32 to vector<16xf32>
    %swap3A_529 = arith.constant 8 : i32
    %swap3A_530 = arith.index_cast %swap3A_529 : i32 to index
    %swap3A_531 = arith.constant 32 : index
    %swap3A_532 = tpu.vector_load %arg6[%swap3A_530, %swap3A_531] {strides = array<i32>} : memref<16x128xf32, #tpu.memory_space<vmem>>, vector<1x16xf32>,
    %swap3A_533 = vector.shape_cast %swap3A_532 : vector<1x16xf32> to vector<16xf32>
    %swap3A_534 = vector.shape_cast %broadcast_in_dim3A_528 : vector<16xf32> to vector<1x16xf32>
    tpu.vector_store %arg6[%swap3A_530, %swap3A_531], %swap3A_534 {strides = array<i32>} : memref<16x128xf32, #tpu.memory_space<vmem>>, vector<1x16xf32>,
    %broadcast_in_dim3A_535 = arith.constant 0.000000e+00 : f32
    %broadcast_in_dim3A_536 = vector.broadcast %broadcast_in_dim3A_535 : f32 to vector<16xf32>
    %swap3A_537 = arith.constant 8 : i32
    %swap3A_538 = arith.index_cast %swap3A_537 : i32 to index
    %swap3A_539 = arith.constant 48 : index
    %swap3A_540 = tpu.vector_load %arg6[%swap3A_538, %swap3A_539] {strides = array<i32>} : memref<16x128xf32, #tpu.memory_space<vmem>>, vector<1x16xf32>,
    %swap3A_541 = vector.shape_cast %swap3A_540 : vector<1x16xf32> to vector<16xf32>
    %swap3A_542 = vector.shape_cast %broadcast_in_dim3A_536 : vector<16xf32> to vector<1x16xf32>
    tpu.vector_store %arg6[%swap3A_538, %swap3A_539], %swap3A_542 {strides = array<i32>} : memref<16x128xf32, #tpu.memory_space<vmem>>, vector<1x16xf32>,
    %broadcast_in_dim3A_543 = arith.constant 0.000000e+00 : f32
    %broadcast_in_dim3A_544 = vector.broadcast %broadcast_in_dim3A_543 : f32 to vector<16xf32>
    %swap3A_545 = arith.constant 8 : i32
    %swap3A_546 = arith.index_cast %swap3A_545 : i32 to index
    %swap3A_547 = arith.constant 64 : index
    %swap3A_548 = tpu.vector_load %arg6[%swap3A_546, %swap3A_547] {strides = array<i32>} : memref<16x128xf32, #tpu.memory_space<vmem>>, vector<1x16xf32>,
    %swap3A_549 = vector.shape_cast %swap3A_548 : vector<1x16xf32> to vector<16xf32>
    %swap3A_550 = vector.shape_cast %broadcast_in_dim3A_544 : vector<16xf32> to vector<1x16xf32>
    tpu.vector_store %arg6[%swap3A_546, %swap3A_547], %swap3A_550 {strides = array<i32>} : memref<16x128xf32, #tpu.memory_space<vmem>>, vector<1x16xf32>,
    %broadcast_in_dim3A_551 = arith.constant 0.000000e+00 : f32
    %broadcast_in_dim3A_552 = vector.broadcast %broadcast_in_dim3A_551 : f32 to vector<16xf32>
    %swap3A_553 = arith.constant 8 : i32
    %swap3A_554 = arith.index_cast %swap3A_553 : i32 to index
    %swap3A_555 = arith.constant 80 : index
    %swap3A_556 = tpu.vector_load %arg6[%swap3A_554, %swap3A_555] {strides = array<i32>} : memref<16x128xf32, #tpu.memory_space<vmem>>, vector<1x16xf32>,
    %swap3A_557 = vector.shape_cast %swap3A_556 : vector<1x16xf32> to vector<16xf32>
    %swap3A_558 = vector.shape_cast %broadcast_in_dim3A_552 : vector<16xf32> to vector<1x16xf32>
    tpu.vector_store %arg6[%swap3A_554, %swap3A_555], %swap3A_558 {strides = array<i32>} : memref<16x128xf32, #tpu.memory_space<vmem>>, vector<1x16xf32>,
    %broadcast_in_dim3A_559 = arith.constant 0.000000e+00 : f32
    %broadcast_in_dim3A_560 = vector.broadcast %broadcast_in_dim3A_559 : f32 to vector<16xf32>
    %swap3A_561 = arith.constant 8 : i32
    %swap3A_562 = arith.index_cast %swap3A_561 : i32 to index
    %swap3A_563 = arith.constant 96 : index
    %swap3A_564 = tpu.vector_load %arg6[%swap3A_562, %swap3A_563] {strides = array<i32>} : memref<16x128xf32, #tpu.memory_space<vmem>>, vector<1x16xf32>,
    %swap3A_565 = vector.shape_cast %swap3A_564 : vector<1x16xf32> to vector<16xf32>
    %swap3A_566 = vector.shape_cast %broadcast_in_dim3A_560 : vector<16xf32> to vector<1x16xf32>
    tpu.vector_store %arg6[%swap3A_562, %swap3A_563], %swap3A_566 {strides = array<i32>} : memref<16x128xf32, #tpu.memory_space<vmem>>, vector<1x16xf32>,
    %broadcast_in_dim3A_567 = arith.constant 0.000000e+00 : f32
    %broadcast_in_dim3A_568 = vector.broadcast %broadcast_in_dim3A_567 : f32 to vector<16xf32>
    %swap3A_569 = arith.constant 8 : i32
    %swap3A_570 = arith.index_cast %swap3A_569 : i32 to index
    %swap3A_571 = arith.constant 112 : index
    %swap3A_572 = tpu.vector_load %arg6[%swap3A_570, %swap3A_571] {strides = array<i32>} : memref<16x128xf32, #tpu.memory_space<vmem>>, vector<1x16xf32>,
    %swap3A_573 = vector.shape_cast %swap3A_572 : vector<1x16xf32> to vector<16xf32>
    %swap3A_574 = vector.shape_cast %broadcast_in_dim3A_568 : vector<16xf32> to vector<1x16xf32>
    tpu.vector_store %arg6[%swap3A_570, %swap3A_571], %swap3A_574 {strides = array<i32>} : memref<16x128xf32, #tpu.memory_space<vmem>>, vector<1x16xf32>,
    %broadcast_in_dim3A_575 = arith.constant 0.000000e+00 : f32
    %broadcast_in_dim3A_576 = vector.broadcast %broadcast_in_dim3A_575 : f32 to vector<16xf32>
    %swap3A_577 = arith.constant 9 : i32
    %swap3A_578 = arith.index_cast %swap3A_577 : i32 to index
    %swap3A_579 = arith.constant 0 : index
    %swap3A_580 = tpu.vector_load %arg6[%swap3A_578, %swap3A_579] {strides = array<i32>} : memref<16x128xf32, #tpu.memory_space<vmem>>, vector<1x16xf32>,
    %swap3A_581 = vector.shape_cast %swap3A_580 : vector<1x16xf32> to vector<16xf32>
    %swap3A_582 = vector.shape_cast %broadcast_in_dim3A_576 : vector<16xf32> to vector<1x16xf32>
    tpu.vector_store %arg6[%swap3A_578, %swap3A_579], %swap3A_582 {strides = array<i32>} : memref<16x128xf32, #tpu.memory_space<vmem>>, vector<1x16xf32>,
    %broadcast_in_dim3A_583 = arith.constant 0.000000e+00 : f32
    %broadcast_in_dim3A_584 = vector.broadcast %broadcast_in_dim3A_583 : f32 to vector<16xf32>
    %swap3A_585 = arith.constant 9 : i32
    %swap3A_586 = arith.index_cast %swap3A_585 : i32 to index
    %swap3A_587 = arith.constant 16 : index
    %swap3A_588 = tpu.vector_load %arg6[%swap3A_586, %swap3A_587] {strides = array<i32>} : memref<16x128xf32, #tpu.memory_space<vmem>>, vector<1x16xf32>,
    %swap3A_589 = vector.shape_cast %swap3A_588 : vector<1x16xf32> to vector<16xf32>
    %swap3A_590 = vector.shape_cast %broadcast_in_dim3A_584 : vector<16xf32> to vector<1x16xf32>
    tpu.vector_store %arg6[%swap3A_586, %swap3A_587], %swap3A_590 {strides = array<i32>} : memref<16x128xf32, #tpu.memory_space<vmem>>, vector<1x16xf32>,
    %broadcast_in_dim3A_591 = arith.constant 0.000000e+00 : f32
    %broadcast_in_dim3A_592 = vector.broadcast %broadcast_in_dim3A_591 : f32 to vector<16xf32>
    %swap3A_593 = arith.constant 9 : i32
    %swap3A_594 = arith.index_cast %swap3A_593 : i32 to index
    %swap3A_595 = arith.constant 32 : index
    %swap3A_596 = tpu.vector_load %arg6[%swap3A_594, %swap3A_595] {strides = array<i32>} : memref<16x128xf32, #tpu.memory_space<vmem>>, vector<1x16xf32>,
    %swap3A_597 = vector.shape_cast %swap3A_596 : vector<1x16xf32> to vector<16xf32>
    %swap3A_598 = vector.shape_cast %broadcast_in_dim3A_592 : vector<16xf32> to vector<1x16xf32>
    tpu.vector_store %arg6[%swap3A_594, %swap3A_595], %swap3A_598 {strides = array<i32>} : memref<16x128xf32, #tpu.memory_space<vmem>>, vector<1x16xf32>,
    %broadcast_in_dim3A_599 = arith.constant 0.000000e+00 : f32
    %broadcast_in_dim3A_600 = vector.broadcast %broadcast_in_dim3A_599 : f32 to vector<16xf32>
    %swap3A_601 = arith.constant 9 : i32
    %swap3A_602 = arith.index_cast %swap3A_601 : i32 to index
    %swap3A_603 = arith.constant 48 : index
    %swap3A_604 = tpu.vector_load %arg6[%swap3A_602, %swap3A_603] {strides = array<i32>} : memref<16x128xf32, #tpu.memory_space<vmem>>, vector<1x16xf32>,
    %swap3A_605 = vector.shape_cast %swap3A_604 : vector<1x16xf32> to vector<16xf32>
    %swap3A_606 = vector.shape_cast %broadcast_in_dim3A_600 : vector<16xf32> to vector<1x16xf32>
    tpu.vector_store %arg6[%swap3A_602, %swap3A_603], %swap3A_606 {strides = array<i32>} : memref<16x128xf32, #tpu.memory_space<vmem>>, vector<1x16xf32>,
    %broadcast_in_dim3A_607 = arith.constant 0.000000e+00 : f32
    %broadcast_in_dim3A_608 = vector.broadcast %broadcast_in_dim3A_607 : f32 to vector<16xf32>
    %swap3A_609 = arith.constant 9 : i32
    %swap3A_610 = arith.index_cast %swap3A_609 : i32 to index
    %swap3A_611 = arith.constant 64 : index
    %swap3A_612 = tpu.vector_load %arg6[%swap3A_610, %swap3A_611] {strides = array<i32>} : memref<16x128xf32, #tpu.memory_space<vmem>>, vector<1x16xf32>,
    %swap3A_613 = vector.shape_cast %swap3A_612 : vector<1x16xf32> to vector<16xf32>
    %swap3A_614 = vector.shape_cast %broadcast_in_dim3A_608 : vector<16xf32> to vector<1x16xf32>
    tpu.vector_store %arg6[%swap3A_610, %swap3A_611], %swap3A_614 {strides = array<i32>} : memref<16x128xf32, #tpu.memory_space<vmem>>, vector<1x16xf32>,
    %broadcast_in_dim3A_615 = arith.constant 0.000000e+00 : f32
    %broadcast_in_dim3A_616 = vector.broadcast %broadcast_in_dim3A_615 : f32 to vector<16xf32>
    %swap3A_617 = arith.constant 9 : i32
    %swap3A_618 = arith.index_cast %swap3A_617 : i32 to index
    %swap3A_619 = arith.constant 80 : index
    %swap3A_620 = tpu.vector_load %arg6[%swap3A_618, %swap3A_619] {strides = array<i32>} : memref<16x128xf32, #tpu.memory_space<vmem>>, vector<1x16xf32>,
    %swap3A_621 = vector.shape_cast %swap3A_620 : vector<1x16xf32> to vector<16xf32>
    %swap3A_622 = vector.shape_cast %broadcast_in_dim3A_616 : vector<16xf32> to vector<1x16xf32>
    tpu.vector_store %arg6[%swap3A_618, %swap3A_619], %swap3A_622 {strides = array<i32>} : memref<16x128xf32, #tpu.memory_space<vmem>>, vector<1x16xf32>,
    %broadcast_in_dim3A_623 = arith.constant 0.000000e+00 : f32
    %broadcast_in_dim3A_624 = vector.broadcast %broadcast_in_dim3A_623 : f32 to vector<16xf32>
    %swap3A_625 = arith.constant 9 : i32
    %swap3A_626 = arith.index_cast %swap3A_625 : i32 to index
    %swap3A_627 = arith.constant 96 : index
    %swap3A_628 = tpu.vector_load %arg6[%swap3A_626, %swap3A_627] {strides = array<i32>} : memref<16x128xf32, #tpu.memory_space<vmem>>, vector<1x16xf32>,
    %swap3A_629 = vector.shape_cast %swap3A_628 : vector<1x16xf32> to vector<16xf32>
    %swap3A_630 = vector.shape_cast %broadcast_in_dim3A_624 : vector<16xf32> to vector<1x16xf32>
    tpu.vector_store %arg6[%swap3A_626, %swap3A_627], %swap3A_630 {strides = array<i32>} : memref<16x128xf32, #tpu.memory_space<vmem>>, vector<1x16xf32>,
    %broadcast_in_dim3A_631 = arith.constant 0.000000e+00 : f32
    %broadcast_in_dim3A_632 = vector.broadcast %broadcast_in_dim3A_631 : f32 to vector<16xf32>
    %swap3A_633 = arith.constant 9 : i32
    %swap3A_634 = arith.index_cast %swap3A_633 : i32 to index
    %swap3A_635 = arith.constant 112 : index
    %swap3A_636 = tpu.vector_load %arg6[%swap3A_634, %swap3A_635] {strides = array<i32>} : memref<16x128xf32, #tpu.memory_space<vmem>>, vector<1x16xf32>,
    %swap3A_637 = vector.shape_cast %swap3A_636 : vector<1x16xf32> to vector<16xf32>
    %swap3A_638 = vector.shape_cast %broadcast_in_dim3A_632 : vector<16xf32> to vector<1x16xf32>
    tpu.vector_store %arg6[%swap3A_634, %swap3A_635], %swap3A_638 {strides = array<i32>} : memref<16x128xf32, #tpu.memory_space<vmem>>, vector<1x16xf32>,
    %broadcast_in_dim3A_639 = arith.constant 0.000000e+00 : f32
    %broadcast_in_dim3A_640 = vector.broadcast %broadcast_in_dim3A_639 : f32 to vector<16xf32>
    %swap3A_641 = arith.constant 10 : i32
    %swap3A_642 = arith.index_cast %swap3A_641 : i32 to index
    %swap3A_643 = arith.constant 0 : index
    %swap3A_644 = tpu.vector_load %arg6[%swap3A_642, %swap3A_643] {strides = array<i32>} : memref<16x128xf32, #tpu.memory_space<vmem>>, vector<1x16xf32>,
    %swap3A_645 = vector.shape_cast %swap3A_644 : vector<1x16xf32> to vector<16xf32>
    %swap3A_646 = vector.shape_cast %broadcast_in_dim3A_640 : vector<16xf32> to vector<1x16xf32>
    tpu.vector_store %arg6[%swap3A_642, %swap3A_643], %swap3A_646 {strides = array<i32>} : memref<16x128xf32, #tpu.memory_space<vmem>>, vector<1x16xf32>,
    %broadcast_in_dim3A_647 = arith.constant 0.000000e+00 : f32
    %broadcast_in_dim3A_648 = vector.broadcast %broadcast_in_dim3A_647 : f32 to vector<16xf32>
    %swap3A_649 = arith.constant 10 : i32
    %swap3A_650 = arith.index_cast %swap3A_649 : i32 to index
    %swap3A_651 = arith.constant 16 : index
    %swap3A_652 = tpu.vector_load %arg6[%swap3A_650, %swap3A_651] {strides = array<i32>} : memref<16x128xf32, #tpu.memory_space<vmem>>, vector<1x16xf32>,
    %swap3A_653 = vector.shape_cast %swap3A_652 : vector<1x16xf32> to vector<16xf32>
    %swap3A_654 = vector.shape_cast %broadcast_in_dim3A_648 : vector<16xf32> to vector<1x16xf32>
    tpu.vector_store %arg6[%swap3A_650, %swap3A_651], %swap3A_654 {strides = array<i32>} : memref<16x128xf32, #tpu.memory_space<vmem>>, vector<1x16xf32>,
    %broadcast_in_dim3A_655 = arith.constant 0.000000e+00 : f32
    %broadcast_in_dim3A_656 = vector.broadcast %broadcast_in_dim3A_655 : f32 to vector<16xf32>
    %swap3A_657 = arith.constant 10 : i32
    %swap3A_658 = arith.index_cast %swap3A_657 : i32 to index
    %swap3A_659 = arith.constant 32 : index
    %swap3A_660 = tpu.vector_load %arg6[%swap3A_658, %swap3A_659] {strides = array<i32>} : memref<16x128xf32, #tpu.memory_space<vmem>>, vector<1x16xf32>,
    %swap3A_661 = vector.shape_cast %swap3A_660 : vector<1x16xf32> to vector<16xf32>
    %swap3A_662 = vector.shape_cast %broadcast_in_dim3A_656 : vector<16xf32> to vector<1x16xf32>
    tpu.vector_store %arg6[%swap3A_658, %swap3A_659], %swap3A_662 {strides = array<i32>} : memref<16x128xf32, #tpu.memory_space<vmem>>, vector<1x16xf32>,
    %broadcast_in_dim3A_663 = arith.constant 0.000000e+00 : f32
    %broadcast_in_dim3A_664 = vector.broadcast %broadcast_in_dim3A_663 : f32 to vector<16xf32>
    %swap3A_665 = arith.constant 10 : i32
    %swap3A_666 = arith.index_cast %swap3A_665 : i32 to index
    %swap3A_667 = arith.constant 48 : index
    %swap3A_668 = tpu.vector_load %arg6[%swap3A_666, %swap3A_667] {strides = array<i32>} : memref<16x128xf32, #tpu.memory_space<vmem>>, vector<1x16xf32>,
    %swap3A_669 = vector.shape_cast %swap3A_668 : vector<1x16xf32> to vector<16xf32>
    %swap3A_670 = vector.shape_cast %broadcast_in_dim3A_664 : vector<16xf32> to vector<1x16xf32>
    tpu.vector_store %arg6[%swap3A_666, %swap3A_667], %swap3A_670 {strides = array<i32>} : memref<16x128xf32, #tpu.memory_space<vmem>>, vector<1x16xf32>,
    %broadcast_in_dim3A_671 = arith.constant 0.000000e+00 : f32
    %broadcast_in_dim3A_672 = vector.broadcast %broadcast_in_dim3A_671 : f32 to vector<16xf32>
    %swap3A_673 = arith.constant 10 : i32
    %swap3A_674 = arith.index_cast %swap3A_673 : i32 to index
    %swap3A_675 = arith.constant 64 : index
    %swap3A_676 = tpu.vector_load %arg6[%swap3A_674, %swap3A_675] {strides = array<i32>} : memref<16x128xf32, #tpu.memory_space<vmem>>, vector<1x16xf32>,
    %swap3A_677 = vector.shape_cast %swap3A_676 : vector<1x16xf32> to vector<16xf32>
    %swap3A_678 = vector.shape_cast %broadcast_in_dim3A_672 : vector<16xf32> to vector<1x16xf32>
    tpu.vector_store %arg6[%swap3A_674, %swap3A_675], %swap3A_678 {strides = array<i32>} : memref<16x128xf32, #tpu.memory_space<vmem>>, vector<1x16xf32>,
    %broadcast_in_dim3A_679 = arith.constant 0.000000e+00 : f32
    %broadcast_in_dim3A_680 = vector.broadcast %broadcast_in_dim3A_679 : f32 to vector<16xf32>
    %swap3A_681 = arith.constant 10 : i32
    %swap3A_682 = arith.index_cast %swap3A_681 : i32 to index
    %swap3A_683 = arith.constant 80 : index
    %swap3A_684 = tpu.vector_load %arg6[%swap3A_682, %swap3A_683] {strides = array<i32>} : memref<16x128xf32, #tpu.memory_space<vmem>>, vector<1x16xf32>,
    %swap3A_685 = vector.shape_cast %swap3A_684 : vector<1x16xf32> to vector<16xf32>
    %swap3A_686 = vector.shape_cast %broadcast_in_dim3A_680 : vector<16xf32> to vector<1x16xf32>
    tpu.vector_store %arg6[%swap3A_682, %swap3A_683], %swap3A_686 {strides = array<i32>} : memref<16x128xf32, #tpu.memory_space<vmem>>, vector<1x16xf32>,
    %broadcast_in_dim3A_687 = arith.constant 0.000000e+00 : f32
    %broadcast_in_dim3A_688 = vector.broadcast %broadcast_in_dim3A_687 : f32 to vector<16xf32>
    %swap3A_689 = arith.constant 10 : i32
    %swap3A_690 = arith.index_cast %swap3A_689 : i32 to index
    %swap3A_691 = arith.constant 96 : index
    %swap3A_692 = tpu.vector_load %arg6[%swap3A_690, %swap3A_691] {strides = array<i32>} : memref<16x128xf32, #tpu.memory_space<vmem>>, vector<1x16xf32>,
    %swap3A_693 = vector.shape_cast %swap3A_692 : vector<1x16xf32> to vector<16xf32>
    %swap3A_694 = vector.shape_cast %broadcast_in_dim3A_688 : vector<16xf32> to vector<1x16xf32>
    tpu.vector_store %arg6[%swap3A_690, %swap3A_691], %swap3A_694 {strides = array<i32>} : memref<16x128xf32, #tpu.memory_space<vmem>>, vector<1x16xf32>,
    %broadcast_in_dim3A_695 = arith.constant 0.000000e+00 : f32
    %broadcast_in_dim3A_696 = vector.broadcast %broadcast_in_dim3A_695 : f32 to vector<16xf32>
    %swap3A_697 = arith.constant 10 : i32
    %swap3A_698 = arith.index_cast %swap3A_697 : i32 to index
    %swap3A_699 = arith.constant 112 : index
    %swap3A_700 = tpu.vector_load %arg6[%swap3A_698, %swap3A_699] {strides = array<i32>} : memref<16x128xf32, #tpu.memory_space<vmem>>, vector<1x16xf32>,
    %swap3A_701 = vector.shape_cast %swap3A_700 : vector<1x16xf32> to vector<16xf32>
    %swap3A_702 = vector.shape_cast %broadcast_in_dim3A_696 : vector<16xf32> to vector<1x16xf32>
    tpu.vector_store %arg6[%swap3A_698, %swap3A_699], %swap3A_702 {strides = array<i32>} : memref<16x128xf32, #tpu.memory_space<vmem>>, vector<1x16xf32>,
    %broadcast_in_dim3A_703 = arith.constant 0.000000e+00 : f32
    %broadcast_in_dim3A_704 = vector.broadcast %broadcast_in_dim3A_703 : f32 to vector<16xf32>
    %swap3A_705 = arith.constant 11 : i32
    %swap3A_706 = arith.index_cast %swap3A_705 : i32 to index
    %swap3A_707 = arith.constant 0 : index
    %swap3A_708 = tpu.vector_load %arg6[%swap3A_706, %swap3A_707] {strides = array<i32>} : memref<16x128xf32, #tpu.memory_space<vmem>>, vector<1x16xf32>,
    %swap3A_709 = vector.shape_cast %swap3A_708 : vector<1x16xf32> to vector<16xf32>
    %swap3A_710 = vector.shape_cast %broadcast_in_dim3A_704 : vector<16xf32> to vector<1x16xf32>
    tpu.vector_store %arg6[%swap3A_706, %swap3A_707], %swap3A_710 {strides = array<i32>} : memref<16x128xf32, #tpu.memory_space<vmem>>, vector<1x16xf32>,
    %broadcast_in_dim3A_711 = arith.constant 0.000000e+00 : f32
    %broadcast_in_dim3A_712 = vector.broadcast %broadcast_in_dim3A_711 : f32 to vector<16xf32>
    %swap3A_713 = arith.constant 11 : i32
    %swap3A_714 = arith.index_cast %swap3A_713 : i32 to index
    %swap3A_715 = arith.constant 16 : index
    %swap3A_716 = tpu.vector_load %arg6[%swap3A_714, %swap3A_715] {strides = array<i32>} : memref<16x128xf32, #tpu.memory_space<vmem>>, vector<1x16xf32>,
    %swap3A_717 = vector.shape_cast %swap3A_716 : vector<1x16xf32> to vector<16xf32>
    %swap3A_718 = vector.shape_cast %broadcast_in_dim3A_712 : vector<16xf32> to vector<1x16xf32>
    tpu.vector_store %arg6[%swap3A_714, %swap3A_715], %swap3A_718 {strides = array<i32>} : memref<16x128xf32, #tpu.memory_space<vmem>>, vector<1x16xf32>,
    %broadcast_in_dim3A_719 = arith.constant 0.000000e+00 : f32
    %broadcast_in_dim3A_720 = vector.broadcast %broadcast_in_dim3A_719 : f32 to vector<16xf32>
    %swap3A_721 = arith.constant 11 : i32
    %swap3A_722 = arith.index_cast %swap3A_721 : i32 to index
    %swap3A_723 = arith.constant 32 : index
    %swap3A_724 = tpu.vector_load %arg6[%swap3A_722, %swap3A_723] {strides = array<i32>} : memref<16x128xf32, #tpu.memory_space<vmem>>, vector<1x16xf32>,
    %swap3A_725 = vector.shape_cast %swap3A_724 : vector<1x16xf32> to vector<16xf32>
    %swap3A_726 = vector.shape_cast %broadcast_in_dim3A_720 : vector<16xf32> to vector<1x16xf32>
    tpu.vector_store %arg6[%swap3A_722, %swap3A_723], %swap3A_726 {strides = array<i32>} : memref<16x128xf32, #tpu.memory_space<vmem>>, vector<1x16xf32>,
    %broadcast_in_dim3A_727 = arith.constant 0.000000e+00 : f32
    %broadcast_in_dim3A_728 = vector.broadcast %broadcast_in_dim3A_727 : f32 to vector<16xf32>
    %swap3A_729 = arith.constant 11 : i32
    %swap3A_730 = arith.index_cast %swap3A_729 : i32 to index
    %swap3A_731 = arith.constant 48 : index
    %swap3A_732 = tpu.vector_load %arg6[%swap3A_730, %swap3A_731] {strides = array<i32>} : memref<16x128xf32, #tpu.memory_space<vmem>>, vector<1x16xf32>,
    %swap3A_733 = vector.shape_cast %swap3A_732 : vector<1x16xf32> to vector<16xf32>
    %swap3A_734 = vector.shape_cast %broadcast_in_dim3A_728 : vector<16xf32> to vector<1x16xf32>
    tpu.vector_store %arg6[%swap3A_730, %swap3A_731], %swap3A_734 {strides = array<i32>} : memref<16x128xf32, #tpu.memory_space<vmem>>, vector<1x16xf32>,
    %broadcast_in_dim3A_735 = arith.constant 0.000000e+00 : f32
    %broadcast_in_dim3A_736 = vector.broadcast %broadcast_in_dim3A_735 : f32 to vector<16xf32>
    %swap3A_737 = arith.constant 11 : i32
    %swap3A_738 = arith.index_cast %swap3A_737 : i32 to index
    %swap3A_739 = arith.constant 64 : index
    %swap3A_740 = tpu.vector_load %arg6[%swap3A_738, %swap3A_739] {strides = array<i32>} : memref<16x128xf32, #tpu.memory_space<vmem>>, vector<1x16xf32>,
    %swap3A_741 = vector.shape_cast %swap3A_740 : vector<1x16xf32> to vector<16xf32>
    %swap3A_742 = vector.shape_cast %broadcast_in_dim3A_736 : vector<16xf32> to vector<1x16xf32>
    tpu.vector_store %arg6[%swap3A_738, %swap3A_739], %swap3A_742 {strides = array<i32>} : memref<16x128xf32, #tpu.memory_space<vmem>>, vector<1x16xf32>,
    %broadcast_in_dim3A_743 = arith.constant 0.000000e+00 : f32
    %broadcast_in_dim3A_744 = vector.broadcast %broadcast_in_dim3A_743 : f32 to vector<16xf32>
    %swap3A_745 = arith.constant 11 : i32
    %swap3A_746 = arith.index_cast %swap3A_745 : i32 to index
    %swap3A_747 = arith.constant 80 : index
    %swap3A_748 = tpu.vector_load %arg6[%swap3A_746, %swap3A_747] {strides = array<i32>} : memref<16x128xf32, #tpu.memory_space<vmem>>, vector<1x16xf32>,
    %swap3A_749 = vector.shape_cast %swap3A_748 : vector<1x16xf32> to vector<16xf32>
    %swap3A_750 = vector.shape_cast %broadcast_in_dim3A_744 : vector<16xf32> to vector<1x16xf32>
    tpu.vector_store %arg6[%swap3A_746, %swap3A_747], %swap3A_750 {strides = array<i32>} : memref<16x128xf32, #tpu.memory_space<vmem>>, vector<1x16xf32>,
    %broadcast_in_dim3A_751 = arith.constant 0.000000e+00 : f32
    %broadcast_in_dim3A_752 = vector.broadcast %broadcast_in_dim3A_751 : f32 to vector<16xf32>
    %swap3A_753 = arith.constant 11 : i32
    %swap3A_754 = arith.index_cast %swap3A_753 : i32 to index
    %swap3A_755 = arith.constant 96 : index
    %swap3A_756 = tpu.vector_load %arg6[%swap3A_754, %swap3A_755] {strides = array<i32>} : memref<16x128xf32, #tpu.memory_space<vmem>>, vector<1x16xf32>,
    %swap3A_757 = vector.shape_cast %swap3A_756 : vector<1x16xf32> to vector<16xf32>
    %swap3A_758 = vector.shape_cast %broadcast_in_dim3A_752 : vector<16xf32> to vector<1x16xf32>
    tpu.vector_store %arg6[%swap3A_754, %swap3A_755], %swap3A_758 {strides = array<i32>} : memref<16x128xf32, #tpu.memory_space<vmem>>, vector<1x16xf32>,
    %broadcast_in_dim3A_759 = arith.constant 0.000000e+00 : f32
    %broadcast_in_dim3A_760 = vector.broadcast %broadcast_in_dim3A_759 : f32 to vector<16xf32>
    %swap3A_761 = arith.constant 11 : i32
    %swap3A_762 = arith.index_cast %swap3A_761 : i32 to index
    %swap3A_763 = arith.constant 112 : index
    %swap3A_764 = tpu.vector_load %arg6[%swap3A_762, %swap3A_763] {strides = array<i32>} : memref<16x128xf32, #tpu.memory_space<vmem>>, vector<1x16xf32>,
    %swap3A_765 = vector.shape_cast %swap3A_764 : vector<1x16xf32> to vector<16xf32>
    %swap3A_766 = vector.shape_cast %broadcast_in_dim3A_760 : vector<16xf32> to vector<1x16xf32>
    tpu.vector_store %arg6[%swap3A_762, %swap3A_763], %swap3A_766 {strides = array<i32>} : memref<16x128xf32, #tpu.memory_space<vmem>>, vector<1x16xf32>,
    %broadcast_in_dim3A_767 = arith.constant 0.000000e+00 : f32
    %broadcast_in_dim3A_768 = vector.broadcast %broadcast_in_dim3A_767 : f32 to vector<16xf32>
    %swap3A_769 = arith.constant 12 : i32
    %swap3A_770 = arith.index_cast %swap3A_769 : i32 to index
    %swap3A_771 = arith.constant 0 : index
    %swap3A_772 = tpu.vector_load %arg6[%swap3A_770, %swap3A_771] {strides = array<i32>} : memref<16x128xf32, #tpu.memory_space<vmem>>, vector<1x16xf32>,
    %swap3A_773 = vector.shape_cast %swap3A_772 : vector<1x16xf32> to vector<16xf32>
    %swap3A_774 = vector.shape_cast %broadcast_in_dim3A_768 : vector<16xf32> to vector<1x16xf32>
    tpu.vector_store %arg6[%swap3A_770, %swap3A_771], %swap3A_774 {strides = array<i32>} : memref<16x128xf32, #tpu.memory_space<vmem>>, vector<1x16xf32>,
    %broadcast_in_dim3A_775 = arith.constant 0.000000e+00 : f32
    %broadcast_in_dim3A_776 = vector.broadcast %broadcast_in_dim3A_775 : f32 to vector<16xf32>
    %swap3A_777 = arith.constant 12 : i32
    %swap3A_778 = arith.index_cast %swap3A_777 : i32 to index
    %swap3A_779 = arith.constant 16 : index
    %swap3A_780 = tpu.vector_load %arg6[%swap3A_778, %swap3A_779] {strides = array<i32>} : memref<16x128xf32, #tpu.memory_space<vmem>>, vector<1x16xf32>,
    %swap3A_781 = vector.shape_cast %swap3A_780 : vector<1x16xf32> to vector<16xf32>
    %swap3A_782 = vector.shape_cast %broadcast_in_dim3A_776 : vector<16xf32> to vector<1x16xf32>
    tpu.vector_store %arg6[%swap3A_778, %swap3A_779], %swap3A_782 {strides = array<i32>} : memref<16x128xf32, #tpu.memory_space<vmem>>, vector<1x16xf32>,
    %broadcast_in_dim3A_783 = arith.constant 0.000000e+00 : f32
    %broadcast_in_dim3A_784 = vector.broadcast %broadcast_in_dim3A_783 : f32 to vector<16xf32>
    %swap3A_785 = arith.constant 12 : i32
    %swap3A_786 = arith.index_cast %swap3A_785 : i32 to index
    %swap3A_787 = arith.constant 32 : index
    %swap3A_788 = tpu.vector_load %arg6[%swap3A_786, %swap3A_787] {strides = array<i32>} : memref<16x128xf32, #tpu.memory_space<vmem>>, vector<1x16xf32>,
    %swap3A_789 = vector.shape_cast %swap3A_788 : vector<1x16xf32> to vector<16xf32>
    %swap3A_790 = vector.shape_cast %broadcast_in_dim3A_784 : vector<16xf32> to vector<1x16xf32>
    tpu.vector_store %arg6[%swap3A_786, %swap3A_787], %swap3A_790 {strides = array<i32>} : memref<16x128xf32, #tpu.memory_space<vmem>>, vector<1x16xf32>,
    %broadcast_in_dim3A_791 = arith.constant 0.000000e+00 : f32
    %broadcast_in_dim3A_792 = vector.broadcast %broadcast_in_dim3A_791 : f32 to vector<16xf32>
    %swap3A_793 = arith.constant 12 : i32
    %swap3A_794 = arith.index_cast %swap3A_793 : i32 to index
    %swap3A_795 = arith.constant 48 : index
    %swap3A_796 = tpu.vector_load %arg6[%swap3A_794, %swap3A_795] {strides = array<i32>} : memref<16x128xf32, #tpu.memory_space<vmem>>, vector<1x16xf32>,
    %swap3A_797 = vector.shape_cast %swap3A_796 : vector<1x16xf32> to vector<16xf32>
    %swap3A_798 = vector.shape_cast %broadcast_in_dim3A_792 : vector<16xf32> to vector<1x16xf32>
    tpu.vector_store %arg6[%swap3A_794, %swap3A_795], %swap3A_798 {strides = array<i32>} : memref<16x128xf32, #tpu.memory_space<vmem>>, vector<1x16xf32>,
    %broadcast_in_dim3A_799 = arith.constant 0.000000e+00 : f32
    %broadcast_in_dim3A_800 = vector.broadcast %broadcast_in_dim3A_799 : f32 to vector<16xf32>
    %swap3A_801 = arith.constant 12 : i32
    %swap3A_802 = arith.index_cast %swap3A_801 : i32 to index
    %swap3A_803 = arith.constant 64 : index
    %swap3A_804 = tpu.vector_load %arg6[%swap3A_802, %swap3A_803] {strides = array<i32>} : memref<16x128xf32, #tpu.memory_space<vmem>>, vector<1x16xf32>,
    %swap3A_805 = vector.shape_cast %swap3A_804 : vector<1x16xf32> to vector<16xf32>
    %swap3A_806 = vector.shape_cast %broadcast_in_dim3A_800 : vector<16xf32> to vector<1x16xf32>
    tpu.vector_store %arg6[%swap3A_802, %swap3A_803], %swap3A_806 {strides = array<i32>} : memref<16x128xf32, #tpu.memory_space<vmem>>, vector<1x16xf32>,
    %broadcast_in_dim3A_807 = arith.constant 0.000000e+00 : f32
    %broadcast_in_dim3A_808 = vector.broadcast %broadcast_in_dim3A_807 : f32 to vector<16xf32>
    %swap3A_809 = arith.constant 12 : i32
    %swap3A_810 = arith.index_cast %swap3A_809 : i32 to index
    %swap3A_811 = arith.constant 80 : index
    %swap3A_812 = tpu.vector_load %arg6[%swap3A_810, %swap3A_811] {strides = array<i32>} : memref<16x128xf32, #tpu.memory_space<vmem>>, vector<1x16xf32>,
    %swap3A_813 = vector.shape_cast %swap3A_812 : vector<1x16xf32> to vector<16xf32>
    %swap3A_814 = vector.shape_cast %broadcast_in_dim3A_808 : vector<16xf32> to vector<1x16xf32>
    tpu.vector_store %arg6[%swap3A_810, %swap3A_811], %swap3A_814 {strides = array<i32>} : memref<16x128xf32, #tpu.memory_space<vmem>>, vector<1x16xf32>,
    %broadcast_in_dim3A_815 = arith.constant 0.000000e+00 : f32
    %broadcast_in_dim3A_816 = vector.broadcast %broadcast_in_dim3A_815 : f32 to vector<16xf32>
    %swap3A_817 = arith.constant 12 : i32
    %swap3A_818 = arith.index_cast %swap3A_817 : i32 to index
    %swap3A_819 = arith.constant 96 : index
    %swap3A_820 = tpu.vector_load %arg6[%swap3A_818, %swap3A_819] {strides = array<i32>} : memref<16x128xf32, #tpu.memory_space<vmem>>, vector<1x16xf32>,
    %swap3A_821 = vector.shape_cast %swap3A_820 : vector<1x16xf32> to vector<16xf32>
    %swap3A_822 = vector.shape_cast %broadcast_in_dim3A_816 : vector<16xf32> to vector<1x16xf32>
    tpu.vector_store %arg6[%swap3A_818, %swap3A_819], %swap3A_822 {strides = array<i32>} : memref<16x128xf32, #tpu.memory_space<vmem>>, vector<1x16xf32>,
    %broadcast_in_dim3A_823 = arith.constant 0.000000e+00 : f32
    %broadcast_in_dim3A_824 = vector.broadcast %broadcast_in_dim3A_823 : f32 to vector<16xf32>
    %swap3A_825 = arith.constant 12 : i32
    %swap3A_826 = arith.index_cast %swap3A_825 : i32 to index
    %swap3A_827 = arith.constant 112 : index
    %swap3A_828 = tpu.vector_load %arg6[%swap3A_826, %swap3A_827] {strides = array<i32>} : memref<16x128xf32, #tpu.memory_space<vmem>>, vector<1x16xf32>,
    %swap3A_829 = vector.shape_cast %swap3A_828 : vector<1x16xf32> to vector<16xf32>
    %swap3A_830 = vector.shape_cast %broadcast_in_dim3A_824 : vector<16xf32> to vector<1x16xf32>
    tpu.vector_store %arg6[%swap3A_826, %swap3A_827], %swap3A_830 {strides = array<i32>} : memref<16x128xf32, #tpu.memory_space<vmem>>, vector<1x16xf32>,
    %broadcast_in_dim3A_831 = arith.constant 0.000000e+00 : f32
    %broadcast_in_dim3A_832 = vector.broadcast %broadcast_in_dim3A_831 : f32 to vector<16xf32>
    %swap3A_833 = arith.constant 13 : i32
    %swap3A_834 = arith.index_cast %swap3A_833 : i32 to index
    %swap3A_835 = arith.constant 0 : index
    %swap3A_836 = tpu.vector_load %arg6[%swap3A_834, %swap3A_835] {strides = array<i32>} : memref<16x128xf32, #tpu.memory_space<vmem>>, vector<1x16xf32>,
    %swap3A_837 = vector.shape_cast %swap3A_836 : vector<1x16xf32> to vector<16xf32>
    %swap3A_838 = vector.shape_cast %broadcast_in_dim3A_832 : vector<16xf32> to vector<1x16xf32>
    tpu.vector_store %arg6[%swap3A_834, %swap3A_835], %swap3A_838 {strides = array<i32>} : memref<16x128xf32, #tpu.memory_space<vmem>>, vector<1x16xf32>,
    %broadcast_in_dim3A_839 = arith.constant 0.000000e+00 : f32
    %broadcast_in_dim3A_840 = vector.broadcast %broadcast_in_dim3A_839 : f32 to vector<16xf32>
    %swap3A_841 = arith.constant 13 : i32
    %swap3A_842 = arith.index_cast %swap3A_841 : i32 to index
    %swap3A_843 = arith.constant 16 : index
    %swap3A_844 = tpu.vector_load %arg6[%swap3A_842, %swap3A_843] {strides = array<i32>} : memref<16x128xf32, #tpu.memory_space<vmem>>, vector<1x16xf32>,
    %swap3A_845 = vector.shape_cast %swap3A_844 : vector<1x16xf32> to vector<16xf32>
    %swap3A_846 = vector.shape_cast %broadcast_in_dim3A_840 : vector<16xf32> to vector<1x16xf32>
    tpu.vector_store %arg6[%swap3A_842, %swap3A_843], %swap3A_846 {strides = array<i32>} : memref<16x128xf32, #tpu.memory_space<vmem>>, vector<1x16xf32>,
    %broadcast_in_dim3A_847 = arith.constant 0.000000e+00 : f32
    %broadcast_in_dim3A_848 = vector.broadcast %broadcast_in_dim3A_847 : f32 to vector<16xf32>
    %swap3A_849 = arith.constant 13 : i32
    %swap3A_850 = arith.index_cast %swap3A_849 : i32 to index
    %swap3A_851 = arith.constant 32 : index
    %swap3A_852 = tpu.vector_load %arg6[%swap3A_850, %swap3A_851] {strides = array<i32>} : memref<16x128xf32, #tpu.memory_space<vmem>>, vector<1x16xf32>,
    %swap3A_853 = vector.shape_cast %swap3A_852 : vector<1x16xf32> to vector<16xf32>
    %swap3A_854 = vector.shape_cast %broadcast_in_dim3A_848 : vector<16xf32> to vector<1x16xf32>
    tpu.vector_store %arg6[%swap3A_850, %swap3A_851], %swap3A_854 {strides = array<i32>} : memref<16x128xf32, #tpu.memory_space<vmem>>, vector<1x16xf32>,
    %broadcast_in_dim3A_855 = arith.constant 0.000000e+00 : f32
    %broadcast_in_dim3A_856 = vector.broadcast %broadcast_in_dim3A_855 : f32 to vector<16xf32>
    %swap3A_857 = arith.constant 13 : i32
    %swap3A_858 = arith.index_cast %swap3A_857 : i32 to index
    %swap3A_859 = arith.constant 48 : index
    %swap3A_860 = tpu.vector_load %arg6[%swap3A_858, %swap3A_859] {strides = array<i32>} : memref<16x128xf32, #tpu.memory_space<vmem>>, vector<1x16xf32>,
    %swap3A_861 = vector.shape_cast %swap3A_860 : vector<1x16xf32> to vector<16xf32>
    %swap3A_862 = vector.shape_cast %broadcast_in_dim3A_856 : vector<16xf32> to vector<1x16xf32>
    tpu.vector_store %arg6[%swap3A_858, %swap3A_859], %swap3A_862 {strides = array<i32>} : memref<16x128xf32, #tpu.memory_space<vmem>>, vector<1x16xf32>,
    %broadcast_in_dim3A_863 = arith.constant 0.000000e+00 : f32
    %broadcast_in_dim3A_864 = vector.broadcast %broadcast_in_dim3A_863 : f32 to vector<16xf32>
    %swap3A_865 = arith.constant 13 : i32
    %swap3A_866 = arith.index_cast %swap3A_865 : i32 to index
    %swap3A_867 = arith.constant 64 : index
    %swap3A_868 = tpu.vector_load %arg6[%swap3A_866, %swap3A_867] {strides = array<i32>} : memref<16x128xf32, #tpu.memory_space<vmem>>, vector<1x16xf32>,
    %swap3A_869 = vector.shape_cast %swap3A_868 : vector<1x16xf32> to vector<16xf32>
    %swap3A_870 = vector.shape_cast %broadcast_in_dim3A_864 : vector<16xf32> to vector<1x16xf32>
    tpu.vector_store %arg6[%swap3A_866, %swap3A_867], %swap3A_870 {strides = array<i32>} : memref<16x128xf32, #tpu.memory_space<vmem>>, vector<1x16xf32>,
    %broadcast_in_dim3A_871 = arith.constant 0.000000e+00 : f32
    %broadcast_in_dim3A_872 = vector.broadcast %broadcast_in_dim3A_871 : f32 to vector<16xf32>
    %swap3A_873 = arith.constant 13 : i32
    %swap3A_874 = arith.index_cast %swap3A_873 : i32 to index
    %swap3A_875 = arith.constant 80 : index
    %swap3A_876 = tpu.vector_load %arg6[%swap3A_874, %swap3A_875] {strides = array<i32>} : memref<16x128xf32, #tpu.memory_space<vmem>>, vector<1x16xf32>,
    %swap3A_877 = vector.shape_cast %swap3A_876 : vector<1x16xf32> to vector<16xf32>
    %swap3A_878 = vector.shape_cast %broadcast_in_dim3A_872 : vector<16xf32> to vector<1x16xf32>
    tpu.vector_store %arg6[%swap3A_874, %swap3A_875], %swap3A_878 {strides = array<i32>} : memref<16x128xf32, #tpu.memory_space<vmem>>, vector<1x16xf32>,
    %broadcast_in_dim3A_879 = arith.constant 0.000000e+00 : f32
    %broadcast_in_dim3A_880 = vector.broadcast %broadcast_in_dim3A_879 : f32 to vector<16xf32>
    %swap3A_881 = arith.constant 13 : i32
    %swap3A_882 = arith.index_cast %swap3A_881 : i32 to index
    %swap3A_883 = arith.constant 96 : index
    %swap3A_884 = tpu.vector_load %arg6[%swap3A_882, %swap3A_883] {strides = array<i32>} : memref<16x128xf32, #tpu.memory_space<vmem>>, vector<1x16xf32>,
    %swap3A_885 = vector.shape_cast %swap3A_884 : vector<1x16xf32> to vector<16xf32>
    %swap3A_886 = vector.shape_cast %broadcast_in_dim3A_880 : vector<16xf32> to vector<1x16xf32>
    tpu.vector_store %arg6[%swap3A_882, %swap3A_883], %swap3A_886 {strides = array<i32>} : memref<16x128xf32, #tpu.memory_space<vmem>>, vector<1x16xf32>,
    %broadcast_in_dim3A_887 = arith.constant 0.000000e+00 : f32
    %broadcast_in_dim3A_888 = vector.broadcast %broadcast_in_dim3A_887 : f32 to vector<16xf32>
    %swap3A_889 = arith.constant 13 : i32
    %swap3A_890 = arith.index_cast %swap3A_889 : i32 to index
    %swap3A_891 = arith.constant 112 : index
    %swap3A_892 = tpu.vector_load %arg6[%swap3A_890, %swap3A_891] {strides = array<i32>} : memref<16x128xf32, #tpu.memory_space<vmem>>, vector<1x16xf32>,
    %swap3A_893 = vector.shape_cast %swap3A_892 : vector<1x16xf32> to vector<16xf32>
    %swap3A_894 = vector.shape_cast %broadcast_in_dim3A_888 : vector<16xf32> to vector<1x16xf32>
    tpu.vector_store %arg6[%swap3A_890, %swap3A_891], %swap3A_894 {strides = array<i32>} : memref<16x128xf32, #tpu.memory_space<vmem>>, vector<1x16xf32>,
    %broadcast_in_dim3A_895 = arith.constant 0.000000e+00 : f32
    %broadcast_in_dim3A_896 = vector.broadcast %broadcast_in_dim3A_895 : f32 to vector<16xf32>
    %swap3A_897 = arith.constant 14 : i32
    %swap3A_898 = arith.index_cast %swap3A_897 : i32 to index
    %swap3A_899 = arith.constant 0 : index
    %swap3A_900 = tpu.vector_load %arg6[%swap3A_898, %swap3A_899] {strides = array<i32>} : memref<16x128xf32, #tpu.memory_space<vmem>>, vector<1x16xf32>,
    %swap3A_901 = vector.shape_cast %swap3A_900 : vector<1x16xf32> to vector<16xf32>
    %swap3A_902 = vector.shape_cast %broadcast_in_dim3A_896 : vector<16xf32> to vector<1x16xf32>
    tpu.vector_store %arg6[%swap3A_898, %swap3A_899], %swap3A_902 {strides = array<i32>} : memref<16x128xf32, #tpu.memory_space<vmem>>, vector<1x16xf32>,
    %broadcast_in_dim3A_903 = arith.constant 0.000000e+00 : f32
    %broadcast_in_dim3A_904 = vector.broadcast %broadcast_in_dim3A_903 : f32 to vector<16xf32>
    %swap3A_905 = arith.constant 14 : i32
    %swap3A_906 = arith.index_cast %swap3A_905 : i32 to index
    %swap3A_907 = arith.constant 16 : index
    %swap3A_908 = tpu.vector_load %arg6[%swap3A_906, %swap3A_907] {strides = array<i32>} : memref<16x128xf32, #tpu.memory_space<vmem>>, vector<1x16xf32>,
    %swap3A_909 = vector.shape_cast %swap3A_908 : vector<1x16xf32> to vector<16xf32>
    %swap3A_910 = vector.shape_cast %broadcast_in_dim3A_904 : vector<16xf32> to vector<1x16xf32>
    tpu.vector_store %arg6[%swap3A_906, %swap3A_907], %swap3A_910 {strides = array<i32>} : memref<16x128xf32, #tpu.memory_space<vmem>>, vector<1x16xf32>,
    %broadcast_in_dim3A_911 = arith.constant 0.000000e+00 : f32
    %broadcast_in_dim3A_912 = vector.broadcast %broadcast_in_dim3A_911 : f32 to vector<16xf32>
    %swap3A_913 = arith.constant 14 : i32
    %swap3A_914 = arith.index_cast %swap3A_913 : i32 to index
    %swap3A_915 = arith.constant 32 : index
    %swap3A_916 = tpu.vector_load %arg6[%swap3A_914, %swap3A_915] {strides = array<i32>} : memref<16x128xf32, #tpu.memory_space<vmem>>, vector<1x16xf32>,
    %swap3A_917 = vector.shape_cast %swap3A_916 : vector<1x16xf32> to vector<16xf32>
    %swap3A_918 = vector.shape_cast %broadcast_in_dim3A_912 : vector<16xf32> to vector<1x16xf32>
    tpu.vector_store %arg6[%swap3A_914, %swap3A_915], %swap3A_918 {strides = array<i32>} : memref<16x128xf32, #tpu.memory_space<vmem>>, vector<1x16xf32>,
    %broadcast_in_dim3A_919 = arith.constant 0.000000e+00 : f32
    %broadcast_in_dim3A_920 = vector.broadcast %broadcast_in_dim3A_919 : f32 to vector<16xf32>
    %swap3A_921 = arith.constant 14 : i32
    %swap3A_922 = arith.index_cast %swap3A_921 : i32 to index
    %swap3A_923 = arith.constant 48 : index
    %swap3A_924 = tpu.vector_load %arg6[%swap3A_922, %swap3A_923] {strides = array<i32>} : memref<16x128xf32, #tpu.memory_space<vmem>>, vector<1x16xf32>,
    %swap3A_925 = vector.shape_cast %swap3A_924 : vector<1x16xf32> to vector<16xf32>
    %swap3A_926 = vector.shape_cast %broadcast_in_dim3A_920 : vector<16xf32> to vector<1x16xf32>
    tpu.vector_store %arg6[%swap3A_922, %swap3A_923], %swap3A_926 {strides = array<i32>} : memref<16x128xf32, #tpu.memory_space<vmem>>, vector<1x16xf32>,
    %broadcast_in_dim3A_927 = arith.constant 0.000000e+00 : f32
    %broadcast_in_dim3A_928 = vector.broadcast %broadcast_in_dim3A_927 : f32 to vector<16xf32>
    %swap3A_929 = arith.constant 14 : i32
    %swap3A_930 = arith.index_cast %swap3A_929 : i32 to index
    %swap3A_931 = arith.constant 64 : index
    %swap3A_932 = tpu.vector_load %arg6[%swap3A_930, %swap3A_931] {strides = array<i32>} : memref<16x128xf32, #tpu.memory_space<vmem>>, vector<1x16xf32>,
    %swap3A_933 = vector.shape_cast %swap3A_932 : vector<1x16xf32> to vector<16xf32>
    %swap3A_934 = vector.shape_cast %broadcast_in_dim3A_928 : vector<16xf32> to vector<1x16xf32>
    tpu.vector_store %arg6[%swap3A_930, %swap3A_931], %swap3A_934 {strides = array<i32>} : memref<16x128xf32, #tpu.memory_space<vmem>>, vector<1x16xf32>,
    %broadcast_in_dim3A_935 = arith.constant 0.000000e+00 : f32
    %broadcast_in_dim3A_936 = vector.broadcast %broadcast_in_dim3A_935 : f32 to vector<16xf32>
    %swap3A_937 = arith.constant 14 : i32
    %swap3A_938 = arith.index_cast %swap3A_937 : i32 to index
    %swap3A_939 = arith.constant 80 : index
    %swap3A_940 = tpu.vector_load %arg6[%swap3A_938, %swap3A_939] {strides = array<i32>} : memref<16x128xf32, #tpu.memory_space<vmem>>, vector<1x16xf32>,
    %swap3A_941 = vector.shape_cast %swap3A_940 : vector<1x16xf32> to vector<16xf32>
    %swap3A_942 = vector.shape_cast %broadcast_in_dim3A_936 : vector<16xf32> to vector<1x16xf32>
    tpu.vector_store %arg6[%swap3A_938, %swap3A_939], %swap3A_942 {strides = array<i32>} : memref<16x128xf32, #tpu.memory_space<vmem>>, vector<1x16xf32>,
    %broadcast_in_dim3A_943 = arith.constant 0.000000e+00 : f32
    %broadcast_in_dim3A_944 = vector.broadcast %broadcast_in_dim3A_943 : f32 to vector<16xf32>
    %swap3A_945 = arith.constant 14 : i32
    %swap3A_946 = arith.index_cast %swap3A_945 : i32 to index
    %swap3A_947 = arith.constant 96 : index
    %swap3A_948 = tpu.vector_load %arg6[%swap3A_946, %swap3A_947] {strides = array<i32>} : memref<16x128xf32, #tpu.memory_space<vmem>>, vector<1x16xf32>,
    %swap3A_949 = vector.shape_cast %swap3A_948 : vector<1x16xf32> to vector<16xf32>
    %swap3A_950 = vector.shape_cast %broadcast_in_dim3A_944 : vector<16xf32> to vector<1x16xf32>
    tpu.vector_store %arg6[%swap3A_946, %swap3A_947], %swap3A_950 {strides = array<i32>} : memref<16x128xf32, #tpu.memory_space<vmem>>, vector<1x16xf32>,
    %broadcast_in_dim3A_951 = arith.constant 0.000000e+00 : f32
    %broadcast_in_dim3A_952 = vector.broadcast %broadcast_in_dim3A_951 : f32 to vector<16xf32>
    %swap3A_953 = arith.constant 14 : i32
    %swap3A_954 = arith.index_cast %swap3A_953 : i32 to index
    %swap3A_955 = arith.constant 112 : index
    %swap3A_956 = tpu.vector_load %arg6[%swap3A_954, %swap3A_955] {strides = array<i32>} : memref<16x128xf32, #tpu.memory_space<vmem>>, vector<1x16xf32>,
    %swap3A_957 = vector.shape_cast %swap3A_956 : vector<1x16xf32> to vector<16xf32>
    %swap3A_958 = vector.shape_cast %broadcast_in_dim3A_952 : vector<16xf32> to vector<1x16xf32>
    tpu.vector_store %arg6[%swap3A_954, %swap3A_955], %swap3A_958 {strides = array<i32>} : memref<16x128xf32, #tpu.memory_space<vmem>>, vector<1x16xf32>,
    %broadcast_in_dim3A_959 = arith.constant 0.000000e+00 : f32
    %broadcast_in_dim3A_960 = vector.broadcast %broadcast_in_dim3A_959 : f32 to vector<16xf32>
    %swap3A_961 = arith.constant 15 : i32
    %swap3A_962 = arith.index_cast %swap3A_961 : i32 to index
    %swap3A_963 = arith.constant 0 : index
    %swap3A_964 = tpu.vector_load %arg6[%swap3A_962, %swap3A_963] {strides = array<i32>} : memref<16x128xf32, #tpu.memory_space<vmem>>, vector<1x16xf32>,
    %swap3A_965 = vector.shape_cast %swap3A_964 : vector<1x16xf32> to vector<16xf32>
    %swap3A_966 = vector.shape_cast %broadcast_in_dim3A_960 : vector<16xf32> to vector<1x16xf32>
    tpu.vector_store %arg6[%swap3A_962, %swap3A_963], %swap3A_966 {strides = array<i32>} : memref<16x128xf32, #tpu.memory_space<vmem>>, vector<1x16xf32>,
    %broadcast_in_dim3A_967 = arith.constant 0.000000e+00 : f32
    %broadcast_in_dim3A_968 = vector.broadcast %broadcast_in_dim3A_967 : f32 to vector<16xf32>
    %swap3A_969 = arith.constant 15 : i32
    %swap3A_970 = arith.index_cast %swap3A_969 : i32 to index
    %swap3A_971 = arith.constant 16 : index
    %swap3A_972 = tpu.vector_load %arg6[%swap3A_970, %swap3A_971] {strides = array<i32>} : memref<16x128xf32, #tpu.memory_space<vmem>>, vector<1x16xf32>,
    %swap3A_973 = vector.shape_cast %swap3A_972 : vector<1x16xf32> to vector<16xf32>
    %swap3A_974 = vector.shape_cast %broadcast_in_dim3A_968 : vector<16xf32> to vector<1x16xf32>
    tpu.vector_store %arg6[%swap3A_970, %swap3A_971], %swap3A_974 {strides = array<i32>} : memref<16x128xf32, #tpu.memory_space<vmem>>, vector<1x16xf32>,
    %broadcast_in_dim3A_975 = arith.constant 0.000000e+00 : f32
    %broadcast_in_dim3A_976 = vector.broadcast %broadcast_in_dim3A_975 : f32 to vector<16xf32>
    %swap3A_977 = arith.constant 15 : i32
    %swap3A_978 = arith.index_cast %swap3A_977 : i32 to index
    %swap3A_979 = arith.constant 32 : index
    %swap3A_980 = tpu.vector_load %arg6[%swap3A_978, %swap3A_979] {strides = array<i32>} : memref<16x128xf32, #tpu.memory_space<vmem>>, vector<1x16xf32>,
    %swap3A_981 = vector.shape_cast %swap3A_980 : vector<1x16xf32> to vector<16xf32>
    %swap3A_982 = vector.shape_cast %broadcast_in_dim3A_976 : vector<16xf32> to vector<1x16xf32>
    tpu.vector_store %arg6[%swap3A_978, %swap3A_979], %swap3A_982 {strides = array<i32>} : memref<16x128xf32, #tpu.memory_space<vmem>>, vector<1x16xf32>,
    %broadcast_in_dim3A_983 = arith.constant 0.000000e+00 : f32
    %broadcast_in_dim3A_984 = vector.broadcast %broadcast_in_dim3A_983 : f32 to vector<16xf32>
    %swap3A_985 = arith.constant 15 : i32
    %swap3A_986 = arith.index_cast %swap3A_985 : i32 to index
    %swap3A_987 = arith.constant 48 : index
    %swap3A_988 = tpu.vector_load %arg6[%swap3A_986, %swap3A_987] {strides = array<i32>} : memref<16x128xf32, #tpu.memory_space<vmem>>, vector<1x16xf32>,
    %swap3A_989 = vector.shape_cast %swap3A_988 : vector<1x16xf32> to vector<16xf32>
    %swap3A_990 = vector.shape_cast %broadcast_in_dim3A_984 : vector<16xf32> to vector<1x16xf32>
    tpu.vector_store %arg6[%swap3A_986, %swap3A_987], %swap3A_990 {strides = array<i32>} : memref<16x128xf32, #tpu.memory_space<vmem>>, vector<1x16xf32>,
    %broadcast_in_dim3A_991 = arith.constant 0.000000e+00 : f32
    %broadcast_in_dim3A_992 = vector.broadcast %broadcast_in_dim3A_991 : f32 to vector<16xf32>
    %swap3A_993 = arith.constant 15 : i32
    %swap3A_994 = arith.index_cast %swap3A_993 : i32 to index
    %swap3A_995 = arith.constant 64 : index
    %swap3A_996 = tpu.vector_load %arg6[%swap3A_994, %swap3A_995] {strides = array<i32>} : memref<16x128xf32, #tpu.memory_space<vmem>>, vector<1x16xf32>,
    %swap3A_997 = vector.shape_cast %swap3A_996 : vector<1x16xf32> to vector<16xf32>
    %swap3A_998 = vector.shape_cast %broadcast_in_dim3A_992 : vector<16xf32> to vector<1x16xf32>
    tpu.vector_store %arg6[%swap3A_994, %swap3A_995], %swap3A_998 {strides = array<i32>} : memref<16x128xf32, #tpu.memory_space<vmem>>, vector<1x16xf32>,
    %broadcast_in_dim3A_999 = arith.constant 0.000000e+00 : f32
    %broadcast_in_dim3A_1000 = vector.broadcast %broadcast_in_dim3A_999 : f32 to vector<16xf32>
    %swap3A_1001 = arith.constant 15 : i32
    %swap3A_1002 = arith.index_cast %swap3A_1001 : i32 to index
    %swap3A_1003 = arith.constant 80 : index
    %swap3A_1004 = tpu.vector_load %arg6[%swap3A_1002, %swap3A_1003] {strides = array<i32>} : memref<16x128xf32, #tpu.memory_space<vmem>>, vector<1x16xf32>,
    %swap3A_1005 = vector.shape_cast %swap3A_1004 : vector<1x16xf32> to vector<16xf32>
    %swap3A_1006 = vector.shape_cast %broadcast_in_dim3A_1000 : vector<16xf32> to vector<1x16xf32>
    tpu.vector_store %arg6[%swap3A_1002, %swap3A_1003], %swap3A_1006 {strides = array<i32>} : memref<16x128xf32, #tpu.memory_space<vmem>>, vector<1x16xf32>,
    %broadcast_in_dim3A_1007 = arith.constant 0.000000e+00 : f32
    %broadcast_in_dim3A_1008 = vector.broadcast %broadcast_in_dim3A_1007 : f32 to vector<16xf32>
    %swap3A_1009 = arith.constant 15 : i32
    %swap3A_1010 = arith.index_cast %swap3A_1009 : i32 to index
    %swap3A_1011 = arith.constant 96 : index
    %swap3A_1012 = tpu.vector_load %arg6[%swap3A_1010, %swap3A_1011] {strides = array<i32>} : memref<16x128xf32, #tpu.memory_space<vmem>>, vector<1x16xf32>,
    %swap3A_1013 = vector.shape_cast %swap3A_1012 : vector<1x16xf32> to vector<16xf32>
    %swap3A_1014 = vector.shape_cast %broadcast_in_dim3A_1008 : vector<16xf32> to vector<1x16xf32>
    tpu.vector_store %arg6[%swap3A_1010, %swap3A_1011], %swap3A_1014 {strides = array<i32>} : memref<16x128xf32, #tpu.memory_space<vmem>>, vector<1x16xf32>,
    %broadcast_in_dim3A_1015 = arith.constant 0.000000e+00 : f32
    %broadcast_in_dim3A_1016 = vector.broadcast %broadcast_in_dim3A_1015 : f32 to vector<16xf32>
    %swap3A_1017 = arith.constant 15 : i32
    %swap3A_1018 = arith.index_cast %swap3A_1017 : i32 to index
    %swap3A_1019 = arith.constant 112 : index
    %swap3A_1020 = tpu.vector_load %arg6[%swap3A_1018, %swap3A_1019] {strides = array<i32>} : memref<16x128xf32, #tpu.memory_space<vmem>>, vector<1x16xf32>,
    %swap3A_1021 = vector.shape_cast %swap3A_1020 : vector<1x16xf32> to vector<16xf32>
    %swap3A_1022 = vector.shape_cast %broadcast_in_dim3A_1016 : vector<16xf32> to vector<1x16xf32>
    tpu.vector_store %arg6[%swap3A_1018, %swap3A_1019], %swap3A_1022 {strides = array<i32>} : memref<16x128xf32, #tpu.memory_space<vmem>>, vector<1x16xf32>,
    %mul3A_1023 = arith.constant 640 : i32
    %mul3A_1024 = arith.muli %arg1, %mul3A_1023 : i32
    %scan3A = arith.constant 0 : i32
    %scan3A_1025 = arith.constant 0 : i32
    %scan3A_1026 = arith.constant 40 : i32
    %scan3A_1027 = arith.addi %scan3A_1025, %scan3A_1026 : i32
    %scan3A_1028 = arith.constant 1 : i32
    scf.for %scan3A_1042 = %scan3A_1025 to %scan3A_1027 step %scan3A_1028  : i32 {
      %mul3A_1043 = arith.constant 16 : i32
      %mul3A_1044 = arith.muli %scan3A_1042, %mul3A_1043 : i32
      %add3A_1045 = arith.addi %mul3A_1024, %mul3A_1044 : i32
      "tpu.region"() ({
        %run_scoped3A = tpu.sem_alloc : memref<!tpu.dma_semaphore, #tpu.memory_space<semaphore_mem>>
        %dma_start3A = arith.constant 0 : i32
        %dma_start3A_1046 = tpu.memref_slice %arg11[%add3A_1045, %dma_start3A] : memref<10240x128xf32, #tpu.memory_space<vmem_shared>> -> memref<16x128xf32, #tpu.memory_space<vmem_shared>>
        %dma_start3A_1047 = arith.constant 0 : i32
        %dma_start3A_1048 = tpu.memref_slice %arg11[%add3A_1045, %dma_start3A_1047] : memref<10240x128xf32, #tpu.memory_space<vmem_shared>> -> memref<16x128xf32, #tpu.memory_space<vmem_shared>>
        tpu.enqueue_dma source(%arg6 : memref<16x128xf32, #tpu.memory_space<vmem>>) target(%dma_start3A_1048 : memref<16x128xf32, #tpu.memory_space<vmem_shared>>) target_semaphore(%run_scoped3A : memref<!tpu.dma_semaphore, #tpu.memory_space<semaphore_mem>>)
        %dma_wait3A = arith.constant 0 : i32
        %dma_wait3A_1049 = tpu.memref_slice %arg11[%add3A_1045, %dma_wait3A] : memref<10240x128xf32, #tpu.memory_space<vmem_shared>> -> memref<16x128xf32, #tpu.memory_space<vmem_shared>>
        %dma_wait3A_1050 = arith.constant 0 : i32
        %dma_wait3A_1051 = tpu.memref_slice %arg11[%add3A_1045, %dma_wait3A_1050] : memref<10240x128xf32, #tpu.memory_space<vmem_shared>> -> memref<16x128xf32, #tpu.memory_space<vmem_shared>>
        tpu.wait_dma2 semaphore(%run_scoped3A : memref<!tpu.dma_semaphore, #tpu.memory_space<semaphore_mem>>) src(%arg6 : memref<16x128xf32, #tpu.memory_space<vmem>>) dst(%dma_wait3A_1051 : memref<16x128xf32, #tpu.memory_space<vmem_shared>>)
        tpu.yield
      }) : () -> ()
    }
    %scan3A_1029 = arith.constant 40 : i32
    %barrier3A = arith.constant 0 : index
    tpu.barrier barrier_id(%barrier3A)
    %scan3A_1030 = arith.constant 0 : i32
    %scan3A_1031 = arith.constant 0 : i32
    %scan3A_1032 = arith.constant 5 : i32
    %scan3A_1033 = arith.addi %scan3A_1031, %scan3A_1032 : i32
    %scan3A_1034 = arith.constant 1 : i32
    scf.for %scan3A_1042 = %scan3A_1031 to %scan3A_1033 step %scan3A_1034  : i32 {
      %mul3A_1043 = arith.constant 16 : i32
      %mul3A_1044 = arith.muli %scan3A_1042, %mul3A_1043 : i32
      "tpu.region"() ({
        %run_scoped3A = tpu.sem_alloc : memref<!tpu.dma_semaphore, #tpu.memory_space<semaphore_mem>>
        %dma_start3A_1059 = arith.constant 0 : i32
        %dma_start3A_1060 = tpu.memref_slice %arg3[%add3A, %mul3A_1044, %dma_start3A_1059] : memref<32x80x128xi32, #tpu.memory_space<hbm>> -> memref<1x16x128xi32, #tpu.memory_space<hbm>>
        %dma_start3A_1061 = tpu.memref_squeeze %dma_start3A_1060 : memref<1x16x128xi32, #tpu.memory_space<hbm>> -> memref<16x128xi32, #tpu.memory_space<hbm>>
        %dma_start3A_1062 = arith.constant 0 : i32
        %dma_start3A_1063 = tpu.memref_slice %arg3[%add3A, %mul3A_1044, %dma_start3A_1062] : memref<32x80x128xi32, #tpu.memory_space<hbm>> -> memref<1x16x128xi32, #tpu.memory_space<hbm>>
        %dma_start3A_1064 = tpu.memref_squeeze %dma_start3A_1063 : memref<1x16x128xi32, #tpu.memory_space<hbm>> -> memref<16x128xi32, #tpu.memory_space<hbm>>
        tpu.enqueue_dma source(%dma_start3A_1064 : memref<16x128xi32, #tpu.memory_space<hbm>>) target(%arg7 : memref<16x128xi32, #tpu.memory_space<vmem>>) target_semaphore(%run_scoped3A : memref<!tpu.dma_semaphore, #tpu.memory_space<semaphore_mem>>)
        %dma_wait3A = arith.constant 0 : i32
        %dma_wait3A_1065 = tpu.memref_slice %arg3[%add3A, %mul3A_1044, %dma_wait3A] : memref<32x80x128xi32, #tpu.memory_space<hbm>> -> memref<1x16x128xi32, #tpu.memory_space<hbm>>
        %dma_wait3A_1066 = tpu.memref_squeeze %dma_wait3A_1065 : memref<1x16x128xi32, #tpu.memory_space<hbm>> -> memref<16x128xi32, #tpu.memory_space<hbm>>
        %dma_wait3A_1067 = arith.constant 0 : i32
        %dma_wait3A_1068 = tpu.memref_slice %arg3[%add3A, %mul3A_1044, %dma_wait3A_1067] : memref<32x80x128xi32, #tpu.memory_space<hbm>> -> memref<1x16x128xi32, #tpu.memory_space<hbm>>
        %dma_wait3A_1069 = tpu.memref_squeeze %dma_wait3A_1068 : memref<1x16x128xi32, #tpu.memory_space<hbm>> -> memref<16x128xi32, #tpu.memory_space<hbm>>
        tpu.wait_dma2 semaphore(%run_scoped3A : memref<!tpu.dma_semaphore, #tpu.memory_space<semaphore_mem>>) src(%dma_wait3A_1069 : memref<16x128xi32, #tpu.memory_space<hbm>>) dst(%arg7 : memref<16x128xi32, #tpu.memory_space<vmem>>)
        tpu.yield
      }) : () -> ()
      %mul3A_1045 = arith.constant 16 : i32
      %mul3A_1046 = arith.muli %scan3A_1042, %mul3A_1045 : i32
      "tpu.region"() ({
        %run_scoped3A = tpu.sem_alloc : memref<!tpu.dma_semaphore, #tpu.memory_space<semaphore_mem>>
        %dma_start3A_1059 = arith.constant 0 : i32
        %dma_start3A_1060 = tpu.memref_slice %arg4[%add3A, %mul3A_1046, %dma_start3A_1059] : memref<32x80x128xi32, #tpu.memory_space<hbm>> -> memref<1x16x128xi32, #tpu.memory_space<hbm>>
        %dma_start3A_1061 = tpu.memref_squeeze %dma_start3A_1060 : memref<1x16x128xi32, #tpu.memory_space<hbm>> -> memref<16x128xi32, #tpu.memory_space<hbm>>
        %dma_start3A_1062 = arith.constant 0 : i32
        %dma_start3A_1063 = tpu.memref_slice %arg4[%add3A, %mul3A_1046, %dma_start3A_1062] : memref<32x80x128xi32, #tpu.memory_space<hbm>> -> memref<1x16x128xi32, #tpu.memory_space<hbm>>
        %dma_start3A_1064 = tpu.memref_squeeze %dma_start3A_1063 : memref<1x16x128xi32, #tpu.memory_space<hbm>> -> memref<16x128xi32, #tpu.memory_space<hbm>>
        tpu.enqueue_dma source(%dma_start3A_1064 : memref<16x128xi32, #tpu.memory_space<hbm>>) target(%arg8 : memref<16x128xi32, #tpu.memory_space<vmem>>) target_semaphore(%run_scoped3A : memref<!tpu.dma_semaphore, #tpu.memory_space<semaphore_mem>>)
        %dma_wait3A = arith.constant 0 : i32
        %dma_wait3A_1065 = tpu.memref_slice %arg4[%add3A, %mul3A_1046, %dma_wait3A] : memref<32x80x128xi32, #tpu.memory_space<hbm>> -> memref<1x16x128xi32, #tpu.memory_space<hbm>>
        %dma_wait3A_1066 = tpu.memref_squeeze %dma_wait3A_1065 : memref<1x16x128xi32, #tpu.memory_space<hbm>> -> memref<16x128xi32, #tpu.memory_space<hbm>>
        %dma_wait3A_1067 = arith.constant 0 : i32
        %dma_wait3A_1068 = tpu.memref_slice %arg4[%add3A, %mul3A_1046, %dma_wait3A_1067] : memref<32x80x128xi32, #tpu.memory_space<hbm>> -> memref<1x16x128xi32, #tpu.memory_space<hbm>>
        %dma_wait3A_1069 = tpu.memref_squeeze %dma_wait3A_1068 : memref<1x16x128xi32, #tpu.memory_space<hbm>> -> memref<16x128xi32, #tpu.memory_space<hbm>>
        tpu.wait_dma2 semaphore(%run_scoped3A : memref<!tpu.dma_semaphore, #tpu.memory_space<semaphore_mem>>) src(%dma_wait3A_1069 : memref<16x128xi32, #tpu.memory_space<hbm>>) dst(%arg8 : memref<16x128xi32, #tpu.memory_space<vmem>>)
        tpu.yield
      }) : () -> ()
      %dma_start3A = arith.constant 0 : i32
      %dma_start3A_1047 = arith.constant 0 : i32
      %dma_start3A_1048 = tpu.memref_slice %arg7[%dma_start3A, %dma_start3A_1047] : memref<16x128xi32, #tpu.memory_space<vmem>> -> memref<1x128xi32, #tpu.memory_space<vmem>>
      %dma_start3A_1049 = tpu.memref_squeeze %dma_start3A_1048 : memref<1x128xi32, #tpu.memory_space<vmem>> -> memref<128xi32, #tpu.memory_space<vmem>>
      %dma_start3A_1050 = arith.constant 0 : i32
      %dma_start3A_1051 = arith.constant 0 : i32
      %dma_start3A_1052 = tpu.memref_slice %arg2[%dma_start3A_1050, %dma_start3A_1051] : memref<10240x128xf32, #tpu.memory_space<hbm>> -> memref<10240x128xf32, #tpu.memory_space<hbm>>
      tpu.enqueue_indirect_dma source(%dma_start3A_1052 : memref<10240x128xf32, #tpu.memory_space<hbm>>) target(%arg9 : memref<128x128xf32, #tpu.memory_space<vmem>>) offsets(%dma_start3A_1049 : memref<128xi32, #tpu.memory_space<vmem>>) semaphore(%arg12 : memref<!tpu.dma_semaphore, #tpu.memory_space<semaphore_mem>>)
      %scan3A_1053 = arith.constant 0 : i32
      %scan3A_1054 = arith.constant 0 : i32
      %scan3A_1055 = arith.constant 8 : i32
      %scan3A_1056 = arith.addi %scan3A_1054, %scan3A_1055 : i32
      %scan3A_1057 = arith.constant 1 : i32
      scf.for %scan3A_1059 = %scan3A_1054 to %scan3A_1056 step %scan3A_1057  : i32 {
        %mul3A_1060 = arith.constant 2 : i32
        %mul3A_1061 = arith.muli %scan3A_1059, %mul3A_1060 : i32
        %add3A_1062 = arith.constant 1 : i32
        %add3A_1063 = arith.addi %mul3A_1061, %add3A_1062 : i32
        %dma_start3A_1064 = arith.constant 0 : i32
        %dma_start3A_1065 = tpu.memref_slice %arg7[%add3A_1063, %dma_start3A_1064] : memref<16x128xi32, #tpu.memory_space<vmem>> -> memref<1x128xi32, #tpu.memory_space<vmem>>
        %dma_start3A_1066 = tpu.memref_squeeze %dma_start3A_1065 : memref<1x128xi32, #tpu.memory_space<vmem>> -> memref<128xi32, #tpu.memory_space<vmem>>
        %dma_start3A_1067 = arith.constant 0 : i32
        %dma_start3A_1068 = arith.constant 0 : i32
        %dma_start3A_1069 = tpu.memref_slice %arg2[%dma_start3A_1067, %dma_start3A_1068] : memref<10240x128xf32, #tpu.memory_space<hbm>> -> memref<10240x128xf32, #tpu.memory_space<hbm>>
        tpu.enqueue_indirect_dma source(%dma_start3A_1069 : memref<10240x128xf32, #tpu.memory_space<hbm>>) target(%arg10 : memref<128x128xf32, #tpu.memory_space<vmem>>) offsets(%dma_start3A_1066 : memref<128xi32, #tpu.memory_space<vmem>>) semaphore(%arg12 : memref<!tpu.dma_semaphore, #tpu.memory_space<semaphore_mem>>)
        %dma_wait3A = arith.constant 0 : i32
        %dma_wait3A_1070 = tpu.memref_slice %arg7[%mul3A_1061, %dma_wait3A] : memref<16x128xi32, #tpu.memory_space<vmem>> -> memref<1x128xi32, #tpu.memory_space<vmem>>
        %dma_wait3A_1071 = tpu.memref_squeeze %dma_wait3A_1070 : memref<1x128xi32, #tpu.memory_space<vmem>> -> memref<128xi32, #tpu.memory_space<vmem>>
        %dma_wait3A_1072 = arith.constant 0 : i32
        %dma_wait3A_1073 = arith.constant 0 : i32
        %dma_wait3A_1074 = tpu.memref_slice %arg2[%dma_wait3A_1072, %dma_wait3A_1073] : memref<10240x128xf32, #tpu.memory_space<hbm>> -> memref<10240x128xf32, #tpu.memory_space<hbm>>
        tpu.wait_indirect_dma semaphore(%arg12 : memref<!tpu.dma_semaphore, #tpu.memory_space<semaphore_mem>>) src(%dma_wait3A_1074 : memref<10240x128xf32, #tpu.memory_space<hbm>>) dst(%arg9 : memref<128x128xf32, #tpu.memory_space<vmem>>)
        "tpu.region"() ({
          %run_scoped3A = tpu.sem_alloc : memref<!tpu.dma_semaphore, #tpu.memory_space<semaphore_mem>>
          %dma_start3A_1089 = arith.constant 0 : i32
          %dma_start3A_1090 = tpu.memref_slice %arg8[%mul3A_1061, %dma_start3A_1089] : memref<16x128xi32, #tpu.memory_space<vmem>> -> memref<1x128xi32, #tpu.memory_space<vmem>>
          %dma_start3A_1091 = tpu.memref_squeeze %dma_start3A_1090 : memref<1x128xi32, #tpu.memory_space<vmem>> -> memref<128xi32, #tpu.memory_space<vmem>>
          %dma_start3A_1092 = arith.constant 0 : i32
          %dma_start3A_1093 = arith.constant 0 : i32
          %dma_start3A_1094 = tpu.memref_slice %arg11[%dma_start3A_1092, %dma_start3A_1093] : memref<10240x128xf32, #tpu.memory_space<vmem_shared>> -> memref<10240x128xf32, #tpu.memory_space<vmem_shared>>
          tpu.enqueue_indirect_dma source(%arg9 : memref<128x128xf32, #tpu.memory_space<vmem>>) target(%dma_start3A_1094 : memref<10240x128xf32, #tpu.memory_space<vmem_shared>>) offsets(%dma_start3A_1091 : memref<128xi32, #tpu.memory_space<vmem>>) semaphore(%run_scoped3A : memref<!tpu.dma_semaphore, #tpu.memory_space<semaphore_mem>>) {add = true}
          %dma_wait3A_1095 = arith.constant 0 : i32
          %dma_wait3A_1096 = tpu.memref_slice %arg8[%mul3A_1061, %dma_wait3A_1095] : memref<16x128xi32, #tpu.memory_space<vmem>> -> memref<1x128xi32, #tpu.memory_space<vmem>>
          %dma_wait3A_1097 = tpu.memref_squeeze %dma_wait3A_1096 : memref<1x128xi32, #tpu.memory_space<vmem>> -> memref<128xi32, #tpu.memory_space<vmem>>
          %dma_wait3A_1098 = arith.constant 0 : i32
          %dma_wait3A_1099 = arith.constant 0 : i32
          %dma_wait3A_1100 = tpu.memref_slice %arg11[%dma_wait3A_1098, %dma_wait3A_1099] : memref<10240x128xf32, #tpu.memory_space<vmem_shared>> -> memref<10240x128xf32, #tpu.memory_space<vmem_shared>>
          tpu.wait_indirect_dma semaphore(%run_scoped3A : memref<!tpu.dma_semaphore, #tpu.memory_space<semaphore_mem>>) src(%arg9 : memref<128x128xf32, #tpu.memory_space<vmem>>) dst(%dma_wait3A_1100 : memref<10240x128xf32, #tpu.memory_space<vmem_shared>>)
          tpu.yield
        }) : () -> ()
        %add3A_1075 = arith.constant 2 : i32
        %add3A_1076 = arith.addi %mul3A_1061, %add3A_1075 : i32
        %lt3A = arith.constant 16 : i32
        %lt3A_1077 = arith.cmpi slt, %add3A_1076, %lt3A : i32
        %convert_element_type3A = arith.extui %lt3A_1077 : i1 to i32
        %cond3A = arith.constant 0 : i32
        %cond3A_1078 = arith.cmpi ne, %convert_element_type3A, %cond3A : i32
        scf.if %cond3A_1078 {
          %add3A_1089 = arith.constant 2 : i32
          %add3A_1090 = arith.addi %mul3A_1061, %add3A_1089 : i32
          %dma_start3A_1091 = arith.constant 0 : i32
          %dma_start3A_1092 = tpu.memref_slice %arg7[%add3A_1090, %dma_start3A_1091] : memref<16x128xi32, #tpu.memory_space<vmem>> -> memref<1x128xi32, #tpu.memory_space<vmem>>
          %dma_start3A_1093 = tpu.memref_squeeze %dma_start3A_1092 : memref<1x128xi32, #tpu.memory_space<vmem>> -> memref<128xi32, #tpu.memory_space<vmem>>
          %dma_start3A_1094 = arith.constant 0 : i32
          %dma_start3A_1095 = arith.constant 0 : i32
          %dma_start3A_1096 = tpu.memref_slice %arg2[%dma_start3A_1094, %dma_start3A_1095] : memref<10240x128xf32, #tpu.memory_space<hbm>> -> memref<10240x128xf32, #tpu.memory_space<hbm>>
          tpu.enqueue_indirect_dma source(%dma_start3A_1096 : memref<10240x128xf32, #tpu.memory_space<hbm>>) target(%arg9 : memref<128x128xf32, #tpu.memory_space<vmem>>) offsets(%dma_start3A_1093 : memref<128xi32, #tpu.memory_space<vmem>>) semaphore(%arg12 : memref<!tpu.dma_semaphore, #tpu.memory_space<semaphore_mem>>)
        } else {
        }
        %add3A_1079 = arith.constant 1 : i32
        %add3A_1080 = arith.addi %mul3A_1061, %add3A_1079 : i32
        %dma_wait3A_1081 = arith.constant 0 : i32
        %dma_wait3A_1082 = tpu.memref_slice %arg7[%add3A_1080, %dma_wait3A_1081] : memref<16x128xi32, #tpu.memory_space<vmem>> -> memref<1x128xi32, #tpu.memory_space<vmem>>
        %dma_wait3A_1083 = tpu.memref_squeeze %dma_wait3A_1082 : memref<1x128xi32, #tpu.memory_space<vmem>> -> memref<128xi32, #tpu.memory_space<vmem>>
        %dma_wait3A_1084 = arith.constant 0 : i32
        %dma_wait3A_1085 = arith.constant 0 : i32
        %dma_wait3A_1086 = tpu.memref_slice %arg2[%dma_wait3A_1084, %dma_wait3A_1085] : memref<10240x128xf32, #tpu.memory_space<hbm>> -> memref<10240x128xf32, #tpu.memory_space<hbm>>
        tpu.wait_indirect_dma semaphore(%arg12 : memref<!tpu.dma_semaphore, #tpu.memory_space<semaphore_mem>>) src(%dma_wait3A_1086 : memref<10240x128xf32, #tpu.memory_space<hbm>>) dst(%arg10 : memref<128x128xf32, #tpu.memory_space<vmem>>)
        %add3A_1087 = arith.constant 1 : i32
        %add3A_1088 = arith.addi %mul3A_1061, %add3A_1087 : i32
        "tpu.region"() ({
          %run_scoped3A = tpu.sem_alloc : memref<!tpu.dma_semaphore, #tpu.memory_space<semaphore_mem>>
          %dma_start3A_1089 = arith.constant 0 : i32
          %dma_start3A_1090 = tpu.memref_slice %arg8[%add3A_1088, %dma_start3A_1089] : memref<16x128xi32, #tpu.memory_space<vmem>> -> memref<1x128xi32, #tpu.memory_space<vmem>>
          %dma_start3A_1091 = tpu.memref_squeeze %dma_start3A_1090 : memref<1x128xi32, #tpu.memory_space<vmem>> -> memref<128xi32, #tpu.memory_space<vmem>>
          %dma_start3A_1092 = arith.constant 0 : i32
          %dma_start3A_1093 = arith.constant 0 : i32
          %dma_start3A_1094 = tpu.memref_slice %arg11[%dma_start3A_1092, %dma_start3A_1093] : memref<10240x128xf32, #tpu.memory_space<vmem_shared>> -> memref<10240x128xf32, #tpu.memory_space<vmem_shared>>
          tpu.enqueue_indirect_dma source(%arg10 : memref<128x128xf32, #tpu.memory_space<vmem>>) target(%dma_start3A_1094 : memref<10240x128xf32, #tpu.memory_space<vmem_shared>>) offsets(%dma_start3A_1091 : memref<128xi32, #tpu.memory_space<vmem>>) semaphore(%run_scoped3A : memref<!tpu.dma_semaphore, #tpu.memory_space<semaphore_mem>>) {add = true}
          %dma_wait3A_1095 = arith.constant 0 : i32
          %dma_wait3A_1096 = tpu.memref_slice %arg8[%add3A_1088, %dma_wait3A_1095] : memref<16x128xi32, #tpu.memory_space<vmem>> -> memref<1x128xi32, #tpu.memory_space<vmem>>
          %dma_wait3A_1097 = tpu.memref_squeeze %dma_wait3A_1096 : memref<1x128xi32, #tpu.memory_space<vmem>> -> memref<128xi32, #tpu.memory_space<vmem>>
          %dma_wait3A_1098 = arith.constant 0 : i32
          %dma_wait3A_1099 = arith.constant 0 : i32
          %dma_wait3A_1100 = tpu.memref_slice %arg11[%dma_wait3A_1098, %dma_wait3A_1099] : memref<10240x128xf32, #tpu.memory_space<vmem_shared>> -> memref<10240x128xf32, #tpu.memory_space<vmem_shared>>
          tpu.wait_indirect_dma semaphore(%run_scoped3A : memref<!tpu.dma_semaphore, #tpu.memory_space<semaphore_mem>>) src(%arg10 : memref<128x128xf32, #tpu.memory_space<vmem>>) dst(%dma_wait3A_1100 : memref<10240x128xf32, #tpu.memory_space<vmem_shared>>)
          tpu.yield
        }) : () -> ()
      }
      %scan3A_1058 = arith.constant 8 : i32
    }
    %scan3A_1035 = arith.constant 5 : i32
    %barrier3A_1036 = arith.constant 0 : index
    tpu.barrier barrier_id(%barrier3A_1036)
    %mul3A_1037 = arith.constant 640 : i32
    %mul3A_1038 = arith.muli %arg1, %mul3A_1037 : i32
    %mul3A_1039 = arith.constant 10240 : i32
    %mul3A_1040 = arith.muli %arg0, %mul3A_1039 : i32
    %add3A_1041 = arith.addi %mul3A_1040, %mul3A_1038 : i32
    "tpu.region"() ({
      %run_scoped3A = tpu.sem_alloc : memref<!tpu.dma_semaphore, #tpu.memory_space<semaphore_mem>>
      %dma_start3A = arith.constant 0 : i32
      %dma_start3A_1042 = tpu.memref_slice %arg5[%add3A_1041, %dma_start3A] : memref<20480x128xf32, #tpu.memory_space<hbm>> -> memref<640x128xf32, #tpu.memory_space<hbm>>
      %dma_start3A_1043 = arith.constant 0 : i32
      %dma_start3A_1044 = tpu.memref_slice %arg11[%mul3A_1038, %dma_start3A_1043] : memref<10240x128xf32, #tpu.memory_space<vmem_shared>> -> memref<640x128xf32, #tpu.memory_space<vmem_shared>>
      tpu.enqueue_dma source(%dma_start3A_1044 : memref<640x128xf32, #tpu.memory_space<vmem_shared>>) target(%dma_start3A_1042 : memref<640x128xf32, #tpu.memory_space<hbm>>) target_semaphore(%run_scoped3A : memref<!tpu.dma_semaphore, #tpu.memory_space<semaphore_mem>>)
      %dma_wait3A = arith.constant 0 : i32
      %dma_wait3A_1045 = tpu.memref_slice %arg5[%add3A_1041, %dma_wait3A] : memref<20480x128xf32, #tpu.memory_space<hbm>> -> memref<640x128xf32, #tpu.memory_space<hbm>>
      %dma_wait3A_1046 = arith.constant 0 : i32
      %dma_wait3A_1047 = tpu.memref_slice %arg11[%mul3A_1038, %dma_wait3A_1046] : memref<10240x128xf32, #tpu.memory_space<vmem_shared>> -> memref<640x128xf32, #tpu.memory_space<vmem_shared>>
      tpu.wait_dma2 semaphore(%run_scoped3A : memref<!tpu.dma_semaphore, #tpu.memory_space<semaphore_mem>>) src(%dma_wait3A_1047 : memref<640x128xf32, #tpu.memory_space<vmem_shared>>) dst(%dma_wait3A_1045 : memref<640x128xf32, #tpu.memory_space<hbm>>)
      tpu.yield
    }) : () -> ()
    return
  }
}

#map = affine_map<(d0, d1) -> (0, 0)>
#map1 = affine_map<(d0, d1) -> (0, 0, 0)>
module attributes {stable_mosaic.version = 14 : i64} {
  func.func @prop(%arg0: i32, %arg1: i32, %arg2: memref<10240x48xf32, #tpu.memory_space<hbm>>, %arg3: memref<32x80x128xi32, #tpu.memory_space<hbm>>, %arg4: memref<32x80x128xi32, #tpu.memory_space<hbm>>, %arg5: memref<20480x48xf32, #tpu.memory_space<hbm>>, %arg6: memref<16x48xf32, #tpu.memory_space<vmem>>, %arg7: memref<16x128xi32, #tpu.memory_space<vmem>>, %arg8: memref<16x128xi32, #tpu.memory_space<vmem>>, %arg9: memref<128x48xf32, #tpu.memory_space<vmem>>, %arg10: memref<128x48xf32, #tpu.memory_space<vmem>>, %arg11: memref<10240x48xf32, #tpu.memory_space<vmem_shared>>, %arg12: memref<!tpu.dma_semaphore, #tpu.memory_space<semaphore_mem>>) attributes {dimension_semantics = [#tpu.dimension_semantics<core_parallel>, #tpu.dimension_semantics<subcore_parallel>], iteration_bounds = array<i64: 2, 16>, scalar_prefetch = 0 : i64, scratch_operands = 7 : i64, tpu.core_type = #tpu.core_type<sc_vector_subcore>, window_params = [{transform_indices = #map}, {transform_indices = #map1}, {transform_indices = #map1}, {transform_indices = #map}]} {
    %mul3A = arith.constant 2 : i32
    %mul3A_0 = arith.muli %arg1, %mul3A : i32
    %add3A = arith.addi %mul3A_0, %arg0 : i32
    %broadcast_in_dim3A = arith.constant 0.000000e+00 : f32
    %broadcast_in_dim3A_1 = vector.broadcast %broadcast_in_dim3A : f32 to vector<16xf32>
    %swap3A = arith.constant 0 : i32
    %swap3A_2 = arith.index_cast %swap3A : i32 to index
    %swap3A_3 = arith.constant 0 : index
    %swap3A_4 = tpu.vector_load %arg6[%swap3A_2, %swap3A_3] {strides = array<i32>} : memref<16x48xf32, #tpu.memory_space<vmem>>, vector<1x16xf32>,
    %swap3A_5 = vector.shape_cast %swap3A_4 : vector<1x16xf32> to vector<16xf32>
    %swap3A_6 = vector.shape_cast %broadcast_in_dim3A_1 : vector<16xf32> to vector<1x16xf32>
    tpu.vector_store %arg6[%swap3A_2, %swap3A_3], %swap3A_6 {strides = array<i32>} : memref<16x48xf32, #tpu.memory_space<vmem>>, vector<1x16xf32>,
    %broadcast_in_dim3A_7 = arith.constant 0.000000e+00 : f32
    %broadcast_in_dim3A_8 = vector.broadcast %broadcast_in_dim3A_7 : f32 to vector<16xf32>
    %swap3A_9 = arith.constant 0 : i32
    %swap3A_10 = arith.index_cast %swap3A_9 : i32 to index
    %swap3A_11 = arith.constant 16 : index
    %swap3A_12 = tpu.vector_load %arg6[%swap3A_10, %swap3A_11] {strides = array<i32>} : memref<16x48xf32, #tpu.memory_space<vmem>>, vector<1x16xf32>,
    %swap3A_13 = vector.shape_cast %swap3A_12 : vector<1x16xf32> to vector<16xf32>
    %swap3A_14 = vector.shape_cast %broadcast_in_dim3A_8 : vector<16xf32> to vector<1x16xf32>
    tpu.vector_store %arg6[%swap3A_10, %swap3A_11], %swap3A_14 {strides = array<i32>} : memref<16x48xf32, #tpu.memory_space<vmem>>, vector<1x16xf32>,
    %broadcast_in_dim3A_15 = arith.constant 0.000000e+00 : f32
    %broadcast_in_dim3A_16 = vector.broadcast %broadcast_in_dim3A_15 : f32 to vector<16xf32>
    %swap3A_17 = arith.constant 0 : i32
    %swap3A_18 = arith.index_cast %swap3A_17 : i32 to index
    %swap3A_19 = arith.constant 32 : index
    %swap3A_20 = tpu.vector_load %arg6[%swap3A_18, %swap3A_19] {strides = array<i32>} : memref<16x48xf32, #tpu.memory_space<vmem>>, vector<1x16xf32>,
    %swap3A_21 = vector.shape_cast %swap3A_20 : vector<1x16xf32> to vector<16xf32>
    %swap3A_22 = vector.shape_cast %broadcast_in_dim3A_16 : vector<16xf32> to vector<1x16xf32>
    tpu.vector_store %arg6[%swap3A_18, %swap3A_19], %swap3A_22 {strides = array<i32>} : memref<16x48xf32, #tpu.memory_space<vmem>>, vector<1x16xf32>,
    %broadcast_in_dim3A_23 = arith.constant 0.000000e+00 : f32
    %broadcast_in_dim3A_24 = vector.broadcast %broadcast_in_dim3A_23 : f32 to vector<16xf32>
    %swap3A_25 = arith.constant 1 : i32
    %swap3A_26 = arith.index_cast %swap3A_25 : i32 to index
    %swap3A_27 = arith.constant 0 : index
    %swap3A_28 = tpu.vector_load %arg6[%swap3A_26, %swap3A_27] {strides = array<i32>} : memref<16x48xf32, #tpu.memory_space<vmem>>, vector<1x16xf32>,
    %swap3A_29 = vector.shape_cast %swap3A_28 : vector<1x16xf32> to vector<16xf32>
    %swap3A_30 = vector.shape_cast %broadcast_in_dim3A_24 : vector<16xf32> to vector<1x16xf32>
    tpu.vector_store %arg6[%swap3A_26, %swap3A_27], %swap3A_30 {strides = array<i32>} : memref<16x48xf32, #tpu.memory_space<vmem>>, vector<1x16xf32>,
    %broadcast_in_dim3A_31 = arith.constant 0.000000e+00 : f32
    %broadcast_in_dim3A_32 = vector.broadcast %broadcast_in_dim3A_31 : f32 to vector<16xf32>
    %swap3A_33 = arith.constant 1 : i32
    %swap3A_34 = arith.index_cast %swap3A_33 : i32 to index
    %swap3A_35 = arith.constant 16 : index
    %swap3A_36 = tpu.vector_load %arg6[%swap3A_34, %swap3A_35] {strides = array<i32>} : memref<16x48xf32, #tpu.memory_space<vmem>>, vector<1x16xf32>,
    %swap3A_37 = vector.shape_cast %swap3A_36 : vector<1x16xf32> to vector<16xf32>
    %swap3A_38 = vector.shape_cast %broadcast_in_dim3A_32 : vector<16xf32> to vector<1x16xf32>
    tpu.vector_store %arg6[%swap3A_34, %swap3A_35], %swap3A_38 {strides = array<i32>} : memref<16x48xf32, #tpu.memory_space<vmem>>, vector<1x16xf32>,
    %broadcast_in_dim3A_39 = arith.constant 0.000000e+00 : f32
    %broadcast_in_dim3A_40 = vector.broadcast %broadcast_in_dim3A_39 : f32 to vector<16xf32>
    %swap3A_41 = arith.constant 1 : i32
    %swap3A_42 = arith.index_cast %swap3A_41 : i32 to index
    %swap3A_43 = arith.constant 32 : index
    %swap3A_44 = tpu.vector_load %arg6[%swap3A_42, %swap3A_43] {strides = array<i32>} : memref<16x48xf32, #tpu.memory_space<vmem>>, vector<1x16xf32>,
    %swap3A_45 = vector.shape_cast %swap3A_44 : vector<1x16xf32> to vector<16xf32>
    %swap3A_46 = vector.shape_cast %broadcast_in_dim3A_40 : vector<16xf32> to vector<1x16xf32>
    tpu.vector_store %arg6[%swap3A_42, %swap3A_43], %swap3A_46 {strides = array<i32>} : memref<16x48xf32, #tpu.memory_space<vmem>>, vector<1x16xf32>,
    %broadcast_in_dim3A_47 = arith.constant 0.000000e+00 : f32
    %broadcast_in_dim3A_48 = vector.broadcast %broadcast_in_dim3A_47 : f32 to vector<16xf32>
    %swap3A_49 = arith.constant 2 : i32
    %swap3A_50 = arith.index_cast %swap3A_49 : i32 to index
    %swap3A_51 = arith.constant 0 : index
    %swap3A_52 = tpu.vector_load %arg6[%swap3A_50, %swap3A_51] {strides = array<i32>} : memref<16x48xf32, #tpu.memory_space<vmem>>, vector<1x16xf32>,
    %swap3A_53 = vector.shape_cast %swap3A_52 : vector<1x16xf32> to vector<16xf32>
    %swap3A_54 = vector.shape_cast %broadcast_in_dim3A_48 : vector<16xf32> to vector<1x16xf32>
    tpu.vector_store %arg6[%swap3A_50, %swap3A_51], %swap3A_54 {strides = array<i32>} : memref<16x48xf32, #tpu.memory_space<vmem>>, vector<1x16xf32>,
    %broadcast_in_dim3A_55 = arith.constant 0.000000e+00 : f32
    %broadcast_in_dim3A_56 = vector.broadcast %broadcast_in_dim3A_55 : f32 to vector<16xf32>
    %swap3A_57 = arith.constant 2 : i32
    %swap3A_58 = arith.index_cast %swap3A_57 : i32 to index
    %swap3A_59 = arith.constant 16 : index
    %swap3A_60 = tpu.vector_load %arg6[%swap3A_58, %swap3A_59] {strides = array<i32>} : memref<16x48xf32, #tpu.memory_space<vmem>>, vector<1x16xf32>,
    %swap3A_61 = vector.shape_cast %swap3A_60 : vector<1x16xf32> to vector<16xf32>
    %swap3A_62 = vector.shape_cast %broadcast_in_dim3A_56 : vector<16xf32> to vector<1x16xf32>
    tpu.vector_store %arg6[%swap3A_58, %swap3A_59], %swap3A_62 {strides = array<i32>} : memref<16x48xf32, #tpu.memory_space<vmem>>, vector<1x16xf32>,
    %broadcast_in_dim3A_63 = arith.constant 0.000000e+00 : f32
    %broadcast_in_dim3A_64 = vector.broadcast %broadcast_in_dim3A_63 : f32 to vector<16xf32>
    %swap3A_65 = arith.constant 2 : i32
    %swap3A_66 = arith.index_cast %swap3A_65 : i32 to index
    %swap3A_67 = arith.constant 32 : index
    %swap3A_68 = tpu.vector_load %arg6[%swap3A_66, %swap3A_67] {strides = array<i32>} : memref<16x48xf32, #tpu.memory_space<vmem>>, vector<1x16xf32>,
    %swap3A_69 = vector.shape_cast %swap3A_68 : vector<1x16xf32> to vector<16xf32>
    %swap3A_70 = vector.shape_cast %broadcast_in_dim3A_64 : vector<16xf32> to vector<1x16xf32>
    tpu.vector_store %arg6[%swap3A_66, %swap3A_67], %swap3A_70 {strides = array<i32>} : memref<16x48xf32, #tpu.memory_space<vmem>>, vector<1x16xf32>,
    %broadcast_in_dim3A_71 = arith.constant 0.000000e+00 : f32
    %broadcast_in_dim3A_72 = vector.broadcast %broadcast_in_dim3A_71 : f32 to vector<16xf32>
    %swap3A_73 = arith.constant 3 : i32
    %swap3A_74 = arith.index_cast %swap3A_73 : i32 to index
    %swap3A_75 = arith.constant 0 : index
    %swap3A_76 = tpu.vector_load %arg6[%swap3A_74, %swap3A_75] {strides = array<i32>} : memref<16x48xf32, #tpu.memory_space<vmem>>, vector<1x16xf32>,
    %swap3A_77 = vector.shape_cast %swap3A_76 : vector<1x16xf32> to vector<16xf32>
    %swap3A_78 = vector.shape_cast %broadcast_in_dim3A_72 : vector<16xf32> to vector<1x16xf32>
    tpu.vector_store %arg6[%swap3A_74, %swap3A_75], %swap3A_78 {strides = array<i32>} : memref<16x48xf32, #tpu.memory_space<vmem>>, vector<1x16xf32>,
    %broadcast_in_dim3A_79 = arith.constant 0.000000e+00 : f32
    %broadcast_in_dim3A_80 = vector.broadcast %broadcast_in_dim3A_79 : f32 to vector<16xf32>
    %swap3A_81 = arith.constant 3 : i32
    %swap3A_82 = arith.index_cast %swap3A_81 : i32 to index
    %swap3A_83 = arith.constant 16 : index
    %swap3A_84 = tpu.vector_load %arg6[%swap3A_82, %swap3A_83] {strides = array<i32>} : memref<16x48xf32, #tpu.memory_space<vmem>>, vector<1x16xf32>,
    %swap3A_85 = vector.shape_cast %swap3A_84 : vector<1x16xf32> to vector<16xf32>
    %swap3A_86 = vector.shape_cast %broadcast_in_dim3A_80 : vector<16xf32> to vector<1x16xf32>
    tpu.vector_store %arg6[%swap3A_82, %swap3A_83], %swap3A_86 {strides = array<i32>} : memref<16x48xf32, #tpu.memory_space<vmem>>, vector<1x16xf32>,
    %broadcast_in_dim3A_87 = arith.constant 0.000000e+00 : f32
    %broadcast_in_dim3A_88 = vector.broadcast %broadcast_in_dim3A_87 : f32 to vector<16xf32>
    %swap3A_89 = arith.constant 3 : i32
    %swap3A_90 = arith.index_cast %swap3A_89 : i32 to index
    %swap3A_91 = arith.constant 32 : index
    %swap3A_92 = tpu.vector_load %arg6[%swap3A_90, %swap3A_91] {strides = array<i32>} : memref<16x48xf32, #tpu.memory_space<vmem>>, vector<1x16xf32>,
    %swap3A_93 = vector.shape_cast %swap3A_92 : vector<1x16xf32> to vector<16xf32>
    %swap3A_94 = vector.shape_cast %broadcast_in_dim3A_88 : vector<16xf32> to vector<1x16xf32>
    tpu.vector_store %arg6[%swap3A_90, %swap3A_91], %swap3A_94 {strides = array<i32>} : memref<16x48xf32, #tpu.memory_space<vmem>>, vector<1x16xf32>,
    %broadcast_in_dim3A_95 = arith.constant 0.000000e+00 : f32
    %broadcast_in_dim3A_96 = vector.broadcast %broadcast_in_dim3A_95 : f32 to vector<16xf32>
    %swap3A_97 = arith.constant 4 : i32
    %swap3A_98 = arith.index_cast %swap3A_97 : i32 to index
    %swap3A_99 = arith.constant 0 : index
    %swap3A_100 = tpu.vector_load %arg6[%swap3A_98, %swap3A_99] {strides = array<i32>} : memref<16x48xf32, #tpu.memory_space<vmem>>, vector<1x16xf32>,
    %swap3A_101 = vector.shape_cast %swap3A_100 : vector<1x16xf32> to vector<16xf32>
    %swap3A_102 = vector.shape_cast %broadcast_in_dim3A_96 : vector<16xf32> to vector<1x16xf32>
    tpu.vector_store %arg6[%swap3A_98, %swap3A_99], %swap3A_102 {strides = array<i32>} : memref<16x48xf32, #tpu.memory_space<vmem>>, vector<1x16xf32>,
    %broadcast_in_dim3A_103 = arith.constant 0.000000e+00 : f32
    %broadcast_in_dim3A_104 = vector.broadcast %broadcast_in_dim3A_103 : f32 to vector<16xf32>
    %swap3A_105 = arith.constant 4 : i32
    %swap3A_106 = arith.index_cast %swap3A_105 : i32 to index
    %swap3A_107 = arith.constant 16 : index
    %swap3A_108 = tpu.vector_load %arg6[%swap3A_106, %swap3A_107] {strides = array<i32>} : memref<16x48xf32, #tpu.memory_space<vmem>>, vector<1x16xf32>,
    %swap3A_109 = vector.shape_cast %swap3A_108 : vector<1x16xf32> to vector<16xf32>
    %swap3A_110 = vector.shape_cast %broadcast_in_dim3A_104 : vector<16xf32> to vector<1x16xf32>
    tpu.vector_store %arg6[%swap3A_106, %swap3A_107], %swap3A_110 {strides = array<i32>} : memref<16x48xf32, #tpu.memory_space<vmem>>, vector<1x16xf32>,
    %broadcast_in_dim3A_111 = arith.constant 0.000000e+00 : f32
    %broadcast_in_dim3A_112 = vector.broadcast %broadcast_in_dim3A_111 : f32 to vector<16xf32>
    %swap3A_113 = arith.constant 4 : i32
    %swap3A_114 = arith.index_cast %swap3A_113 : i32 to index
    %swap3A_115 = arith.constant 32 : index
    %swap3A_116 = tpu.vector_load %arg6[%swap3A_114, %swap3A_115] {strides = array<i32>} : memref<16x48xf32, #tpu.memory_space<vmem>>, vector<1x16xf32>,
    %swap3A_117 = vector.shape_cast %swap3A_116 : vector<1x16xf32> to vector<16xf32>
    %swap3A_118 = vector.shape_cast %broadcast_in_dim3A_112 : vector<16xf32> to vector<1x16xf32>
    tpu.vector_store %arg6[%swap3A_114, %swap3A_115], %swap3A_118 {strides = array<i32>} : memref<16x48xf32, #tpu.memory_space<vmem>>, vector<1x16xf32>,
    %broadcast_in_dim3A_119 = arith.constant 0.000000e+00 : f32
    %broadcast_in_dim3A_120 = vector.broadcast %broadcast_in_dim3A_119 : f32 to vector<16xf32>
    %swap3A_121 = arith.constant 5 : i32
    %swap3A_122 = arith.index_cast %swap3A_121 : i32 to index
    %swap3A_123 = arith.constant 0 : index
    %swap3A_124 = tpu.vector_load %arg6[%swap3A_122, %swap3A_123] {strides = array<i32>} : memref<16x48xf32, #tpu.memory_space<vmem>>, vector<1x16xf32>,
    %swap3A_125 = vector.shape_cast %swap3A_124 : vector<1x16xf32> to vector<16xf32>
    %swap3A_126 = vector.shape_cast %broadcast_in_dim3A_120 : vector<16xf32> to vector<1x16xf32>
    tpu.vector_store %arg6[%swap3A_122, %swap3A_123], %swap3A_126 {strides = array<i32>} : memref<16x48xf32, #tpu.memory_space<vmem>>, vector<1x16xf32>,
    %broadcast_in_dim3A_127 = arith.constant 0.000000e+00 : f32
    %broadcast_in_dim3A_128 = vector.broadcast %broadcast_in_dim3A_127 : f32 to vector<16xf32>
    %swap3A_129 = arith.constant 5 : i32
    %swap3A_130 = arith.index_cast %swap3A_129 : i32 to index
    %swap3A_131 = arith.constant 16 : index
    %swap3A_132 = tpu.vector_load %arg6[%swap3A_130, %swap3A_131] {strides = array<i32>} : memref<16x48xf32, #tpu.memory_space<vmem>>, vector<1x16xf32>,
    %swap3A_133 = vector.shape_cast %swap3A_132 : vector<1x16xf32> to vector<16xf32>
    %swap3A_134 = vector.shape_cast %broadcast_in_dim3A_128 : vector<16xf32> to vector<1x16xf32>
    tpu.vector_store %arg6[%swap3A_130, %swap3A_131], %swap3A_134 {strides = array<i32>} : memref<16x48xf32, #tpu.memory_space<vmem>>, vector<1x16xf32>,
    %broadcast_in_dim3A_135 = arith.constant 0.000000e+00 : f32
    %broadcast_in_dim3A_136 = vector.broadcast %broadcast_in_dim3A_135 : f32 to vector<16xf32>
    %swap3A_137 = arith.constant 5 : i32
    %swap3A_138 = arith.index_cast %swap3A_137 : i32 to index
    %swap3A_139 = arith.constant 32 : index
    %swap3A_140 = tpu.vector_load %arg6[%swap3A_138, %swap3A_139] {strides = array<i32>} : memref<16x48xf32, #tpu.memory_space<vmem>>, vector<1x16xf32>,
    %swap3A_141 = vector.shape_cast %swap3A_140 : vector<1x16xf32> to vector<16xf32>
    %swap3A_142 = vector.shape_cast %broadcast_in_dim3A_136 : vector<16xf32> to vector<1x16xf32>
    tpu.vector_store %arg6[%swap3A_138, %swap3A_139], %swap3A_142 {strides = array<i32>} : memref<16x48xf32, #tpu.memory_space<vmem>>, vector<1x16xf32>,
    %broadcast_in_dim3A_143 = arith.constant 0.000000e+00 : f32
    %broadcast_in_dim3A_144 = vector.broadcast %broadcast_in_dim3A_143 : f32 to vector<16xf32>
    %swap3A_145 = arith.constant 6 : i32
    %swap3A_146 = arith.index_cast %swap3A_145 : i32 to index
    %swap3A_147 = arith.constant 0 : index
    %swap3A_148 = tpu.vector_load %arg6[%swap3A_146, %swap3A_147] {strides = array<i32>} : memref<16x48xf32, #tpu.memory_space<vmem>>, vector<1x16xf32>,
    %swap3A_149 = vector.shape_cast %swap3A_148 : vector<1x16xf32> to vector<16xf32>
    %swap3A_150 = vector.shape_cast %broadcast_in_dim3A_144 : vector<16xf32> to vector<1x16xf32>
    tpu.vector_store %arg6[%swap3A_146, %swap3A_147], %swap3A_150 {strides = array<i32>} : memref<16x48xf32, #tpu.memory_space<vmem>>, vector<1x16xf32>,
    %broadcast_in_dim3A_151 = arith.constant 0.000000e+00 : f32
    %broadcast_in_dim3A_152 = vector.broadcast %broadcast_in_dim3A_151 : f32 to vector<16xf32>
    %swap3A_153 = arith.constant 6 : i32
    %swap3A_154 = arith.index_cast %swap3A_153 : i32 to index
    %swap3A_155 = arith.constant 16 : index
    %swap3A_156 = tpu.vector_load %arg6[%swap3A_154, %swap3A_155] {strides = array<i32>} : memref<16x48xf32, #tpu.memory_space<vmem>>, vector<1x16xf32>,
    %swap3A_157 = vector.shape_cast %swap3A_156 : vector<1x16xf32> to vector<16xf32>
    %swap3A_158 = vector.shape_cast %broadcast_in_dim3A_152 : vector<16xf32> to vector<1x16xf32>
    tpu.vector_store %arg6[%swap3A_154, %swap3A_155], %swap3A_158 {strides = array<i32>} : memref<16x48xf32, #tpu.memory_space<vmem>>, vector<1x16xf32>,
    %broadcast_in_dim3A_159 = arith.constant 0.000000e+00 : f32
    %broadcast_in_dim3A_160 = vector.broadcast %broadcast_in_dim3A_159 : f32 to vector<16xf32>
    %swap3A_161 = arith.constant 6 : i32
    %swap3A_162 = arith.index_cast %swap3A_161 : i32 to index
    %swap3A_163 = arith.constant 32 : index
    %swap3A_164 = tpu.vector_load %arg6[%swap3A_162, %swap3A_163] {strides = array<i32>} : memref<16x48xf32, #tpu.memory_space<vmem>>, vector<1x16xf32>,
    %swap3A_165 = vector.shape_cast %swap3A_164 : vector<1x16xf32> to vector<16xf32>
    %swap3A_166 = vector.shape_cast %broadcast_in_dim3A_160 : vector<16xf32> to vector<1x16xf32>
    tpu.vector_store %arg6[%swap3A_162, %swap3A_163], %swap3A_166 {strides = array<i32>} : memref<16x48xf32, #tpu.memory_space<vmem>>, vector<1x16xf32>,
    %broadcast_in_dim3A_167 = arith.constant 0.000000e+00 : f32
    %broadcast_in_dim3A_168 = vector.broadcast %broadcast_in_dim3A_167 : f32 to vector<16xf32>
    %swap3A_169 = arith.constant 7 : i32
    %swap3A_170 = arith.index_cast %swap3A_169 : i32 to index
    %swap3A_171 = arith.constant 0 : index
    %swap3A_172 = tpu.vector_load %arg6[%swap3A_170, %swap3A_171] {strides = array<i32>} : memref<16x48xf32, #tpu.memory_space<vmem>>, vector<1x16xf32>,
    %swap3A_173 = vector.shape_cast %swap3A_172 : vector<1x16xf32> to vector<16xf32>
    %swap3A_174 = vector.shape_cast %broadcast_in_dim3A_168 : vector<16xf32> to vector<1x16xf32>
    tpu.vector_store %arg6[%swap3A_170, %swap3A_171], %swap3A_174 {strides = array<i32>} : memref<16x48xf32, #tpu.memory_space<vmem>>, vector<1x16xf32>,
    %broadcast_in_dim3A_175 = arith.constant 0.000000e+00 : f32
    %broadcast_in_dim3A_176 = vector.broadcast %broadcast_in_dim3A_175 : f32 to vector<16xf32>
    %swap3A_177 = arith.constant 7 : i32
    %swap3A_178 = arith.index_cast %swap3A_177 : i32 to index
    %swap3A_179 = arith.constant 16 : index
    %swap3A_180 = tpu.vector_load %arg6[%swap3A_178, %swap3A_179] {strides = array<i32>} : memref<16x48xf32, #tpu.memory_space<vmem>>, vector<1x16xf32>,
    %swap3A_181 = vector.shape_cast %swap3A_180 : vector<1x16xf32> to vector<16xf32>
    %swap3A_182 = vector.shape_cast %broadcast_in_dim3A_176 : vector<16xf32> to vector<1x16xf32>
    tpu.vector_store %arg6[%swap3A_178, %swap3A_179], %swap3A_182 {strides = array<i32>} : memref<16x48xf32, #tpu.memory_space<vmem>>, vector<1x16xf32>,
    %broadcast_in_dim3A_183 = arith.constant 0.000000e+00 : f32
    %broadcast_in_dim3A_184 = vector.broadcast %broadcast_in_dim3A_183 : f32 to vector<16xf32>
    %swap3A_185 = arith.constant 7 : i32
    %swap3A_186 = arith.index_cast %swap3A_185 : i32 to index
    %swap3A_187 = arith.constant 32 : index
    %swap3A_188 = tpu.vector_load %arg6[%swap3A_186, %swap3A_187] {strides = array<i32>} : memref<16x48xf32, #tpu.memory_space<vmem>>, vector<1x16xf32>,
    %swap3A_189 = vector.shape_cast %swap3A_188 : vector<1x16xf32> to vector<16xf32>
    %swap3A_190 = vector.shape_cast %broadcast_in_dim3A_184 : vector<16xf32> to vector<1x16xf32>
    tpu.vector_store %arg6[%swap3A_186, %swap3A_187], %swap3A_190 {strides = array<i32>} : memref<16x48xf32, #tpu.memory_space<vmem>>, vector<1x16xf32>,
    %broadcast_in_dim3A_191 = arith.constant 0.000000e+00 : f32
    %broadcast_in_dim3A_192 = vector.broadcast %broadcast_in_dim3A_191 : f32 to vector<16xf32>
    %swap3A_193 = arith.constant 8 : i32
    %swap3A_194 = arith.index_cast %swap3A_193 : i32 to index
    %swap3A_195 = arith.constant 0 : index
    %swap3A_196 = tpu.vector_load %arg6[%swap3A_194, %swap3A_195] {strides = array<i32>} : memref<16x48xf32, #tpu.memory_space<vmem>>, vector<1x16xf32>,
    %swap3A_197 = vector.shape_cast %swap3A_196 : vector<1x16xf32> to vector<16xf32>
    %swap3A_198 = vector.shape_cast %broadcast_in_dim3A_192 : vector<16xf32> to vector<1x16xf32>
    tpu.vector_store %arg6[%swap3A_194, %swap3A_195], %swap3A_198 {strides = array<i32>} : memref<16x48xf32, #tpu.memory_space<vmem>>, vector<1x16xf32>,
    %broadcast_in_dim3A_199 = arith.constant 0.000000e+00 : f32
    %broadcast_in_dim3A_200 = vector.broadcast %broadcast_in_dim3A_199 : f32 to vector<16xf32>
    %swap3A_201 = arith.constant 8 : i32
    %swap3A_202 = arith.index_cast %swap3A_201 : i32 to index
    %swap3A_203 = arith.constant 16 : index
    %swap3A_204 = tpu.vector_load %arg6[%swap3A_202, %swap3A_203] {strides = array<i32>} : memref<16x48xf32, #tpu.memory_space<vmem>>, vector<1x16xf32>,
    %swap3A_205 = vector.shape_cast %swap3A_204 : vector<1x16xf32> to vector<16xf32>
    %swap3A_206 = vector.shape_cast %broadcast_in_dim3A_200 : vector<16xf32> to vector<1x16xf32>
    tpu.vector_store %arg6[%swap3A_202, %swap3A_203], %swap3A_206 {strides = array<i32>} : memref<16x48xf32, #tpu.memory_space<vmem>>, vector<1x16xf32>,
    %broadcast_in_dim3A_207 = arith.constant 0.000000e+00 : f32
    %broadcast_in_dim3A_208 = vector.broadcast %broadcast_in_dim3A_207 : f32 to vector<16xf32>
    %swap3A_209 = arith.constant 8 : i32
    %swap3A_210 = arith.index_cast %swap3A_209 : i32 to index
    %swap3A_211 = arith.constant 32 : index
    %swap3A_212 = tpu.vector_load %arg6[%swap3A_210, %swap3A_211] {strides = array<i32>} : memref<16x48xf32, #tpu.memory_space<vmem>>, vector<1x16xf32>,
    %swap3A_213 = vector.shape_cast %swap3A_212 : vector<1x16xf32> to vector<16xf32>
    %swap3A_214 = vector.shape_cast %broadcast_in_dim3A_208 : vector<16xf32> to vector<1x16xf32>
    tpu.vector_store %arg6[%swap3A_210, %swap3A_211], %swap3A_214 {strides = array<i32>} : memref<16x48xf32, #tpu.memory_space<vmem>>, vector<1x16xf32>,
    %broadcast_in_dim3A_215 = arith.constant 0.000000e+00 : f32
    %broadcast_in_dim3A_216 = vector.broadcast %broadcast_in_dim3A_215 : f32 to vector<16xf32>
    %swap3A_217 = arith.constant 9 : i32
    %swap3A_218 = arith.index_cast %swap3A_217 : i32 to index
    %swap3A_219 = arith.constant 0 : index
    %swap3A_220 = tpu.vector_load %arg6[%swap3A_218, %swap3A_219] {strides = array<i32>} : memref<16x48xf32, #tpu.memory_space<vmem>>, vector<1x16xf32>,
    %swap3A_221 = vector.shape_cast %swap3A_220 : vector<1x16xf32> to vector<16xf32>
    %swap3A_222 = vector.shape_cast %broadcast_in_dim3A_216 : vector<16xf32> to vector<1x16xf32>
    tpu.vector_store %arg6[%swap3A_218, %swap3A_219], %swap3A_222 {strides = array<i32>} : memref<16x48xf32, #tpu.memory_space<vmem>>, vector<1x16xf32>,
    %broadcast_in_dim3A_223 = arith.constant 0.000000e+00 : f32
    %broadcast_in_dim3A_224 = vector.broadcast %broadcast_in_dim3A_223 : f32 to vector<16xf32>
    %swap3A_225 = arith.constant 9 : i32
    %swap3A_226 = arith.index_cast %swap3A_225 : i32 to index
    %swap3A_227 = arith.constant 16 : index
    %swap3A_228 = tpu.vector_load %arg6[%swap3A_226, %swap3A_227] {strides = array<i32>} : memref<16x48xf32, #tpu.memory_space<vmem>>, vector<1x16xf32>,
    %swap3A_229 = vector.shape_cast %swap3A_228 : vector<1x16xf32> to vector<16xf32>
    %swap3A_230 = vector.shape_cast %broadcast_in_dim3A_224 : vector<16xf32> to vector<1x16xf32>
    tpu.vector_store %arg6[%swap3A_226, %swap3A_227], %swap3A_230 {strides = array<i32>} : memref<16x48xf32, #tpu.memory_space<vmem>>, vector<1x16xf32>,
    %broadcast_in_dim3A_231 = arith.constant 0.000000e+00 : f32
    %broadcast_in_dim3A_232 = vector.broadcast %broadcast_in_dim3A_231 : f32 to vector<16xf32>
    %swap3A_233 = arith.constant 9 : i32
    %swap3A_234 = arith.index_cast %swap3A_233 : i32 to index
    %swap3A_235 = arith.constant 32 : index
    %swap3A_236 = tpu.vector_load %arg6[%swap3A_234, %swap3A_235] {strides = array<i32>} : memref<16x48xf32, #tpu.memory_space<vmem>>, vector<1x16xf32>,
    %swap3A_237 = vector.shape_cast %swap3A_236 : vector<1x16xf32> to vector<16xf32>
    %swap3A_238 = vector.shape_cast %broadcast_in_dim3A_232 : vector<16xf32> to vector<1x16xf32>
    tpu.vector_store %arg6[%swap3A_234, %swap3A_235], %swap3A_238 {strides = array<i32>} : memref<16x48xf32, #tpu.memory_space<vmem>>, vector<1x16xf32>,
    %broadcast_in_dim3A_239 = arith.constant 0.000000e+00 : f32
    %broadcast_in_dim3A_240 = vector.broadcast %broadcast_in_dim3A_239 : f32 to vector<16xf32>
    %swap3A_241 = arith.constant 10 : i32
    %swap3A_242 = arith.index_cast %swap3A_241 : i32 to index
    %swap3A_243 = arith.constant 0 : index
    %swap3A_244 = tpu.vector_load %arg6[%swap3A_242, %swap3A_243] {strides = array<i32>} : memref<16x48xf32, #tpu.memory_space<vmem>>, vector<1x16xf32>,
    %swap3A_245 = vector.shape_cast %swap3A_244 : vector<1x16xf32> to vector<16xf32>
    %swap3A_246 = vector.shape_cast %broadcast_in_dim3A_240 : vector<16xf32> to vector<1x16xf32>
    tpu.vector_store %arg6[%swap3A_242, %swap3A_243], %swap3A_246 {strides = array<i32>} : memref<16x48xf32, #tpu.memory_space<vmem>>, vector<1x16xf32>,
    %broadcast_in_dim3A_247 = arith.constant 0.000000e+00 : f32
    %broadcast_in_dim3A_248 = vector.broadcast %broadcast_in_dim3A_247 : f32 to vector<16xf32>
    %swap3A_249 = arith.constant 10 : i32
    %swap3A_250 = arith.index_cast %swap3A_249 : i32 to index
    %swap3A_251 = arith.constant 16 : index
    %swap3A_252 = tpu.vector_load %arg6[%swap3A_250, %swap3A_251] {strides = array<i32>} : memref<16x48xf32, #tpu.memory_space<vmem>>, vector<1x16xf32>,
    %swap3A_253 = vector.shape_cast %swap3A_252 : vector<1x16xf32> to vector<16xf32>
    %swap3A_254 = vector.shape_cast %broadcast_in_dim3A_248 : vector<16xf32> to vector<1x16xf32>
    tpu.vector_store %arg6[%swap3A_250, %swap3A_251], %swap3A_254 {strides = array<i32>} : memref<16x48xf32, #tpu.memory_space<vmem>>, vector<1x16xf32>,
    %broadcast_in_dim3A_255 = arith.constant 0.000000e+00 : f32
    %broadcast_in_dim3A_256 = vector.broadcast %broadcast_in_dim3A_255 : f32 to vector<16xf32>
    %swap3A_257 = arith.constant 10 : i32
    %swap3A_258 = arith.index_cast %swap3A_257 : i32 to index
    %swap3A_259 = arith.constant 32 : index
    %swap3A_260 = tpu.vector_load %arg6[%swap3A_258, %swap3A_259] {strides = array<i32>} : memref<16x48xf32, #tpu.memory_space<vmem>>, vector<1x16xf32>,
    %swap3A_261 = vector.shape_cast %swap3A_260 : vector<1x16xf32> to vector<16xf32>
    %swap3A_262 = vector.shape_cast %broadcast_in_dim3A_256 : vector<16xf32> to vector<1x16xf32>
    tpu.vector_store %arg6[%swap3A_258, %swap3A_259], %swap3A_262 {strides = array<i32>} : memref<16x48xf32, #tpu.memory_space<vmem>>, vector<1x16xf32>,
    %broadcast_in_dim3A_263 = arith.constant 0.000000e+00 : f32
    %broadcast_in_dim3A_264 = vector.broadcast %broadcast_in_dim3A_263 : f32 to vector<16xf32>
    %swap3A_265 = arith.constant 11 : i32
    %swap3A_266 = arith.index_cast %swap3A_265 : i32 to index
    %swap3A_267 = arith.constant 0 : index
    %swap3A_268 = tpu.vector_load %arg6[%swap3A_266, %swap3A_267] {strides = array<i32>} : memref<16x48xf32, #tpu.memory_space<vmem>>, vector<1x16xf32>,
    %swap3A_269 = vector.shape_cast %swap3A_268 : vector<1x16xf32> to vector<16xf32>
    %swap3A_270 = vector.shape_cast %broadcast_in_dim3A_264 : vector<16xf32> to vector<1x16xf32>
    tpu.vector_store %arg6[%swap3A_266, %swap3A_267], %swap3A_270 {strides = array<i32>} : memref<16x48xf32, #tpu.memory_space<vmem>>, vector<1x16xf32>,
    %broadcast_in_dim3A_271 = arith.constant 0.000000e+00 : f32
    %broadcast_in_dim3A_272 = vector.broadcast %broadcast_in_dim3A_271 : f32 to vector<16xf32>
    %swap3A_273 = arith.constant 11 : i32
    %swap3A_274 = arith.index_cast %swap3A_273 : i32 to index
    %swap3A_275 = arith.constant 16 : index
    %swap3A_276 = tpu.vector_load %arg6[%swap3A_274, %swap3A_275] {strides = array<i32>} : memref<16x48xf32, #tpu.memory_space<vmem>>, vector<1x16xf32>,
    %swap3A_277 = vector.shape_cast %swap3A_276 : vector<1x16xf32> to vector<16xf32>
    %swap3A_278 = vector.shape_cast %broadcast_in_dim3A_272 : vector<16xf32> to vector<1x16xf32>
    tpu.vector_store %arg6[%swap3A_274, %swap3A_275], %swap3A_278 {strides = array<i32>} : memref<16x48xf32, #tpu.memory_space<vmem>>, vector<1x16xf32>,
    %broadcast_in_dim3A_279 = arith.constant 0.000000e+00 : f32
    %broadcast_in_dim3A_280 = vector.broadcast %broadcast_in_dim3A_279 : f32 to vector<16xf32>
    %swap3A_281 = arith.constant 11 : i32
    %swap3A_282 = arith.index_cast %swap3A_281 : i32 to index
    %swap3A_283 = arith.constant 32 : index
    %swap3A_284 = tpu.vector_load %arg6[%swap3A_282, %swap3A_283] {strides = array<i32>} : memref<16x48xf32, #tpu.memory_space<vmem>>, vector<1x16xf32>,
    %swap3A_285 = vector.shape_cast %swap3A_284 : vector<1x16xf32> to vector<16xf32>
    %swap3A_286 = vector.shape_cast %broadcast_in_dim3A_280 : vector<16xf32> to vector<1x16xf32>
    tpu.vector_store %arg6[%swap3A_282, %swap3A_283], %swap3A_286 {strides = array<i32>} : memref<16x48xf32, #tpu.memory_space<vmem>>, vector<1x16xf32>,
    %broadcast_in_dim3A_287 = arith.constant 0.000000e+00 : f32
    %broadcast_in_dim3A_288 = vector.broadcast %broadcast_in_dim3A_287 : f32 to vector<16xf32>
    %swap3A_289 = arith.constant 12 : i32
    %swap3A_290 = arith.index_cast %swap3A_289 : i32 to index
    %swap3A_291 = arith.constant 0 : index
    %swap3A_292 = tpu.vector_load %arg6[%swap3A_290, %swap3A_291] {strides = array<i32>} : memref<16x48xf32, #tpu.memory_space<vmem>>, vector<1x16xf32>,
    %swap3A_293 = vector.shape_cast %swap3A_292 : vector<1x16xf32> to vector<16xf32>
    %swap3A_294 = vector.shape_cast %broadcast_in_dim3A_288 : vector<16xf32> to vector<1x16xf32>
    tpu.vector_store %arg6[%swap3A_290, %swap3A_291], %swap3A_294 {strides = array<i32>} : memref<16x48xf32, #tpu.memory_space<vmem>>, vector<1x16xf32>,
    %broadcast_in_dim3A_295 = arith.constant 0.000000e+00 : f32
    %broadcast_in_dim3A_296 = vector.broadcast %broadcast_in_dim3A_295 : f32 to vector<16xf32>
    %swap3A_297 = arith.constant 12 : i32
    %swap3A_298 = arith.index_cast %swap3A_297 : i32 to index
    %swap3A_299 = arith.constant 16 : index
    %swap3A_300 = tpu.vector_load %arg6[%swap3A_298, %swap3A_299] {strides = array<i32>} : memref<16x48xf32, #tpu.memory_space<vmem>>, vector<1x16xf32>,
    %swap3A_301 = vector.shape_cast %swap3A_300 : vector<1x16xf32> to vector<16xf32>
    %swap3A_302 = vector.shape_cast %broadcast_in_dim3A_296 : vector<16xf32> to vector<1x16xf32>
    tpu.vector_store %arg6[%swap3A_298, %swap3A_299], %swap3A_302 {strides = array<i32>} : memref<16x48xf32, #tpu.memory_space<vmem>>, vector<1x16xf32>,
    %broadcast_in_dim3A_303 = arith.constant 0.000000e+00 : f32
    %broadcast_in_dim3A_304 = vector.broadcast %broadcast_in_dim3A_303 : f32 to vector<16xf32>
    %swap3A_305 = arith.constant 12 : i32
    %swap3A_306 = arith.index_cast %swap3A_305 : i32 to index
    %swap3A_307 = arith.constant 32 : index
    %swap3A_308 = tpu.vector_load %arg6[%swap3A_306, %swap3A_307] {strides = array<i32>} : memref<16x48xf32, #tpu.memory_space<vmem>>, vector<1x16xf32>,
    %swap3A_309 = vector.shape_cast %swap3A_308 : vector<1x16xf32> to vector<16xf32>
    %swap3A_310 = vector.shape_cast %broadcast_in_dim3A_304 : vector<16xf32> to vector<1x16xf32>
    tpu.vector_store %arg6[%swap3A_306, %swap3A_307], %swap3A_310 {strides = array<i32>} : memref<16x48xf32, #tpu.memory_space<vmem>>, vector<1x16xf32>,
    %broadcast_in_dim3A_311 = arith.constant 0.000000e+00 : f32
    %broadcast_in_dim3A_312 = vector.broadcast %broadcast_in_dim3A_311 : f32 to vector<16xf32>
    %swap3A_313 = arith.constant 13 : i32
    %swap3A_314 = arith.index_cast %swap3A_313 : i32 to index
    %swap3A_315 = arith.constant 0 : index
    %swap3A_316 = tpu.vector_load %arg6[%swap3A_314, %swap3A_315] {strides = array<i32>} : memref<16x48xf32, #tpu.memory_space<vmem>>, vector<1x16xf32>,
    %swap3A_317 = vector.shape_cast %swap3A_316 : vector<1x16xf32> to vector<16xf32>
    %swap3A_318 = vector.shape_cast %broadcast_in_dim3A_312 : vector<16xf32> to vector<1x16xf32>
    tpu.vector_store %arg6[%swap3A_314, %swap3A_315], %swap3A_318 {strides = array<i32>} : memref<16x48xf32, #tpu.memory_space<vmem>>, vector<1x16xf32>,
    %broadcast_in_dim3A_319 = arith.constant 0.000000e+00 : f32
    %broadcast_in_dim3A_320 = vector.broadcast %broadcast_in_dim3A_319 : f32 to vector<16xf32>
    %swap3A_321 = arith.constant 13 : i32
    %swap3A_322 = arith.index_cast %swap3A_321 : i32 to index
    %swap3A_323 = arith.constant 16 : index
    %swap3A_324 = tpu.vector_load %arg6[%swap3A_322, %swap3A_323] {strides = array<i32>} : memref<16x48xf32, #tpu.memory_space<vmem>>, vector<1x16xf32>,
    %swap3A_325 = vector.shape_cast %swap3A_324 : vector<1x16xf32> to vector<16xf32>
    %swap3A_326 = vector.shape_cast %broadcast_in_dim3A_320 : vector<16xf32> to vector<1x16xf32>
    tpu.vector_store %arg6[%swap3A_322, %swap3A_323], %swap3A_326 {strides = array<i32>} : memref<16x48xf32, #tpu.memory_space<vmem>>, vector<1x16xf32>,
    %broadcast_in_dim3A_327 = arith.constant 0.000000e+00 : f32
    %broadcast_in_dim3A_328 = vector.broadcast %broadcast_in_dim3A_327 : f32 to vector<16xf32>
    %swap3A_329 = arith.constant 13 : i32
    %swap3A_330 = arith.index_cast %swap3A_329 : i32 to index
    %swap3A_331 = arith.constant 32 : index
    %swap3A_332 = tpu.vector_load %arg6[%swap3A_330, %swap3A_331] {strides = array<i32>} : memref<16x48xf32, #tpu.memory_space<vmem>>, vector<1x16xf32>,
    %swap3A_333 = vector.shape_cast %swap3A_332 : vector<1x16xf32> to vector<16xf32>
    %swap3A_334 = vector.shape_cast %broadcast_in_dim3A_328 : vector<16xf32> to vector<1x16xf32>
    tpu.vector_store %arg6[%swap3A_330, %swap3A_331], %swap3A_334 {strides = array<i32>} : memref<16x48xf32, #tpu.memory_space<vmem>>, vector<1x16xf32>,
    %broadcast_in_dim3A_335 = arith.constant 0.000000e+00 : f32
    %broadcast_in_dim3A_336 = vector.broadcast %broadcast_in_dim3A_335 : f32 to vector<16xf32>
    %swap3A_337 = arith.constant 14 : i32
    %swap3A_338 = arith.index_cast %swap3A_337 : i32 to index
    %swap3A_339 = arith.constant 0 : index
    %swap3A_340 = tpu.vector_load %arg6[%swap3A_338, %swap3A_339] {strides = array<i32>} : memref<16x48xf32, #tpu.memory_space<vmem>>, vector<1x16xf32>,
    %swap3A_341 = vector.shape_cast %swap3A_340 : vector<1x16xf32> to vector<16xf32>
    %swap3A_342 = vector.shape_cast %broadcast_in_dim3A_336 : vector<16xf32> to vector<1x16xf32>
    tpu.vector_store %arg6[%swap3A_338, %swap3A_339], %swap3A_342 {strides = array<i32>} : memref<16x48xf32, #tpu.memory_space<vmem>>, vector<1x16xf32>,
    %broadcast_in_dim3A_343 = arith.constant 0.000000e+00 : f32
    %broadcast_in_dim3A_344 = vector.broadcast %broadcast_in_dim3A_343 : f32 to vector<16xf32>
    %swap3A_345 = arith.constant 14 : i32
    %swap3A_346 = arith.index_cast %swap3A_345 : i32 to index
    %swap3A_347 = arith.constant 16 : index
    %swap3A_348 = tpu.vector_load %arg6[%swap3A_346, %swap3A_347] {strides = array<i32>} : memref<16x48xf32, #tpu.memory_space<vmem>>, vector<1x16xf32>,
    %swap3A_349 = vector.shape_cast %swap3A_348 : vector<1x16xf32> to vector<16xf32>
    %swap3A_350 = vector.shape_cast %broadcast_in_dim3A_344 : vector<16xf32> to vector<1x16xf32>
    tpu.vector_store %arg6[%swap3A_346, %swap3A_347], %swap3A_350 {strides = array<i32>} : memref<16x48xf32, #tpu.memory_space<vmem>>, vector<1x16xf32>,
    %broadcast_in_dim3A_351 = arith.constant 0.000000e+00 : f32
    %broadcast_in_dim3A_352 = vector.broadcast %broadcast_in_dim3A_351 : f32 to vector<16xf32>
    %swap3A_353 = arith.constant 14 : i32
    %swap3A_354 = arith.index_cast %swap3A_353 : i32 to index
    %swap3A_355 = arith.constant 32 : index
    %swap3A_356 = tpu.vector_load %arg6[%swap3A_354, %swap3A_355] {strides = array<i32>} : memref<16x48xf32, #tpu.memory_space<vmem>>, vector<1x16xf32>,
    %swap3A_357 = vector.shape_cast %swap3A_356 : vector<1x16xf32> to vector<16xf32>
    %swap3A_358 = vector.shape_cast %broadcast_in_dim3A_352 : vector<16xf32> to vector<1x16xf32>
    tpu.vector_store %arg6[%swap3A_354, %swap3A_355], %swap3A_358 {strides = array<i32>} : memref<16x48xf32, #tpu.memory_space<vmem>>, vector<1x16xf32>,
    %broadcast_in_dim3A_359 = arith.constant 0.000000e+00 : f32
    %broadcast_in_dim3A_360 = vector.broadcast %broadcast_in_dim3A_359 : f32 to vector<16xf32>
    %swap3A_361 = arith.constant 15 : i32
    %swap3A_362 = arith.index_cast %swap3A_361 : i32 to index
    %swap3A_363 = arith.constant 0 : index
    %swap3A_364 = tpu.vector_load %arg6[%swap3A_362, %swap3A_363] {strides = array<i32>} : memref<16x48xf32, #tpu.memory_space<vmem>>, vector<1x16xf32>,
    %swap3A_365 = vector.shape_cast %swap3A_364 : vector<1x16xf32> to vector<16xf32>
    %swap3A_366 = vector.shape_cast %broadcast_in_dim3A_360 : vector<16xf32> to vector<1x16xf32>
    tpu.vector_store %arg6[%swap3A_362, %swap3A_363], %swap3A_366 {strides = array<i32>} : memref<16x48xf32, #tpu.memory_space<vmem>>, vector<1x16xf32>,
    %broadcast_in_dim3A_367 = arith.constant 0.000000e+00 : f32
    %broadcast_in_dim3A_368 = vector.broadcast %broadcast_in_dim3A_367 : f32 to vector<16xf32>
    %swap3A_369 = arith.constant 15 : i32
    %swap3A_370 = arith.index_cast %swap3A_369 : i32 to index
    %swap3A_371 = arith.constant 16 : index
    %swap3A_372 = tpu.vector_load %arg6[%swap3A_370, %swap3A_371] {strides = array<i32>} : memref<16x48xf32, #tpu.memory_space<vmem>>, vector<1x16xf32>,
    %swap3A_373 = vector.shape_cast %swap3A_372 : vector<1x16xf32> to vector<16xf32>
    %swap3A_374 = vector.shape_cast %broadcast_in_dim3A_368 : vector<16xf32> to vector<1x16xf32>
    tpu.vector_store %arg6[%swap3A_370, %swap3A_371], %swap3A_374 {strides = array<i32>} : memref<16x48xf32, #tpu.memory_space<vmem>>, vector<1x16xf32>,
    %broadcast_in_dim3A_375 = arith.constant 0.000000e+00 : f32
    %broadcast_in_dim3A_376 = vector.broadcast %broadcast_in_dim3A_375 : f32 to vector<16xf32>
    %swap3A_377 = arith.constant 15 : i32
    %swap3A_378 = arith.index_cast %swap3A_377 : i32 to index
    %swap3A_379 = arith.constant 32 : index
    %swap3A_380 = tpu.vector_load %arg6[%swap3A_378, %swap3A_379] {strides = array<i32>} : memref<16x48xf32, #tpu.memory_space<vmem>>, vector<1x16xf32>,
    %swap3A_381 = vector.shape_cast %swap3A_380 : vector<1x16xf32> to vector<16xf32>
    %swap3A_382 = vector.shape_cast %broadcast_in_dim3A_376 : vector<16xf32> to vector<1x16xf32>
    tpu.vector_store %arg6[%swap3A_378, %swap3A_379], %swap3A_382 {strides = array<i32>} : memref<16x48xf32, #tpu.memory_space<vmem>>, vector<1x16xf32>,
    %mul3A_383 = arith.constant 640 : i32
    %mul3A_384 = arith.muli %arg1, %mul3A_383 : i32
    %scan3A = arith.constant 0 : i32
    %scan3A_385 = arith.constant 0 : i32
    %scan3A_386 = arith.constant 40 : i32
    %scan3A_387 = arith.addi %scan3A_385, %scan3A_386 : i32
    %scan3A_388 = arith.constant 1 : i32
    scf.for %scan3A_402 = %scan3A_385 to %scan3A_387 step %scan3A_388  : i32 {
      %mul3A_403 = arith.constant 16 : i32
      %mul3A_404 = arith.muli %scan3A_402, %mul3A_403 : i32
      %add3A_405 = arith.addi %mul3A_384, %mul3A_404 : i32
      "tpu.region"() ({
        %run_scoped3A = tpu.sem_alloc : memref<!tpu.dma_semaphore, #tpu.memory_space<semaphore_mem>>
        %dma_start3A = arith.constant 0 : i32
        %dma_start3A_406 = tpu.memref_slice %arg11[%add3A_405, %dma_start3A] : memref<10240x48xf32, #tpu.memory_space<vmem_shared>> -> memref<16x48xf32, #tpu.memory_space<vmem_shared>>
        %dma_start3A_407 = arith.constant 0 : i32
        %dma_start3A_408 = tpu.memref_slice %arg11[%add3A_405, %dma_start3A_407] : memref<10240x48xf32, #tpu.memory_space<vmem_shared>> -> memref<16x48xf32, #tpu.memory_space<vmem_shared>>
        tpu.enqueue_dma source(%arg6 : memref<16x48xf32, #tpu.memory_space<vmem>>) target(%dma_start3A_408 : memref<16x48xf32, #tpu.memory_space<vmem_shared>>) target_semaphore(%run_scoped3A : memref<!tpu.dma_semaphore, #tpu.memory_space<semaphore_mem>>)
        %dma_wait3A = arith.constant 0 : i32
        %dma_wait3A_409 = tpu.memref_slice %arg11[%add3A_405, %dma_wait3A] : memref<10240x48xf32, #tpu.memory_space<vmem_shared>> -> memref<16x48xf32, #tpu.memory_space<vmem_shared>>
        %dma_wait3A_410 = arith.constant 0 : i32
        %dma_wait3A_411 = tpu.memref_slice %arg11[%add3A_405, %dma_wait3A_410] : memref<10240x48xf32, #tpu.memory_space<vmem_shared>> -> memref<16x48xf32, #tpu.memory_space<vmem_shared>>
        tpu.wait_dma2 semaphore(%run_scoped3A : memref<!tpu.dma_semaphore, #tpu.memory_space<semaphore_mem>>) src(%arg6 : memref<16x48xf32, #tpu.memory_space<vmem>>) dst(%dma_wait3A_411 : memref<16x48xf32, #tpu.memory_space<vmem_shared>>)
        tpu.yield
      }) : () -> ()
    }
    %scan3A_389 = arith.constant 40 : i32
    %barrier3A = arith.constant 0 : index
    tpu.barrier barrier_id(%barrier3A)
    %scan3A_390 = arith.constant 0 : i32
    %scan3A_391 = arith.constant 0 : i32
    %scan3A_392 = arith.constant 5 : i32
    %scan3A_393 = arith.addi %scan3A_391, %scan3A_392 : i32
    %scan3A_394 = arith.constant 1 : i32
    scf.for %scan3A_402 = %scan3A_391 to %scan3A_393 step %scan3A_394  : i32 {
      %mul3A_403 = arith.constant 16 : i32
      %mul3A_404 = arith.muli %scan3A_402, %mul3A_403 : i32
      "tpu.region"() ({
        %run_scoped3A = tpu.sem_alloc : memref<!tpu.dma_semaphore, #tpu.memory_space<semaphore_mem>>
        %dma_start3A_419 = arith.constant 0 : i32
        %dma_start3A_420 = tpu.memref_slice %arg3[%add3A, %mul3A_404, %dma_start3A_419] : memref<32x80x128xi32, #tpu.memory_space<hbm>> -> memref<1x16x128xi32, #tpu.memory_space<hbm>>
        %dma_start3A_421 = tpu.memref_squeeze %dma_start3A_420 : memref<1x16x128xi32, #tpu.memory_space<hbm>> -> memref<16x128xi32, #tpu.memory_space<hbm>>
        %dma_start3A_422 = arith.constant 0 : i32
        %dma_start3A_423 = tpu.memref_slice %arg3[%add3A, %mul3A_404, %dma_start3A_422] : memref<32x80x128xi32, #tpu.memory_space<hbm>> -> memref<1x16x128xi32, #tpu.memory_space<hbm>>
        %dma_start3A_424 = tpu.memref_squeeze %dma_start3A_423 : memref<1x16x128xi32, #tpu.memory_space<hbm>> -> memref<16x128xi32, #tpu.memory_space<hbm>>
        tpu.enqueue_dma source(%dma_start3A_424 : memref<16x128xi32, #tpu.memory_space<hbm>>) target(%arg7 : memref<16x128xi32, #tpu.memory_space<vmem>>) target_semaphore(%run_scoped3A : memref<!tpu.dma_semaphore, #tpu.memory_space<semaphore_mem>>)
        %dma_wait3A = arith.constant 0 : i32
        %dma_wait3A_425 = tpu.memref_slice %arg3[%add3A, %mul3A_404, %dma_wait3A] : memref<32x80x128xi32, #tpu.memory_space<hbm>> -> memref<1x16x128xi32, #tpu.memory_space<hbm>>
        %dma_wait3A_426 = tpu.memref_squeeze %dma_wait3A_425 : memref<1x16x128xi32, #tpu.memory_space<hbm>> -> memref<16x128xi32, #tpu.memory_space<hbm>>
        %dma_wait3A_427 = arith.constant 0 : i32
        %dma_wait3A_428 = tpu.memref_slice %arg3[%add3A, %mul3A_404, %dma_wait3A_427] : memref<32x80x128xi32, #tpu.memory_space<hbm>> -> memref<1x16x128xi32, #tpu.memory_space<hbm>>
        %dma_wait3A_429 = tpu.memref_squeeze %dma_wait3A_428 : memref<1x16x128xi32, #tpu.memory_space<hbm>> -> memref<16x128xi32, #tpu.memory_space<hbm>>
        tpu.wait_dma2 semaphore(%run_scoped3A : memref<!tpu.dma_semaphore, #tpu.memory_space<semaphore_mem>>) src(%dma_wait3A_429 : memref<16x128xi32, #tpu.memory_space<hbm>>) dst(%arg7 : memref<16x128xi32, #tpu.memory_space<vmem>>)
        tpu.yield
      }) : () -> ()
      %mul3A_405 = arith.constant 16 : i32
      %mul3A_406 = arith.muli %scan3A_402, %mul3A_405 : i32
      "tpu.region"() ({
        %run_scoped3A = tpu.sem_alloc : memref<!tpu.dma_semaphore, #tpu.memory_space<semaphore_mem>>
        %dma_start3A_419 = arith.constant 0 : i32
        %dma_start3A_420 = tpu.memref_slice %arg4[%add3A, %mul3A_406, %dma_start3A_419] : memref<32x80x128xi32, #tpu.memory_space<hbm>> -> memref<1x16x128xi32, #tpu.memory_space<hbm>>
        %dma_start3A_421 = tpu.memref_squeeze %dma_start3A_420 : memref<1x16x128xi32, #tpu.memory_space<hbm>> -> memref<16x128xi32, #tpu.memory_space<hbm>>
        %dma_start3A_422 = arith.constant 0 : i32
        %dma_start3A_423 = tpu.memref_slice %arg4[%add3A, %mul3A_406, %dma_start3A_422] : memref<32x80x128xi32, #tpu.memory_space<hbm>> -> memref<1x16x128xi32, #tpu.memory_space<hbm>>
        %dma_start3A_424 = tpu.memref_squeeze %dma_start3A_423 : memref<1x16x128xi32, #tpu.memory_space<hbm>> -> memref<16x128xi32, #tpu.memory_space<hbm>>
        tpu.enqueue_dma source(%dma_start3A_424 : memref<16x128xi32, #tpu.memory_space<hbm>>) target(%arg8 : memref<16x128xi32, #tpu.memory_space<vmem>>) target_semaphore(%run_scoped3A : memref<!tpu.dma_semaphore, #tpu.memory_space<semaphore_mem>>)
        %dma_wait3A = arith.constant 0 : i32
        %dma_wait3A_425 = tpu.memref_slice %arg4[%add3A, %mul3A_406, %dma_wait3A] : memref<32x80x128xi32, #tpu.memory_space<hbm>> -> memref<1x16x128xi32, #tpu.memory_space<hbm>>
        %dma_wait3A_426 = tpu.memref_squeeze %dma_wait3A_425 : memref<1x16x128xi32, #tpu.memory_space<hbm>> -> memref<16x128xi32, #tpu.memory_space<hbm>>
        %dma_wait3A_427 = arith.constant 0 : i32
        %dma_wait3A_428 = tpu.memref_slice %arg4[%add3A, %mul3A_406, %dma_wait3A_427] : memref<32x80x128xi32, #tpu.memory_space<hbm>> -> memref<1x16x128xi32, #tpu.memory_space<hbm>>
        %dma_wait3A_429 = tpu.memref_squeeze %dma_wait3A_428 : memref<1x16x128xi32, #tpu.memory_space<hbm>> -> memref<16x128xi32, #tpu.memory_space<hbm>>
        tpu.wait_dma2 semaphore(%run_scoped3A : memref<!tpu.dma_semaphore, #tpu.memory_space<semaphore_mem>>) src(%dma_wait3A_429 : memref<16x128xi32, #tpu.memory_space<hbm>>) dst(%arg8 : memref<16x128xi32, #tpu.memory_space<vmem>>)
        tpu.yield
      }) : () -> ()
      %dma_start3A = arith.constant 0 : i32
      %dma_start3A_407 = arith.constant 0 : i32
      %dma_start3A_408 = tpu.memref_slice %arg7[%dma_start3A, %dma_start3A_407] : memref<16x128xi32, #tpu.memory_space<vmem>> -> memref<1x128xi32, #tpu.memory_space<vmem>>
      %dma_start3A_409 = tpu.memref_squeeze %dma_start3A_408 : memref<1x128xi32, #tpu.memory_space<vmem>> -> memref<128xi32, #tpu.memory_space<vmem>>
      %dma_start3A_410 = arith.constant 0 : i32
      %dma_start3A_411 = arith.constant 0 : i32
      %dma_start3A_412 = tpu.memref_slice %arg2[%dma_start3A_410, %dma_start3A_411] : memref<10240x48xf32, #tpu.memory_space<hbm>> -> memref<10240x48xf32, #tpu.memory_space<hbm>>
      tpu.enqueue_indirect_dma source(%dma_start3A_412 : memref<10240x48xf32, #tpu.memory_space<hbm>>) target(%arg9 : memref<128x48xf32, #tpu.memory_space<vmem>>) offsets(%dma_start3A_409 : memref<128xi32, #tpu.memory_space<vmem>>) semaphore(%arg12 : memref<!tpu.dma_semaphore, #tpu.memory_space<semaphore_mem>>)
      %scan3A_413 = arith.constant 0 : i32
      %scan3A_414 = arith.constant 0 : i32
      %scan3A_415 = arith.constant 8 : i32
      %scan3A_416 = arith.addi %scan3A_414, %scan3A_415 : i32
      %scan3A_417 = arith.constant 1 : i32
      scf.for %scan3A_419 = %scan3A_414 to %scan3A_416 step %scan3A_417  : i32 {
        %mul3A_420 = arith.constant 2 : i32
        %mul3A_421 = arith.muli %scan3A_419, %mul3A_420 : i32
        %add3A_422 = arith.constant 1 : i32
        %add3A_423 = arith.addi %mul3A_421, %add3A_422 : i32
        %dma_start3A_424 = arith.constant 0 : i32
        %dma_start3A_425 = tpu.memref_slice %arg7[%add3A_423, %dma_start3A_424] : memref<16x128xi32, #tpu.memory_space<vmem>> -> memref<1x128xi32, #tpu.memory_space<vmem>>
        %dma_start3A_426 = tpu.memref_squeeze %dma_start3A_425 : memref<1x128xi32, #tpu.memory_space<vmem>> -> memref<128xi32, #tpu.memory_space<vmem>>
        %dma_start3A_427 = arith.constant 0 : i32
        %dma_start3A_428 = arith.constant 0 : i32
        %dma_start3A_429 = tpu.memref_slice %arg2[%dma_start3A_427, %dma_start3A_428] : memref<10240x48xf32, #tpu.memory_space<hbm>> -> memref<10240x48xf32, #tpu.memory_space<hbm>>
        tpu.enqueue_indirect_dma source(%dma_start3A_429 : memref<10240x48xf32, #tpu.memory_space<hbm>>) target(%arg10 : memref<128x48xf32, #tpu.memory_space<vmem>>) offsets(%dma_start3A_426 : memref<128xi32, #tpu.memory_space<vmem>>) semaphore(%arg12 : memref<!tpu.dma_semaphore, #tpu.memory_space<semaphore_mem>>)
        %dma_wait3A = arith.constant 0 : i32
        %dma_wait3A_430 = tpu.memref_slice %arg7[%mul3A_421, %dma_wait3A] : memref<16x128xi32, #tpu.memory_space<vmem>> -> memref<1x128xi32, #tpu.memory_space<vmem>>
        %dma_wait3A_431 = tpu.memref_squeeze %dma_wait3A_430 : memref<1x128xi32, #tpu.memory_space<vmem>> -> memref<128xi32, #tpu.memory_space<vmem>>
        %dma_wait3A_432 = arith.constant 0 : i32
        %dma_wait3A_433 = arith.constant 0 : i32
        %dma_wait3A_434 = tpu.memref_slice %arg2[%dma_wait3A_432, %dma_wait3A_433] : memref<10240x48xf32, #tpu.memory_space<hbm>> -> memref<10240x48xf32, #tpu.memory_space<hbm>>
        tpu.wait_indirect_dma semaphore(%arg12 : memref<!tpu.dma_semaphore, #tpu.memory_space<semaphore_mem>>) src(%dma_wait3A_434 : memref<10240x48xf32, #tpu.memory_space<hbm>>) dst(%arg9 : memref<128x48xf32, #tpu.memory_space<vmem>>)
        "tpu.region"() ({
          %run_scoped3A = tpu.sem_alloc : memref<!tpu.dma_semaphore, #tpu.memory_space<semaphore_mem>>
          %dma_start3A_449 = arith.constant 0 : i32
          %dma_start3A_450 = tpu.memref_slice %arg8[%mul3A_421, %dma_start3A_449] : memref<16x128xi32, #tpu.memory_space<vmem>> -> memref<1x128xi32, #tpu.memory_space<vmem>>
          %dma_start3A_451 = tpu.memref_squeeze %dma_start3A_450 : memref<1x128xi32, #tpu.memory_space<vmem>> -> memref<128xi32, #tpu.memory_space<vmem>>
          %dma_start3A_452 = arith.constant 0 : i32
          %dma_start3A_453 = arith.constant 0 : i32
          %dma_start3A_454 = tpu.memref_slice %arg11[%dma_start3A_452, %dma_start3A_453] : memref<10240x48xf32, #tpu.memory_space<vmem_shared>> -> memref<10240x48xf32, #tpu.memory_space<vmem_shared>>
          tpu.enqueue_indirect_dma source(%arg9 : memref<128x48xf32, #tpu.memory_space<vmem>>) target(%dma_start3A_454 : memref<10240x48xf32, #tpu.memory_space<vmem_shared>>) offsets(%dma_start3A_451 : memref<128xi32, #tpu.memory_space<vmem>>) semaphore(%run_scoped3A : memref<!tpu.dma_semaphore, #tpu.memory_space<semaphore_mem>>) {add = true}
          %dma_wait3A_455 = arith.constant 0 : i32
          %dma_wait3A_456 = tpu.memref_slice %arg8[%mul3A_421, %dma_wait3A_455] : memref<16x128xi32, #tpu.memory_space<vmem>> -> memref<1x128xi32, #tpu.memory_space<vmem>>
          %dma_wait3A_457 = tpu.memref_squeeze %dma_wait3A_456 : memref<1x128xi32, #tpu.memory_space<vmem>> -> memref<128xi32, #tpu.memory_space<vmem>>
          %dma_wait3A_458 = arith.constant 0 : i32
          %dma_wait3A_459 = arith.constant 0 : i32
          %dma_wait3A_460 = tpu.memref_slice %arg11[%dma_wait3A_458, %dma_wait3A_459] : memref<10240x48xf32, #tpu.memory_space<vmem_shared>> -> memref<10240x48xf32, #tpu.memory_space<vmem_shared>>
          tpu.wait_indirect_dma semaphore(%run_scoped3A : memref<!tpu.dma_semaphore, #tpu.memory_space<semaphore_mem>>) src(%arg9 : memref<128x48xf32, #tpu.memory_space<vmem>>) dst(%dma_wait3A_460 : memref<10240x48xf32, #tpu.memory_space<vmem_shared>>)
          tpu.yield
        }) : () -> ()
        %add3A_435 = arith.constant 2 : i32
        %add3A_436 = arith.addi %mul3A_421, %add3A_435 : i32
        %lt3A = arith.constant 16 : i32
        %lt3A_437 = arith.cmpi slt, %add3A_436, %lt3A : i32
        %convert_element_type3A = arith.extui %lt3A_437 : i1 to i32
        %cond3A = arith.constant 0 : i32
        %cond3A_438 = arith.cmpi ne, %convert_element_type3A, %cond3A : i32
        scf.if %cond3A_438 {
          %add3A_449 = arith.constant 2 : i32
          %add3A_450 = arith.addi %mul3A_421, %add3A_449 : i32
          %dma_start3A_451 = arith.constant 0 : i32
          %dma_start3A_452 = tpu.memref_slice %arg7[%add3A_450, %dma_start3A_451] : memref<16x128xi32, #tpu.memory_space<vmem>> -> memref<1x128xi32, #tpu.memory_space<vmem>>
          %dma_start3A_453 = tpu.memref_squeeze %dma_start3A_452 : memref<1x128xi32, #tpu.memory_space<vmem>> -> memref<128xi32, #tpu.memory_space<vmem>>
          %dma_start3A_454 = arith.constant 0 : i32
          %dma_start3A_455 = arith.constant 0 : i32
          %dma_start3A_456 = tpu.memref_slice %arg2[%dma_start3A_454, %dma_start3A_455] : memref<10240x48xf32, #tpu.memory_space<hbm>> -> memref<10240x48xf32, #tpu.memory_space<hbm>>
          tpu.enqueue_indirect_dma source(%dma_start3A_456 : memref<10240x48xf32, #tpu.memory_space<hbm>>) target(%arg9 : memref<128x48xf32, #tpu.memory_space<vmem>>) offsets(%dma_start3A_453 : memref<128xi32, #tpu.memory_space<vmem>>) semaphore(%arg12 : memref<!tpu.dma_semaphore, #tpu.memory_space<semaphore_mem>>)
        } else {
        }
        %add3A_439 = arith.constant 1 : i32
        %add3A_440 = arith.addi %mul3A_421, %add3A_439 : i32
        %dma_wait3A_441 = arith.constant 0 : i32
        %dma_wait3A_442 = tpu.memref_slice %arg7[%add3A_440, %dma_wait3A_441] : memref<16x128xi32, #tpu.memory_space<vmem>> -> memref<1x128xi32, #tpu.memory_space<vmem>>
        %dma_wait3A_443 = tpu.memref_squeeze %dma_wait3A_442 : memref<1x128xi32, #tpu.memory_space<vmem>> -> memref<128xi32, #tpu.memory_space<vmem>>
        %dma_wait3A_444 = arith.constant 0 : i32
        %dma_wait3A_445 = arith.constant 0 : i32
        %dma_wait3A_446 = tpu.memref_slice %arg2[%dma_wait3A_444, %dma_wait3A_445] : memref<10240x48xf32, #tpu.memory_space<hbm>> -> memref<10240x48xf32, #tpu.memory_space<hbm>>
        tpu.wait_indirect_dma semaphore(%arg12 : memref<!tpu.dma_semaphore, #tpu.memory_space<semaphore_mem>>) src(%dma_wait3A_446 : memref<10240x48xf32, #tpu.memory_space<hbm>>) dst(%arg10 : memref<128x48xf32, #tpu.memory_space<vmem>>)
        %add3A_447 = arith.constant 1 : i32
        %add3A_448 = arith.addi %mul3A_421, %add3A_447 : i32
        "tpu.region"() ({
          %run_scoped3A = tpu.sem_alloc : memref<!tpu.dma_semaphore, #tpu.memory_space<semaphore_mem>>
          %dma_start3A_449 = arith.constant 0 : i32
          %dma_start3A_450 = tpu.memref_slice %arg8[%add3A_448, %dma_start3A_449] : memref<16x128xi32, #tpu.memory_space<vmem>> -> memref<1x128xi32, #tpu.memory_space<vmem>>
          %dma_start3A_451 = tpu.memref_squeeze %dma_start3A_450 : memref<1x128xi32, #tpu.memory_space<vmem>> -> memref<128xi32, #tpu.memory_space<vmem>>
          %dma_start3A_452 = arith.constant 0 : i32
          %dma_start3A_453 = arith.constant 0 : i32
          %dma_start3A_454 = tpu.memref_slice %arg11[%dma_start3A_452, %dma_start3A_453] : memref<10240x48xf32, #tpu.memory_space<vmem_shared>> -> memref<10240x48xf32, #tpu.memory_space<vmem_shared>>
          tpu.enqueue_indirect_dma source(%arg10 : memref<128x48xf32, #tpu.memory_space<vmem>>) target(%dma_start3A_454 : memref<10240x48xf32, #tpu.memory_space<vmem_shared>>) offsets(%dma_start3A_451 : memref<128xi32, #tpu.memory_space<vmem>>) semaphore(%run_scoped3A : memref<!tpu.dma_semaphore, #tpu.memory_space<semaphore_mem>>) {add = true}
          %dma_wait3A_455 = arith.constant 0 : i32
          %dma_wait3A_456 = tpu.memref_slice %arg8[%add3A_448, %dma_wait3A_455] : memref<16x128xi32, #tpu.memory_space<vmem>> -> memref<1x128xi32, #tpu.memory_space<vmem>>
          %dma_wait3A_457 = tpu.memref_squeeze %dma_wait3A_456 : memref<1x128xi32, #tpu.memory_space<vmem>> -> memref<128xi32, #tpu.memory_space<vmem>>
          %dma_wait3A_458 = arith.constant 0 : i32
          %dma_wait3A_459 = arith.constant 0 : i32
          %dma_wait3A_460 = tpu.memref_slice %arg11[%dma_wait3A_458, %dma_wait3A_459] : memref<10240x48xf32, #tpu.memory_space<vmem_shared>> -> memref<10240x48xf32, #tpu.memory_space<vmem_shared>>
          tpu.wait_indirect_dma semaphore(%run_scoped3A : memref<!tpu.dma_semaphore, #tpu.memory_space<semaphore_mem>>) src(%arg10 : memref<128x48xf32, #tpu.memory_space<vmem>>) dst(%dma_wait3A_460 : memref<10240x48xf32, #tpu.memory_space<vmem_shared>>)
          tpu.yield
        }) : () -> ()
      }
      %scan3A_418 = arith.constant 8 : i32
    }
    %scan3A_395 = arith.constant 5 : i32
    %barrier3A_396 = arith.constant 0 : index
    tpu.barrier barrier_id(%barrier3A_396)
    %mul3A_397 = arith.constant 640 : i32
    %mul3A_398 = arith.muli %arg1, %mul3A_397 : i32
    %mul3A_399 = arith.constant 10240 : i32
    %mul3A_400 = arith.muli %arg0, %mul3A_399 : i32
    %add3A_401 = arith.addi %mul3A_400, %mul3A_398 : i32
    "tpu.region"() ({
      %run_scoped3A = tpu.sem_alloc : memref<!tpu.dma_semaphore, #tpu.memory_space<semaphore_mem>>
      %dma_start3A = arith.constant 0 : i32
      %dma_start3A_402 = tpu.memref_slice %arg5[%add3A_401, %dma_start3A] : memref<20480x48xf32, #tpu.memory_space<hbm>> -> memref<640x48xf32, #tpu.memory_space<hbm>>
      %dma_start3A_403 = arith.constant 0 : i32
      %dma_start3A_404 = tpu.memref_slice %arg11[%mul3A_398, %dma_start3A_403] : memref<10240x48xf32, #tpu.memory_space<vmem_shared>> -> memref<640x48xf32, #tpu.memory_space<vmem_shared>>
      tpu.enqueue_dma source(%dma_start3A_404 : memref<640x48xf32, #tpu.memory_space<vmem_shared>>) target(%dma_start3A_402 : memref<640x48xf32, #tpu.memory_space<hbm>>) target_semaphore(%run_scoped3A : memref<!tpu.dma_semaphore, #tpu.memory_space<semaphore_mem>>)
      %dma_wait3A = arith.constant 0 : i32
      %dma_wait3A_405 = tpu.memref_slice %arg5[%add3A_401, %dma_wait3A] : memref<20480x48xf32, #tpu.memory_space<hbm>> -> memref<640x48xf32, #tpu.memory_space<hbm>>
      %dma_wait3A_406 = arith.constant 0 : i32
      %dma_wait3A_407 = tpu.memref_slice %arg11[%mul3A_398, %dma_wait3A_406] : memref<10240x48xf32, #tpu.memory_space<vmem_shared>> -> memref<640x48xf32, #tpu.memory_space<vmem_shared>>
      tpu.wait_dma2 semaphore(%run_scoped3A : memref<!tpu.dma_semaphore, #tpu.memory_space<semaphore_mem>>) src(%dma_wait3A_407 : memref<640x48xf32, #tpu.memory_space<vmem_shared>>) dst(%dma_wait3A_405 : memref<640x48xf32, #tpu.memory_space<hbm>>)
      tpu.yield
    }) : () -> ()
    return
  }
}

#map = affine_map<(d0, d1) -> (0, 0, 0)>
#map1 = affine_map<(d0, d1) -> (0, 0)>
module attributes {stable_mosaic.version = 14 : i64} {
  func.func @deg_kernel(%arg0: i32, %arg1: i32, %arg2: memref<32x80x128xi32, #tpu.memory_space<hbm>>, %arg3: memref<20480x16xf32, #tpu.memory_space<hbm>>, %arg4: memref<16x16xf32, #tpu.memory_space<vmem>>, %arg5: memref<128x16xf32, #tpu.memory_space<vmem>>, %arg6: memref<80x128xi32, #tpu.memory_space<vmem>>, %arg7: memref<10240x16xf32, #tpu.memory_space<vmem_shared>>, %arg8: memref<!tpu.dma_semaphore, #tpu.memory_space<semaphore_mem>>) attributes {dimension_semantics = [#tpu.dimension_semantics<core_parallel>, #tpu.dimension_semantics<subcore_parallel>], iteration_bounds = array<i64: 2, 16>, scalar_prefetch = 0 : i64, scratch_operands = 5 : i64, tpu.core_type = #tpu.core_type<sc_vector_subcore>, window_params = [{transform_indices = #map}, {transform_indices = #map1}]} {
    %mul3A = arith.constant 2 : i32
    %mul3A_0 = arith.muli %arg1, %mul3A : i32
    %add3A = arith.addi %mul3A_0, %arg0 : i32
    %broadcast_in_dim3A = arith.constant 0.000000e+00 : f32
    %broadcast_in_dim3A_1 = vector.broadcast %broadcast_in_dim3A : f32 to vector<16xf32>
    %swap3A = arith.constant 0 : i32
    %swap3A_2 = arith.index_cast %swap3A : i32 to index
    %swap3A_3 = arith.constant 0 : index
    %swap3A_4 = tpu.vector_load %arg4[%swap3A_2, %swap3A_3] {strides = array<i32>} : memref<16x16xf32, #tpu.memory_space<vmem>>, vector<1x16xf32>,
    %swap3A_5 = vector.shape_cast %swap3A_4 : vector<1x16xf32> to vector<16xf32>
    %swap3A_6 = vector.shape_cast %broadcast_in_dim3A_1 : vector<16xf32> to vector<1x16xf32>
    tpu.vector_store %arg4[%swap3A_2, %swap3A_3], %swap3A_6 {strides = array<i32>} : memref<16x16xf32, #tpu.memory_space<vmem>>, vector<1x16xf32>,
    %broadcast_in_dim3A_7 = arith.constant 0.000000e+00 : f32
    %broadcast_in_dim3A_8 = vector.broadcast %broadcast_in_dim3A_7 : f32 to vector<16xf32>
    %swap3A_9 = arith.constant 1 : i32
    %swap3A_10 = arith.index_cast %swap3A_9 : i32 to index
    %swap3A_11 = arith.constant 0 : index
    %swap3A_12 = tpu.vector_load %arg4[%swap3A_10, %swap3A_11] {strides = array<i32>} : memref<16x16xf32, #tpu.memory_space<vmem>>, vector<1x16xf32>,
    %swap3A_13 = vector.shape_cast %swap3A_12 : vector<1x16xf32> to vector<16xf32>
    %swap3A_14 = vector.shape_cast %broadcast_in_dim3A_8 : vector<16xf32> to vector<1x16xf32>
    tpu.vector_store %arg4[%swap3A_10, %swap3A_11], %swap3A_14 {strides = array<i32>} : memref<16x16xf32, #tpu.memory_space<vmem>>, vector<1x16xf32>,
    %broadcast_in_dim3A_15 = arith.constant 0.000000e+00 : f32
    %broadcast_in_dim3A_16 = vector.broadcast %broadcast_in_dim3A_15 : f32 to vector<16xf32>
    %swap3A_17 = arith.constant 2 : i32
    %swap3A_18 = arith.index_cast %swap3A_17 : i32 to index
    %swap3A_19 = arith.constant 0 : index
    %swap3A_20 = tpu.vector_load %arg4[%swap3A_18, %swap3A_19] {strides = array<i32>} : memref<16x16xf32, #tpu.memory_space<vmem>>, vector<1x16xf32>,
    %swap3A_21 = vector.shape_cast %swap3A_20 : vector<1x16xf32> to vector<16xf32>
    %swap3A_22 = vector.shape_cast %broadcast_in_dim3A_16 : vector<16xf32> to vector<1x16xf32>
    tpu.vector_store %arg4[%swap3A_18, %swap3A_19], %swap3A_22 {strides = array<i32>} : memref<16x16xf32, #tpu.memory_space<vmem>>, vector<1x16xf32>,
    %broadcast_in_dim3A_23 = arith.constant 0.000000e+00 : f32
    %broadcast_in_dim3A_24 = vector.broadcast %broadcast_in_dim3A_23 : f32 to vector<16xf32>
    %swap3A_25 = arith.constant 3 : i32
    %swap3A_26 = arith.index_cast %swap3A_25 : i32 to index
    %swap3A_27 = arith.constant 0 : index
    %swap3A_28 = tpu.vector_load %arg4[%swap3A_26, %swap3A_27] {strides = array<i32>} : memref<16x16xf32, #tpu.memory_space<vmem>>, vector<1x16xf32>,
    %swap3A_29 = vector.shape_cast %swap3A_28 : vector<1x16xf32> to vector<16xf32>
    %swap3A_30 = vector.shape_cast %broadcast_in_dim3A_24 : vector<16xf32> to vector<1x16xf32>
    tpu.vector_store %arg4[%swap3A_26, %swap3A_27], %swap3A_30 {strides = array<i32>} : memref<16x16xf32, #tpu.memory_space<vmem>>, vector<1x16xf32>,
    %broadcast_in_dim3A_31 = arith.constant 0.000000e+00 : f32
    %broadcast_in_dim3A_32 = vector.broadcast %broadcast_in_dim3A_31 : f32 to vector<16xf32>
    %swap3A_33 = arith.constant 4 : i32
    %swap3A_34 = arith.index_cast %swap3A_33 : i32 to index
    %swap3A_35 = arith.constant 0 : index
    %swap3A_36 = tpu.vector_load %arg4[%swap3A_34, %swap3A_35] {strides = array<i32>} : memref<16x16xf32, #tpu.memory_space<vmem>>, vector<1x16xf32>,
    %swap3A_37 = vector.shape_cast %swap3A_36 : vector<1x16xf32> to vector<16xf32>
    %swap3A_38 = vector.shape_cast %broadcast_in_dim3A_32 : vector<16xf32> to vector<1x16xf32>
    tpu.vector_store %arg4[%swap3A_34, %swap3A_35], %swap3A_38 {strides = array<i32>} : memref<16x16xf32, #tpu.memory_space<vmem>>, vector<1x16xf32>,
    %broadcast_in_dim3A_39 = arith.constant 0.000000e+00 : f32
    %broadcast_in_dim3A_40 = vector.broadcast %broadcast_in_dim3A_39 : f32 to vector<16xf32>
    %swap3A_41 = arith.constant 5 : i32
    %swap3A_42 = arith.index_cast %swap3A_41 : i32 to index
    %swap3A_43 = arith.constant 0 : index
    %swap3A_44 = tpu.vector_load %arg4[%swap3A_42, %swap3A_43] {strides = array<i32>} : memref<16x16xf32, #tpu.memory_space<vmem>>, vector<1x16xf32>,
    %swap3A_45 = vector.shape_cast %swap3A_44 : vector<1x16xf32> to vector<16xf32>
    %swap3A_46 = vector.shape_cast %broadcast_in_dim3A_40 : vector<16xf32> to vector<1x16xf32>
    tpu.vector_store %arg4[%swap3A_42, %swap3A_43], %swap3A_46 {strides = array<i32>} : memref<16x16xf32, #tpu.memory_space<vmem>>, vector<1x16xf32>,
    %broadcast_in_dim3A_47 = arith.constant 0.000000e+00 : f32
    %broadcast_in_dim3A_48 = vector.broadcast %broadcast_in_dim3A_47 : f32 to vector<16xf32>
    %swap3A_49 = arith.constant 6 : i32
    %swap3A_50 = arith.index_cast %swap3A_49 : i32 to index
    %swap3A_51 = arith.constant 0 : index
    %swap3A_52 = tpu.vector_load %arg4[%swap3A_50, %swap3A_51] {strides = array<i32>} : memref<16x16xf32, #tpu.memory_space<vmem>>, vector<1x16xf32>,
    %swap3A_53 = vector.shape_cast %swap3A_52 : vector<1x16xf32> to vector<16xf32>
    %swap3A_54 = vector.shape_cast %broadcast_in_dim3A_48 : vector<16xf32> to vector<1x16xf32>
    tpu.vector_store %arg4[%swap3A_50, %swap3A_51], %swap3A_54 {strides = array<i32>} : memref<16x16xf32, #tpu.memory_space<vmem>>, vector<1x16xf32>,
    %broadcast_in_dim3A_55 = arith.constant 0.000000e+00 : f32
    %broadcast_in_dim3A_56 = vector.broadcast %broadcast_in_dim3A_55 : f32 to vector<16xf32>
    %swap3A_57 = arith.constant 7 : i32
    %swap3A_58 = arith.index_cast %swap3A_57 : i32 to index
    %swap3A_59 = arith.constant 0 : index
    %swap3A_60 = tpu.vector_load %arg4[%swap3A_58, %swap3A_59] {strides = array<i32>} : memref<16x16xf32, #tpu.memory_space<vmem>>, vector<1x16xf32>,
    %swap3A_61 = vector.shape_cast %swap3A_60 : vector<1x16xf32> to vector<16xf32>
    %swap3A_62 = vector.shape_cast %broadcast_in_dim3A_56 : vector<16xf32> to vector<1x16xf32>
    tpu.vector_store %arg4[%swap3A_58, %swap3A_59], %swap3A_62 {strides = array<i32>} : memref<16x16xf32, #tpu.memory_space<vmem>>, vector<1x16xf32>,
    %broadcast_in_dim3A_63 = arith.constant 0.000000e+00 : f32
    %broadcast_in_dim3A_64 = vector.broadcast %broadcast_in_dim3A_63 : f32 to vector<16xf32>
    %swap3A_65 = arith.constant 8 : i32
    %swap3A_66 = arith.index_cast %swap3A_65 : i32 to index
    %swap3A_67 = arith.constant 0 : index
    %swap3A_68 = tpu.vector_load %arg4[%swap3A_66, %swap3A_67] {strides = array<i32>} : memref<16x16xf32, #tpu.memory_space<vmem>>, vector<1x16xf32>,
    %swap3A_69 = vector.shape_cast %swap3A_68 : vector<1x16xf32> to vector<16xf32>
    %swap3A_70 = vector.shape_cast %broadcast_in_dim3A_64 : vector<16xf32> to vector<1x16xf32>
    tpu.vector_store %arg4[%swap3A_66, %swap3A_67], %swap3A_70 {strides = array<i32>} : memref<16x16xf32, #tpu.memory_space<vmem>>, vector<1x16xf32>,
    %broadcast_in_dim3A_71 = arith.constant 0.000000e+00 : f32
    %broadcast_in_dim3A_72 = vector.broadcast %broadcast_in_dim3A_71 : f32 to vector<16xf32>
    %swap3A_73 = arith.constant 9 : i32
    %swap3A_74 = arith.index_cast %swap3A_73 : i32 to index
    %swap3A_75 = arith.constant 0 : index
    %swap3A_76 = tpu.vector_load %arg4[%swap3A_74, %swap3A_75] {strides = array<i32>} : memref<16x16xf32, #tpu.memory_space<vmem>>, vector<1x16xf32>,
    %swap3A_77 = vector.shape_cast %swap3A_76 : vector<1x16xf32> to vector<16xf32>
    %swap3A_78 = vector.shape_cast %broadcast_in_dim3A_72 : vector<16xf32> to vector<1x16xf32>
    tpu.vector_store %arg4[%swap3A_74, %swap3A_75], %swap3A_78 {strides = array<i32>} : memref<16x16xf32, #tpu.memory_space<vmem>>, vector<1x16xf32>,
    %broadcast_in_dim3A_79 = arith.constant 0.000000e+00 : f32
    %broadcast_in_dim3A_80 = vector.broadcast %broadcast_in_dim3A_79 : f32 to vector<16xf32>
    %swap3A_81 = arith.constant 10 : i32
    %swap3A_82 = arith.index_cast %swap3A_81 : i32 to index
    %swap3A_83 = arith.constant 0 : index
    %swap3A_84 = tpu.vector_load %arg4[%swap3A_82, %swap3A_83] {strides = array<i32>} : memref<16x16xf32, #tpu.memory_space<vmem>>, vector<1x16xf32>,
    %swap3A_85 = vector.shape_cast %swap3A_84 : vector<1x16xf32> to vector<16xf32>
    %swap3A_86 = vector.shape_cast %broadcast_in_dim3A_80 : vector<16xf32> to vector<1x16xf32>
    tpu.vector_store %arg4[%swap3A_82, %swap3A_83], %swap3A_86 {strides = array<i32>} : memref<16x16xf32, #tpu.memory_space<vmem>>, vector<1x16xf32>,
    %broadcast_in_dim3A_87 = arith.constant 0.000000e+00 : f32
    %broadcast_in_dim3A_88 = vector.broadcast %broadcast_in_dim3A_87 : f32 to vector<16xf32>
    %swap3A_89 = arith.constant 11 : i32
    %swap3A_90 = arith.index_cast %swap3A_89 : i32 to index
    %swap3A_91 = arith.constant 0 : index
    %swap3A_92 = tpu.vector_load %arg4[%swap3A_90, %swap3A_91] {strides = array<i32>} : memref<16x16xf32, #tpu.memory_space<vmem>>, vector<1x16xf32>,
    %swap3A_93 = vector.shape_cast %swap3A_92 : vector<1x16xf32> to vector<16xf32>
    %swap3A_94 = vector.shape_cast %broadcast_in_dim3A_88 : vector<16xf32> to vector<1x16xf32>
    tpu.vector_store %arg4[%swap3A_90, %swap3A_91], %swap3A_94 {strides = array<i32>} : memref<16x16xf32, #tpu.memory_space<vmem>>, vector<1x16xf32>,
    %broadcast_in_dim3A_95 = arith.constant 0.000000e+00 : f32
    %broadcast_in_dim3A_96 = vector.broadcast %broadcast_in_dim3A_95 : f32 to vector<16xf32>
    %swap3A_97 = arith.constant 12 : i32
    %swap3A_98 = arith.index_cast %swap3A_97 : i32 to index
    %swap3A_99 = arith.constant 0 : index
    %swap3A_100 = tpu.vector_load %arg4[%swap3A_98, %swap3A_99] {strides = array<i32>} : memref<16x16xf32, #tpu.memory_space<vmem>>, vector<1x16xf32>,
    %swap3A_101 = vector.shape_cast %swap3A_100 : vector<1x16xf32> to vector<16xf32>
    %swap3A_102 = vector.shape_cast %broadcast_in_dim3A_96 : vector<16xf32> to vector<1x16xf32>
    tpu.vector_store %arg4[%swap3A_98, %swap3A_99], %swap3A_102 {strides = array<i32>} : memref<16x16xf32, #tpu.memory_space<vmem>>, vector<1x16xf32>,
    %broadcast_in_dim3A_103 = arith.constant 0.000000e+00 : f32
    %broadcast_in_dim3A_104 = vector.broadcast %broadcast_in_dim3A_103 : f32 to vector<16xf32>
    %swap3A_105 = arith.constant 13 : i32
    %swap3A_106 = arith.index_cast %swap3A_105 : i32 to index
    %swap3A_107 = arith.constant 0 : index
    %swap3A_108 = tpu.vector_load %arg4[%swap3A_106, %swap3A_107] {strides = array<i32>} : memref<16x16xf32, #tpu.memory_space<vmem>>, vector<1x16xf32>,
    %swap3A_109 = vector.shape_cast %swap3A_108 : vector<1x16xf32> to vector<16xf32>
    %swap3A_110 = vector.shape_cast %broadcast_in_dim3A_104 : vector<16xf32> to vector<1x16xf32>
    tpu.vector_store %arg4[%swap3A_106, %swap3A_107], %swap3A_110 {strides = array<i32>} : memref<16x16xf32, #tpu.memory_space<vmem>>, vector<1x16xf32>,
    %broadcast_in_dim3A_111 = arith.constant 0.000000e+00 : f32
    %broadcast_in_dim3A_112 = vector.broadcast %broadcast_in_dim3A_111 : f32 to vector<16xf32>
    %swap3A_113 = arith.constant 14 : i32
    %swap3A_114 = arith.index_cast %swap3A_113 : i32 to index
    %swap3A_115 = arith.constant 0 : index
    %swap3A_116 = tpu.vector_load %arg4[%swap3A_114, %swap3A_115] {strides = array<i32>} : memref<16x16xf32, #tpu.memory_space<vmem>>, vector<1x16xf32>,
    %swap3A_117 = vector.shape_cast %swap3A_116 : vector<1x16xf32> to vector<16xf32>
    %swap3A_118 = vector.shape_cast %broadcast_in_dim3A_112 : vector<16xf32> to vector<1x16xf32>
    tpu.vector_store %arg4[%swap3A_114, %swap3A_115], %swap3A_118 {strides = array<i32>} : memref<16x16xf32, #tpu.memory_space<vmem>>, vector<1x16xf32>,
    %broadcast_in_dim3A_119 = arith.constant 0.000000e+00 : f32
    %broadcast_in_dim3A_120 = vector.broadcast %broadcast_in_dim3A_119 : f32 to vector<16xf32>
    %swap3A_121 = arith.constant 15 : i32
    %swap3A_122 = arith.index_cast %swap3A_121 : i32 to index
    %swap3A_123 = arith.constant 0 : index
    %swap3A_124 = tpu.vector_load %arg4[%swap3A_122, %swap3A_123] {strides = array<i32>} : memref<16x16xf32, #tpu.memory_space<vmem>>, vector<1x16xf32>,
    %swap3A_125 = vector.shape_cast %swap3A_124 : vector<1x16xf32> to vector<16xf32>
    %swap3A_126 = vector.shape_cast %broadcast_in_dim3A_120 : vector<16xf32> to vector<1x16xf32>
    tpu.vector_store %arg4[%swap3A_122, %swap3A_123], %swap3A_126 {strides = array<i32>} : memref<16x16xf32, #tpu.memory_space<vmem>>, vector<1x16xf32>,
    %mul3A_127 = arith.constant 640 : i32
    %mul3A_128 = arith.muli %arg1, %mul3A_127 : i32
    %scan3A = arith.constant 0 : i32
    %scan3A_129 = arith.constant 0 : i32
    %scan3A_130 = arith.constant 40 : i32
    %scan3A_131 = arith.addi %scan3A_129, %scan3A_130 : i32
    %scan3A_132 = arith.constant 1 : i32
    scf.for %scan3A_1176 = %scan3A_129 to %scan3A_131 step %scan3A_132  : i32 {
      %mul3A_1177 = arith.constant 16 : i32
      %mul3A_1178 = arith.muli %scan3A_1176, %mul3A_1177 : i32
      %add3A_1179 = arith.addi %mul3A_128, %mul3A_1178 : i32
      "tpu.region"() ({
        %run_scoped3A = tpu.sem_alloc : memref<!tpu.dma_semaphore, #tpu.memory_space<semaphore_mem>>
        %dma_start3A = arith.constant 0 : i32
        %dma_start3A_1180 = tpu.memref_slice %arg7[%add3A_1179, %dma_start3A] : memref<10240x16xf32, #tpu.memory_space<vmem_shared>> -> memref<16x16xf32, #tpu.memory_space<vmem_shared>>
        %dma_start3A_1181 = arith.constant 0 : i32
        %dma_start3A_1182 = tpu.memref_slice %arg7[%add3A_1179, %dma_start3A_1181] : memref<10240x16xf32, #tpu.memory_space<vmem_shared>> -> memref<16x16xf32, #tpu.memory_space<vmem_shared>>
        tpu.enqueue_dma source(%arg4 : memref<16x16xf32, #tpu.memory_space<vmem>>) target(%dma_start3A_1182 : memref<16x16xf32, #tpu.memory_space<vmem_shared>>) target_semaphore(%run_scoped3A : memref<!tpu.dma_semaphore, #tpu.memory_space<semaphore_mem>>)
        %dma_wait3A = arith.constant 0 : i32
        %dma_wait3A_1183 = tpu.memref_slice %arg7[%add3A_1179, %dma_wait3A] : memref<10240x16xf32, #tpu.memory_space<vmem_shared>> -> memref<16x16xf32, #tpu.memory_space<vmem_shared>>
        %dma_wait3A_1184 = arith.constant 0 : i32
        %dma_wait3A_1185 = tpu.memref_slice %arg7[%add3A_1179, %dma_wait3A_1184] : memref<10240x16xf32, #tpu.memory_space<vmem_shared>> -> memref<16x16xf32, #tpu.memory_space<vmem_shared>>
        tpu.wait_dma2 semaphore(%run_scoped3A : memref<!tpu.dma_semaphore, #tpu.memory_space<semaphore_mem>>) src(%arg4 : memref<16x16xf32, #tpu.memory_space<vmem>>) dst(%dma_wait3A_1185 : memref<16x16xf32, #tpu.memory_space<vmem_shared>>)
        tpu.yield
      }) : () -> ()
    }
    %scan3A_133 = arith.constant 40 : i32
    %broadcast_in_dim3A_134 = arith.constant 1.000000e+00 : f32
    %broadcast_in_dim3A_135 = vector.broadcast %broadcast_in_dim3A_134 : f32 to vector<16xf32>
    %swap3A_136 = arith.constant 0 : i32
    %swap3A_137 = arith.index_cast %swap3A_136 : i32 to index
    %swap3A_138 = arith.constant 0 : index
    %swap3A_139 = tpu.vector_load %arg5[%swap3A_137, %swap3A_138] {strides = array<i32>} : memref<128x16xf32, #tpu.memory_space<vmem>>, vector<1x16xf32>,
    %swap3A_140 = vector.shape_cast %swap3A_139 : vector<1x16xf32> to vector<16xf32>
    %swap3A_141 = vector.shape_cast %broadcast_in_dim3A_135 : vector<16xf32> to vector<1x16xf32>
    tpu.vector_store %arg5[%swap3A_137, %swap3A_138], %swap3A_141 {strides = array<i32>} : memref<128x16xf32, #tpu.memory_space<vmem>>, vector<1x16xf32>,
    %broadcast_in_dim3A_142 = arith.constant 1.000000e+00 : f32
    %broadcast_in_dim3A_143 = vector.broadcast %broadcast_in_dim3A_142 : f32 to vector<16xf32>
    %swap3A_144 = arith.constant 1 : i32
    %swap3A_145 = arith.index_cast %swap3A_144 : i32 to index
    %swap3A_146 = arith.constant 0 : index
    %swap3A_147 = tpu.vector_load %arg5[%swap3A_145, %swap3A_146] {strides = array<i32>} : memref<128x16xf32, #tpu.memory_space<vmem>>, vector<1x16xf32>,
    %swap3A_148 = vector.shape_cast %swap3A_147 : vector<1x16xf32> to vector<16xf32>
    %swap3A_149 = vector.shape_cast %broadcast_in_dim3A_143 : vector<16xf32> to vector<1x16xf32>
    tpu.vector_store %arg5[%swap3A_145, %swap3A_146], %swap3A_149 {strides = array<i32>} : memref<128x16xf32, #tpu.memory_space<vmem>>, vector<1x16xf32>,
    %broadcast_in_dim3A_150 = arith.constant 1.000000e+00 : f32
    %broadcast_in_dim3A_151 = vector.broadcast %broadcast_in_dim3A_150 : f32 to vector<16xf32>
    %swap3A_152 = arith.constant 2 : i32
    %swap3A_153 = arith.index_cast %swap3A_152 : i32 to index
    %swap3A_154 = arith.constant 0 : index
    %swap3A_155 = tpu.vector_load %arg5[%swap3A_153, %swap3A_154] {strides = array<i32>} : memref<128x16xf32, #tpu.memory_space<vmem>>, vector<1x16xf32>,
    %swap3A_156 = vector.shape_cast %swap3A_155 : vector<1x16xf32> to vector<16xf32>
    %swap3A_157 = vector.shape_cast %broadcast_in_dim3A_151 : vector<16xf32> to vector<1x16xf32>
    tpu.vector_store %arg5[%swap3A_153, %swap3A_154], %swap3A_157 {strides = array<i32>} : memref<128x16xf32, #tpu.memory_space<vmem>>, vector<1x16xf32>,
    %broadcast_in_dim3A_158 = arith.constant 1.000000e+00 : f32
    %broadcast_in_dim3A_159 = vector.broadcast %broadcast_in_dim3A_158 : f32 to vector<16xf32>
    %swap3A_160 = arith.constant 3 : i32
    %swap3A_161 = arith.index_cast %swap3A_160 : i32 to index
    %swap3A_162 = arith.constant 0 : index
    %swap3A_163 = tpu.vector_load %arg5[%swap3A_161, %swap3A_162] {strides = array<i32>} : memref<128x16xf32, #tpu.memory_space<vmem>>, vector<1x16xf32>,
    %swap3A_164 = vector.shape_cast %swap3A_163 : vector<1x16xf32> to vector<16xf32>
    %swap3A_165 = vector.shape_cast %broadcast_in_dim3A_159 : vector<16xf32> to vector<1x16xf32>
    tpu.vector_store %arg5[%swap3A_161, %swap3A_162], %swap3A_165 {strides = array<i32>} : memref<128x16xf32, #tpu.memory_space<vmem>>, vector<1x16xf32>,
    %broadcast_in_dim3A_166 = arith.constant 1.000000e+00 : f32
    %broadcast_in_dim3A_167 = vector.broadcast %broadcast_in_dim3A_166 : f32 to vector<16xf32>
    %swap3A_168 = arith.constant 4 : i32
    %swap3A_169 = arith.index_cast %swap3A_168 : i32 to index
    %swap3A_170 = arith.constant 0 : index
    %swap3A_171 = tpu.vector_load %arg5[%swap3A_169, %swap3A_170] {strides = array<i32>} : memref<128x16xf32, #tpu.memory_space<vmem>>, vector<1x16xf32>,
    %swap3A_172 = vector.shape_cast %swap3A_171 : vector<1x16xf32> to vector<16xf32>
    %swap3A_173 = vector.shape_cast %broadcast_in_dim3A_167 : vector<16xf32> to vector<1x16xf32>
    tpu.vector_store %arg5[%swap3A_169, %swap3A_170], %swap3A_173 {strides = array<i32>} : memref<128x16xf32, #tpu.memory_space<vmem>>, vector<1x16xf32>,
    %broadcast_in_dim3A_174 = arith.constant 1.000000e+00 : f32
    %broadcast_in_dim3A_175 = vector.broadcast %broadcast_in_dim3A_174 : f32 to vector<16xf32>
    %swap3A_176 = arith.constant 5 : i32
    %swap3A_177 = arith.index_cast %swap3A_176 : i32 to index
    %swap3A_178 = arith.constant 0 : index
    %swap3A_179 = tpu.vector_load %arg5[%swap3A_177, %swap3A_178] {strides = array<i32>} : memref<128x16xf32, #tpu.memory_space<vmem>>, vector<1x16xf32>,
    %swap3A_180 = vector.shape_cast %swap3A_179 : vector<1x16xf32> to vector<16xf32>
    %swap3A_181 = vector.shape_cast %broadcast_in_dim3A_175 : vector<16xf32> to vector<1x16xf32>
    tpu.vector_store %arg5[%swap3A_177, %swap3A_178], %swap3A_181 {strides = array<i32>} : memref<128x16xf32, #tpu.memory_space<vmem>>, vector<1x16xf32>,
    %broadcast_in_dim3A_182 = arith.constant 1.000000e+00 : f32
    %broadcast_in_dim3A_183 = vector.broadcast %broadcast_in_dim3A_182 : f32 to vector<16xf32>
    %swap3A_184 = arith.constant 6 : i32
    %swap3A_185 = arith.index_cast %swap3A_184 : i32 to index
    %swap3A_186 = arith.constant 0 : index
    %swap3A_187 = tpu.vector_load %arg5[%swap3A_185, %swap3A_186] {strides = array<i32>} : memref<128x16xf32, #tpu.memory_space<vmem>>, vector<1x16xf32>,
    %swap3A_188 = vector.shape_cast %swap3A_187 : vector<1x16xf32> to vector<16xf32>
    %swap3A_189 = vector.shape_cast %broadcast_in_dim3A_183 : vector<16xf32> to vector<1x16xf32>
    tpu.vector_store %arg5[%swap3A_185, %swap3A_186], %swap3A_189 {strides = array<i32>} : memref<128x16xf32, #tpu.memory_space<vmem>>, vector<1x16xf32>,
    %broadcast_in_dim3A_190 = arith.constant 1.000000e+00 : f32
    %broadcast_in_dim3A_191 = vector.broadcast %broadcast_in_dim3A_190 : f32 to vector<16xf32>
    %swap3A_192 = arith.constant 7 : i32
    %swap3A_193 = arith.index_cast %swap3A_192 : i32 to index
    %swap3A_194 = arith.constant 0 : index
    %swap3A_195 = tpu.vector_load %arg5[%swap3A_193, %swap3A_194] {strides = array<i32>} : memref<128x16xf32, #tpu.memory_space<vmem>>, vector<1x16xf32>,
    %swap3A_196 = vector.shape_cast %swap3A_195 : vector<1x16xf32> to vector<16xf32>
    %swap3A_197 = vector.shape_cast %broadcast_in_dim3A_191 : vector<16xf32> to vector<1x16xf32>
    tpu.vector_store %arg5[%swap3A_193, %swap3A_194], %swap3A_197 {strides = array<i32>} : memref<128x16xf32, #tpu.memory_space<vmem>>, vector<1x16xf32>,
    %broadcast_in_dim3A_198 = arith.constant 1.000000e+00 : f32
    %broadcast_in_dim3A_199 = vector.broadcast %broadcast_in_dim3A_198 : f32 to vector<16xf32>
    %swap3A_200 = arith.constant 8 : i32
    %swap3A_201 = arith.index_cast %swap3A_200 : i32 to index
    %swap3A_202 = arith.constant 0 : index
    %swap3A_203 = tpu.vector_load %arg5[%swap3A_201, %swap3A_202] {strides = array<i32>} : memref<128x16xf32, #tpu.memory_space<vmem>>, vector<1x16xf32>,
    %swap3A_204 = vector.shape_cast %swap3A_203 : vector<1x16xf32> to vector<16xf32>
    %swap3A_205 = vector.shape_cast %broadcast_in_dim3A_199 : vector<16xf32> to vector<1x16xf32>
    tpu.vector_store %arg5[%swap3A_201, %swap3A_202], %swap3A_205 {strides = array<i32>} : memref<128x16xf32, #tpu.memory_space<vmem>>, vector<1x16xf32>,
    %broadcast_in_dim3A_206 = arith.constant 1.000000e+00 : f32
    %broadcast_in_dim3A_207 = vector.broadcast %broadcast_in_dim3A_206 : f32 to vector<16xf32>
    %swap3A_208 = arith.constant 9 : i32
    %swap3A_209 = arith.index_cast %swap3A_208 : i32 to index
    %swap3A_210 = arith.constant 0 : index
    %swap3A_211 = tpu.vector_load %arg5[%swap3A_209, %swap3A_210] {strides = array<i32>} : memref<128x16xf32, #tpu.memory_space<vmem>>, vector<1x16xf32>,
    %swap3A_212 = vector.shape_cast %swap3A_211 : vector<1x16xf32> to vector<16xf32>
    %swap3A_213 = vector.shape_cast %broadcast_in_dim3A_207 : vector<16xf32> to vector<1x16xf32>
    tpu.vector_store %arg5[%swap3A_209, %swap3A_210], %swap3A_213 {strides = array<i32>} : memref<128x16xf32, #tpu.memory_space<vmem>>, vector<1x16xf32>,
    %broadcast_in_dim3A_214 = arith.constant 1.000000e+00 : f32
    %broadcast_in_dim3A_215 = vector.broadcast %broadcast_in_dim3A_214 : f32 to vector<16xf32>
    %swap3A_216 = arith.constant 10 : i32
    %swap3A_217 = arith.index_cast %swap3A_216 : i32 to index
    %swap3A_218 = arith.constant 0 : index
    %swap3A_219 = tpu.vector_load %arg5[%swap3A_217, %swap3A_218] {strides = array<i32>} : memref<128x16xf32, #tpu.memory_space<vmem>>, vector<1x16xf32>,
    %swap3A_220 = vector.shape_cast %swap3A_219 : vector<1x16xf32> to vector<16xf32>
    %swap3A_221 = vector.shape_cast %broadcast_in_dim3A_215 : vector<16xf32> to vector<1x16xf32>
    tpu.vector_store %arg5[%swap3A_217, %swap3A_218], %swap3A_221 {strides = array<i32>} : memref<128x16xf32, #tpu.memory_space<vmem>>, vector<1x16xf32>,
    %broadcast_in_dim3A_222 = arith.constant 1.000000e+00 : f32
    %broadcast_in_dim3A_223 = vector.broadcast %broadcast_in_dim3A_222 : f32 to vector<16xf32>
    %swap3A_224 = arith.constant 11 : i32
    %swap3A_225 = arith.index_cast %swap3A_224 : i32 to index
    %swap3A_226 = arith.constant 0 : index
    %swap3A_227 = tpu.vector_load %arg5[%swap3A_225, %swap3A_226] {strides = array<i32>} : memref<128x16xf32, #tpu.memory_space<vmem>>, vector<1x16xf32>,
    %swap3A_228 = vector.shape_cast %swap3A_227 : vector<1x16xf32> to vector<16xf32>
    %swap3A_229 = vector.shape_cast %broadcast_in_dim3A_223 : vector<16xf32> to vector<1x16xf32>
    tpu.vector_store %arg5[%swap3A_225, %swap3A_226], %swap3A_229 {strides = array<i32>} : memref<128x16xf32, #tpu.memory_space<vmem>>, vector<1x16xf32>,
    %broadcast_in_dim3A_230 = arith.constant 1.000000e+00 : f32
    %broadcast_in_dim3A_231 = vector.broadcast %broadcast_in_dim3A_230 : f32 to vector<16xf32>
    %swap3A_232 = arith.constant 12 : i32
    %swap3A_233 = arith.index_cast %swap3A_232 : i32 to index
    %swap3A_234 = arith.constant 0 : index
    %swap3A_235 = tpu.vector_load %arg5[%swap3A_233, %swap3A_234] {strides = array<i32>} : memref<128x16xf32, #tpu.memory_space<vmem>>, vector<1x16xf32>,
    %swap3A_236 = vector.shape_cast %swap3A_235 : vector<1x16xf32> to vector<16xf32>
    %swap3A_237 = vector.shape_cast %broadcast_in_dim3A_231 : vector<16xf32> to vector<1x16xf32>
    tpu.vector_store %arg5[%swap3A_233, %swap3A_234], %swap3A_237 {strides = array<i32>} : memref<128x16xf32, #tpu.memory_space<vmem>>, vector<1x16xf32>,
    %broadcast_in_dim3A_238 = arith.constant 1.000000e+00 : f32
    %broadcast_in_dim3A_239 = vector.broadcast %broadcast_in_dim3A_238 : f32 to vector<16xf32>
    %swap3A_240 = arith.constant 13 : i32
    %swap3A_241 = arith.index_cast %swap3A_240 : i32 to index
    %swap3A_242 = arith.constant 0 : index
    %swap3A_243 = tpu.vector_load %arg5[%swap3A_241, %swap3A_242] {strides = array<i32>} : memref<128x16xf32, #tpu.memory_space<vmem>>, vector<1x16xf32>,
    %swap3A_244 = vector.shape_cast %swap3A_243 : vector<1x16xf32> to vector<16xf32>
    %swap3A_245 = vector.shape_cast %broadcast_in_dim3A_239 : vector<16xf32> to vector<1x16xf32>
    tpu.vector_store %arg5[%swap3A_241, %swap3A_242], %swap3A_245 {strides = array<i32>} : memref<128x16xf32, #tpu.memory_space<vmem>>, vector<1x16xf32>,
    %broadcast_in_dim3A_246 = arith.constant 1.000000e+00 : f32
    %broadcast_in_dim3A_247 = vector.broadcast %broadcast_in_dim3A_246 : f32 to vector<16xf32>
    %swap3A_248 = arith.constant 14 : i32
    %swap3A_249 = arith.index_cast %swap3A_248 : i32 to index
    %swap3A_250 = arith.constant 0 : index
    %swap3A_251 = tpu.vector_load %arg5[%swap3A_249, %swap3A_250] {strides = array<i32>} : memref<128x16xf32, #tpu.memory_space<vmem>>, vector<1x16xf32>,
    %swap3A_252 = vector.shape_cast %swap3A_251 : vector<1x16xf32> to vector<16xf32>
    %swap3A_253 = vector.shape_cast %broadcast_in_dim3A_247 : vector<16xf32> to vector<1x16xf32>
    tpu.vector_store %arg5[%swap3A_249, %swap3A_250], %swap3A_253 {strides = array<i32>} : memref<128x16xf32, #tpu.memory_space<vmem>>, vector<1x16xf32>,
    %broadcast_in_dim3A_254 = arith.constant 1.000000e+00 : f32
    %broadcast_in_dim3A_255 = vector.broadcast %broadcast_in_dim3A_254 : f32 to vector<16xf32>
    %swap3A_256 = arith.constant 15 : i32
    %swap3A_257 = arith.index_cast %swap3A_256 : i32 to index
    %swap3A_258 = arith.constant 0 : index
    %swap3A_259 = tpu.vector_load %arg5[%swap3A_257, %swap3A_258] {strides = array<i32>} : memref<128x16xf32, #tpu.memory_space<vmem>>, vector<1x16xf32>,
    %swap3A_260 = vector.shape_cast %swap3A_259 : vector<1x16xf32> to vector<16xf32>
    %swap3A_261 = vector.shape_cast %broadcast_in_dim3A_255 : vector<16xf32> to vector<1x16xf32>
    tpu.vector_store %arg5[%swap3A_257, %swap3A_258], %swap3A_261 {strides = array<i32>} : memref<128x16xf32, #tpu.memory_space<vmem>>, vector<1x16xf32>,
    %broadcast_in_dim3A_262 = arith.constant 1.000000e+00 : f32
    %broadcast_in_dim3A_263 = vector.broadcast %broadcast_in_dim3A_262 : f32 to vector<16xf32>
    %swap3A_264 = arith.constant 16 : i32
    %swap3A_265 = arith.index_cast %swap3A_264 : i32 to index
    %swap3A_266 = arith.constant 0 : index
    %swap3A_267 = tpu.vector_load %arg5[%swap3A_265, %swap3A_266] {strides = array<i32>} : memref<128x16xf32, #tpu.memory_space<vmem>>, vector<1x16xf32>,
    %swap3A_268 = vector.shape_cast %swap3A_267 : vector<1x16xf32> to vector<16xf32>
    %swap3A_269 = vector.shape_cast %broadcast_in_dim3A_263 : vector<16xf32> to vector<1x16xf32>
    tpu.vector_store %arg5[%swap3A_265, %swap3A_266], %swap3A_269 {strides = array<i32>} : memref<128x16xf32, #tpu.memory_space<vmem>>, vector<1x16xf32>,
    %broadcast_in_dim3A_270 = arith.constant 1.000000e+00 : f32
    %broadcast_in_dim3A_271 = vector.broadcast %broadcast_in_dim3A_270 : f32 to vector<16xf32>
    %swap3A_272 = arith.constant 17 : i32
    %swap3A_273 = arith.index_cast %swap3A_272 : i32 to index
    %swap3A_274 = arith.constant 0 : index
    %swap3A_275 = tpu.vector_load %arg5[%swap3A_273, %swap3A_274] {strides = array<i32>} : memref<128x16xf32, #tpu.memory_space<vmem>>, vector<1x16xf32>,
    %swap3A_276 = vector.shape_cast %swap3A_275 : vector<1x16xf32> to vector<16xf32>
    %swap3A_277 = vector.shape_cast %broadcast_in_dim3A_271 : vector<16xf32> to vector<1x16xf32>
    tpu.vector_store %arg5[%swap3A_273, %swap3A_274], %swap3A_277 {strides = array<i32>} : memref<128x16xf32, #tpu.memory_space<vmem>>, vector<1x16xf32>,
    %broadcast_in_dim3A_278 = arith.constant 1.000000e+00 : f32
    %broadcast_in_dim3A_279 = vector.broadcast %broadcast_in_dim3A_278 : f32 to vector<16xf32>
    %swap3A_280 = arith.constant 18 : i32
    %swap3A_281 = arith.index_cast %swap3A_280 : i32 to index
    %swap3A_282 = arith.constant 0 : index
    %swap3A_283 = tpu.vector_load %arg5[%swap3A_281, %swap3A_282] {strides = array<i32>} : memref<128x16xf32, #tpu.memory_space<vmem>>, vector<1x16xf32>,
    %swap3A_284 = vector.shape_cast %swap3A_283 : vector<1x16xf32> to vector<16xf32>
    %swap3A_285 = vector.shape_cast %broadcast_in_dim3A_279 : vector<16xf32> to vector<1x16xf32>
    tpu.vector_store %arg5[%swap3A_281, %swap3A_282], %swap3A_285 {strides = array<i32>} : memref<128x16xf32, #tpu.memory_space<vmem>>, vector<1x16xf32>,
    %broadcast_in_dim3A_286 = arith.constant 1.000000e+00 : f32
    %broadcast_in_dim3A_287 = vector.broadcast %broadcast_in_dim3A_286 : f32 to vector<16xf32>
    %swap3A_288 = arith.constant 19 : i32
    %swap3A_289 = arith.index_cast %swap3A_288 : i32 to index
    %swap3A_290 = arith.constant 0 : index
    %swap3A_291 = tpu.vector_load %arg5[%swap3A_289, %swap3A_290] {strides = array<i32>} : memref<128x16xf32, #tpu.memory_space<vmem>>, vector<1x16xf32>,
    %swap3A_292 = vector.shape_cast %swap3A_291 : vector<1x16xf32> to vector<16xf32>
    %swap3A_293 = vector.shape_cast %broadcast_in_dim3A_287 : vector<16xf32> to vector<1x16xf32>
    tpu.vector_store %arg5[%swap3A_289, %swap3A_290], %swap3A_293 {strides = array<i32>} : memref<128x16xf32, #tpu.memory_space<vmem>>, vector<1x16xf32>,
    %broadcast_in_dim3A_294 = arith.constant 1.000000e+00 : f32
    %broadcast_in_dim3A_295 = vector.broadcast %broadcast_in_dim3A_294 : f32 to vector<16xf32>
    %swap3A_296 = arith.constant 20 : i32
    %swap3A_297 = arith.index_cast %swap3A_296 : i32 to index
    %swap3A_298 = arith.constant 0 : index
    %swap3A_299 = tpu.vector_load %arg5[%swap3A_297, %swap3A_298] {strides = array<i32>} : memref<128x16xf32, #tpu.memory_space<vmem>>, vector<1x16xf32>,
    %swap3A_300 = vector.shape_cast %swap3A_299 : vector<1x16xf32> to vector<16xf32>
    %swap3A_301 = vector.shape_cast %broadcast_in_dim3A_295 : vector<16xf32> to vector<1x16xf32>
    tpu.vector_store %arg5[%swap3A_297, %swap3A_298], %swap3A_301 {strides = array<i32>} : memref<128x16xf32, #tpu.memory_space<vmem>>, vector<1x16xf32>,
    %broadcast_in_dim3A_302 = arith.constant 1.000000e+00 : f32
    %broadcast_in_dim3A_303 = vector.broadcast %broadcast_in_dim3A_302 : f32 to vector<16xf32>
    %swap3A_304 = arith.constant 21 : i32
    %swap3A_305 = arith.index_cast %swap3A_304 : i32 to index
    %swap3A_306 = arith.constant 0 : index
    %swap3A_307 = tpu.vector_load %arg5[%swap3A_305, %swap3A_306] {strides = array<i32>} : memref<128x16xf32, #tpu.memory_space<vmem>>, vector<1x16xf32>,
    %swap3A_308 = vector.shape_cast %swap3A_307 : vector<1x16xf32> to vector<16xf32>
    %swap3A_309 = vector.shape_cast %broadcast_in_dim3A_303 : vector<16xf32> to vector<1x16xf32>
    tpu.vector_store %arg5[%swap3A_305, %swap3A_306], %swap3A_309 {strides = array<i32>} : memref<128x16xf32, #tpu.memory_space<vmem>>, vector<1x16xf32>,
    %broadcast_in_dim3A_310 = arith.constant 1.000000e+00 : f32
    %broadcast_in_dim3A_311 = vector.broadcast %broadcast_in_dim3A_310 : f32 to vector<16xf32>
    %swap3A_312 = arith.constant 22 : i32
    %swap3A_313 = arith.index_cast %swap3A_312 : i32 to index
    %swap3A_314 = arith.constant 0 : index
    %swap3A_315 = tpu.vector_load %arg5[%swap3A_313, %swap3A_314] {strides = array<i32>} : memref<128x16xf32, #tpu.memory_space<vmem>>, vector<1x16xf32>,
    %swap3A_316 = vector.shape_cast %swap3A_315 : vector<1x16xf32> to vector<16xf32>
    %swap3A_317 = vector.shape_cast %broadcast_in_dim3A_311 : vector<16xf32> to vector<1x16xf32>
    tpu.vector_store %arg5[%swap3A_313, %swap3A_314], %swap3A_317 {strides = array<i32>} : memref<128x16xf32, #tpu.memory_space<vmem>>, vector<1x16xf32>,
    %broadcast_in_dim3A_318 = arith.constant 1.000000e+00 : f32
    %broadcast_in_dim3A_319 = vector.broadcast %broadcast_in_dim3A_318 : f32 to vector<16xf32>
    %swap3A_320 = arith.constant 23 : i32
    %swap3A_321 = arith.index_cast %swap3A_320 : i32 to index
    %swap3A_322 = arith.constant 0 : index
    %swap3A_323 = tpu.vector_load %arg5[%swap3A_321, %swap3A_322] {strides = array<i32>} : memref<128x16xf32, #tpu.memory_space<vmem>>, vector<1x16xf32>,
    %swap3A_324 = vector.shape_cast %swap3A_323 : vector<1x16xf32> to vector<16xf32>
    %swap3A_325 = vector.shape_cast %broadcast_in_dim3A_319 : vector<16xf32> to vector<1x16xf32>
    tpu.vector_store %arg5[%swap3A_321, %swap3A_322], %swap3A_325 {strides = array<i32>} : memref<128x16xf32, #tpu.memory_space<vmem>>, vector<1x16xf32>,
    %broadcast_in_dim3A_326 = arith.constant 1.000000e+00 : f32
    %broadcast_in_dim3A_327 = vector.broadcast %broadcast_in_dim3A_326 : f32 to vector<16xf32>
    %swap3A_328 = arith.constant 24 : i32
    %swap3A_329 = arith.index_cast %swap3A_328 : i32 to index
    %swap3A_330 = arith.constant 0 : index
    %swap3A_331 = tpu.vector_load %arg5[%swap3A_329, %swap3A_330] {strides = array<i32>} : memref<128x16xf32, #tpu.memory_space<vmem>>, vector<1x16xf32>,
    %swap3A_332 = vector.shape_cast %swap3A_331 : vector<1x16xf32> to vector<16xf32>
    %swap3A_333 = vector.shape_cast %broadcast_in_dim3A_327 : vector<16xf32> to vector<1x16xf32>
    tpu.vector_store %arg5[%swap3A_329, %swap3A_330], %swap3A_333 {strides = array<i32>} : memref<128x16xf32, #tpu.memory_space<vmem>>, vector<1x16xf32>,
    %broadcast_in_dim3A_334 = arith.constant 1.000000e+00 : f32
    %broadcast_in_dim3A_335 = vector.broadcast %broadcast_in_dim3A_334 : f32 to vector<16xf32>
    %swap3A_336 = arith.constant 25 : i32
    %swap3A_337 = arith.index_cast %swap3A_336 : i32 to index
    %swap3A_338 = arith.constant 0 : index
    %swap3A_339 = tpu.vector_load %arg5[%swap3A_337, %swap3A_338] {strides = array<i32>} : memref<128x16xf32, #tpu.memory_space<vmem>>, vector<1x16xf32>,
    %swap3A_340 = vector.shape_cast %swap3A_339 : vector<1x16xf32> to vector<16xf32>
    %swap3A_341 = vector.shape_cast %broadcast_in_dim3A_335 : vector<16xf32> to vector<1x16xf32>
    tpu.vector_store %arg5[%swap3A_337, %swap3A_338], %swap3A_341 {strides = array<i32>} : memref<128x16xf32, #tpu.memory_space<vmem>>, vector<1x16xf32>,
    %broadcast_in_dim3A_342 = arith.constant 1.000000e+00 : f32
    %broadcast_in_dim3A_343 = vector.broadcast %broadcast_in_dim3A_342 : f32 to vector<16xf32>
    %swap3A_344 = arith.constant 26 : i32
    %swap3A_345 = arith.index_cast %swap3A_344 : i32 to index
    %swap3A_346 = arith.constant 0 : index
    %swap3A_347 = tpu.vector_load %arg5[%swap3A_345, %swap3A_346] {strides = array<i32>} : memref<128x16xf32, #tpu.memory_space<vmem>>, vector<1x16xf32>,
    %swap3A_348 = vector.shape_cast %swap3A_347 : vector<1x16xf32> to vector<16xf32>
    %swap3A_349 = vector.shape_cast %broadcast_in_dim3A_343 : vector<16xf32> to vector<1x16xf32>
    tpu.vector_store %arg5[%swap3A_345, %swap3A_346], %swap3A_349 {strides = array<i32>} : memref<128x16xf32, #tpu.memory_space<vmem>>, vector<1x16xf32>,
    %broadcast_in_dim3A_350 = arith.constant 1.000000e+00 : f32
    %broadcast_in_dim3A_351 = vector.broadcast %broadcast_in_dim3A_350 : f32 to vector<16xf32>
    %swap3A_352 = arith.constant 27 : i32
    %swap3A_353 = arith.index_cast %swap3A_352 : i32 to index
    %swap3A_354 = arith.constant 0 : index
    %swap3A_355 = tpu.vector_load %arg5[%swap3A_353, %swap3A_354] {strides = array<i32>} : memref<128x16xf32, #tpu.memory_space<vmem>>, vector<1x16xf32>,
    %swap3A_356 = vector.shape_cast %swap3A_355 : vector<1x16xf32> to vector<16xf32>
    %swap3A_357 = vector.shape_cast %broadcast_in_dim3A_351 : vector<16xf32> to vector<1x16xf32>
    tpu.vector_store %arg5[%swap3A_353, %swap3A_354], %swap3A_357 {strides = array<i32>} : memref<128x16xf32, #tpu.memory_space<vmem>>, vector<1x16xf32>,
    %broadcast_in_dim3A_358 = arith.constant 1.000000e+00 : f32
    %broadcast_in_dim3A_359 = vector.broadcast %broadcast_in_dim3A_358 : f32 to vector<16xf32>
    %swap3A_360 = arith.constant 28 : i32
    %swap3A_361 = arith.index_cast %swap3A_360 : i32 to index
    %swap3A_362 = arith.constant 0 : index
    %swap3A_363 = tpu.vector_load %arg5[%swap3A_361, %swap3A_362] {strides = array<i32>} : memref<128x16xf32, #tpu.memory_space<vmem>>, vector<1x16xf32>,
    %swap3A_364 = vector.shape_cast %swap3A_363 : vector<1x16xf32> to vector<16xf32>
    %swap3A_365 = vector.shape_cast %broadcast_in_dim3A_359 : vector<16xf32> to vector<1x16xf32>
    tpu.vector_store %arg5[%swap3A_361, %swap3A_362], %swap3A_365 {strides = array<i32>} : memref<128x16xf32, #tpu.memory_space<vmem>>, vector<1x16xf32>,
    %broadcast_in_dim3A_366 = arith.constant 1.000000e+00 : f32
    %broadcast_in_dim3A_367 = vector.broadcast %broadcast_in_dim3A_366 : f32 to vector<16xf32>
    %swap3A_368 = arith.constant 29 : i32
    %swap3A_369 = arith.index_cast %swap3A_368 : i32 to index
    %swap3A_370 = arith.constant 0 : index
    %swap3A_371 = tpu.vector_load %arg5[%swap3A_369, %swap3A_370] {strides = array<i32>} : memref<128x16xf32, #tpu.memory_space<vmem>>, vector<1x16xf32>,
    %swap3A_372 = vector.shape_cast %swap3A_371 : vector<1x16xf32> to vector<16xf32>
    %swap3A_373 = vector.shape_cast %broadcast_in_dim3A_367 : vector<16xf32> to vector<1x16xf32>
    tpu.vector_store %arg5[%swap3A_369, %swap3A_370], %swap3A_373 {strides = array<i32>} : memref<128x16xf32, #tpu.memory_space<vmem>>, vector<1x16xf32>,
    %broadcast_in_dim3A_374 = arith.constant 1.000000e+00 : f32
    %broadcast_in_dim3A_375 = vector.broadcast %broadcast_in_dim3A_374 : f32 to vector<16xf32>
    %swap3A_376 = arith.constant 30 : i32
    %swap3A_377 = arith.index_cast %swap3A_376 : i32 to index
    %swap3A_378 = arith.constant 0 : index
    %swap3A_379 = tpu.vector_load %arg5[%swap3A_377, %swap3A_378] {strides = array<i32>} : memref<128x16xf32, #tpu.memory_space<vmem>>, vector<1x16xf32>,
    %swap3A_380 = vector.shape_cast %swap3A_379 : vector<1x16xf32> to vector<16xf32>
    %swap3A_381 = vector.shape_cast %broadcast_in_dim3A_375 : vector<16xf32> to vector<1x16xf32>
    tpu.vector_store %arg5[%swap3A_377, %swap3A_378], %swap3A_381 {strides = array<i32>} : memref<128x16xf32, #tpu.memory_space<vmem>>, vector<1x16xf32>,
    %broadcast_in_dim3A_382 = arith.constant 1.000000e+00 : f32
    %broadcast_in_dim3A_383 = vector.broadcast %broadcast_in_dim3A_382 : f32 to vector<16xf32>
    %swap3A_384 = arith.constant 31 : i32
    %swap3A_385 = arith.index_cast %swap3A_384 : i32 to index
    %swap3A_386 = arith.constant 0 : index
    %swap3A_387 = tpu.vector_load %arg5[%swap3A_385, %swap3A_386] {strides = array<i32>} : memref<128x16xf32, #tpu.memory_space<vmem>>, vector<1x16xf32>,
    %swap3A_388 = vector.shape_cast %swap3A_387 : vector<1x16xf32> to vector<16xf32>
    %swap3A_389 = vector.shape_cast %broadcast_in_dim3A_383 : vector<16xf32> to vector<1x16xf32>
    tpu.vector_store %arg5[%swap3A_385, %swap3A_386], %swap3A_389 {strides = array<i32>} : memref<128x16xf32, #tpu.memory_space<vmem>>, vector<1x16xf32>,
    %broadcast_in_dim3A_390 = arith.constant 1.000000e+00 : f32
    %broadcast_in_dim3A_391 = vector.broadcast %broadcast_in_dim3A_390 : f32 to vector<16xf32>
    %swap3A_392 = arith.constant 32 : i32
    %swap3A_393 = arith.index_cast %swap3A_392 : i32 to index
    %swap3A_394 = arith.constant 0 : index
    %swap3A_395 = tpu.vector_load %arg5[%swap3A_393, %swap3A_394] {strides = array<i32>} : memref<128x16xf32, #tpu.memory_space<vmem>>, vector<1x16xf32>,
    %swap3A_396 = vector.shape_cast %swap3A_395 : vector<1x16xf32> to vector<16xf32>
    %swap3A_397 = vector.shape_cast %broadcast_in_dim3A_391 : vector<16xf32> to vector<1x16xf32>
    tpu.vector_store %arg5[%swap3A_393, %swap3A_394], %swap3A_397 {strides = array<i32>} : memref<128x16xf32, #tpu.memory_space<vmem>>, vector<1x16xf32>,
    %broadcast_in_dim3A_398 = arith.constant 1.000000e+00 : f32
    %broadcast_in_dim3A_399 = vector.broadcast %broadcast_in_dim3A_398 : f32 to vector<16xf32>
    %swap3A_400 = arith.constant 33 : i32
    %swap3A_401 = arith.index_cast %swap3A_400 : i32 to index
    %swap3A_402 = arith.constant 0 : index
    %swap3A_403 = tpu.vector_load %arg5[%swap3A_401, %swap3A_402] {strides = array<i32>} : memref<128x16xf32, #tpu.memory_space<vmem>>, vector<1x16xf32>,
    %swap3A_404 = vector.shape_cast %swap3A_403 : vector<1x16xf32> to vector<16xf32>
    %swap3A_405 = vector.shape_cast %broadcast_in_dim3A_399 : vector<16xf32> to vector<1x16xf32>
    tpu.vector_store %arg5[%swap3A_401, %swap3A_402], %swap3A_405 {strides = array<i32>} : memref<128x16xf32, #tpu.memory_space<vmem>>, vector<1x16xf32>,
    %broadcast_in_dim3A_406 = arith.constant 1.000000e+00 : f32
    %broadcast_in_dim3A_407 = vector.broadcast %broadcast_in_dim3A_406 : f32 to vector<16xf32>
    %swap3A_408 = arith.constant 34 : i32
    %swap3A_409 = arith.index_cast %swap3A_408 : i32 to index
    %swap3A_410 = arith.constant 0 : index
    %swap3A_411 = tpu.vector_load %arg5[%swap3A_409, %swap3A_410] {strides = array<i32>} : memref<128x16xf32, #tpu.memory_space<vmem>>, vector<1x16xf32>,
    %swap3A_412 = vector.shape_cast %swap3A_411 : vector<1x16xf32> to vector<16xf32>
    %swap3A_413 = vector.shape_cast %broadcast_in_dim3A_407 : vector<16xf32> to vector<1x16xf32>
    tpu.vector_store %arg5[%swap3A_409, %swap3A_410], %swap3A_413 {strides = array<i32>} : memref<128x16xf32, #tpu.memory_space<vmem>>, vector<1x16xf32>,
    %broadcast_in_dim3A_414 = arith.constant 1.000000e+00 : f32
    %broadcast_in_dim3A_415 = vector.broadcast %broadcast_in_dim3A_414 : f32 to vector<16xf32>
    %swap3A_416 = arith.constant 35 : i32
    %swap3A_417 = arith.index_cast %swap3A_416 : i32 to index
    %swap3A_418 = arith.constant 0 : index
    %swap3A_419 = tpu.vector_load %arg5[%swap3A_417, %swap3A_418] {strides = array<i32>} : memref<128x16xf32, #tpu.memory_space<vmem>>, vector<1x16xf32>,
    %swap3A_420 = vector.shape_cast %swap3A_419 : vector<1x16xf32> to vector<16xf32>
    %swap3A_421 = vector.shape_cast %broadcast_in_dim3A_415 : vector<16xf32> to vector<1x16xf32>
    tpu.vector_store %arg5[%swap3A_417, %swap3A_418], %swap3A_421 {strides = array<i32>} : memref<128x16xf32, #tpu.memory_space<vmem>>, vector<1x16xf32>,
    %broadcast_in_dim3A_422 = arith.constant 1.000000e+00 : f32
    %broadcast_in_dim3A_423 = vector.broadcast %broadcast_in_dim3A_422 : f32 to vector<16xf32>
    %swap3A_424 = arith.constant 36 : i32
    %swap3A_425 = arith.index_cast %swap3A_424 : i32 to index
    %swap3A_426 = arith.constant 0 : index
    %swap3A_427 = tpu.vector_load %arg5[%swap3A_425, %swap3A_426] {strides = array<i32>} : memref<128x16xf32, #tpu.memory_space<vmem>>, vector<1x16xf32>,
    %swap3A_428 = vector.shape_cast %swap3A_427 : vector<1x16xf32> to vector<16xf32>
    %swap3A_429 = vector.shape_cast %broadcast_in_dim3A_423 : vector<16xf32> to vector<1x16xf32>
    tpu.vector_store %arg5[%swap3A_425, %swap3A_426], %swap3A_429 {strides = array<i32>} : memref<128x16xf32, #tpu.memory_space<vmem>>, vector<1x16xf32>,
    %broadcast_in_dim3A_430 = arith.constant 1.000000e+00 : f32
    %broadcast_in_dim3A_431 = vector.broadcast %broadcast_in_dim3A_430 : f32 to vector<16xf32>
    %swap3A_432 = arith.constant 37 : i32
    %swap3A_433 = arith.index_cast %swap3A_432 : i32 to index
    %swap3A_434 = arith.constant 0 : index
    %swap3A_435 = tpu.vector_load %arg5[%swap3A_433, %swap3A_434] {strides = array<i32>} : memref<128x16xf32, #tpu.memory_space<vmem>>, vector<1x16xf32>,
    %swap3A_436 = vector.shape_cast %swap3A_435 : vector<1x16xf32> to vector<16xf32>
    %swap3A_437 = vector.shape_cast %broadcast_in_dim3A_431 : vector<16xf32> to vector<1x16xf32>
    tpu.vector_store %arg5[%swap3A_433, %swap3A_434], %swap3A_437 {strides = array<i32>} : memref<128x16xf32, #tpu.memory_space<vmem>>, vector<1x16xf32>,
    %broadcast_in_dim3A_438 = arith.constant 1.000000e+00 : f32
    %broadcast_in_dim3A_439 = vector.broadcast %broadcast_in_dim3A_438 : f32 to vector<16xf32>
    %swap3A_440 = arith.constant 38 : i32
    %swap3A_441 = arith.index_cast %swap3A_440 : i32 to index
    %swap3A_442 = arith.constant 0 : index
    %swap3A_443 = tpu.vector_load %arg5[%swap3A_441, %swap3A_442] {strides = array<i32>} : memref<128x16xf32, #tpu.memory_space<vmem>>, vector<1x16xf32>,
    %swap3A_444 = vector.shape_cast %swap3A_443 : vector<1x16xf32> to vector<16xf32>
    %swap3A_445 = vector.shape_cast %broadcast_in_dim3A_439 : vector<16xf32> to vector<1x16xf32>
    tpu.vector_store %arg5[%swap3A_441, %swap3A_442], %swap3A_445 {strides = array<i32>} : memref<128x16xf32, #tpu.memory_space<vmem>>, vector<1x16xf32>,
    %broadcast_in_dim3A_446 = arith.constant 1.000000e+00 : f32
    %broadcast_in_dim3A_447 = vector.broadcast %broadcast_in_dim3A_446 : f32 to vector<16xf32>
    %swap3A_448 = arith.constant 39 : i32
    %swap3A_449 = arith.index_cast %swap3A_448 : i32 to index
    %swap3A_450 = arith.constant 0 : index
    %swap3A_451 = tpu.vector_load %arg5[%swap3A_449, %swap3A_450] {strides = array<i32>} : memref<128x16xf32, #tpu.memory_space<vmem>>, vector<1x16xf32>,
    %swap3A_452 = vector.shape_cast %swap3A_451 : vector<1x16xf32> to vector<16xf32>
    %swap3A_453 = vector.shape_cast %broadcast_in_dim3A_447 : vector<16xf32> to vector<1x16xf32>
    tpu.vector_store %arg5[%swap3A_449, %swap3A_450], %swap3A_453 {strides = array<i32>} : memref<128x16xf32, #tpu.memory_space<vmem>>, vector<1x16xf32>,
    %broadcast_in_dim3A_454 = arith.constant 1.000000e+00 : f32
    %broadcast_in_dim3A_455 = vector.broadcast %broadcast_in_dim3A_454 : f32 to vector<16xf32>
    %swap3A_456 = arith.constant 40 : i32
    %swap3A_457 = arith.index_cast %swap3A_456 : i32 to index
    %swap3A_458 = arith.constant 0 : index
    %swap3A_459 = tpu.vector_load %arg5[%swap3A_457, %swap3A_458] {strides = array<i32>} : memref<128x16xf32, #tpu.memory_space<vmem>>, vector<1x16xf32>,
    %swap3A_460 = vector.shape_cast %swap3A_459 : vector<1x16xf32> to vector<16xf32>
    %swap3A_461 = vector.shape_cast %broadcast_in_dim3A_455 : vector<16xf32> to vector<1x16xf32>
    tpu.vector_store %arg5[%swap3A_457, %swap3A_458], %swap3A_461 {strides = array<i32>} : memref<128x16xf32, #tpu.memory_space<vmem>>, vector<1x16xf32>,
    %broadcast_in_dim3A_462 = arith.constant 1.000000e+00 : f32
    %broadcast_in_dim3A_463 = vector.broadcast %broadcast_in_dim3A_462 : f32 to vector<16xf32>
    %swap3A_464 = arith.constant 41 : i32
    %swap3A_465 = arith.index_cast %swap3A_464 : i32 to index
    %swap3A_466 = arith.constant 0 : index
    %swap3A_467 = tpu.vector_load %arg5[%swap3A_465, %swap3A_466] {strides = array<i32>} : memref<128x16xf32, #tpu.memory_space<vmem>>, vector<1x16xf32>,
    %swap3A_468 = vector.shape_cast %swap3A_467 : vector<1x16xf32> to vector<16xf32>
    %swap3A_469 = vector.shape_cast %broadcast_in_dim3A_463 : vector<16xf32> to vector<1x16xf32>
    tpu.vector_store %arg5[%swap3A_465, %swap3A_466], %swap3A_469 {strides = array<i32>} : memref<128x16xf32, #tpu.memory_space<vmem>>, vector<1x16xf32>,
    %broadcast_in_dim3A_470 = arith.constant 1.000000e+00 : f32
    %broadcast_in_dim3A_471 = vector.broadcast %broadcast_in_dim3A_470 : f32 to vector<16xf32>
    %swap3A_472 = arith.constant 42 : i32
    %swap3A_473 = arith.index_cast %swap3A_472 : i32 to index
    %swap3A_474 = arith.constant 0 : index
    %swap3A_475 = tpu.vector_load %arg5[%swap3A_473, %swap3A_474] {strides = array<i32>} : memref<128x16xf32, #tpu.memory_space<vmem>>, vector<1x16xf32>,
    %swap3A_476 = vector.shape_cast %swap3A_475 : vector<1x16xf32> to vector<16xf32>
    %swap3A_477 = vector.shape_cast %broadcast_in_dim3A_471 : vector<16xf32> to vector<1x16xf32>
    tpu.vector_store %arg5[%swap3A_473, %swap3A_474], %swap3A_477 {strides = array<i32>} : memref<128x16xf32, #tpu.memory_space<vmem>>, vector<1x16xf32>,
    %broadcast_in_dim3A_478 = arith.constant 1.000000e+00 : f32
    %broadcast_in_dim3A_479 = vector.broadcast %broadcast_in_dim3A_478 : f32 to vector<16xf32>
    %swap3A_480 = arith.constant 43 : i32
    %swap3A_481 = arith.index_cast %swap3A_480 : i32 to index
    %swap3A_482 = arith.constant 0 : index
    %swap3A_483 = tpu.vector_load %arg5[%swap3A_481, %swap3A_482] {strides = array<i32>} : memref<128x16xf32, #tpu.memory_space<vmem>>, vector<1x16xf32>,
    %swap3A_484 = vector.shape_cast %swap3A_483 : vector<1x16xf32> to vector<16xf32>
    %swap3A_485 = vector.shape_cast %broadcast_in_dim3A_479 : vector<16xf32> to vector<1x16xf32>
    tpu.vector_store %arg5[%swap3A_481, %swap3A_482], %swap3A_485 {strides = array<i32>} : memref<128x16xf32, #tpu.memory_space<vmem>>, vector<1x16xf32>,
    %broadcast_in_dim3A_486 = arith.constant 1.000000e+00 : f32
    %broadcast_in_dim3A_487 = vector.broadcast %broadcast_in_dim3A_486 : f32 to vector<16xf32>
    %swap3A_488 = arith.constant 44 : i32
    %swap3A_489 = arith.index_cast %swap3A_488 : i32 to index
    %swap3A_490 = arith.constant 0 : index
    %swap3A_491 = tpu.vector_load %arg5[%swap3A_489, %swap3A_490] {strides = array<i32>} : memref<128x16xf32, #tpu.memory_space<vmem>>, vector<1x16xf32>,
    %swap3A_492 = vector.shape_cast %swap3A_491 : vector<1x16xf32> to vector<16xf32>
    %swap3A_493 = vector.shape_cast %broadcast_in_dim3A_487 : vector<16xf32> to vector<1x16xf32>
    tpu.vector_store %arg5[%swap3A_489, %swap3A_490], %swap3A_493 {strides = array<i32>} : memref<128x16xf32, #tpu.memory_space<vmem>>, vector<1x16xf32>,
    %broadcast_in_dim3A_494 = arith.constant 1.000000e+00 : f32
    %broadcast_in_dim3A_495 = vector.broadcast %broadcast_in_dim3A_494 : f32 to vector<16xf32>
    %swap3A_496 = arith.constant 45 : i32
    %swap3A_497 = arith.index_cast %swap3A_496 : i32 to index
    %swap3A_498 = arith.constant 0 : index
    %swap3A_499 = tpu.vector_load %arg5[%swap3A_497, %swap3A_498] {strides = array<i32>} : memref<128x16xf32, #tpu.memory_space<vmem>>, vector<1x16xf32>,
    %swap3A_500 = vector.shape_cast %swap3A_499 : vector<1x16xf32> to vector<16xf32>
    %swap3A_501 = vector.shape_cast %broadcast_in_dim3A_495 : vector<16xf32> to vector<1x16xf32>
    tpu.vector_store %arg5[%swap3A_497, %swap3A_498], %swap3A_501 {strides = array<i32>} : memref<128x16xf32, #tpu.memory_space<vmem>>, vector<1x16xf32>,
    %broadcast_in_dim3A_502 = arith.constant 1.000000e+00 : f32
    %broadcast_in_dim3A_503 = vector.broadcast %broadcast_in_dim3A_502 : f32 to vector<16xf32>
    %swap3A_504 = arith.constant 46 : i32
    %swap3A_505 = arith.index_cast %swap3A_504 : i32 to index
    %swap3A_506 = arith.constant 0 : index
    %swap3A_507 = tpu.vector_load %arg5[%swap3A_505, %swap3A_506] {strides = array<i32>} : memref<128x16xf32, #tpu.memory_space<vmem>>, vector<1x16xf32>,
    %swap3A_508 = vector.shape_cast %swap3A_507 : vector<1x16xf32> to vector<16xf32>
    %swap3A_509 = vector.shape_cast %broadcast_in_dim3A_503 : vector<16xf32> to vector<1x16xf32>
    tpu.vector_store %arg5[%swap3A_505, %swap3A_506], %swap3A_509 {strides = array<i32>} : memref<128x16xf32, #tpu.memory_space<vmem>>, vector<1x16xf32>,
    %broadcast_in_dim3A_510 = arith.constant 1.000000e+00 : f32
    %broadcast_in_dim3A_511 = vector.broadcast %broadcast_in_dim3A_510 : f32 to vector<16xf32>
    %swap3A_512 = arith.constant 47 : i32
    %swap3A_513 = arith.index_cast %swap3A_512 : i32 to index
    %swap3A_514 = arith.constant 0 : index
    %swap3A_515 = tpu.vector_load %arg5[%swap3A_513, %swap3A_514] {strides = array<i32>} : memref<128x16xf32, #tpu.memory_space<vmem>>, vector<1x16xf32>,
    %swap3A_516 = vector.shape_cast %swap3A_515 : vector<1x16xf32> to vector<16xf32>
    %swap3A_517 = vector.shape_cast %broadcast_in_dim3A_511 : vector<16xf32> to vector<1x16xf32>
    tpu.vector_store %arg5[%swap3A_513, %swap3A_514], %swap3A_517 {strides = array<i32>} : memref<128x16xf32, #tpu.memory_space<vmem>>, vector<1x16xf32>,
    %broadcast_in_dim3A_518 = arith.constant 1.000000e+00 : f32
    %broadcast_in_dim3A_519 = vector.broadcast %broadcast_in_dim3A_518 : f32 to vector<16xf32>
    %swap3A_520 = arith.constant 48 : i32
    %swap3A_521 = arith.index_cast %swap3A_520 : i32 to index
    %swap3A_522 = arith.constant 0 : index
    %swap3A_523 = tpu.vector_load %arg5[%swap3A_521, %swap3A_522] {strides = array<i32>} : memref<128x16xf32, #tpu.memory_space<vmem>>, vector<1x16xf32>,
    %swap3A_524 = vector.shape_cast %swap3A_523 : vector<1x16xf32> to vector<16xf32>
    %swap3A_525 = vector.shape_cast %broadcast_in_dim3A_519 : vector<16xf32> to vector<1x16xf32>
    tpu.vector_store %arg5[%swap3A_521, %swap3A_522], %swap3A_525 {strides = array<i32>} : memref<128x16xf32, #tpu.memory_space<vmem>>, vector<1x16xf32>,
    %broadcast_in_dim3A_526 = arith.constant 1.000000e+00 : f32
    %broadcast_in_dim3A_527 = vector.broadcast %broadcast_in_dim3A_526 : f32 to vector<16xf32>
    %swap3A_528 = arith.constant 49 : i32
    %swap3A_529 = arith.index_cast %swap3A_528 : i32 to index
    %swap3A_530 = arith.constant 0 : index
    %swap3A_531 = tpu.vector_load %arg5[%swap3A_529, %swap3A_530] {strides = array<i32>} : memref<128x16xf32, #tpu.memory_space<vmem>>, vector<1x16xf32>,
    %swap3A_532 = vector.shape_cast %swap3A_531 : vector<1x16xf32> to vector<16xf32>
    %swap3A_533 = vector.shape_cast %broadcast_in_dim3A_527 : vector<16xf32> to vector<1x16xf32>
    tpu.vector_store %arg5[%swap3A_529, %swap3A_530], %swap3A_533 {strides = array<i32>} : memref<128x16xf32, #tpu.memory_space<vmem>>, vector<1x16xf32>,
    %broadcast_in_dim3A_534 = arith.constant 1.000000e+00 : f32
    %broadcast_in_dim3A_535 = vector.broadcast %broadcast_in_dim3A_534 : f32 to vector<16xf32>
    %swap3A_536 = arith.constant 50 : i32
    %swap3A_537 = arith.index_cast %swap3A_536 : i32 to index
    %swap3A_538 = arith.constant 0 : index
    %swap3A_539 = tpu.vector_load %arg5[%swap3A_537, %swap3A_538] {strides = array<i32>} : memref<128x16xf32, #tpu.memory_space<vmem>>, vector<1x16xf32>,
    %swap3A_540 = vector.shape_cast %swap3A_539 : vector<1x16xf32> to vector<16xf32>
    %swap3A_541 = vector.shape_cast %broadcast_in_dim3A_535 : vector<16xf32> to vector<1x16xf32>
    tpu.vector_store %arg5[%swap3A_537, %swap3A_538], %swap3A_541 {strides = array<i32>} : memref<128x16xf32, #tpu.memory_space<vmem>>, vector<1x16xf32>,
    %broadcast_in_dim3A_542 = arith.constant 1.000000e+00 : f32
    %broadcast_in_dim3A_543 = vector.broadcast %broadcast_in_dim3A_542 : f32 to vector<16xf32>
    %swap3A_544 = arith.constant 51 : i32
    %swap3A_545 = arith.index_cast %swap3A_544 : i32 to index
    %swap3A_546 = arith.constant 0 : index
    %swap3A_547 = tpu.vector_load %arg5[%swap3A_545, %swap3A_546] {strides = array<i32>} : memref<128x16xf32, #tpu.memory_space<vmem>>, vector<1x16xf32>,
    %swap3A_548 = vector.shape_cast %swap3A_547 : vector<1x16xf32> to vector<16xf32>
    %swap3A_549 = vector.shape_cast %broadcast_in_dim3A_543 : vector<16xf32> to vector<1x16xf32>
    tpu.vector_store %arg5[%swap3A_545, %swap3A_546], %swap3A_549 {strides = array<i32>} : memref<128x16xf32, #tpu.memory_space<vmem>>, vector<1x16xf32>,
    %broadcast_in_dim3A_550 = arith.constant 1.000000e+00 : f32
    %broadcast_in_dim3A_551 = vector.broadcast %broadcast_in_dim3A_550 : f32 to vector<16xf32>
    %swap3A_552 = arith.constant 52 : i32
    %swap3A_553 = arith.index_cast %swap3A_552 : i32 to index
    %swap3A_554 = arith.constant 0 : index
    %swap3A_555 = tpu.vector_load %arg5[%swap3A_553, %swap3A_554] {strides = array<i32>} : memref<128x16xf32, #tpu.memory_space<vmem>>, vector<1x16xf32>,
    %swap3A_556 = vector.shape_cast %swap3A_555 : vector<1x16xf32> to vector<16xf32>
    %swap3A_557 = vector.shape_cast %broadcast_in_dim3A_551 : vector<16xf32> to vector<1x16xf32>
    tpu.vector_store %arg5[%swap3A_553, %swap3A_554], %swap3A_557 {strides = array<i32>} : memref<128x16xf32, #tpu.memory_space<vmem>>, vector<1x16xf32>,
    %broadcast_in_dim3A_558 = arith.constant 1.000000e+00 : f32
    %broadcast_in_dim3A_559 = vector.broadcast %broadcast_in_dim3A_558 : f32 to vector<16xf32>
    %swap3A_560 = arith.constant 53 : i32
    %swap3A_561 = arith.index_cast %swap3A_560 : i32 to index
    %swap3A_562 = arith.constant 0 : index
    %swap3A_563 = tpu.vector_load %arg5[%swap3A_561, %swap3A_562] {strides = array<i32>} : memref<128x16xf32, #tpu.memory_space<vmem>>, vector<1x16xf32>,
    %swap3A_564 = vector.shape_cast %swap3A_563 : vector<1x16xf32> to vector<16xf32>
    %swap3A_565 = vector.shape_cast %broadcast_in_dim3A_559 : vector<16xf32> to vector<1x16xf32>
    tpu.vector_store %arg5[%swap3A_561, %swap3A_562], %swap3A_565 {strides = array<i32>} : memref<128x16xf32, #tpu.memory_space<vmem>>, vector<1x16xf32>,
    %broadcast_in_dim3A_566 = arith.constant 1.000000e+00 : f32
    %broadcast_in_dim3A_567 = vector.broadcast %broadcast_in_dim3A_566 : f32 to vector<16xf32>
    %swap3A_568 = arith.constant 54 : i32
    %swap3A_569 = arith.index_cast %swap3A_568 : i32 to index
    %swap3A_570 = arith.constant 0 : index
    %swap3A_571 = tpu.vector_load %arg5[%swap3A_569, %swap3A_570] {strides = array<i32>} : memref<128x16xf32, #tpu.memory_space<vmem>>, vector<1x16xf32>,
    %swap3A_572 = vector.shape_cast %swap3A_571 : vector<1x16xf32> to vector<16xf32>
    %swap3A_573 = vector.shape_cast %broadcast_in_dim3A_567 : vector<16xf32> to vector<1x16xf32>
    tpu.vector_store %arg5[%swap3A_569, %swap3A_570], %swap3A_573 {strides = array<i32>} : memref<128x16xf32, #tpu.memory_space<vmem>>, vector<1x16xf32>,
    %broadcast_in_dim3A_574 = arith.constant 1.000000e+00 : f32
    %broadcast_in_dim3A_575 = vector.broadcast %broadcast_in_dim3A_574 : f32 to vector<16xf32>
    %swap3A_576 = arith.constant 55 : i32
    %swap3A_577 = arith.index_cast %swap3A_576 : i32 to index
    %swap3A_578 = arith.constant 0 : index
    %swap3A_579 = tpu.vector_load %arg5[%swap3A_577, %swap3A_578] {strides = array<i32>} : memref<128x16xf32, #tpu.memory_space<vmem>>, vector<1x16xf32>,
    %swap3A_580 = vector.shape_cast %swap3A_579 : vector<1x16xf32> to vector<16xf32>
    %swap3A_581 = vector.shape_cast %broadcast_in_dim3A_575 : vector<16xf32> to vector<1x16xf32>
    tpu.vector_store %arg5[%swap3A_577, %swap3A_578], %swap3A_581 {strides = array<i32>} : memref<128x16xf32, #tpu.memory_space<vmem>>, vector<1x16xf32>,
    %broadcast_in_dim3A_582 = arith.constant 1.000000e+00 : f32
    %broadcast_in_dim3A_583 = vector.broadcast %broadcast_in_dim3A_582 : f32 to vector<16xf32>
    %swap3A_584 = arith.constant 56 : i32
    %swap3A_585 = arith.index_cast %swap3A_584 : i32 to index
    %swap3A_586 = arith.constant 0 : index
    %swap3A_587 = tpu.vector_load %arg5[%swap3A_585, %swap3A_586] {strides = array<i32>} : memref<128x16xf32, #tpu.memory_space<vmem>>, vector<1x16xf32>,
    %swap3A_588 = vector.shape_cast %swap3A_587 : vector<1x16xf32> to vector<16xf32>
    %swap3A_589 = vector.shape_cast %broadcast_in_dim3A_583 : vector<16xf32> to vector<1x16xf32>
    tpu.vector_store %arg5[%swap3A_585, %swap3A_586], %swap3A_589 {strides = array<i32>} : memref<128x16xf32, #tpu.memory_space<vmem>>, vector<1x16xf32>,
    %broadcast_in_dim3A_590 = arith.constant 1.000000e+00 : f32
    %broadcast_in_dim3A_591 = vector.broadcast %broadcast_in_dim3A_590 : f32 to vector<16xf32>
    %swap3A_592 = arith.constant 57 : i32
    %swap3A_593 = arith.index_cast %swap3A_592 : i32 to index
    %swap3A_594 = arith.constant 0 : index
    %swap3A_595 = tpu.vector_load %arg5[%swap3A_593, %swap3A_594] {strides = array<i32>} : memref<128x16xf32, #tpu.memory_space<vmem>>, vector<1x16xf32>,
    %swap3A_596 = vector.shape_cast %swap3A_595 : vector<1x16xf32> to vector<16xf32>
    %swap3A_597 = vector.shape_cast %broadcast_in_dim3A_591 : vector<16xf32> to vector<1x16xf32>
    tpu.vector_store %arg5[%swap3A_593, %swap3A_594], %swap3A_597 {strides = array<i32>} : memref<128x16xf32, #tpu.memory_space<vmem>>, vector<1x16xf32>,
    %broadcast_in_dim3A_598 = arith.constant 1.000000e+00 : f32
    %broadcast_in_dim3A_599 = vector.broadcast %broadcast_in_dim3A_598 : f32 to vector<16xf32>
    %swap3A_600 = arith.constant 58 : i32
    %swap3A_601 = arith.index_cast %swap3A_600 : i32 to index
    %swap3A_602 = arith.constant 0 : index
    %swap3A_603 = tpu.vector_load %arg5[%swap3A_601, %swap3A_602] {strides = array<i32>} : memref<128x16xf32, #tpu.memory_space<vmem>>, vector<1x16xf32>,
    %swap3A_604 = vector.shape_cast %swap3A_603 : vector<1x16xf32> to vector<16xf32>
    %swap3A_605 = vector.shape_cast %broadcast_in_dim3A_599 : vector<16xf32> to vector<1x16xf32>
    tpu.vector_store %arg5[%swap3A_601, %swap3A_602], %swap3A_605 {strides = array<i32>} : memref<128x16xf32, #tpu.memory_space<vmem>>, vector<1x16xf32>,
    %broadcast_in_dim3A_606 = arith.constant 1.000000e+00 : f32
    %broadcast_in_dim3A_607 = vector.broadcast %broadcast_in_dim3A_606 : f32 to vector<16xf32>
    %swap3A_608 = arith.constant 59 : i32
    %swap3A_609 = arith.index_cast %swap3A_608 : i32 to index
    %swap3A_610 = arith.constant 0 : index
    %swap3A_611 = tpu.vector_load %arg5[%swap3A_609, %swap3A_610] {strides = array<i32>} : memref<128x16xf32, #tpu.memory_space<vmem>>, vector<1x16xf32>,
    %swap3A_612 = vector.shape_cast %swap3A_611 : vector<1x16xf32> to vector<16xf32>
    %swap3A_613 = vector.shape_cast %broadcast_in_dim3A_607 : vector<16xf32> to vector<1x16xf32>
    tpu.vector_store %arg5[%swap3A_609, %swap3A_610], %swap3A_613 {strides = array<i32>} : memref<128x16xf32, #tpu.memory_space<vmem>>, vector<1x16xf32>,
    %broadcast_in_dim3A_614 = arith.constant 1.000000e+00 : f32
    %broadcast_in_dim3A_615 = vector.broadcast %broadcast_in_dim3A_614 : f32 to vector<16xf32>
    %swap3A_616 = arith.constant 60 : i32
    %swap3A_617 = arith.index_cast %swap3A_616 : i32 to index
    %swap3A_618 = arith.constant 0 : index
    %swap3A_619 = tpu.vector_load %arg5[%swap3A_617, %swap3A_618] {strides = array<i32>} : memref<128x16xf32, #tpu.memory_space<vmem>>, vector<1x16xf32>,
    %swap3A_620 = vector.shape_cast %swap3A_619 : vector<1x16xf32> to vector<16xf32>
    %swap3A_621 = vector.shape_cast %broadcast_in_dim3A_615 : vector<16xf32> to vector<1x16xf32>
    tpu.vector_store %arg5[%swap3A_617, %swap3A_618], %swap3A_621 {strides = array<i32>} : memref<128x16xf32, #tpu.memory_space<vmem>>, vector<1x16xf32>,
    %broadcast_in_dim3A_622 = arith.constant 1.000000e+00 : f32
    %broadcast_in_dim3A_623 = vector.broadcast %broadcast_in_dim3A_622 : f32 to vector<16xf32>
    %swap3A_624 = arith.constant 61 : i32
    %swap3A_625 = arith.index_cast %swap3A_624 : i32 to index
    %swap3A_626 = arith.constant 0 : index
    %swap3A_627 = tpu.vector_load %arg5[%swap3A_625, %swap3A_626] {strides = array<i32>} : memref<128x16xf32, #tpu.memory_space<vmem>>, vector<1x16xf32>,
    %swap3A_628 = vector.shape_cast %swap3A_627 : vector<1x16xf32> to vector<16xf32>
    %swap3A_629 = vector.shape_cast %broadcast_in_dim3A_623 : vector<16xf32> to vector<1x16xf32>
    tpu.vector_store %arg5[%swap3A_625, %swap3A_626], %swap3A_629 {strides = array<i32>} : memref<128x16xf32, #tpu.memory_space<vmem>>, vector<1x16xf32>,
    %broadcast_in_dim3A_630 = arith.constant 1.000000e+00 : f32
    %broadcast_in_dim3A_631 = vector.broadcast %broadcast_in_dim3A_630 : f32 to vector<16xf32>
    %swap3A_632 = arith.constant 62 : i32
    %swap3A_633 = arith.index_cast %swap3A_632 : i32 to index
    %swap3A_634 = arith.constant 0 : index
    %swap3A_635 = tpu.vector_load %arg5[%swap3A_633, %swap3A_634] {strides = array<i32>} : memref<128x16xf32, #tpu.memory_space<vmem>>, vector<1x16xf32>,
    %swap3A_636 = vector.shape_cast %swap3A_635 : vector<1x16xf32> to vector<16xf32>
    %swap3A_637 = vector.shape_cast %broadcast_in_dim3A_631 : vector<16xf32> to vector<1x16xf32>
    tpu.vector_store %arg5[%swap3A_633, %swap3A_634], %swap3A_637 {strides = array<i32>} : memref<128x16xf32, #tpu.memory_space<vmem>>, vector<1x16xf32>,
    %broadcast_in_dim3A_638 = arith.constant 1.000000e+00 : f32
    %broadcast_in_dim3A_639 = vector.broadcast %broadcast_in_dim3A_638 : f32 to vector<16xf32>
    %swap3A_640 = arith.constant 63 : i32
    %swap3A_641 = arith.index_cast %swap3A_640 : i32 to index
    %swap3A_642 = arith.constant 0 : index
    %swap3A_643 = tpu.vector_load %arg5[%swap3A_641, %swap3A_642] {strides = array<i32>} : memref<128x16xf32, #tpu.memory_space<vmem>>, vector<1x16xf32>,
    %swap3A_644 = vector.shape_cast %swap3A_643 : vector<1x16xf32> to vector<16xf32>
    %swap3A_645 = vector.shape_cast %broadcast_in_dim3A_639 : vector<16xf32> to vector<1x16xf32>
    tpu.vector_store %arg5[%swap3A_641, %swap3A_642], %swap3A_645 {strides = array<i32>} : memref<128x16xf32, #tpu.memory_space<vmem>>, vector<1x16xf32>,
    %broadcast_in_dim3A_646 = arith.constant 1.000000e+00 : f32
    %broadcast_in_dim3A_647 = vector.broadcast %broadcast_in_dim3A_646 : f32 to vector<16xf32>
    %swap3A_648 = arith.constant 64 : i32
    %swap3A_649 = arith.index_cast %swap3A_648 : i32 to index
    %swap3A_650 = arith.constant 0 : index
    %swap3A_651 = tpu.vector_load %arg5[%swap3A_649, %swap3A_650] {strides = array<i32>} : memref<128x16xf32, #tpu.memory_space<vmem>>, vector<1x16xf32>,
    %swap3A_652 = vector.shape_cast %swap3A_651 : vector<1x16xf32> to vector<16xf32>
    %swap3A_653 = vector.shape_cast %broadcast_in_dim3A_647 : vector<16xf32> to vector<1x16xf32>
    tpu.vector_store %arg5[%swap3A_649, %swap3A_650], %swap3A_653 {strides = array<i32>} : memref<128x16xf32, #tpu.memory_space<vmem>>, vector<1x16xf32>,
    %broadcast_in_dim3A_654 = arith.constant 1.000000e+00 : f32
    %broadcast_in_dim3A_655 = vector.broadcast %broadcast_in_dim3A_654 : f32 to vector<16xf32>
    %swap3A_656 = arith.constant 65 : i32
    %swap3A_657 = arith.index_cast %swap3A_656 : i32 to index
    %swap3A_658 = arith.constant 0 : index
    %swap3A_659 = tpu.vector_load %arg5[%swap3A_657, %swap3A_658] {strides = array<i32>} : memref<128x16xf32, #tpu.memory_space<vmem>>, vector<1x16xf32>,
    %swap3A_660 = vector.shape_cast %swap3A_659 : vector<1x16xf32> to vector<16xf32>
    %swap3A_661 = vector.shape_cast %broadcast_in_dim3A_655 : vector<16xf32> to vector<1x16xf32>
    tpu.vector_store %arg5[%swap3A_657, %swap3A_658], %swap3A_661 {strides = array<i32>} : memref<128x16xf32, #tpu.memory_space<vmem>>, vector<1x16xf32>,
    %broadcast_in_dim3A_662 = arith.constant 1.000000e+00 : f32
    %broadcast_in_dim3A_663 = vector.broadcast %broadcast_in_dim3A_662 : f32 to vector<16xf32>
    %swap3A_664 = arith.constant 66 : i32
    %swap3A_665 = arith.index_cast %swap3A_664 : i32 to index
    %swap3A_666 = arith.constant 0 : index
    %swap3A_667 = tpu.vector_load %arg5[%swap3A_665, %swap3A_666] {strides = array<i32>} : memref<128x16xf32, #tpu.memory_space<vmem>>, vector<1x16xf32>,
    %swap3A_668 = vector.shape_cast %swap3A_667 : vector<1x16xf32> to vector<16xf32>
    %swap3A_669 = vector.shape_cast %broadcast_in_dim3A_663 : vector<16xf32> to vector<1x16xf32>
    tpu.vector_store %arg5[%swap3A_665, %swap3A_666], %swap3A_669 {strides = array<i32>} : memref<128x16xf32, #tpu.memory_space<vmem>>, vector<1x16xf32>,
    %broadcast_in_dim3A_670 = arith.constant 1.000000e+00 : f32
    %broadcast_in_dim3A_671 = vector.broadcast %broadcast_in_dim3A_670 : f32 to vector<16xf32>
    %swap3A_672 = arith.constant 67 : i32
    %swap3A_673 = arith.index_cast %swap3A_672 : i32 to index
    %swap3A_674 = arith.constant 0 : index
    %swap3A_675 = tpu.vector_load %arg5[%swap3A_673, %swap3A_674] {strides = array<i32>} : memref<128x16xf32, #tpu.memory_space<vmem>>, vector<1x16xf32>,
    %swap3A_676 = vector.shape_cast %swap3A_675 : vector<1x16xf32> to vector<16xf32>
    %swap3A_677 = vector.shape_cast %broadcast_in_dim3A_671 : vector<16xf32> to vector<1x16xf32>
    tpu.vector_store %arg5[%swap3A_673, %swap3A_674], %swap3A_677 {strides = array<i32>} : memref<128x16xf32, #tpu.memory_space<vmem>>, vector<1x16xf32>,
    %broadcast_in_dim3A_678 = arith.constant 1.000000e+00 : f32
    %broadcast_in_dim3A_679 = vector.broadcast %broadcast_in_dim3A_678 : f32 to vector<16xf32>
    %swap3A_680 = arith.constant 68 : i32
    %swap3A_681 = arith.index_cast %swap3A_680 : i32 to index
    %swap3A_682 = arith.constant 0 : index
    %swap3A_683 = tpu.vector_load %arg5[%swap3A_681, %swap3A_682] {strides = array<i32>} : memref<128x16xf32, #tpu.memory_space<vmem>>, vector<1x16xf32>,
    %swap3A_684 = vector.shape_cast %swap3A_683 : vector<1x16xf32> to vector<16xf32>
    %swap3A_685 = vector.shape_cast %broadcast_in_dim3A_679 : vector<16xf32> to vector<1x16xf32>
    tpu.vector_store %arg5[%swap3A_681, %swap3A_682], %swap3A_685 {strides = array<i32>} : memref<128x16xf32, #tpu.memory_space<vmem>>, vector<1x16xf32>,
    %broadcast_in_dim3A_686 = arith.constant 1.000000e+00 : f32
    %broadcast_in_dim3A_687 = vector.broadcast %broadcast_in_dim3A_686 : f32 to vector<16xf32>
    %swap3A_688 = arith.constant 69 : i32
    %swap3A_689 = arith.index_cast %swap3A_688 : i32 to index
    %swap3A_690 = arith.constant 0 : index
    %swap3A_691 = tpu.vector_load %arg5[%swap3A_689, %swap3A_690] {strides = array<i32>} : memref<128x16xf32, #tpu.memory_space<vmem>>, vector<1x16xf32>,
    %swap3A_692 = vector.shape_cast %swap3A_691 : vector<1x16xf32> to vector<16xf32>
    %swap3A_693 = vector.shape_cast %broadcast_in_dim3A_687 : vector<16xf32> to vector<1x16xf32>
    tpu.vector_store %arg5[%swap3A_689, %swap3A_690], %swap3A_693 {strides = array<i32>} : memref<128x16xf32, #tpu.memory_space<vmem>>, vector<1x16xf32>,
    %broadcast_in_dim3A_694 = arith.constant 1.000000e+00 : f32
    %broadcast_in_dim3A_695 = vector.broadcast %broadcast_in_dim3A_694 : f32 to vector<16xf32>
    %swap3A_696 = arith.constant 70 : i32
    %swap3A_697 = arith.index_cast %swap3A_696 : i32 to index
    %swap3A_698 = arith.constant 0 : index
    %swap3A_699 = tpu.vector_load %arg5[%swap3A_697, %swap3A_698] {strides = array<i32>} : memref<128x16xf32, #tpu.memory_space<vmem>>, vector<1x16xf32>,
    %swap3A_700 = vector.shape_cast %swap3A_699 : vector<1x16xf32> to vector<16xf32>
    %swap3A_701 = vector.shape_cast %broadcast_in_dim3A_695 : vector<16xf32> to vector<1x16xf32>
    tpu.vector_store %arg5[%swap3A_697, %swap3A_698], %swap3A_701 {strides = array<i32>} : memref<128x16xf32, #tpu.memory_space<vmem>>, vector<1x16xf32>,
    %broadcast_in_dim3A_702 = arith.constant 1.000000e+00 : f32
    %broadcast_in_dim3A_703 = vector.broadcast %broadcast_in_dim3A_702 : f32 to vector<16xf32>
    %swap3A_704 = arith.constant 71 : i32
    %swap3A_705 = arith.index_cast %swap3A_704 : i32 to index
    %swap3A_706 = arith.constant 0 : index
    %swap3A_707 = tpu.vector_load %arg5[%swap3A_705, %swap3A_706] {strides = array<i32>} : memref<128x16xf32, #tpu.memory_space<vmem>>, vector<1x16xf32>,
    %swap3A_708 = vector.shape_cast %swap3A_707 : vector<1x16xf32> to vector<16xf32>
    %swap3A_709 = vector.shape_cast %broadcast_in_dim3A_703 : vector<16xf32> to vector<1x16xf32>
    tpu.vector_store %arg5[%swap3A_705, %swap3A_706], %swap3A_709 {strides = array<i32>} : memref<128x16xf32, #tpu.memory_space<vmem>>, vector<1x16xf32>,
    %broadcast_in_dim3A_710 = arith.constant 1.000000e+00 : f32
    %broadcast_in_dim3A_711 = vector.broadcast %broadcast_in_dim3A_710 : f32 to vector<16xf32>
    %swap3A_712 = arith.constant 72 : i32
    %swap3A_713 = arith.index_cast %swap3A_712 : i32 to index
    %swap3A_714 = arith.constant 0 : index
    %swap3A_715 = tpu.vector_load %arg5[%swap3A_713, %swap3A_714] {strides = array<i32>} : memref<128x16xf32, #tpu.memory_space<vmem>>, vector<1x16xf32>,
    %swap3A_716 = vector.shape_cast %swap3A_715 : vector<1x16xf32> to vector<16xf32>
    %swap3A_717 = vector.shape_cast %broadcast_in_dim3A_711 : vector<16xf32> to vector<1x16xf32>
    tpu.vector_store %arg5[%swap3A_713, %swap3A_714], %swap3A_717 {strides = array<i32>} : memref<128x16xf32, #tpu.memory_space<vmem>>, vector<1x16xf32>,
    %broadcast_in_dim3A_718 = arith.constant 1.000000e+00 : f32
    %broadcast_in_dim3A_719 = vector.broadcast %broadcast_in_dim3A_718 : f32 to vector<16xf32>
    %swap3A_720 = arith.constant 73 : i32
    %swap3A_721 = arith.index_cast %swap3A_720 : i32 to index
    %swap3A_722 = arith.constant 0 : index
    %swap3A_723 = tpu.vector_load %arg5[%swap3A_721, %swap3A_722] {strides = array<i32>} : memref<128x16xf32, #tpu.memory_space<vmem>>, vector<1x16xf32>,
    %swap3A_724 = vector.shape_cast %swap3A_723 : vector<1x16xf32> to vector<16xf32>
    %swap3A_725 = vector.shape_cast %broadcast_in_dim3A_719 : vector<16xf32> to vector<1x16xf32>
    tpu.vector_store %arg5[%swap3A_721, %swap3A_722], %swap3A_725 {strides = array<i32>} : memref<128x16xf32, #tpu.memory_space<vmem>>, vector<1x16xf32>,
    %broadcast_in_dim3A_726 = arith.constant 1.000000e+00 : f32
    %broadcast_in_dim3A_727 = vector.broadcast %broadcast_in_dim3A_726 : f32 to vector<16xf32>
    %swap3A_728 = arith.constant 74 : i32
    %swap3A_729 = arith.index_cast %swap3A_728 : i32 to index
    %swap3A_730 = arith.constant 0 : index
    %swap3A_731 = tpu.vector_load %arg5[%swap3A_729, %swap3A_730] {strides = array<i32>} : memref<128x16xf32, #tpu.memory_space<vmem>>, vector<1x16xf32>,
    %swap3A_732 = vector.shape_cast %swap3A_731 : vector<1x16xf32> to vector<16xf32>
    %swap3A_733 = vector.shape_cast %broadcast_in_dim3A_727 : vector<16xf32> to vector<1x16xf32>
    tpu.vector_store %arg5[%swap3A_729, %swap3A_730], %swap3A_733 {strides = array<i32>} : memref<128x16xf32, #tpu.memory_space<vmem>>, vector<1x16xf32>,
    %broadcast_in_dim3A_734 = arith.constant 1.000000e+00 : f32
    %broadcast_in_dim3A_735 = vector.broadcast %broadcast_in_dim3A_734 : f32 to vector<16xf32>
    %swap3A_736 = arith.constant 75 : i32
    %swap3A_737 = arith.index_cast %swap3A_736 : i32 to index
    %swap3A_738 = arith.constant 0 : index
    %swap3A_739 = tpu.vector_load %arg5[%swap3A_737, %swap3A_738] {strides = array<i32>} : memref<128x16xf32, #tpu.memory_space<vmem>>, vector<1x16xf32>,
    %swap3A_740 = vector.shape_cast %swap3A_739 : vector<1x16xf32> to vector<16xf32>
    %swap3A_741 = vector.shape_cast %broadcast_in_dim3A_735 : vector<16xf32> to vector<1x16xf32>
    tpu.vector_store %arg5[%swap3A_737, %swap3A_738], %swap3A_741 {strides = array<i32>} : memref<128x16xf32, #tpu.memory_space<vmem>>, vector<1x16xf32>,
    %broadcast_in_dim3A_742 = arith.constant 1.000000e+00 : f32
    %broadcast_in_dim3A_743 = vector.broadcast %broadcast_in_dim3A_742 : f32 to vector<16xf32>
    %swap3A_744 = arith.constant 76 : i32
    %swap3A_745 = arith.index_cast %swap3A_744 : i32 to index
    %swap3A_746 = arith.constant 0 : index
    %swap3A_747 = tpu.vector_load %arg5[%swap3A_745, %swap3A_746] {strides = array<i32>} : memref<128x16xf32, #tpu.memory_space<vmem>>, vector<1x16xf32>,
    %swap3A_748 = vector.shape_cast %swap3A_747 : vector<1x16xf32> to vector<16xf32>
    %swap3A_749 = vector.shape_cast %broadcast_in_dim3A_743 : vector<16xf32> to vector<1x16xf32>
    tpu.vector_store %arg5[%swap3A_745, %swap3A_746], %swap3A_749 {strides = array<i32>} : memref<128x16xf32, #tpu.memory_space<vmem>>, vector<1x16xf32>,
    %broadcast_in_dim3A_750 = arith.constant 1.000000e+00 : f32
    %broadcast_in_dim3A_751 = vector.broadcast %broadcast_in_dim3A_750 : f32 to vector<16xf32>
    %swap3A_752 = arith.constant 77 : i32
    %swap3A_753 = arith.index_cast %swap3A_752 : i32 to index
    %swap3A_754 = arith.constant 0 : index
    %swap3A_755 = tpu.vector_load %arg5[%swap3A_753, %swap3A_754] {strides = array<i32>} : memref<128x16xf32, #tpu.memory_space<vmem>>, vector<1x16xf32>,
    %swap3A_756 = vector.shape_cast %swap3A_755 : vector<1x16xf32> to vector<16xf32>
    %swap3A_757 = vector.shape_cast %broadcast_in_dim3A_751 : vector<16xf32> to vector<1x16xf32>
    tpu.vector_store %arg5[%swap3A_753, %swap3A_754], %swap3A_757 {strides = array<i32>} : memref<128x16xf32, #tpu.memory_space<vmem>>, vector<1x16xf32>,
    %broadcast_in_dim3A_758 = arith.constant 1.000000e+00 : f32
    %broadcast_in_dim3A_759 = vector.broadcast %broadcast_in_dim3A_758 : f32 to vector<16xf32>
    %swap3A_760 = arith.constant 78 : i32
    %swap3A_761 = arith.index_cast %swap3A_760 : i32 to index
    %swap3A_762 = arith.constant 0 : index
    %swap3A_763 = tpu.vector_load %arg5[%swap3A_761, %swap3A_762] {strides = array<i32>} : memref<128x16xf32, #tpu.memory_space<vmem>>, vector<1x16xf32>,
    %swap3A_764 = vector.shape_cast %swap3A_763 : vector<1x16xf32> to vector<16xf32>
    %swap3A_765 = vector.shape_cast %broadcast_in_dim3A_759 : vector<16xf32> to vector<1x16xf32>
    tpu.vector_store %arg5[%swap3A_761, %swap3A_762], %swap3A_765 {strides = array<i32>} : memref<128x16xf32, #tpu.memory_space<vmem>>, vector<1x16xf32>,
    %broadcast_in_dim3A_766 = arith.constant 1.000000e+00 : f32
    %broadcast_in_dim3A_767 = vector.broadcast %broadcast_in_dim3A_766 : f32 to vector<16xf32>
    %swap3A_768 = arith.constant 79 : i32
    %swap3A_769 = arith.index_cast %swap3A_768 : i32 to index
    %swap3A_770 = arith.constant 0 : index
    %swap3A_771 = tpu.vector_load %arg5[%swap3A_769, %swap3A_770] {strides = array<i32>} : memref<128x16xf32, #tpu.memory_space<vmem>>, vector<1x16xf32>,
    %swap3A_772 = vector.shape_cast %swap3A_771 : vector<1x16xf32> to vector<16xf32>
    %swap3A_773 = vector.shape_cast %broadcast_in_dim3A_767 : vector<16xf32> to vector<1x16xf32>
    tpu.vector_store %arg5[%swap3A_769, %swap3A_770], %swap3A_773 {strides = array<i32>} : memref<128x16xf32, #tpu.memory_space<vmem>>, vector<1x16xf32>,
    %broadcast_in_dim3A_774 = arith.constant 1.000000e+00 : f32
    %broadcast_in_dim3A_775 = vector.broadcast %broadcast_in_dim3A_774 : f32 to vector<16xf32>
    %swap3A_776 = arith.constant 80 : i32
    %swap3A_777 = arith.index_cast %swap3A_776 : i32 to index
    %swap3A_778 = arith.constant 0 : index
    %swap3A_779 = tpu.vector_load %arg5[%swap3A_777, %swap3A_778] {strides = array<i32>} : memref<128x16xf32, #tpu.memory_space<vmem>>, vector<1x16xf32>,
    %swap3A_780 = vector.shape_cast %swap3A_779 : vector<1x16xf32> to vector<16xf32>
    %swap3A_781 = vector.shape_cast %broadcast_in_dim3A_775 : vector<16xf32> to vector<1x16xf32>
    tpu.vector_store %arg5[%swap3A_777, %swap3A_778], %swap3A_781 {strides = array<i32>} : memref<128x16xf32, #tpu.memory_space<vmem>>, vector<1x16xf32>,
    %broadcast_in_dim3A_782 = arith.constant 1.000000e+00 : f32
    %broadcast_in_dim3A_783 = vector.broadcast %broadcast_in_dim3A_782 : f32 to vector<16xf32>
    %swap3A_784 = arith.constant 81 : i32
    %swap3A_785 = arith.index_cast %swap3A_784 : i32 to index
    %swap3A_786 = arith.constant 0 : index
    %swap3A_787 = tpu.vector_load %arg5[%swap3A_785, %swap3A_786] {strides = array<i32>} : memref<128x16xf32, #tpu.memory_space<vmem>>, vector<1x16xf32>,
    %swap3A_788 = vector.shape_cast %swap3A_787 : vector<1x16xf32> to vector<16xf32>
    %swap3A_789 = vector.shape_cast %broadcast_in_dim3A_783 : vector<16xf32> to vector<1x16xf32>
    tpu.vector_store %arg5[%swap3A_785, %swap3A_786], %swap3A_789 {strides = array<i32>} : memref<128x16xf32, #tpu.memory_space<vmem>>, vector<1x16xf32>,
    %broadcast_in_dim3A_790 = arith.constant 1.000000e+00 : f32
    %broadcast_in_dim3A_791 = vector.broadcast %broadcast_in_dim3A_790 : f32 to vector<16xf32>
    %swap3A_792 = arith.constant 82 : i32
    %swap3A_793 = arith.index_cast %swap3A_792 : i32 to index
    %swap3A_794 = arith.constant 0 : index
    %swap3A_795 = tpu.vector_load %arg5[%swap3A_793, %swap3A_794] {strides = array<i32>} : memref<128x16xf32, #tpu.memory_space<vmem>>, vector<1x16xf32>,
    %swap3A_796 = vector.shape_cast %swap3A_795 : vector<1x16xf32> to vector<16xf32>
    %swap3A_797 = vector.shape_cast %broadcast_in_dim3A_791 : vector<16xf32> to vector<1x16xf32>
    tpu.vector_store %arg5[%swap3A_793, %swap3A_794], %swap3A_797 {strides = array<i32>} : memref<128x16xf32, #tpu.memory_space<vmem>>, vector<1x16xf32>,
    %broadcast_in_dim3A_798 = arith.constant 1.000000e+00 : f32
    %broadcast_in_dim3A_799 = vector.broadcast %broadcast_in_dim3A_798 : f32 to vector<16xf32>
    %swap3A_800 = arith.constant 83 : i32
    %swap3A_801 = arith.index_cast %swap3A_800 : i32 to index
    %swap3A_802 = arith.constant 0 : index
    %swap3A_803 = tpu.vector_load %arg5[%swap3A_801, %swap3A_802] {strides = array<i32>} : memref<128x16xf32, #tpu.memory_space<vmem>>, vector<1x16xf32>,
    %swap3A_804 = vector.shape_cast %swap3A_803 : vector<1x16xf32> to vector<16xf32>
    %swap3A_805 = vector.shape_cast %broadcast_in_dim3A_799 : vector<16xf32> to vector<1x16xf32>
    tpu.vector_store %arg5[%swap3A_801, %swap3A_802], %swap3A_805 {strides = array<i32>} : memref<128x16xf32, #tpu.memory_space<vmem>>, vector<1x16xf32>,
    %broadcast_in_dim3A_806 = arith.constant 1.000000e+00 : f32
    %broadcast_in_dim3A_807 = vector.broadcast %broadcast_in_dim3A_806 : f32 to vector<16xf32>
    %swap3A_808 = arith.constant 84 : i32
    %swap3A_809 = arith.index_cast %swap3A_808 : i32 to index
    %swap3A_810 = arith.constant 0 : index
    %swap3A_811 = tpu.vector_load %arg5[%swap3A_809, %swap3A_810] {strides = array<i32>} : memref<128x16xf32, #tpu.memory_space<vmem>>, vector<1x16xf32>,
    %swap3A_812 = vector.shape_cast %swap3A_811 : vector<1x16xf32> to vector<16xf32>
    %swap3A_813 = vector.shape_cast %broadcast_in_dim3A_807 : vector<16xf32> to vector<1x16xf32>
    tpu.vector_store %arg5[%swap3A_809, %swap3A_810], %swap3A_813 {strides = array<i32>} : memref<128x16xf32, #tpu.memory_space<vmem>>, vector<1x16xf32>,
    %broadcast_in_dim3A_814 = arith.constant 1.000000e+00 : f32
    %broadcast_in_dim3A_815 = vector.broadcast %broadcast_in_dim3A_814 : f32 to vector<16xf32>
    %swap3A_816 = arith.constant 85 : i32
    %swap3A_817 = arith.index_cast %swap3A_816 : i32 to index
    %swap3A_818 = arith.constant 0 : index
    %swap3A_819 = tpu.vector_load %arg5[%swap3A_817, %swap3A_818] {strides = array<i32>} : memref<128x16xf32, #tpu.memory_space<vmem>>, vector<1x16xf32>,
    %swap3A_820 = vector.shape_cast %swap3A_819 : vector<1x16xf32> to vector<16xf32>
    %swap3A_821 = vector.shape_cast %broadcast_in_dim3A_815 : vector<16xf32> to vector<1x16xf32>
    tpu.vector_store %arg5[%swap3A_817, %swap3A_818], %swap3A_821 {strides = array<i32>} : memref<128x16xf32, #tpu.memory_space<vmem>>, vector<1x16xf32>,
    %broadcast_in_dim3A_822 = arith.constant 1.000000e+00 : f32
    %broadcast_in_dim3A_823 = vector.broadcast %broadcast_in_dim3A_822 : f32 to vector<16xf32>
    %swap3A_824 = arith.constant 86 : i32
    %swap3A_825 = arith.index_cast %swap3A_824 : i32 to index
    %swap3A_826 = arith.constant 0 : index
    %swap3A_827 = tpu.vector_load %arg5[%swap3A_825, %swap3A_826] {strides = array<i32>} : memref<128x16xf32, #tpu.memory_space<vmem>>, vector<1x16xf32>,
    %swap3A_828 = vector.shape_cast %swap3A_827 : vector<1x16xf32> to vector<16xf32>
    %swap3A_829 = vector.shape_cast %broadcast_in_dim3A_823 : vector<16xf32> to vector<1x16xf32>
    tpu.vector_store %arg5[%swap3A_825, %swap3A_826], %swap3A_829 {strides = array<i32>} : memref<128x16xf32, #tpu.memory_space<vmem>>, vector<1x16xf32>,
    %broadcast_in_dim3A_830 = arith.constant 1.000000e+00 : f32
    %broadcast_in_dim3A_831 = vector.broadcast %broadcast_in_dim3A_830 : f32 to vector<16xf32>
    %swap3A_832 = arith.constant 87 : i32
    %swap3A_833 = arith.index_cast %swap3A_832 : i32 to index
    %swap3A_834 = arith.constant 0 : index
    %swap3A_835 = tpu.vector_load %arg5[%swap3A_833, %swap3A_834] {strides = array<i32>} : memref<128x16xf32, #tpu.memory_space<vmem>>, vector<1x16xf32>,
    %swap3A_836 = vector.shape_cast %swap3A_835 : vector<1x16xf32> to vector<16xf32>
    %swap3A_837 = vector.shape_cast %broadcast_in_dim3A_831 : vector<16xf32> to vector<1x16xf32>
    tpu.vector_store %arg5[%swap3A_833, %swap3A_834], %swap3A_837 {strides = array<i32>} : memref<128x16xf32, #tpu.memory_space<vmem>>, vector<1x16xf32>,
    %broadcast_in_dim3A_838 = arith.constant 1.000000e+00 : f32
    %broadcast_in_dim3A_839 = vector.broadcast %broadcast_in_dim3A_838 : f32 to vector<16xf32>
    %swap3A_840 = arith.constant 88 : i32
    %swap3A_841 = arith.index_cast %swap3A_840 : i32 to index
    %swap3A_842 = arith.constant 0 : index
    %swap3A_843 = tpu.vector_load %arg5[%swap3A_841, %swap3A_842] {strides = array<i32>} : memref<128x16xf32, #tpu.memory_space<vmem>>, vector<1x16xf32>,
    %swap3A_844 = vector.shape_cast %swap3A_843 : vector<1x16xf32> to vector<16xf32>
    %swap3A_845 = vector.shape_cast %broadcast_in_dim3A_839 : vector<16xf32> to vector<1x16xf32>
    tpu.vector_store %arg5[%swap3A_841, %swap3A_842], %swap3A_845 {strides = array<i32>} : memref<128x16xf32, #tpu.memory_space<vmem>>, vector<1x16xf32>,
    %broadcast_in_dim3A_846 = arith.constant 1.000000e+00 : f32
    %broadcast_in_dim3A_847 = vector.broadcast %broadcast_in_dim3A_846 : f32 to vector<16xf32>
    %swap3A_848 = arith.constant 89 : i32
    %swap3A_849 = arith.index_cast %swap3A_848 : i32 to index
    %swap3A_850 = arith.constant 0 : index
    %swap3A_851 = tpu.vector_load %arg5[%swap3A_849, %swap3A_850] {strides = array<i32>} : memref<128x16xf32, #tpu.memory_space<vmem>>, vector<1x16xf32>,
    %swap3A_852 = vector.shape_cast %swap3A_851 : vector<1x16xf32> to vector<16xf32>
    %swap3A_853 = vector.shape_cast %broadcast_in_dim3A_847 : vector<16xf32> to vector<1x16xf32>
    tpu.vector_store %arg5[%swap3A_849, %swap3A_850], %swap3A_853 {strides = array<i32>} : memref<128x16xf32, #tpu.memory_space<vmem>>, vector<1x16xf32>,
    %broadcast_in_dim3A_854 = arith.constant 1.000000e+00 : f32
    %broadcast_in_dim3A_855 = vector.broadcast %broadcast_in_dim3A_854 : f32 to vector<16xf32>
    %swap3A_856 = arith.constant 90 : i32
    %swap3A_857 = arith.index_cast %swap3A_856 : i32 to index
    %swap3A_858 = arith.constant 0 : index
    %swap3A_859 = tpu.vector_load %arg5[%swap3A_857, %swap3A_858] {strides = array<i32>} : memref<128x16xf32, #tpu.memory_space<vmem>>, vector<1x16xf32>,
    %swap3A_860 = vector.shape_cast %swap3A_859 : vector<1x16xf32> to vector<16xf32>
    %swap3A_861 = vector.shape_cast %broadcast_in_dim3A_855 : vector<16xf32> to vector<1x16xf32>
    tpu.vector_store %arg5[%swap3A_857, %swap3A_858], %swap3A_861 {strides = array<i32>} : memref<128x16xf32, #tpu.memory_space<vmem>>, vector<1x16xf32>,
    %broadcast_in_dim3A_862 = arith.constant 1.000000e+00 : f32
    %broadcast_in_dim3A_863 = vector.broadcast %broadcast_in_dim3A_862 : f32 to vector<16xf32>
    %swap3A_864 = arith.constant 91 : i32
    %swap3A_865 = arith.index_cast %swap3A_864 : i32 to index
    %swap3A_866 = arith.constant 0 : index
    %swap3A_867 = tpu.vector_load %arg5[%swap3A_865, %swap3A_866] {strides = array<i32>} : memref<128x16xf32, #tpu.memory_space<vmem>>, vector<1x16xf32>,
    %swap3A_868 = vector.shape_cast %swap3A_867 : vector<1x16xf32> to vector<16xf32>
    %swap3A_869 = vector.shape_cast %broadcast_in_dim3A_863 : vector<16xf32> to vector<1x16xf32>
    tpu.vector_store %arg5[%swap3A_865, %swap3A_866], %swap3A_869 {strides = array<i32>} : memref<128x16xf32, #tpu.memory_space<vmem>>, vector<1x16xf32>,
    %broadcast_in_dim3A_870 = arith.constant 1.000000e+00 : f32
    %broadcast_in_dim3A_871 = vector.broadcast %broadcast_in_dim3A_870 : f32 to vector<16xf32>
    %swap3A_872 = arith.constant 92 : i32
    %swap3A_873 = arith.index_cast %swap3A_872 : i32 to index
    %swap3A_874 = arith.constant 0 : index
    %swap3A_875 = tpu.vector_load %arg5[%swap3A_873, %swap3A_874] {strides = array<i32>} : memref<128x16xf32, #tpu.memory_space<vmem>>, vector<1x16xf32>,
    %swap3A_876 = vector.shape_cast %swap3A_875 : vector<1x16xf32> to vector<16xf32>
    %swap3A_877 = vector.shape_cast %broadcast_in_dim3A_871 : vector<16xf32> to vector<1x16xf32>
    tpu.vector_store %arg5[%swap3A_873, %swap3A_874], %swap3A_877 {strides = array<i32>} : memref<128x16xf32, #tpu.memory_space<vmem>>, vector<1x16xf32>,
    %broadcast_in_dim3A_878 = arith.constant 1.000000e+00 : f32
    %broadcast_in_dim3A_879 = vector.broadcast %broadcast_in_dim3A_878 : f32 to vector<16xf32>
    %swap3A_880 = arith.constant 93 : i32
    %swap3A_881 = arith.index_cast %swap3A_880 : i32 to index
    %swap3A_882 = arith.constant 0 : index
    %swap3A_883 = tpu.vector_load %arg5[%swap3A_881, %swap3A_882] {strides = array<i32>} : memref<128x16xf32, #tpu.memory_space<vmem>>, vector<1x16xf32>,
    %swap3A_884 = vector.shape_cast %swap3A_883 : vector<1x16xf32> to vector<16xf32>
    %swap3A_885 = vector.shape_cast %broadcast_in_dim3A_879 : vector<16xf32> to vector<1x16xf32>
    tpu.vector_store %arg5[%swap3A_881, %swap3A_882], %swap3A_885 {strides = array<i32>} : memref<128x16xf32, #tpu.memory_space<vmem>>, vector<1x16xf32>,
    %broadcast_in_dim3A_886 = arith.constant 1.000000e+00 : f32
    %broadcast_in_dim3A_887 = vector.broadcast %broadcast_in_dim3A_886 : f32 to vector<16xf32>
    %swap3A_888 = arith.constant 94 : i32
    %swap3A_889 = arith.index_cast %swap3A_888 : i32 to index
    %swap3A_890 = arith.constant 0 : index
    %swap3A_891 = tpu.vector_load %arg5[%swap3A_889, %swap3A_890] {strides = array<i32>} : memref<128x16xf32, #tpu.memory_space<vmem>>, vector<1x16xf32>,
    %swap3A_892 = vector.shape_cast %swap3A_891 : vector<1x16xf32> to vector<16xf32>
    %swap3A_893 = vector.shape_cast %broadcast_in_dim3A_887 : vector<16xf32> to vector<1x16xf32>
    tpu.vector_store %arg5[%swap3A_889, %swap3A_890], %swap3A_893 {strides = array<i32>} : memref<128x16xf32, #tpu.memory_space<vmem>>, vector<1x16xf32>,
    %broadcast_in_dim3A_894 = arith.constant 1.000000e+00 : f32
    %broadcast_in_dim3A_895 = vector.broadcast %broadcast_in_dim3A_894 : f32 to vector<16xf32>
    %swap3A_896 = arith.constant 95 : i32
    %swap3A_897 = arith.index_cast %swap3A_896 : i32 to index
    %swap3A_898 = arith.constant 0 : index
    %swap3A_899 = tpu.vector_load %arg5[%swap3A_897, %swap3A_898] {strides = array<i32>} : memref<128x16xf32, #tpu.memory_space<vmem>>, vector<1x16xf32>,
    %swap3A_900 = vector.shape_cast %swap3A_899 : vector<1x16xf32> to vector<16xf32>
    %swap3A_901 = vector.shape_cast %broadcast_in_dim3A_895 : vector<16xf32> to vector<1x16xf32>
    tpu.vector_store %arg5[%swap3A_897, %swap3A_898], %swap3A_901 {strides = array<i32>} : memref<128x16xf32, #tpu.memory_space<vmem>>, vector<1x16xf32>,
    %broadcast_in_dim3A_902 = arith.constant 1.000000e+00 : f32
    %broadcast_in_dim3A_903 = vector.broadcast %broadcast_in_dim3A_902 : f32 to vector<16xf32>
    %swap3A_904 = arith.constant 96 : i32
    %swap3A_905 = arith.index_cast %swap3A_904 : i32 to index
    %swap3A_906 = arith.constant 0 : index
    %swap3A_907 = tpu.vector_load %arg5[%swap3A_905, %swap3A_906] {strides = array<i32>} : memref<128x16xf32, #tpu.memory_space<vmem>>, vector<1x16xf32>,
    %swap3A_908 = vector.shape_cast %swap3A_907 : vector<1x16xf32> to vector<16xf32>
    %swap3A_909 = vector.shape_cast %broadcast_in_dim3A_903 : vector<16xf32> to vector<1x16xf32>
    tpu.vector_store %arg5[%swap3A_905, %swap3A_906], %swap3A_909 {strides = array<i32>} : memref<128x16xf32, #tpu.memory_space<vmem>>, vector<1x16xf32>,
    %broadcast_in_dim3A_910 = arith.constant 1.000000e+00 : f32
    %broadcast_in_dim3A_911 = vector.broadcast %broadcast_in_dim3A_910 : f32 to vector<16xf32>
    %swap3A_912 = arith.constant 97 : i32
    %swap3A_913 = arith.index_cast %swap3A_912 : i32 to index
    %swap3A_914 = arith.constant 0 : index
    %swap3A_915 = tpu.vector_load %arg5[%swap3A_913, %swap3A_914] {strides = array<i32>} : memref<128x16xf32, #tpu.memory_space<vmem>>, vector<1x16xf32>,
    %swap3A_916 = vector.shape_cast %swap3A_915 : vector<1x16xf32> to vector<16xf32>
    %swap3A_917 = vector.shape_cast %broadcast_in_dim3A_911 : vector<16xf32> to vector<1x16xf32>
    tpu.vector_store %arg5[%swap3A_913, %swap3A_914], %swap3A_917 {strides = array<i32>} : memref<128x16xf32, #tpu.memory_space<vmem>>, vector<1x16xf32>,
    %broadcast_in_dim3A_918 = arith.constant 1.000000e+00 : f32
    %broadcast_in_dim3A_919 = vector.broadcast %broadcast_in_dim3A_918 : f32 to vector<16xf32>
    %swap3A_920 = arith.constant 98 : i32
    %swap3A_921 = arith.index_cast %swap3A_920 : i32 to index
    %swap3A_922 = arith.constant 0 : index
    %swap3A_923 = tpu.vector_load %arg5[%swap3A_921, %swap3A_922] {strides = array<i32>} : memref<128x16xf32, #tpu.memory_space<vmem>>, vector<1x16xf32>,
    %swap3A_924 = vector.shape_cast %swap3A_923 : vector<1x16xf32> to vector<16xf32>
    %swap3A_925 = vector.shape_cast %broadcast_in_dim3A_919 : vector<16xf32> to vector<1x16xf32>
    tpu.vector_store %arg5[%swap3A_921, %swap3A_922], %swap3A_925 {strides = array<i32>} : memref<128x16xf32, #tpu.memory_space<vmem>>, vector<1x16xf32>,
    %broadcast_in_dim3A_926 = arith.constant 1.000000e+00 : f32
    %broadcast_in_dim3A_927 = vector.broadcast %broadcast_in_dim3A_926 : f32 to vector<16xf32>
    %swap3A_928 = arith.constant 99 : i32
    %swap3A_929 = arith.index_cast %swap3A_928 : i32 to index
    %swap3A_930 = arith.constant 0 : index
    %swap3A_931 = tpu.vector_load %arg5[%swap3A_929, %swap3A_930] {strides = array<i32>} : memref<128x16xf32, #tpu.memory_space<vmem>>, vector<1x16xf32>,
    %swap3A_932 = vector.shape_cast %swap3A_931 : vector<1x16xf32> to vector<16xf32>
    %swap3A_933 = vector.shape_cast %broadcast_in_dim3A_927 : vector<16xf32> to vector<1x16xf32>
    tpu.vector_store %arg5[%swap3A_929, %swap3A_930], %swap3A_933 {strides = array<i32>} : memref<128x16xf32, #tpu.memory_space<vmem>>, vector<1x16xf32>,
    %broadcast_in_dim3A_934 = arith.constant 1.000000e+00 : f32
    %broadcast_in_dim3A_935 = vector.broadcast %broadcast_in_dim3A_934 : f32 to vector<16xf32>
    %swap3A_936 = arith.constant 100 : i32
    %swap3A_937 = arith.index_cast %swap3A_936 : i32 to index
    %swap3A_938 = arith.constant 0 : index
    %swap3A_939 = tpu.vector_load %arg5[%swap3A_937, %swap3A_938] {strides = array<i32>} : memref<128x16xf32, #tpu.memory_space<vmem>>, vector<1x16xf32>,
    %swap3A_940 = vector.shape_cast %swap3A_939 : vector<1x16xf32> to vector<16xf32>
    %swap3A_941 = vector.shape_cast %broadcast_in_dim3A_935 : vector<16xf32> to vector<1x16xf32>
    tpu.vector_store %arg5[%swap3A_937, %swap3A_938], %swap3A_941 {strides = array<i32>} : memref<128x16xf32, #tpu.memory_space<vmem>>, vector<1x16xf32>,
    %broadcast_in_dim3A_942 = arith.constant 1.000000e+00 : f32
    %broadcast_in_dim3A_943 = vector.broadcast %broadcast_in_dim3A_942 : f32 to vector<16xf32>
    %swap3A_944 = arith.constant 101 : i32
    %swap3A_945 = arith.index_cast %swap3A_944 : i32 to index
    %swap3A_946 = arith.constant 0 : index
    %swap3A_947 = tpu.vector_load %arg5[%swap3A_945, %swap3A_946] {strides = array<i32>} : memref<128x16xf32, #tpu.memory_space<vmem>>, vector<1x16xf32>,
    %swap3A_948 = vector.shape_cast %swap3A_947 : vector<1x16xf32> to vector<16xf32>
    %swap3A_949 = vector.shape_cast %broadcast_in_dim3A_943 : vector<16xf32> to vector<1x16xf32>
    tpu.vector_store %arg5[%swap3A_945, %swap3A_946], %swap3A_949 {strides = array<i32>} : memref<128x16xf32, #tpu.memory_space<vmem>>, vector<1x16xf32>,
    %broadcast_in_dim3A_950 = arith.constant 1.000000e+00 : f32
    %broadcast_in_dim3A_951 = vector.broadcast %broadcast_in_dim3A_950 : f32 to vector<16xf32>
    %swap3A_952 = arith.constant 102 : i32
    %swap3A_953 = arith.index_cast %swap3A_952 : i32 to index
    %swap3A_954 = arith.constant 0 : index
    %swap3A_955 = tpu.vector_load %arg5[%swap3A_953, %swap3A_954] {strides = array<i32>} : memref<128x16xf32, #tpu.memory_space<vmem>>, vector<1x16xf32>,
    %swap3A_956 = vector.shape_cast %swap3A_955 : vector<1x16xf32> to vector<16xf32>
    %swap3A_957 = vector.shape_cast %broadcast_in_dim3A_951 : vector<16xf32> to vector<1x16xf32>
    tpu.vector_store %arg5[%swap3A_953, %swap3A_954], %swap3A_957 {strides = array<i32>} : memref<128x16xf32, #tpu.memory_space<vmem>>, vector<1x16xf32>,
    %broadcast_in_dim3A_958 = arith.constant 1.000000e+00 : f32
    %broadcast_in_dim3A_959 = vector.broadcast %broadcast_in_dim3A_958 : f32 to vector<16xf32>
    %swap3A_960 = arith.constant 103 : i32
    %swap3A_961 = arith.index_cast %swap3A_960 : i32 to index
    %swap3A_962 = arith.constant 0 : index
    %swap3A_963 = tpu.vector_load %arg5[%swap3A_961, %swap3A_962] {strides = array<i32>} : memref<128x16xf32, #tpu.memory_space<vmem>>, vector<1x16xf32>,
    %swap3A_964 = vector.shape_cast %swap3A_963 : vector<1x16xf32> to vector<16xf32>
    %swap3A_965 = vector.shape_cast %broadcast_in_dim3A_959 : vector<16xf32> to vector<1x16xf32>
    tpu.vector_store %arg5[%swap3A_961, %swap3A_962], %swap3A_965 {strides = array<i32>} : memref<128x16xf32, #tpu.memory_space<vmem>>, vector<1x16xf32>,
    %broadcast_in_dim3A_966 = arith.constant 1.000000e+00 : f32
    %broadcast_in_dim3A_967 = vector.broadcast %broadcast_in_dim3A_966 : f32 to vector<16xf32>
    %swap3A_968 = arith.constant 104 : i32
    %swap3A_969 = arith.index_cast %swap3A_968 : i32 to index
    %swap3A_970 = arith.constant 0 : index
    %swap3A_971 = tpu.vector_load %arg5[%swap3A_969, %swap3A_970] {strides = array<i32>} : memref<128x16xf32, #tpu.memory_space<vmem>>, vector<1x16xf32>,
    %swap3A_972 = vector.shape_cast %swap3A_971 : vector<1x16xf32> to vector<16xf32>
    %swap3A_973 = vector.shape_cast %broadcast_in_dim3A_967 : vector<16xf32> to vector<1x16xf32>
    tpu.vector_store %arg5[%swap3A_969, %swap3A_970], %swap3A_973 {strides = array<i32>} : memref<128x16xf32, #tpu.memory_space<vmem>>, vector<1x16xf32>,
    %broadcast_in_dim3A_974 = arith.constant 1.000000e+00 : f32
    %broadcast_in_dim3A_975 = vector.broadcast %broadcast_in_dim3A_974 : f32 to vector<16xf32>
    %swap3A_976 = arith.constant 105 : i32
    %swap3A_977 = arith.index_cast %swap3A_976 : i32 to index
    %swap3A_978 = arith.constant 0 : index
    %swap3A_979 = tpu.vector_load %arg5[%swap3A_977, %swap3A_978] {strides = array<i32>} : memref<128x16xf32, #tpu.memory_space<vmem>>, vector<1x16xf32>,
    %swap3A_980 = vector.shape_cast %swap3A_979 : vector<1x16xf32> to vector<16xf32>
    %swap3A_981 = vector.shape_cast %broadcast_in_dim3A_975 : vector<16xf32> to vector<1x16xf32>
    tpu.vector_store %arg5[%swap3A_977, %swap3A_978], %swap3A_981 {strides = array<i32>} : memref<128x16xf32, #tpu.memory_space<vmem>>, vector<1x16xf32>,
    %broadcast_in_dim3A_982 = arith.constant 1.000000e+00 : f32
    %broadcast_in_dim3A_983 = vector.broadcast %broadcast_in_dim3A_982 : f32 to vector<16xf32>
    %swap3A_984 = arith.constant 106 : i32
    %swap3A_985 = arith.index_cast %swap3A_984 : i32 to index
    %swap3A_986 = arith.constant 0 : index
    %swap3A_987 = tpu.vector_load %arg5[%swap3A_985, %swap3A_986] {strides = array<i32>} : memref<128x16xf32, #tpu.memory_space<vmem>>, vector<1x16xf32>,
    %swap3A_988 = vector.shape_cast %swap3A_987 : vector<1x16xf32> to vector<16xf32>
    %swap3A_989 = vector.shape_cast %broadcast_in_dim3A_983 : vector<16xf32> to vector<1x16xf32>
    tpu.vector_store %arg5[%swap3A_985, %swap3A_986], %swap3A_989 {strides = array<i32>} : memref<128x16xf32, #tpu.memory_space<vmem>>, vector<1x16xf32>,
    %broadcast_in_dim3A_990 = arith.constant 1.000000e+00 : f32
    %broadcast_in_dim3A_991 = vector.broadcast %broadcast_in_dim3A_990 : f32 to vector<16xf32>
    %swap3A_992 = arith.constant 107 : i32
    %swap3A_993 = arith.index_cast %swap3A_992 : i32 to index
    %swap3A_994 = arith.constant 0 : index
    %swap3A_995 = tpu.vector_load %arg5[%swap3A_993, %swap3A_994] {strides = array<i32>} : memref<128x16xf32, #tpu.memory_space<vmem>>, vector<1x16xf32>,
    %swap3A_996 = vector.shape_cast %swap3A_995 : vector<1x16xf32> to vector<16xf32>
    %swap3A_997 = vector.shape_cast %broadcast_in_dim3A_991 : vector<16xf32> to vector<1x16xf32>
    tpu.vector_store %arg5[%swap3A_993, %swap3A_994], %swap3A_997 {strides = array<i32>} : memref<128x16xf32, #tpu.memory_space<vmem>>, vector<1x16xf32>,
    %broadcast_in_dim3A_998 = arith.constant 1.000000e+00 : f32
    %broadcast_in_dim3A_999 = vector.broadcast %broadcast_in_dim3A_998 : f32 to vector<16xf32>
    %swap3A_1000 = arith.constant 108 : i32
    %swap3A_1001 = arith.index_cast %swap3A_1000 : i32 to index
    %swap3A_1002 = arith.constant 0 : index
    %swap3A_1003 = tpu.vector_load %arg5[%swap3A_1001, %swap3A_1002] {strides = array<i32>} : memref<128x16xf32, #tpu.memory_space<vmem>>, vector<1x16xf32>,
    %swap3A_1004 = vector.shape_cast %swap3A_1003 : vector<1x16xf32> to vector<16xf32>
    %swap3A_1005 = vector.shape_cast %broadcast_in_dim3A_999 : vector<16xf32> to vector<1x16xf32>
    tpu.vector_store %arg5[%swap3A_1001, %swap3A_1002], %swap3A_1005 {strides = array<i32>} : memref<128x16xf32, #tpu.memory_space<vmem>>, vector<1x16xf32>,
    %broadcast_in_dim3A_1006 = arith.constant 1.000000e+00 : f32
    %broadcast_in_dim3A_1007 = vector.broadcast %broadcast_in_dim3A_1006 : f32 to vector<16xf32>
    %swap3A_1008 = arith.constant 109 : i32
    %swap3A_1009 = arith.index_cast %swap3A_1008 : i32 to index
    %swap3A_1010 = arith.constant 0 : index
    %swap3A_1011 = tpu.vector_load %arg5[%swap3A_1009, %swap3A_1010] {strides = array<i32>} : memref<128x16xf32, #tpu.memory_space<vmem>>, vector<1x16xf32>,
    %swap3A_1012 = vector.shape_cast %swap3A_1011 : vector<1x16xf32> to vector<16xf32>
    %swap3A_1013 = vector.shape_cast %broadcast_in_dim3A_1007 : vector<16xf32> to vector<1x16xf32>
    tpu.vector_store %arg5[%swap3A_1009, %swap3A_1010], %swap3A_1013 {strides = array<i32>} : memref<128x16xf32, #tpu.memory_space<vmem>>, vector<1x16xf32>,
    %broadcast_in_dim3A_1014 = arith.constant 1.000000e+00 : f32
    %broadcast_in_dim3A_1015 = vector.broadcast %broadcast_in_dim3A_1014 : f32 to vector<16xf32>
    %swap3A_1016 = arith.constant 110 : i32
    %swap3A_1017 = arith.index_cast %swap3A_1016 : i32 to index
    %swap3A_1018 = arith.constant 0 : index
    %swap3A_1019 = tpu.vector_load %arg5[%swap3A_1017, %swap3A_1018] {strides = array<i32>} : memref<128x16xf32, #tpu.memory_space<vmem>>, vector<1x16xf32>,
    %swap3A_1020 = vector.shape_cast %swap3A_1019 : vector<1x16xf32> to vector<16xf32>
    %swap3A_1021 = vector.shape_cast %broadcast_in_dim3A_1015 : vector<16xf32> to vector<1x16xf32>
    tpu.vector_store %arg5[%swap3A_1017, %swap3A_1018], %swap3A_1021 {strides = array<i32>} : memref<128x16xf32, #tpu.memory_space<vmem>>, vector<1x16xf32>,
    %broadcast_in_dim3A_1022 = arith.constant 1.000000e+00 : f32
    %broadcast_in_dim3A_1023 = vector.broadcast %broadcast_in_dim3A_1022 : f32 to vector<16xf32>
    %swap3A_1024 = arith.constant 111 : i32
    %swap3A_1025 = arith.index_cast %swap3A_1024 : i32 to index
    %swap3A_1026 = arith.constant 0 : index
    %swap3A_1027 = tpu.vector_load %arg5[%swap3A_1025, %swap3A_1026] {strides = array<i32>} : memref<128x16xf32, #tpu.memory_space<vmem>>, vector<1x16xf32>,
    %swap3A_1028 = vector.shape_cast %swap3A_1027 : vector<1x16xf32> to vector<16xf32>
    %swap3A_1029 = vector.shape_cast %broadcast_in_dim3A_1023 : vector<16xf32> to vector<1x16xf32>
    tpu.vector_store %arg5[%swap3A_1025, %swap3A_1026], %swap3A_1029 {strides = array<i32>} : memref<128x16xf32, #tpu.memory_space<vmem>>, vector<1x16xf32>,
    %broadcast_in_dim3A_1030 = arith.constant 1.000000e+00 : f32
    %broadcast_in_dim3A_1031 = vector.broadcast %broadcast_in_dim3A_1030 : f32 to vector<16xf32>
    %swap3A_1032 = arith.constant 112 : i32
    %swap3A_1033 = arith.index_cast %swap3A_1032 : i32 to index
    %swap3A_1034 = arith.constant 0 : index
    %swap3A_1035 = tpu.vector_load %arg5[%swap3A_1033, %swap3A_1034] {strides = array<i32>} : memref<128x16xf32, #tpu.memory_space<vmem>>, vector<1x16xf32>,
    %swap3A_1036 = vector.shape_cast %swap3A_1035 : vector<1x16xf32> to vector<16xf32>
    %swap3A_1037 = vector.shape_cast %broadcast_in_dim3A_1031 : vector<16xf32> to vector<1x16xf32>
    tpu.vector_store %arg5[%swap3A_1033, %swap3A_1034], %swap3A_1037 {strides = array<i32>} : memref<128x16xf32, #tpu.memory_space<vmem>>, vector<1x16xf32>,
    %broadcast_in_dim3A_1038 = arith.constant 1.000000e+00 : f32
    %broadcast_in_dim3A_1039 = vector.broadcast %broadcast_in_dim3A_1038 : f32 to vector<16xf32>
    %swap3A_1040 = arith.constant 113 : i32
    %swap3A_1041 = arith.index_cast %swap3A_1040 : i32 to index
    %swap3A_1042 = arith.constant 0 : index
    %swap3A_1043 = tpu.vector_load %arg5[%swap3A_1041, %swap3A_1042] {strides = array<i32>} : memref<128x16xf32, #tpu.memory_space<vmem>>, vector<1x16xf32>,
    %swap3A_1044 = vector.shape_cast %swap3A_1043 : vector<1x16xf32> to vector<16xf32>
    %swap3A_1045 = vector.shape_cast %broadcast_in_dim3A_1039 : vector<16xf32> to vector<1x16xf32>
    tpu.vector_store %arg5[%swap3A_1041, %swap3A_1042], %swap3A_1045 {strides = array<i32>} : memref<128x16xf32, #tpu.memory_space<vmem>>, vector<1x16xf32>,
    %broadcast_in_dim3A_1046 = arith.constant 1.000000e+00 : f32
    %broadcast_in_dim3A_1047 = vector.broadcast %broadcast_in_dim3A_1046 : f32 to vector<16xf32>
    %swap3A_1048 = arith.constant 114 : i32
    %swap3A_1049 = arith.index_cast %swap3A_1048 : i32 to index
    %swap3A_1050 = arith.constant 0 : index
    %swap3A_1051 = tpu.vector_load %arg5[%swap3A_1049, %swap3A_1050] {strides = array<i32>} : memref<128x16xf32, #tpu.memory_space<vmem>>, vector<1x16xf32>,
    %swap3A_1052 = vector.shape_cast %swap3A_1051 : vector<1x16xf32> to vector<16xf32>
    %swap3A_1053 = vector.shape_cast %broadcast_in_dim3A_1047 : vector<16xf32> to vector<1x16xf32>
    tpu.vector_store %arg5[%swap3A_1049, %swap3A_1050], %swap3A_1053 {strides = array<i32>} : memref<128x16xf32, #tpu.memory_space<vmem>>, vector<1x16xf32>,
    %broadcast_in_dim3A_1054 = arith.constant 1.000000e+00 : f32
    %broadcast_in_dim3A_1055 = vector.broadcast %broadcast_in_dim3A_1054 : f32 to vector<16xf32>
    %swap3A_1056 = arith.constant 115 : i32
    %swap3A_1057 = arith.index_cast %swap3A_1056 : i32 to index
    %swap3A_1058 = arith.constant 0 : index
    %swap3A_1059 = tpu.vector_load %arg5[%swap3A_1057, %swap3A_1058] {strides = array<i32>} : memref<128x16xf32, #tpu.memory_space<vmem>>, vector<1x16xf32>,
    %swap3A_1060 = vector.shape_cast %swap3A_1059 : vector<1x16xf32> to vector<16xf32>
    %swap3A_1061 = vector.shape_cast %broadcast_in_dim3A_1055 : vector<16xf32> to vector<1x16xf32>
    tpu.vector_store %arg5[%swap3A_1057, %swap3A_1058], %swap3A_1061 {strides = array<i32>} : memref<128x16xf32, #tpu.memory_space<vmem>>, vector<1x16xf32>,
    %broadcast_in_dim3A_1062 = arith.constant 1.000000e+00 : f32
    %broadcast_in_dim3A_1063 = vector.broadcast %broadcast_in_dim3A_1062 : f32 to vector<16xf32>
    %swap3A_1064 = arith.constant 116 : i32
    %swap3A_1065 = arith.index_cast %swap3A_1064 : i32 to index
    %swap3A_1066 = arith.constant 0 : index
    %swap3A_1067 = tpu.vector_load %arg5[%swap3A_1065, %swap3A_1066] {strides = array<i32>} : memref<128x16xf32, #tpu.memory_space<vmem>>, vector<1x16xf32>,
    %swap3A_1068 = vector.shape_cast %swap3A_1067 : vector<1x16xf32> to vector<16xf32>
    %swap3A_1069 = vector.shape_cast %broadcast_in_dim3A_1063 : vector<16xf32> to vector<1x16xf32>
    tpu.vector_store %arg5[%swap3A_1065, %swap3A_1066], %swap3A_1069 {strides = array<i32>} : memref<128x16xf32, #tpu.memory_space<vmem>>, vector<1x16xf32>,
    %broadcast_in_dim3A_1070 = arith.constant 1.000000e+00 : f32
    %broadcast_in_dim3A_1071 = vector.broadcast %broadcast_in_dim3A_1070 : f32 to vector<16xf32>
    %swap3A_1072 = arith.constant 117 : i32
    %swap3A_1073 = arith.index_cast %swap3A_1072 : i32 to index
    %swap3A_1074 = arith.constant 0 : index
    %swap3A_1075 = tpu.vector_load %arg5[%swap3A_1073, %swap3A_1074] {strides = array<i32>} : memref<128x16xf32, #tpu.memory_space<vmem>>, vector<1x16xf32>,
    %swap3A_1076 = vector.shape_cast %swap3A_1075 : vector<1x16xf32> to vector<16xf32>
    %swap3A_1077 = vector.shape_cast %broadcast_in_dim3A_1071 : vector<16xf32> to vector<1x16xf32>
    tpu.vector_store %arg5[%swap3A_1073, %swap3A_1074], %swap3A_1077 {strides = array<i32>} : memref<128x16xf32, #tpu.memory_space<vmem>>, vector<1x16xf32>,
    %broadcast_in_dim3A_1078 = arith.constant 1.000000e+00 : f32
    %broadcast_in_dim3A_1079 = vector.broadcast %broadcast_in_dim3A_1078 : f32 to vector<16xf32>
    %swap3A_1080 = arith.constant 118 : i32
    %swap3A_1081 = arith.index_cast %swap3A_1080 : i32 to index
    %swap3A_1082 = arith.constant 0 : index
    %swap3A_1083 = tpu.vector_load %arg5[%swap3A_1081, %swap3A_1082] {strides = array<i32>} : memref<128x16xf32, #tpu.memory_space<vmem>>, vector<1x16xf32>,
    %swap3A_1084 = vector.shape_cast %swap3A_1083 : vector<1x16xf32> to vector<16xf32>
    %swap3A_1085 = vector.shape_cast %broadcast_in_dim3A_1079 : vector<16xf32> to vector<1x16xf32>
    tpu.vector_store %arg5[%swap3A_1081, %swap3A_1082], %swap3A_1085 {strides = array<i32>} : memref<128x16xf32, #tpu.memory_space<vmem>>, vector<1x16xf32>,
    %broadcast_in_dim3A_1086 = arith.constant 1.000000e+00 : f32
    %broadcast_in_dim3A_1087 = vector.broadcast %broadcast_in_dim3A_1086 : f32 to vector<16xf32>
    %swap3A_1088 = arith.constant 119 : i32
    %swap3A_1089 = arith.index_cast %swap3A_1088 : i32 to index
    %swap3A_1090 = arith.constant 0 : index
    %swap3A_1091 = tpu.vector_load %arg5[%swap3A_1089, %swap3A_1090] {strides = array<i32>} : memref<128x16xf32, #tpu.memory_space<vmem>>, vector<1x16xf32>,
    %swap3A_1092 = vector.shape_cast %swap3A_1091 : vector<1x16xf32> to vector<16xf32>
    %swap3A_1093 = vector.shape_cast %broadcast_in_dim3A_1087 : vector<16xf32> to vector<1x16xf32>
    tpu.vector_store %arg5[%swap3A_1089, %swap3A_1090], %swap3A_1093 {strides = array<i32>} : memref<128x16xf32, #tpu.memory_space<vmem>>, vector<1x16xf32>,
    %broadcast_in_dim3A_1094 = arith.constant 1.000000e+00 : f32
    %broadcast_in_dim3A_1095 = vector.broadcast %broadcast_in_dim3A_1094 : f32 to vector<16xf32>
    %swap3A_1096 = arith.constant 120 : i32
    %swap3A_1097 = arith.index_cast %swap3A_1096 : i32 to index
    %swap3A_1098 = arith.constant 0 : index
    %swap3A_1099 = tpu.vector_load %arg5[%swap3A_1097, %swap3A_1098] {strides = array<i32>} : memref<128x16xf32, #tpu.memory_space<vmem>>, vector<1x16xf32>,
    %swap3A_1100 = vector.shape_cast %swap3A_1099 : vector<1x16xf32> to vector<16xf32>
    %swap3A_1101 = vector.shape_cast %broadcast_in_dim3A_1095 : vector<16xf32> to vector<1x16xf32>
    tpu.vector_store %arg5[%swap3A_1097, %swap3A_1098], %swap3A_1101 {strides = array<i32>} : memref<128x16xf32, #tpu.memory_space<vmem>>, vector<1x16xf32>,
    %broadcast_in_dim3A_1102 = arith.constant 1.000000e+00 : f32
    %broadcast_in_dim3A_1103 = vector.broadcast %broadcast_in_dim3A_1102 : f32 to vector<16xf32>
    %swap3A_1104 = arith.constant 121 : i32
    %swap3A_1105 = arith.index_cast %swap3A_1104 : i32 to index
    %swap3A_1106 = arith.constant 0 : index
    %swap3A_1107 = tpu.vector_load %arg5[%swap3A_1105, %swap3A_1106] {strides = array<i32>} : memref<128x16xf32, #tpu.memory_space<vmem>>, vector<1x16xf32>,
    %swap3A_1108 = vector.shape_cast %swap3A_1107 : vector<1x16xf32> to vector<16xf32>
    %swap3A_1109 = vector.shape_cast %broadcast_in_dim3A_1103 : vector<16xf32> to vector<1x16xf32>
    tpu.vector_store %arg5[%swap3A_1105, %swap3A_1106], %swap3A_1109 {strides = array<i32>} : memref<128x16xf32, #tpu.memory_space<vmem>>, vector<1x16xf32>,
    %broadcast_in_dim3A_1110 = arith.constant 1.000000e+00 : f32
    %broadcast_in_dim3A_1111 = vector.broadcast %broadcast_in_dim3A_1110 : f32 to vector<16xf32>
    %swap3A_1112 = arith.constant 122 : i32
    %swap3A_1113 = arith.index_cast %swap3A_1112 : i32 to index
    %swap3A_1114 = arith.constant 0 : index
    %swap3A_1115 = tpu.vector_load %arg5[%swap3A_1113, %swap3A_1114] {strides = array<i32>} : memref<128x16xf32, #tpu.memory_space<vmem>>, vector<1x16xf32>,
    %swap3A_1116 = vector.shape_cast %swap3A_1115 : vector<1x16xf32> to vector<16xf32>
    %swap3A_1117 = vector.shape_cast %broadcast_in_dim3A_1111 : vector<16xf32> to vector<1x16xf32>
    tpu.vector_store %arg5[%swap3A_1113, %swap3A_1114], %swap3A_1117 {strides = array<i32>} : memref<128x16xf32, #tpu.memory_space<vmem>>, vector<1x16xf32>,
    %broadcast_in_dim3A_1118 = arith.constant 1.000000e+00 : f32
    %broadcast_in_dim3A_1119 = vector.broadcast %broadcast_in_dim3A_1118 : f32 to vector<16xf32>
    %swap3A_1120 = arith.constant 123 : i32
    %swap3A_1121 = arith.index_cast %swap3A_1120 : i32 to index
    %swap3A_1122 = arith.constant 0 : index
    %swap3A_1123 = tpu.vector_load %arg5[%swap3A_1121, %swap3A_1122] {strides = array<i32>} : memref<128x16xf32, #tpu.memory_space<vmem>>, vector<1x16xf32>,
    %swap3A_1124 = vector.shape_cast %swap3A_1123 : vector<1x16xf32> to vector<16xf32>
    %swap3A_1125 = vector.shape_cast %broadcast_in_dim3A_1119 : vector<16xf32> to vector<1x16xf32>
    tpu.vector_store %arg5[%swap3A_1121, %swap3A_1122], %swap3A_1125 {strides = array<i32>} : memref<128x16xf32, #tpu.memory_space<vmem>>, vector<1x16xf32>,
    %broadcast_in_dim3A_1126 = arith.constant 1.000000e+00 : f32
    %broadcast_in_dim3A_1127 = vector.broadcast %broadcast_in_dim3A_1126 : f32 to vector<16xf32>
    %swap3A_1128 = arith.constant 124 : i32
    %swap3A_1129 = arith.index_cast %swap3A_1128 : i32 to index
    %swap3A_1130 = arith.constant 0 : index
    %swap3A_1131 = tpu.vector_load %arg5[%swap3A_1129, %swap3A_1130] {strides = array<i32>} : memref<128x16xf32, #tpu.memory_space<vmem>>, vector<1x16xf32>,
    %swap3A_1132 = vector.shape_cast %swap3A_1131 : vector<1x16xf32> to vector<16xf32>
    %swap3A_1133 = vector.shape_cast %broadcast_in_dim3A_1127 : vector<16xf32> to vector<1x16xf32>
    tpu.vector_store %arg5[%swap3A_1129, %swap3A_1130], %swap3A_1133 {strides = array<i32>} : memref<128x16xf32, #tpu.memory_space<vmem>>, vector<1x16xf32>,
    %broadcast_in_dim3A_1134 = arith.constant 1.000000e+00 : f32
    %broadcast_in_dim3A_1135 = vector.broadcast %broadcast_in_dim3A_1134 : f32 to vector<16xf32>
    %swap3A_1136 = arith.constant 125 : i32
    %swap3A_1137 = arith.index_cast %swap3A_1136 : i32 to index
    %swap3A_1138 = arith.constant 0 : index
    %swap3A_1139 = tpu.vector_load %arg5[%swap3A_1137, %swap3A_1138] {strides = array<i32>} : memref<128x16xf32, #tpu.memory_space<vmem>>, vector<1x16xf32>,
    %swap3A_1140 = vector.shape_cast %swap3A_1139 : vector<1x16xf32> to vector<16xf32>
    %swap3A_1141 = vector.shape_cast %broadcast_in_dim3A_1135 : vector<16xf32> to vector<1x16xf32>
    tpu.vector_store %arg5[%swap3A_1137, %swap3A_1138], %swap3A_1141 {strides = array<i32>} : memref<128x16xf32, #tpu.memory_space<vmem>>, vector<1x16xf32>,
    %broadcast_in_dim3A_1142 = arith.constant 1.000000e+00 : f32
    %broadcast_in_dim3A_1143 = vector.broadcast %broadcast_in_dim3A_1142 : f32 to vector<16xf32>
    %swap3A_1144 = arith.constant 126 : i32
    %swap3A_1145 = arith.index_cast %swap3A_1144 : i32 to index
    %swap3A_1146 = arith.constant 0 : index
    %swap3A_1147 = tpu.vector_load %arg5[%swap3A_1145, %swap3A_1146] {strides = array<i32>} : memref<128x16xf32, #tpu.memory_space<vmem>>, vector<1x16xf32>,
    %swap3A_1148 = vector.shape_cast %swap3A_1147 : vector<1x16xf32> to vector<16xf32>
    %swap3A_1149 = vector.shape_cast %broadcast_in_dim3A_1143 : vector<16xf32> to vector<1x16xf32>
    tpu.vector_store %arg5[%swap3A_1145, %swap3A_1146], %swap3A_1149 {strides = array<i32>} : memref<128x16xf32, #tpu.memory_space<vmem>>, vector<1x16xf32>,
    %broadcast_in_dim3A_1150 = arith.constant 1.000000e+00 : f32
    %broadcast_in_dim3A_1151 = vector.broadcast %broadcast_in_dim3A_1150 : f32 to vector<16xf32>
    %swap3A_1152 = arith.constant 127 : i32
    %swap3A_1153 = arith.index_cast %swap3A_1152 : i32 to index
    %swap3A_1154 = arith.constant 0 : index
    %swap3A_1155 = tpu.vector_load %arg5[%swap3A_1153, %swap3A_1154] {strides = array<i32>} : memref<128x16xf32, #tpu.memory_space<vmem>>, vector<1x16xf32>,
    %swap3A_1156 = vector.shape_cast %swap3A_1155 : vector<1x16xf32> to vector<16xf32>
    %swap3A_1157 = vector.shape_cast %broadcast_in_dim3A_1151 : vector<16xf32> to vector<1x16xf32>
    tpu.vector_store %arg5[%swap3A_1153, %swap3A_1154], %swap3A_1157 {strides = array<i32>} : memref<128x16xf32, #tpu.memory_space<vmem>>, vector<1x16xf32>,
    "tpu.region"() ({
      %run_scoped3A = tpu.sem_alloc : memref<!tpu.dma_semaphore, #tpu.memory_space<semaphore_mem>>
      %dma_start3A = arith.constant 0 : i32
      %dma_start3A_1176 = arith.constant 0 : i32
      %dma_start3A_1177 = tpu.memref_slice %arg2[%add3A, %dma_start3A, %dma_start3A_1176] : memref<32x80x128xi32, #tpu.memory_space<hbm>> -> memref<1x80x128xi32, #tpu.memory_space<hbm>>
      %dma_start3A_1178 = tpu.memref_squeeze %dma_start3A_1177 : memref<1x80x128xi32, #tpu.memory_space<hbm>> -> memref<80x128xi32, #tpu.memory_space<hbm>>
      %dma_start3A_1179 = arith.constant 0 : i32
      %dma_start3A_1180 = arith.constant 0 : i32
      %dma_start3A_1181 = tpu.memref_slice %arg2[%add3A, %dma_start3A_1179, %dma_start3A_1180] : memref<32x80x128xi32, #tpu.memory_space<hbm>> -> memref<1x80x128xi32, #tpu.memory_space<hbm>>
      %dma_start3A_1182 = tpu.memref_squeeze %dma_start3A_1181 : memref<1x80x128xi32, #tpu.memory_space<hbm>> -> memref<80x128xi32, #tpu.memory_space<hbm>>
      tpu.enqueue_dma source(%dma_start3A_1182 : memref<80x128xi32, #tpu.memory_space<hbm>>) target(%arg6 : memref<80x128xi32, #tpu.memory_space<vmem>>) target_semaphore(%run_scoped3A : memref<!tpu.dma_semaphore, #tpu.memory_space<semaphore_mem>>)
      %dma_wait3A = arith.constant 0 : i32
      %dma_wait3A_1183 = arith.constant 0 : i32
      %dma_wait3A_1184 = tpu.memref_slice %arg2[%add3A, %dma_wait3A, %dma_wait3A_1183] : memref<32x80x128xi32, #tpu.memory_space<hbm>> -> memref<1x80x128xi32, #tpu.memory_space<hbm>>
      %dma_wait3A_1185 = tpu.memref_squeeze %dma_wait3A_1184 : memref<1x80x128xi32, #tpu.memory_space<hbm>> -> memref<80x128xi32, #tpu.memory_space<hbm>>
      %dma_wait3A_1186 = arith.constant 0 : i32
      %dma_wait3A_1187 = arith.constant 0 : i32
      %dma_wait3A_1188 = tpu.memref_slice %arg2[%add3A, %dma_wait3A_1186, %dma_wait3A_1187] : memref<32x80x128xi32, #tpu.memory_space<hbm>> -> memref<1x80x128xi32, #tpu.memory_space<hbm>>
      %dma_wait3A_1189 = tpu.memref_squeeze %dma_wait3A_1188 : memref<1x80x128xi32, #tpu.memory_space<hbm>> -> memref<80x128xi32, #tpu.memory_space<hbm>>
      tpu.wait_dma2 semaphore(%run_scoped3A : memref<!tpu.dma_semaphore, #tpu.memory_space<semaphore_mem>>) src(%dma_wait3A_1189 : memref<80x128xi32, #tpu.memory_space<hbm>>) dst(%arg6 : memref<80x128xi32, #tpu.memory_space<vmem>>)
      tpu.yield
    }) : () -> ()
    %barrier3A = arith.constant 0 : index
    tpu.barrier barrier_id(%barrier3A)
    %scan3A_1158 = arith.constant 0 : i32
    %scan3A_1159 = arith.constant 0 : i32
    %scan3A_1160 = arith.constant 80 : i32
    %scan3A_1161 = arith.addi %scan3A_1159, %scan3A_1160 : i32
    %scan3A_1162 = arith.constant 1 : i32
    scf.for %scan3A_1176 = %scan3A_1159 to %scan3A_1161 step %scan3A_1162  : i32 {
      %dma_start3A = arith.constant 0 : i32
      %dma_start3A_1177 = tpu.memref_slice %arg6[%scan3A_1176, %dma_start3A] : memref<80x128xi32, #tpu.memory_space<vmem>> -> memref<1x128xi32, #tpu.memory_space<vmem>>
      %dma_start3A_1178 = tpu.memref_squeeze %dma_start3A_1177 : memref<1x128xi32, #tpu.memory_space<vmem>> -> memref<128xi32, #tpu.memory_space<vmem>>
      %dma_start3A_1179 = arith.constant 0 : i32
      %dma_start3A_1180 = arith.constant 0 : i32
      %dma_start3A_1181 = tpu.memref_slice %arg7[%dma_start3A_1179, %dma_start3A_1180] : memref<10240x16xf32, #tpu.memory_space<vmem_shared>> -> memref<10240x16xf32, #tpu.memory_space<vmem_shared>>
      tpu.enqueue_indirect_dma source(%arg5 : memref<128x16xf32, #tpu.memory_space<vmem>>) target(%dma_start3A_1181 : memref<10240x16xf32, #tpu.memory_space<vmem_shared>>) offsets(%dma_start3A_1178 : memref<128xi32, #tpu.memory_space<vmem>>) semaphore(%arg8 : memref<!tpu.dma_semaphore, #tpu.memory_space<semaphore_mem>>) {add = true}
    }
    %scan3A_1163 = arith.constant 80 : i32
    %scan3A_1164 = arith.constant 0 : i32
    %scan3A_1165 = arith.constant 0 : i32
    %scan3A_1166 = arith.constant 80 : i32
    %scan3A_1167 = arith.addi %scan3A_1165, %scan3A_1166 : i32
    %scan3A_1168 = arith.constant 1 : i32
    scf.for %scan3A_1176 = %scan3A_1165 to %scan3A_1167 step %scan3A_1168  : i32 {
      %dma_wait3A = arith.constant 0 : i32
      %dma_wait3A_1177 = tpu.memref_slice %arg6[%scan3A_1176, %dma_wait3A] : memref<80x128xi32, #tpu.memory_space<vmem>> -> memref<1x128xi32, #tpu.memory_space<vmem>>
      %dma_wait3A_1178 = tpu.memref_squeeze %dma_wait3A_1177 : memref<1x128xi32, #tpu.memory_space<vmem>> -> memref<128xi32, #tpu.memory_space<vmem>>
      %dma_wait3A_1179 = arith.constant 0 : i32
      %dma_wait3A_1180 = arith.constant 0 : i32
      %dma_wait3A_1181 = tpu.memref_slice %arg7[%dma_wait3A_1179, %dma_wait3A_1180] : memref<10240x16xf32, #tpu.memory_space<vmem_shared>> -> memref<10240x16xf32, #tpu.memory_space<vmem_shared>>
      tpu.wait_indirect_dma semaphore(%arg8 : memref<!tpu.dma_semaphore, #tpu.memory_space<semaphore_mem>>) src(%arg5 : memref<128x16xf32, #tpu.memory_space<vmem>>) dst(%dma_wait3A_1181 : memref<10240x16xf32, #tpu.memory_space<vmem_shared>>)
    }
    %scan3A_1169 = arith.constant 80 : i32
    %barrier3A_1170 = arith.constant 0 : index
    tpu.barrier barrier_id(%barrier3A_1170)
    %mul3A_1171 = arith.constant 640 : i32
    %mul3A_1172 = arith.muli %arg1, %mul3A_1171 : i32
    %mul3A_1173 = arith.constant 10240 : i32
    %mul3A_1174 = arith.muli %arg0, %mul3A_1173 : i32
    %add3A_1175 = arith.addi %mul3A_1174, %mul3A_1172 : i32
    "tpu.region"() ({
      %run_scoped3A = tpu.sem_alloc : memref<!tpu.dma_semaphore, #tpu.memory_space<semaphore_mem>>
      %dma_start3A = arith.constant 0 : i32
      %dma_start3A_1176 = tpu.memref_slice %arg3[%add3A_1175, %dma_start3A] : memref<20480x16xf32, #tpu.memory_space<hbm>> -> memref<640x16xf32, #tpu.memory_space<hbm>>
      %dma_start3A_1177 = arith.constant 0 : i32
      %dma_start3A_1178 = tpu.memref_slice %arg7[%mul3A_1172, %dma_start3A_1177] : memref<10240x16xf32, #tpu.memory_space<vmem_shared>> -> memref<640x16xf32, #tpu.memory_space<vmem_shared>>
      tpu.enqueue_dma source(%dma_start3A_1178 : memref<640x16xf32, #tpu.memory_space<vmem_shared>>) target(%dma_start3A_1176 : memref<640x16xf32, #tpu.memory_space<hbm>>) target_semaphore(%run_scoped3A : memref<!tpu.dma_semaphore, #tpu.memory_space<semaphore_mem>>)
      %dma_wait3A = arith.constant 0 : i32
      %dma_wait3A_1179 = tpu.memref_slice %arg3[%add3A_1175, %dma_wait3A] : memref<20480x16xf32, #tpu.memory_space<hbm>> -> memref<640x16xf32, #tpu.memory_space<hbm>>
      %dma_wait3A_1180 = arith.constant 0 : i32
      %dma_wait3A_1181 = tpu.memref_slice %arg7[%mul3A_1172, %dma_wait3A_1180] : memref<10240x16xf32, #tpu.memory_space<vmem_shared>> -> memref<640x16xf32, #tpu.memory_space<vmem_shared>>
      tpu.wait_dma2 semaphore(%run_scoped3A : memref<!tpu.dma_semaphore, #tpu.memory_space<semaphore_mem>>) src(%dma_wait3A_1181 : memref<640x16xf32, #tpu.memory_space<vmem_shared>>) dst(%dma_wait3A_1179 : memref<640x16xf32, #tpu.memory_space<hbm>>)
      tpu.yield
    }) : () -> ()
    return
  }
}

module attributes {stable_mosaic.version = 14 : i64} {
  func.func @_tc1_body(%arg0: i32, %arg1: memref<2x1024x16xf32, #tpu.memory_space<vmem>>, %arg2: memref<1024x128xf32, #tpu.memory_space<vmem>>, %arg3: memref<128x128xf32, #tpu.memory_space<vmem>>, %arg4: memref<1024x128xf32, #tpu.memory_space<vmem>>) attributes {dimension_semantics = [#tpu.dimension_semantics<arbitrary>], iteration_bounds = array<i64: 10>, scalar_prefetch = 0 : i64, scratch_operands = 0 : i64, tpu.core_type = #tpu.core_type<tc>, window_params = [{transform_indices = @transform_0, window_bounds = array<i64: 2, 1024, 16>}, {transform_indices = @transform_1, window_bounds = array<i64: 1024, 128>}, {pipeline_mode = #tpu.pipeline_mode<synchronous>, transform_indices = @transform_2, window_bounds = array<i64: 128, 128>}, {transform_indices = @transform_3, window_bounds = array<i64: 1024, 128>}]} {
    %get3A = arith.constant 0 : index
    %get3A_0 = arith.constant 0 : index
    %get3A_1 = vector.load %arg2[%get3A, %get3A_0] : memref<1024x128xf32, #tpu.memory_space<vmem>>, vector<1024x128xf32>
    %get3A_2 = arith.constant 0 : index
    %get3A_3 = arith.constant 0 : index
    %get3A_4 = vector.load %arg3[%get3A_2, %get3A_3] : memref<128x128xf32, #tpu.memory_space<vmem>>, vector<128x128xf32>
    %dot_general3A = arith.constant dense<0.000000e+00> : vector<1024x128xf32>
    %dot_general3A_5 = tpu.matmul %get3A_1, %get3A_4, %dot_general3A {dimension_numbers = #tpu.dot_dimension_numbers<[1], [0], [0], [1], [0, 0, 1, 1], [], []>, transpose_lhs_hint = false} : vector<1024x128xf32>, vector<128x128xf32>, vector<1024x128xf32> -> vector<1024x128xf32>
    %get3A_6 = arith.constant 0 : index
    %get3A_7 = arith.constant 0 : index
    %get3A_8 = arith.constant 0 : index
    %get3A_9 = vector.load %arg1[%get3A_6, %get3A_7, %get3A_8] : memref<2x1024x16xf32, #tpu.memory_space<vmem>>, vector<1x1024x16xf32>
    %get3A_10 = vector.shape_cast %get3A_9 : vector<1x1024x16xf32> to vector<1024x16xf32>
    %slice3A = vector.extract_strided_slice %get3A_10 {offsets = [0, 0], sizes = [1024, 1], strides = [1, 1]} : vector<1024x16xf32> to vector<1024x1xf32>
    %get3A_11 = arith.constant 1 : index
    %get3A_12 = arith.constant 0 : index
    %get3A_13 = arith.constant 0 : index
    %get3A_14 = vector.load %arg1[%get3A_11, %get3A_12, %get3A_13] : memref<2x1024x16xf32, #tpu.memory_space<vmem>>, vector<1x1024x16xf32>
    %get3A_15 = vector.shape_cast %get3A_14 : vector<1x1024x16xf32> to vector<1024x16xf32>
    %slice3A_16 = vector.extract_strided_slice %get3A_15 {offsets = [0, 0], sizes = [1024, 1], strides = [1, 1]} : vector<1024x16xf32> to vector<1024x1xf32>
    %add3A = arith.addf %slice3A, %slice3A_16 : vector<1024x1xf32>
    %add3A_17 = arith.constant 1.000000e+00 : f32
    %add3A_18 = vector.broadcast %add3A_17 : f32 to vector<1024x1xf32>
    %add3A_19 = arith.addf %add3A, %add3A_18 : vector<1024x1xf32>
    %rsqrt3A = math.rsqrt %add3A_19 : vector<1024x1xf32>
    %mul3A = vector.broadcast %rsqrt3A : vector<1024x1xf32> to vector<1024x128xf32>
    %mul3A_20 = arith.mulf %dot_general3A_5, %mul3A : vector<1024x128xf32>
    %swap3A = arith.constant 0 : index
    %swap3A_21 = arith.constant 0 : index
    %swap3A_22 = vector.load %arg4[%swap3A, %swap3A_21] : memref<1024x128xf32, #tpu.memory_space<vmem>>, vector<1024x128xf32>
    tpu.vector_store %arg4[%swap3A, %swap3A_21], %mul3A_20 {strides = array<i32>} : memref<1024x128xf32, #tpu.memory_space<vmem>>, vector<1024x128xf32>,
    return
  }
  func.func @transform_0(%arg0: i32) -> (i32, i32, i32) {
    %c0_i32 = arith.constant 0 : i32
    %c0_i32_0 = arith.constant 0 : i32
    %c0_i32_1 = arith.constant 0 : i32
    return %c0_i32, %arg0, %c0_i32_0 : i32, i32, i32
  }
  func.func @transform_1(%arg0: i32) -> (i32, i32) {
    %c0_i32 = arith.constant 0 : i32
    %c0_i32_0 = arith.constant 0 : i32
    return %arg0, %c0_i32 : i32, i32
  }
  func.func @transform_2(%arg0: i32) -> (i32, i32) {
    %c0_i32 = arith.constant 0 : i32
    %c0_i32_0 = arith.constant 0 : i32
    %c0_i32_1 = arith.constant 0 : i32
    return %c0_i32, %c0_i32_0 : i32, i32
  }
  func.func @transform_3(%arg0: i32) -> (i32, i32) {
    %c0_i32 = arith.constant 0 : i32
    %c0_i32_0 = arith.constant 0 : i32
    return %arg0, %c0_i32 : i32, i32
  }
}

module attributes {stable_mosaic.version = 14 : i64} {
  func.func @_tc2a_body(%arg0: i32, %arg1: memref<2x1024x128xf32, #tpu.memory_space<vmem>>, %arg2: memref<1024x128xf32, #tpu.memory_space<vmem>>, %arg3: memref<2x1024x16xf32, #tpu.memory_space<vmem>>, %arg4: memref<1x128xf32, #tpu.memory_space<vmem>>, %arg5: memref<1024x128xf32, #tpu.memory_space<vmem>>, %arg6: memref<2x128xf32, #tpu.memory_space<vmem>>) attributes {dimension_semantics = [#tpu.dimension_semantics<arbitrary>], iteration_bounds = array<i64: 10>, scalar_prefetch = 0 : i64, scratch_operands = 0 : i64, tpu.core_type = #tpu.core_type<tc>, window_params = [{transform_indices = @transform_0, window_bounds = array<i64: 2, 1024, 128>}, {transform_indices = @transform_1, window_bounds = array<i64: 1024, 128>}, {transform_indices = @transform_2, window_bounds = array<i64: 2, 1024, 16>}, {pipeline_mode = #tpu.pipeline_mode<synchronous>, transform_indices = @transform_3, window_bounds = array<i64: 1, 128>}, {transform_indices = @transform_4, window_bounds = array<i64: 1024, 128>}, {pipeline_mode = #tpu.pipeline_mode<synchronous>, transform_indices = @transform_5, window_bounds = array<i64: 2, 128>}]} {
    %get3A = arith.constant 0 : index
    %get3A_0 = arith.constant 0 : index
    %get3A_1 = arith.constant 0 : index
    %get3A_2 = vector.load %arg1[%get3A, %get3A_0, %get3A_1] : memref<2x1024x128xf32, #tpu.memory_space<vmem>>, vector<1x1024x128xf32>
    %get3A_3 = vector.shape_cast %get3A_2 : vector<1x1024x128xf32> to vector<1024x128xf32>
    %get3A_4 = arith.constant 1 : index
    %get3A_5 = arith.constant 0 : index
    %get3A_6 = arith.constant 0 : index
    %get3A_7 = vector.load %arg1[%get3A_4, %get3A_5, %get3A_6] : memref<2x1024x128xf32, #tpu.memory_space<vmem>>, vector<1x1024x128xf32>
    %get3A_8 = vector.shape_cast %get3A_7 : vector<1x1024x128xf32> to vector<1024x128xf32>
    %add3A = arith.addf %get3A_3, %get3A_8 : vector<1024x128xf32>
    %get3A_9 = arith.constant 0 : index
    %get3A_10 = arith.constant 0 : index
    %get3A_11 = vector.load %arg2[%get3A_9, %get3A_10] : memref<1024x128xf32, #tpu.memory_space<vmem>>, vector<1024x128xf32>
    %add3A_12 = arith.addf %add3A, %get3A_11 : vector<1024x128xf32>
    %get3A_13 = arith.constant 0 : index
    %get3A_14 = arith.constant 0 : index
    %get3A_15 = arith.constant 0 : index
    %get3A_16 = vector.load %arg3[%get3A_13, %get3A_14, %get3A_15] : memref<2x1024x16xf32, #tpu.memory_space<vmem>>, vector<1x1024x16xf32>
    %get3A_17 = vector.shape_cast %get3A_16 : vector<1x1024x16xf32> to vector<1024x16xf32>
    %slice3A = vector.extract_strided_slice %get3A_17 {offsets = [0, 0], sizes = [1024, 1], strides = [1, 1]} : vector<1024x16xf32> to vector<1024x1xf32>
    %get3A_18 = arith.constant 1 : index
    %get3A_19 = arith.constant 0 : index
    %get3A_20 = arith.constant 0 : index
    %get3A_21 = vector.load %arg3[%get3A_18, %get3A_19, %get3A_20] : memref<2x1024x16xf32, #tpu.memory_space<vmem>>, vector<1x1024x16xf32>
    %get3A_22 = vector.shape_cast %get3A_21 : vector<1x1024x16xf32> to vector<1024x16xf32>
    %slice3A_23 = vector.extract_strided_slice %get3A_22 {offsets = [0, 0], sizes = [1024, 1], strides = [1, 1]} : vector<1024x16xf32> to vector<1024x1xf32>
    %add3A_24 = arith.addf %slice3A, %slice3A_23 : vector<1024x1xf32>
    %add3A_25 = arith.constant 1.000000e+00 : f32
    %add3A_26 = vector.broadcast %add3A_25 : f32 to vector<1024x1xf32>
    %add3A_27 = arith.addf %add3A_24, %add3A_26 : vector<1024x1xf32>
    %rsqrt3A = math.rsqrt %add3A_27 : vector<1024x1xf32>
    %mul3A = vector.broadcast %rsqrt3A : vector<1024x1xf32> to vector<1024x128xf32>
    %mul3A_28 = arith.mulf %add3A_12, %mul3A : vector<1024x128xf32>
    %get3A_29 = arith.constant 0 : index
    %get3A_30 = arith.constant 0 : index
    %get3A_31 = vector.load %arg4[%get3A_29, %get3A_30] : memref<1x128xf32, #tpu.memory_space<vmem>>, vector<1x128xf32>
    %add3A_32 = vector.broadcast %get3A_31 : vector<1x128xf32> to vector<1024x128xf32>
    %add3A_33 = arith.addf %mul3A_28, %add3A_32 : vector<1024x128xf32>
    %mul3A_34 = arith.constant 1024 : i32
    %mul3A_35 = arith.muli %arg0, %mul3A_34 : i32
    %iota3A = tpu.iota {dimensions = array<i32: 0>} : vector<1024x1xi32>
    %add3A_36 = vector.broadcast %mul3A_35 : i32 to vector<1024x1xi32>
    %add3A_37 = arith.addi %add3A_36, %iota3A : vector<1024x1xi32>
    %lt3A = arith.constant 10000 : i32
    %lt3A_38 = vector.broadcast %lt3A : i32 to vector<1024x1xi32>
    %lt3A_39 = arith.cmpi slt, %add3A_37, %lt3A_38 : vector<1024x1xi32>
    %jit3A = arith.constant 0.000000e+00 : f32
    %broadcast_in_dim3A = vector.shape_cast %lt3A_39 : vector<1024x1xi1> to vector<1024x1xi1>
    %broadcast_in_dim3A_40 = vector.broadcast %broadcast_in_dim3A : vector<1024x1xi1> to vector<1024x128xi1>
    %broadcast_in_dim3A_41 = vector.broadcast %jit3A : f32 to vector<1024x128xf32>
    %select_n3A = arith.select %broadcast_in_dim3A_40, %add3A_33, %broadcast_in_dim3A_41 : vector<1024x128xi1>, vector<1024x128xf32>
    %swap3A = arith.constant 0 : index
    %swap3A_42 = arith.constant 0 : index
    %swap3A_43 = vector.load %arg5[%swap3A, %swap3A_42] : memref<1024x128xf32, #tpu.memory_space<vmem>>, vector<1024x128xf32>
    tpu.vector_store %arg5[%swap3A, %swap3A_42], %select_n3A {strides = array<i32>} : memref<1024x128xf32, #tpu.memory_space<vmem>>, vector<1024x128xf32>,
    %reduce_sum3A = arith.constant dense<0.000000e+00> : vector<128xf32>
    %reduce_sum3A_44 = vector.multi_reduction <add>, %select_n3A, %reduce_sum3A [0] : vector<1024x128xf32> to vector<128xf32>
    %broadcast_in_dim3A_45 = vector.shape_cast %reduce_sum3A_44 : vector<128xf32> to vector<1x128xf32>
    %mul3A_46 = arith.mulf %select_n3A, %select_n3A : vector<1024x128xf32>
    %reduce_sum3A_47 = arith.constant dense<0.000000e+00> : vector<128xf32>
    %reduce_sum3A_48 = vector.multi_reduction <add>, %mul3A_46, %reduce_sum3A_47 [0] : vector<1024x128xf32> to vector<128xf32>
    %broadcast_in_dim3A_49 = vector.shape_cast %reduce_sum3A_48 : vector<128xf32> to vector<1x128xf32>
    %concatenate3A = tpu.concatenate %broadcast_in_dim3A_45, %broadcast_in_dim3A_49 in 0 : vector<1x128xf32>, vector<1x128xf32> -> vector<2x128xf32>
    %eq3A = arith.constant 0 : i32
    %eq3A_50 = arith.cmpi eq, %arg0, %eq3A : i32
    %convert_element_type3A = arith.extui %eq3A_50 : i1 to i32
    %cond3A = arith.constant 0 : i32
    %cond3A_51 = arith.cmpi ne, %convert_element_type3A, %cond3A : i32
    scf.if %cond3A_51 {
      %swap3A_56 = arith.constant 0 : index
      %swap3A_57 = arith.constant 0 : index
      %swap3A_58 = vector.load %arg6[%swap3A_56, %swap3A_57] : memref<2x128xf32, #tpu.memory_space<vmem>>, vector<2x128xf32>
      tpu.vector_store %arg6[%swap3A_56, %swap3A_57], %concatenate3A {strides = array<i32>} : memref<2x128xf32, #tpu.memory_space<vmem>>, vector<2x128xf32>,
    } else {
    }
    %gt3A = arith.constant 0 : i32
    %gt3A_52 = arith.cmpi sgt, %arg0, %gt3A : i32
    %convert_element_type3A_53 = arith.extui %gt3A_52 : i1 to i32
    %cond3A_54 = arith.constant 0 : i32
    %cond3A_55 = arith.cmpi ne, %convert_element_type3A_53, %cond3A_54 : i32
    scf.if %cond3A_55 {
      %get3A_56 = arith.constant 0 : index
      %get3A_57 = arith.constant 0 : index
      %get3A_58 = vector.load %arg6[%get3A_56, %get3A_57] : memref<2x128xf32, #tpu.memory_space<vmem>>, vector<2x128xf32>
      %add3A_59 = arith.addf %get3A_58, %concatenate3A : vector<2x128xf32>
      %swap3A_60 = arith.constant 0 : index
      %swap3A_61 = arith.constant 0 : index
      %swap3A_62 = vector.load %arg6[%swap3A_60, %swap3A_61] : memref<2x128xf32, #tpu.memory_space<vmem>>, vector<2x128xf32>
      tpu.vector_store %arg6[%swap3A_60, %swap3A_61], %add3A_59 {strides = array<i32>} : memref<2x128xf32, #tpu.memory_space<vmem>>, vector<2x128xf32>,
    } else {
    }
    return
  }
  func.func @transform_0(%arg0: i32) -> (i32, i32, i32) {
    %c0_i32 = arith.constant 0 : i32
    %c0_i32_0 = arith.constant 0 : i32
    %c0_i32_1 = arith.constant 0 : i32
    return %c0_i32, %arg0, %c0_i32_0 : i32, i32, i32
  }
  func.func @transform_1(%arg0: i32) -> (i32, i32) {
    %c0_i32 = arith.constant 0 : i32
    %c0_i32_0 = arith.constant 0 : i32
    return %arg0, %c0_i32 : i32, i32
  }
  func.func @transform_2(%arg0: i32) -> (i32, i32, i32) {
    %c0_i32 = arith.constant 0 : i32
    %c0_i32_0 = arith.constant 0 : i32
    %c0_i32_1 = arith.constant 0 : i32
    return %c0_i32, %arg0, %c0_i32_0 : i32, i32, i32
  }
  func.func @transform_3(%arg0: i32) -> (i32, i32) {
    %c0_i32 = arith.constant 0 : i32
    %c0_i32_0 = arith.constant 0 : i32
    %c0_i32_1 = arith.constant 0 : i32
    return %c0_i32, %c0_i32_0 : i32, i32
  }
  func.func @transform_4(%arg0: i32) -> (i32, i32) {
    %c0_i32 = arith.constant 0 : i32
    %c0_i32_0 = arith.constant 0 : i32
    return %arg0, %c0_i32 : i32, i32
  }
  func.func @transform_5(%arg0: i32) -> (i32, i32) {
    %c0_i32 = arith.constant 0 : i32
    %c0_i32_0 = arith.constant 0 : i32
    %c0_i32_1 = arith.constant 0 : i32
    return %c0_i32, %c0_i32_0 : i32, i32
  }
}

module attributes {stable_mosaic.version = 14 : i64} {
  func.func @_tc2b_body(%arg0: i32, %arg1: memref<1024x128xf32, #tpu.memory_space<vmem>>, %arg2: memref<2x128xf32, #tpu.memory_space<vmem>>, %arg3: memref<2x1024x16xf32, #tpu.memory_space<vmem>>, %arg4: memref<1x128xf32, #tpu.memory_space<vmem>>, %arg5: memref<1x128xf32, #tpu.memory_space<vmem>>, %arg6: memref<128x48xf32, #tpu.memory_space<vmem>>, %arg7: memref<1024x48xf32, #tpu.memory_space<vmem>>) attributes {dimension_semantics = [#tpu.dimension_semantics<arbitrary>], iteration_bounds = array<i64: 10>, scalar_prefetch = 0 : i64, scratch_operands = 0 : i64, tpu.core_type = #tpu.core_type<tc>, window_params = [{transform_indices = @transform_0, window_bounds = array<i64: 1024, 128>}, {pipeline_mode = #tpu.pipeline_mode<synchronous>, transform_indices = @transform_1, window_bounds = array<i64: 2, 128>}, {transform_indices = @transform_2, window_bounds = array<i64: 2, 1024, 16>}, {pipeline_mode = #tpu.pipeline_mode<synchronous>, transform_indices = @transform_3, window_bounds = array<i64: 1, 128>}, {pipeline_mode = #tpu.pipeline_mode<synchronous>, transform_indices = @transform_4, window_bounds = array<i64: 1, 128>}, {pipeline_mode = #tpu.pipeline_mode<synchronous>, transform_indices = @transform_5, window_bounds = array<i64: 128, 48>}, {transform_indices = @transform_6, window_bounds = array<i64: 1024, 48>}]} {
    %get3A = arith.constant 0 : index
    %get3A_0 = arith.constant 0 : index
    %get3A_1 = vector.load %arg2[%get3A, %get3A_0] : memref<2x128xf32, #tpu.memory_space<vmem>>, vector<1x128xf32>
    %div3A = arith.constant 1.000000e+04 : f32
    %div3A_2 = vector.broadcast %div3A : f32 to vector<1x128xf32>
    %div3A_3 = arith.divf %get3A_1, %div3A_2 : vector<1x128xf32>
    %get3A_4 = arith.constant 1 : index
    %get3A_5 = arith.constant 0 : index
    %get3A_6 = vector.load %arg2[%get3A_4, %get3A_5] : memref<2x128xf32, #tpu.memory_space<vmem>>, vector<1x128xf32>
    %div3A_7 = arith.constant 1.000000e+04 : f32
    %div3A_8 = vector.broadcast %div3A_7 : f32 to vector<1x128xf32>
    %div3A_9 = arith.divf %get3A_6, %div3A_8 : vector<1x128xf32>
    %mul3A = arith.mulf %div3A_3, %div3A_3 : vector<1x128xf32>
    %sub3A = arith.subf %div3A_9, %mul3A : vector<1x128xf32>
    %get3A_10 = arith.constant 0 : index
    %get3A_11 = arith.constant 0 : index
    %get3A_12 = vector.load %arg1[%get3A_10, %get3A_11] : memref<1024x128xf32, #tpu.memory_space<vmem>>, vector<1024x128xf32>
    %sub3A_13 = vector.broadcast %div3A_3 : vector<1x128xf32> to vector<1024x128xf32>
    %sub3A_14 = arith.subf %get3A_12, %sub3A_13 : vector<1024x128xf32>
    %add3A = arith.constant 9.99999974E-6 : f32
    %add3A_15 = vector.broadcast %add3A : f32 to vector<1x128xf32>
    %add3A_16 = arith.addf %sub3A, %add3A_15 : vector<1x128xf32>
    %rsqrt3A = math.rsqrt %add3A_16 : vector<1x128xf32>
    %mul3A_17 = vector.broadcast %rsqrt3A : vector<1x128xf32> to vector<1024x128xf32>
    %mul3A_18 = arith.mulf %sub3A_14, %mul3A_17 : vector<1024x128xf32>
    %get3A_19 = arith.constant 0 : index
    %get3A_20 = arith.constant 0 : index
    %get3A_21 = vector.load %arg4[%get3A_19, %get3A_20] : memref<1x128xf32, #tpu.memory_space<vmem>>, vector<1x128xf32>
    %mul3A_22 = vector.broadcast %get3A_21 : vector<1x128xf32> to vector<1024x128xf32>
    %mul3A_23 = arith.mulf %mul3A_18, %mul3A_22 : vector<1024x128xf32>
    %get3A_24 = arith.constant 0 : index
    %get3A_25 = arith.constant 0 : index
    %get3A_26 = vector.load %arg5[%get3A_24, %get3A_25] : memref<1x128xf32, #tpu.memory_space<vmem>>, vector<1x128xf32>
    %add3A_27 = vector.broadcast %get3A_26 : vector<1x128xf32> to vector<1024x128xf32>
    %add3A_28 = arith.addf %mul3A_23, %add3A_27 : vector<1024x128xf32>
    %max3A = arith.constant 0.000000e+00 : f32
    %max3A_29 = vector.broadcast %max3A : f32 to vector<1024x128xf32>
    %max3A_30 = arith.maximumf %add3A_28, %max3A_29 : vector<1024x128xf32>
    %get3A_31 = arith.constant 0 : index
    %get3A_32 = arith.constant 0 : index
    %get3A_33 = vector.load %arg6[%get3A_31, %get3A_32] : memref<128x48xf32, #tpu.memory_space<vmem>>, vector<128x48xf32>
    %dot_general3A = arith.constant dense<0.000000e+00> : vector<1024x48xf32>
    %dot_general3A_34 = tpu.matmul %max3A_30, %get3A_33, %dot_general3A {dimension_numbers = #tpu.dot_dimension_numbers<[1], [0], [0], [1], [0, 0, 1, 1], [], []>, transpose_lhs_hint = false} : vector<1024x128xf32>, vector<128x48xf32>, vector<1024x48xf32> -> vector<1024x48xf32>
    %get3A_35 = arith.constant 0 : index
    %get3A_36 = arith.constant 0 : index
    %get3A_37 = arith.constant 0 : index
    %get3A_38 = vector.load %arg3[%get3A_35, %get3A_36, %get3A_37] : memref<2x1024x16xf32, #tpu.memory_space<vmem>>, vector<1x1024x16xf32>
    %get3A_39 = vector.shape_cast %get3A_38 : vector<1x1024x16xf32> to vector<1024x16xf32>
    %slice3A = vector.extract_strided_slice %get3A_39 {offsets = [0, 0], sizes = [1024, 1], strides = [1, 1]} : vector<1024x16xf32> to vector<1024x1xf32>
    %get3A_40 = arith.constant 1 : index
    %get3A_41 = arith.constant 0 : index
    %get3A_42 = arith.constant 0 : index
    %get3A_43 = vector.load %arg3[%get3A_40, %get3A_41, %get3A_42] : memref<2x1024x16xf32, #tpu.memory_space<vmem>>, vector<1x1024x16xf32>
    %get3A_44 = vector.shape_cast %get3A_43 : vector<1x1024x16xf32> to vector<1024x16xf32>
    %slice3A_45 = vector.extract_strided_slice %get3A_44 {offsets = [0, 0], sizes = [1024, 1], strides = [1, 1]} : vector<1024x16xf32> to vector<1024x1xf32>
    %add3A_46 = arith.addf %slice3A, %slice3A_45 : vector<1024x1xf32>
    %add3A_47 = arith.constant 1.000000e+00 : f32
    %add3A_48 = vector.broadcast %add3A_47 : f32 to vector<1024x1xf32>
    %add3A_49 = arith.addf %add3A_46, %add3A_48 : vector<1024x1xf32>
    %rsqrt3A_50 = math.rsqrt %add3A_49 : vector<1024x1xf32>
    %mul3A_51 = vector.broadcast %rsqrt3A_50 : vector<1024x1xf32> to vector<1024x48xf32>
    %mul3A_52 = arith.mulf %dot_general3A_34, %mul3A_51 : vector<1024x48xf32>
    %swap3A = arith.constant 0 : index
    %swap3A_53 = arith.constant 0 : index
    %swap3A_54 = vector.load %arg7[%swap3A, %swap3A_53] : memref<1024x48xf32, #tpu.memory_space<vmem>>, vector<1024x48xf32>
    tpu.vector_store %arg7[%swap3A, %swap3A_53], %mul3A_52 {strides = array<i32>} : memref<1024x48xf32, #tpu.memory_space<vmem>>, vector<1024x48xf32>,
    return
  }
  func.func @transform_0(%arg0: i32) -> (i32, i32) {
    %c0_i32 = arith.constant 0 : i32
    %c0_i32_0 = arith.constant 0 : i32
    return %arg0, %c0_i32 : i32, i32
  }
  func.func @transform_1(%arg0: i32) -> (i32, i32) {
    %c0_i32 = arith.constant 0 : i32
    %c0_i32_0 = arith.constant 0 : i32
    %c0_i32_1 = arith.constant 0 : i32
    return %c0_i32, %c0_i32_0 : i32, i32
  }
  func.func @transform_2(%arg0: i32) -> (i32, i32, i32) {
    %c0_i32 = arith.constant 0 : i32
    %c0_i32_0 = arith.constant 0 : i32
    %c0_i32_1 = arith.constant 0 : i32
    return %c0_i32, %arg0, %c0_i32_0 : i32, i32, i32
  }
  func.func @transform_3(%arg0: i32) -> (i32, i32) {
    %c0_i32 = arith.constant 0 : i32
    %c0_i32_0 = arith.constant 0 : i32
    %c0_i32_1 = arith.constant 0 : i32
    return %c0_i32, %c0_i32_0 : i32, i32
  }
  func.func @transform_4(%arg0: i32) -> (i32, i32) {
    %c0_i32 = arith.constant 0 : i32
    %c0_i32_0 = arith.constant 0 : i32
    %c0_i32_1 = arith.constant 0 : i32
    return %c0_i32, %c0_i32_0 : i32, i32
  }
  func.func @transform_5(%arg0: i32) -> (i32, i32) {
    %c0_i32 = arith.constant 0 : i32
    %c0_i32_0 = arith.constant 0 : i32
    %c0_i32_1 = arith.constant 0 : i32
    return %c0_i32, %c0_i32_0 : i32, i32
  }
  func.func @transform_6(%arg0: i32) -> (i32, i32) {
    %c0_i32 = arith.constant 0 : i32
    %c0_i32_0 = arith.constant 0 : i32
    return %arg0, %c0_i32 : i32, i32
  }
}

module attributes {stable_mosaic.version = 14 : i64} {
  func.func @_tc3_body(%arg0: i32, %arg1: memref<2x1024x48xf32, #tpu.memory_space<vmem>>, %arg2: memref<1024x48xf32, #tpu.memory_space<vmem>>, %arg3: memref<2x1024x16xf32, #tpu.memory_space<vmem>>, %arg4: memref<1x48xf32, #tpu.memory_space<vmem>>, %arg5: memref<1024x48xf32, #tpu.memory_space<vmem>>) attributes {dimension_semantics = [#tpu.dimension_semantics<arbitrary>], iteration_bounds = array<i64: 10>, scalar_prefetch = 0 : i64, scratch_operands = 0 : i64, tpu.core_type = #tpu.core_type<tc>, window_params = [{transform_indices = @transform_0, window_bounds = array<i64: 2, 1024, 48>}, {transform_indices = @transform_1, window_bounds = array<i64: 1024, 48>}, {transform_indices = @transform_2, window_bounds = array<i64: 2, 1024, 16>}, {pipeline_mode = #tpu.pipeline_mode<synchronous>, transform_indices = @transform_3, window_bounds = array<i64: 1, 48>}, {transform_indices = @transform_4, window_bounds = array<i64: 1024, 48>}]} {
    %get3A = arith.constant 0 : index
    %get3A_0 = arith.constant 0 : index
    %get3A_1 = arith.constant 0 : index
    %get3A_2 = vector.load %arg1[%get3A, %get3A_0, %get3A_1] : memref<2x1024x48xf32, #tpu.memory_space<vmem>>, vector<1x1024x48xf32>
    %get3A_3 = vector.shape_cast %get3A_2 : vector<1x1024x48xf32> to vector<1024x48xf32>
    %get3A_4 = arith.constant 1 : index
    %get3A_5 = arith.constant 0 : index
    %get3A_6 = arith.constant 0 : index
    %get3A_7 = vector.load %arg1[%get3A_4, %get3A_5, %get3A_6] : memref<2x1024x48xf32, #tpu.memory_space<vmem>>, vector<1x1024x48xf32>
    %get3A_8 = vector.shape_cast %get3A_7 : vector<1x1024x48xf32> to vector<1024x48xf32>
    %add3A = arith.addf %get3A_3, %get3A_8 : vector<1024x48xf32>
    %get3A_9 = arith.constant 0 : index
    %get3A_10 = arith.constant 0 : index
    %get3A_11 = vector.load %arg2[%get3A_9, %get3A_10] : memref<1024x48xf32, #tpu.memory_space<vmem>>, vector<1024x48xf32>
    %add3A_12 = arith.addf %add3A, %get3A_11 : vector<1024x48xf32>
    %get3A_13 = arith.constant 0 : index
    %get3A_14 = arith.constant 0 : index
    %get3A_15 = arith.constant 0 : index
    %get3A_16 = vector.load %arg3[%get3A_13, %get3A_14, %get3A_15] : memref<2x1024x16xf32, #tpu.memory_space<vmem>>, vector<1x1024x16xf32>
    %get3A_17 = vector.shape_cast %get3A_16 : vector<1x1024x16xf32> to vector<1024x16xf32>
    %slice3A = vector.extract_strided_slice %get3A_17 {offsets = [0, 0], sizes = [1024, 1], strides = [1, 1]} : vector<1024x16xf32> to vector<1024x1xf32>
    %get3A_18 = arith.constant 1 : index
    %get3A_19 = arith.constant 0 : index
    %get3A_20 = arith.constant 0 : index
    %get3A_21 = vector.load %arg3[%get3A_18, %get3A_19, %get3A_20] : memref<2x1024x16xf32, #tpu.memory_space<vmem>>, vector<1x1024x16xf32>
    %get3A_22 = vector.shape_cast %get3A_21 : vector<1x1024x16xf32> to vector<1024x16xf32>
    %slice3A_23 = vector.extract_strided_slice %get3A_22 {offsets = [0, 0], sizes = [1024, 1], strides = [1, 1]} : vector<1024x16xf32> to vector<1024x1xf32>
    %add3A_24 = arith.addf %slice3A, %slice3A_23 : vector<1024x1xf32>
    %add3A_25 = arith.constant 1.000000e+00 : f32
    %add3A_26 = vector.broadcast %add3A_25 : f32 to vector<1024x1xf32>
    %add3A_27 = arith.addf %add3A_24, %add3A_26 : vector<1024x1xf32>
    %rsqrt3A = math.rsqrt %add3A_27 : vector<1024x1xf32>
    %mul3A = vector.broadcast %rsqrt3A : vector<1024x1xf32> to vector<1024x48xf32>
    %mul3A_28 = arith.mulf %add3A_12, %mul3A : vector<1024x48xf32>
    %get3A_29 = arith.constant 0 : index
    %get3A_30 = arith.constant 0 : index
    %get3A_31 = vector.load %arg4[%get3A_29, %get3A_30] : memref<1x48xf32, #tpu.memory_space<vmem>>, vector<1x48xf32>
    %add3A_32 = vector.broadcast %get3A_31 : vector<1x48xf32> to vector<1024x48xf32>
    %add3A_33 = arith.addf %mul3A_28, %add3A_32 : vector<1024x48xf32>
    %iota3A = tpu.iota {dimensions = array<i32: 1>} : vector<1024x48xi32>
    %lt3A = arith.constant 40 : i32
    %lt3A_34 = vector.broadcast %lt3A : i32 to vector<1024x48xi32>
    %lt3A_35 = arith.cmpi slt, %iota3A, %lt3A_34 : vector<1024x48xi32>
    %jit3A = arith.constant -1.000000e+30 : f32
    %broadcast_in_dim3A = vector.broadcast %jit3A : f32 to vector<1024x48xf32>
    %select_n3A = arith.select %lt3A_35, %add3A_33, %broadcast_in_dim3A : vector<1024x48xi1>, vector<1024x48xf32>
    %reduce_max3A = arith.constant dense<0xFF800000> : vector<1024xf32>
    %reduce_max3A_36 = vector.multi_reduction <maximumf>, %select_n3A, %reduce_max3A [1] : vector<1024x48xf32> to vector<1024xf32>
    %broadcast_in_dim3A_37 = vector.shape_cast %reduce_max3A_36 : vector<1024xf32> to vector<1024x1xf32>
    %sub3A = vector.broadcast %broadcast_in_dim3A_37 : vector<1024x1xf32> to vector<1024x48xf32>
    %sub3A_38 = arith.subf %add3A_33, %sub3A : vector<1024x48xf32>
    %exp3A = math.exp %sub3A_38 : vector<1024x48xf32>
    %jit3A_39 = arith.constant 0.000000e+00 : f32
    %broadcast_in_dim3A_40 = vector.broadcast %jit3A_39 : f32 to vector<1024x48xf32>
    %select_n3A_41 = arith.select %lt3A_35, %exp3A, %broadcast_in_dim3A_40 : vector<1024x48xi1>, vector<1024x48xf32>
    %sub3A_42 = vector.broadcast %broadcast_in_dim3A_37 : vector<1024x1xf32> to vector<1024x48xf32>
    %sub3A_43 = arith.subf %add3A_33, %sub3A_42 : vector<1024x48xf32>
    %reduce_sum3A = arith.constant dense<0.000000e+00> : vector<1024xf32>
    %reduce_sum3A_44 = vector.multi_reduction <add>, %select_n3A_41, %reduce_sum3A [1] : vector<1024x48xf32> to vector<1024xf32>
    %broadcast_in_dim3A_45 = vector.shape_cast %reduce_sum3A_44 : vector<1024xf32> to vector<1024x1xf32>
    %log3A = math.log %broadcast_in_dim3A_45 : vector<1024x1xf32>
    %sub3A_46 = vector.broadcast %log3A : vector<1024x1xf32> to vector<1024x48xf32>
    %sub3A_47 = arith.subf %sub3A_43, %sub3A_46 : vector<1024x48xf32>
    %swap3A = arith.constant 0 : index
    %swap3A_48 = arith.constant 0 : index
    %swap3A_49 = vector.load %arg5[%swap3A, %swap3A_48] : memref<1024x48xf32, #tpu.memory_space<vmem>>, vector<1024x48xf32>
    tpu.vector_store %arg5[%swap3A, %swap3A_48], %sub3A_47 {strides = array<i32>} : memref<1024x48xf32, #tpu.memory_space<vmem>>, vector<1024x48xf32>,
    return
  }
  func.func @transform_0(%arg0: i32) -> (i32, i32, i32) {
    %c0_i32 = arith.constant 0 : i32
    %c0_i32_0 = arith.constant 0 : i32
    %c0_i32_1 = arith.constant 0 : i32
    return %c0_i32, %arg0, %c0_i32_0 : i32, i32, i32
  }
  func.func @transform_1(%arg0: i32) -> (i32, i32) {
    %c0_i32 = arith.constant 0 : i32
    %c0_i32_0 = arith.constant 0 : i32
    return %arg0, %c0_i32 : i32, i32
  }
  func.func @transform_2(%arg0: i32) -> (i32, i32, i32) {
    %c0_i32 = arith.constant 0 : i32
    %c0_i32_0 = arith.constant 0 : i32
    %c0_i32_1 = arith.constant 0 : i32
    return %c0_i32, %arg0, %c0_i32_0 : i32, i32, i32
  }
  func.func @transform_3(%arg0: i32) -> (i32, i32) {
    %c0_i32 = arith.constant 0 : i32
    %c0_i32_0 = arith.constant 0 : i32
    %c0_i32_1 = arith.constant 0 : i32
    return %c0_i32, %c0_i32_0 : i32, i32
  }
  func.func @transform_4(%arg0: i32) -> (i32, i32) {
    %c0_i32 = arith.constant 0 : i32
    %c0_i32_0 = arith.constant 0 : i32
    return %arg0, %c0_i32 : i32, i32
  }
}

</mosaic_0001>

<sc_bundles>
// kernel: kernel.12.cloned.1.call-start
scs
__scs_entry_jumppad:
0x0: {  	(pc) =	sbr.rel $0x88, $3  }
0x1: {  	(tag) =	ssettag $0x0;
	lr =	simm.s32 $0x1  }
0x2: {  	[smem:$0x3F99] =	sst lr;
	_ =	strace $0xD0000000  }
0x3: {  	_ = 	snop  }
0x4: {  	_ = 	snop  }
0x5: {  	_ = 	snop  }
0x6: {  	_ = 	snop  }
0x7: {  	_ = 	snop  }
__scs_overlays_trampoline_lowered:
0x8: {  	[smem:$0x3FA8] =	sst s0  }
0x9: {  	[smem:$0x3FA9] =	sst s1  }
0xa: {  	[smem:$0x3FAA] =	sst s2  }
0xb: {  	[smem:$0x3FAB] =	sst s3  }
0xc: {  	[smem:$0x3FAC] =	sst s4  }
0xd: {  	[smem:$0x3FAD] =	sst s5  }
0xe: {  	[smem:$0x3FAE] =	sst s6  }
0xf: {  	[smem:$0x3FAF] =	sst s7  }
0x10: {  	[smem:$0x3FB0] =	sst s8  }
0x11: {  	[smem:$0x3FB1] =	sst s9;
	s0 =	simm.s32 @!p0 $0x0  }
0x12: {  	s1 =	sld [smem:$0x3F97];
	s0 =	simm.s32 @p0 $0x1  }
0x13: {  	[smem:$0x3FB2] =	sst s0;
	s0 =	simm.s32 @!p1 $0x0  }
0x14: {  	s2 =	sld [smem:$0x3F96];
	s0 =	simm.s32 @p1 $0x1  }
0x15: {  	[smem:$0x3FB3] =	sst s0;
	s0 =	simm.s32 @!p2 $0x0  }
0x16: {  	s3 =	sld [smem:$0x3FDB];
	s0 =	simm.s32 @p2 $0x1  }
0x17: {  	s4 =	simm.s32 $0x1BF5;
	[smem:$0x3FB5] =	sst s0  }
0x18: {  	s0 =	sld [smem:$0x3F98];
	_ =	swait.ge [sflag:s4], $0x0  }
0x19: {  	s7 =	sld [smem:$0x3F99]  }
0x1a: {  	s8 =	sadd.s32 $0xFFFFE003, lr  }
0x1b: {  	s9 =	sadd.s32 $0xFFFFFEF7, lr;
	s5 =	simm.s32 $0xFFFFFFFF;
	p2 =	slt.u32 s8, $0xFFFFF086  }
0x1c: {  	p1 =	slt.u32 s9, $0xF7A;
	s5 =	simm.s32 @!p2 $0x0  }
0x1d: {  	s5 =	simm.s32 @p1 $0x1;
	p0 =	seq.s32 s7, s2  }
0x1e: {  	s7 =	smul.u32 @!p0 $0xF7A, s2;
	p2 =	seq.s32 @!p0 s5, $0x0  }
0x1f: {  	s9 =	smul.u32 $0xF7A, s1;
	s8 =	simm.s32 @!p0 $0x1BF5;
	p2 =	por !p2, p0  }
0x20: {  	[sflag:s8] =	ssyncset.s32 @!p0 $0xFFFFF086;
	s6 =	sadd.s32 @!p0 s3, s7;
	s7 =	simm.s32 @!p0 $0x108  }
0x21: {  	s3 =	sadd.s32 s3, s9;
	s6 =	sadd.s32 @!p0 $0x88, s6;
	s7 =	simm.s32 @p2 $0x1082  }
0x22: {  	[simem:s7], [sflag:s8] =	dma.local @!p0 [hbm:s6], $0xF7A  }
0x23: {  	s9 =	sor.u32 $0xD0000000, s2;
	s6 =	simm.s32 $0x108;
	_ =	swait.ge @!p0 [sflag:s8], $0x0  }
0x24: {  	s3 =	sadd.s32 $0x88, s3;
	s6 =	simm.s32 @!p1 $0x1082;
	[sflag:s4] =	ssyncset.s32 $0xFFFFF086  }
0x25: {  	[simem:s6], [sflag:s4] =	dma.local [hbm:s3], $0xF7A  }
0x26: {  	[smem:$0x3F99] =	sst s1;
	(tag) =	ssettag s2;
	_ =	strace s9  }
0x27: {  	s1 =	sld [smem:$0x3FA9]  }
0x28: {  	s2 =	sld [smem:$0x3FAA]  }
0x29: {  	s4 =	sld [smem:$0x3FAC]  }
0x2a: {  	p0 =	seq.s32 s5, $0x0;
	s5 =	sld [smem:$0x3FAD]  }
0x2b: {  	s6 =	sld [smem:$0x3FAE]  }
0x2c: {  	s7 =	sld [smem:$0x3FAF]  }
0x2d: {  	s3 =	simm.s32 $0x108;
	s8 =	sld [smem:$0x3FB0]  }
0x2e: {  	s3 =	simm.s32 @!p0 $0x1082;
	s9 =	sld [smem:$0x3FB1]  }
0x2f: {  	lr =	sadd.s32 s0, s3;
	s0 =	sld [smem:$0x3FA8]  }
0x30: {  	s3 =	sld [smem:$0x3FAB]  }
0x31: {  	[smem:$0x3FB4] =	sst s10  }
0x32: {  	s10 =	sld [smem:$0x3FB2];
	_ =	sdelay $0x3  }
0x33: {  	p0 =	seq.s32 s10, $0x1;
	s10 =	sld [smem:$0x3FB4];
	_ =	sdelay $0x3  }
0x34: {  	[smem:$0x3FB4] =	sst s10  }
0x35: {  	s10 =	sld [smem:$0x3FB3];
	_ =	sdelay $0x3  }
0x36: {  	p1 =	seq.s32 s10, $0x1;
	s10 =	sld [smem:$0x3FB4];
	_ =	sdelay $0x3  }
0x37: {  	[smem:$0x3FB4] =	sst s10  }
0x38: {  	s10 =	sld [smem:$0x3FB5]  }
0x39: {  	_ = 	snop;
	(pc) =	sbr.ind lr, $3  }
0x3a: {  	_ = 	snop  }
0x3b: {  	_ = 	snop  }
0x3c: {  	p2 =	seq.s32 s10, $0x1;
	s10 =	sld [smem:$0x3FB4]  }
0x3d: {  	_ =	shalt  }
0x3e: {  	_ =	shalt  }
0x3f: {  	_ =	shalt  }
0x40: {  	_ =	shalt  }
0x41: {  	_ =	shalt  }
0x42: {  	_ =	shalt  }
0x43: {  	_ =	shalt  }
0x44: {  	_ =	shalt  }
0x45: {  	_ =	shalt  }
0x46: {  	_ =	shalt  }
0x47: {  	_ =	shalt  }
0x48: {  	_ =	shalt  }
0x49: {  	_ =	shalt  }
0x4a: {  	_ =	shalt  }
0x4b: {  	_ =	shalt  }
0x4c: {  	_ =	shalt  }
0x4d: {  	_ =	shalt  }
0x4e: {  	_ =	shalt  }
0x4f: {  	_ =	shalt  }
0x50: {  	_ =	shalt  }
0x51: {  	_ =	shalt  }
0x52: {  	_ =	shalt  }
0x53: {  	_ =	shalt  }
0x54: {  	_ =	shalt  }
0x55: {  	_ =	shalt  }
0x56: {  	_ =	shalt  }
0x57: {  	_ =	shalt  }
0x58: {  	_ =	shalt  }
0x59: {  	_ =	shalt  }
0x5a: {  	_ =	shalt  }
0x5b: {  	_ =	shalt  }
0x5c: {  	_ =	shalt  }
0x5d: {  	_ =	shalt  }
0x5e: {  	_ =	shalt  }
0x5f: {  	_ =	shalt  }
0x60: {  	_ =	shalt  }
0x61: {  	_ =	shalt  }
0x62: {  	_ =	shalt  }
0x63: {  	_ =	shalt  }
0x64: {  	_ =	shalt  }
0x65: {  	_ =	shalt  }
0x66: {  	_ =	shalt  }
0x67: {  	_ =	shalt  }
0x68: {  	_ =	shalt  }
0x69: {  	_ =	shalt  }
0x6a: {  	_ =	shalt  }
0x6b: {  	_ =	shalt  }
0x6c: {  	_ =	shalt  }
0x6d: {  	_ =	shalt  }
0x6e: {  	_ =	shalt  }
0x6f: {  	_ =	shalt  }
0x70: {  	_ =	shalt  }
0x71: {  	_ =	shalt  }
0x72: {  	_ =	shalt  }
0x73: {  	_ =	shalt  }
0x74: {  	_ =	shalt  }
0x75: {  	_ =	shalt  }
0x76: {  	_ =	shalt  }
0x77: {  	_ =	shalt  }
0x78: {  	_ =	shalt  }
0x79: {  	_ =	shalt  }
0x7a: {  	_ =	shalt  }
0x7b: {  	_ =	shalt  }
0x7c: {  	_ =	shalt  }
0x7d: {  	_ =	shalt  }
0x7e: {  	_ =	shalt  }
0x7f: {  	_ =	shalt  }
0x80: {  	_ =	shalt  }
0x81: {  	_ =	shalt  }
0x82: {  	_ =	shalt  }
0x83: {  	_ =	shalt  }
0x84: {  	_ =	shalt  }
0x85: {  	_ =	shalt  }
0x86: {  	_ =	shalt  }
0x87: {  	_ =	shalt  }
.Lfunc_end0:
.L_simem_size_0:
called_computation.1_lowered:
.L_overlay_start_0:
0x88: {  	s2 =	sld [smem:$0x3FD9]  }
0x89: {  	s3 =	sld [smem:$0x3FFE];
	_ =	sdelay $0x1  }
0x8a: {  	s1 =	srdreg.scid  }
0x8b: {  	s0 =	sand.u32 $0x1, s1  }
0x8c: {  	s17 =	sshll.u32 s0, $0xA;
	s2 =	sadd.s32 s3, s2  }
0x8d: {  	s2 =	sadd.s32 s2, s17  }
0x8e: {  	[smem:$0x3FC0] =	sst s2  }
0x8f: {  	_ = 	snop  }
0x90: {  	s2 =	sld [smem:$0x3FD0];
	(tm) =	ssettm $0x1  }
0x91: {  	s18 =	sld [smem:$0x3FFB];
	_ =	sdelay $0x3  }
0x92: {  	_ =	strace s18  }
0x93: {  	s3 =	sld [smem:$0x3FFC];
	_ =	sdelay $0x3  }
0x94: {  	_ =	strace s3  }
0x95: {  	s3 =	sld [smem:$0x3FFD];
	_ =	sdelay $0x3  }
0x96: {  	_ =	strace s3  }
0x97: {  	_ =	strace $0x8FFFFFFF  }
0x98: {  	s19 =	sld [smem:$0x3FDB];
	_ =	sdelay $0x1  }
0x99: {  	s4 =	simm.s32 $_scs_section_size  }
0x9a: {  	s5 =	simm.s32 $_size__tile_overlayer_lowered;
	s6 =	simm.s32 $_tile_overlayer_lowered  }
0x9b: {  	s22 =	simm.s32 $0x1BFF;
	s21 =	sshll.u32 s6, $0x1;
	s3 =	sadd.s32 s4, s19  }
0x9c: {  	s7 =	simm.s32 $0x0;
	s20 =	sshll.u32 s5, $0x1;
	s5 =	sadd.s32 s21, s3  }
0x9d: {  	[timem:s7], [sflag:s22] =	dma.local [hbm:s5], s20  }
0x9e: {  	_ =	swait.ge [sflag:s22], s20  }
0x9f: {  	s4 =	ssub.s32 $0x0, s20;
	[sflag:s22] =	ssyncset.done $0x0  }
0xa0: {  	[sflag:s22] =	ssyncadd.s32 s4;
	_ =	sdelay $0x1  }
0xa1: {  	s23 =	simm.s32 $0x1B8B  }
0xa2: {  	_ =	swait.ge [sflag:s23], $0x1  }
0xa3: {  	[sflag:s23] =	ssyncset.done $0x0  }
0xa4: {  	s25 =	simm.s32 $0x1B8E;
	s24 =	sld [smem:$0x3FFE];
	[sflag:s23] =	ssyncadd.s32 $0xFFFFFFFF  }
0xa5: {  	s26 =	simm.s32 $execute0_lowered;
	[smem:$0x3FD2] =	sst s25  }
0xa6: {  	s5 =	sshll.u32 s26, $0x1;
	_ =	strace $0x80000049;
	[dreg:$0x1] =	wrdreg $0xFFFFFFFF  }
0xa7: {  	s28 =	simm.s32 $_size_execute0_lowered;
	s3 =	sadd.s32 s3, s5;
	[dreg:$0x0] =	wrdreg $0x0  }
0xa8: {  	s5 =	sshll.u32 s28, $0x1;
	[dreg:$0x2] =	wrdreg s3  }
0xa9: {  	[dreg:$0x3] =	wrdreg s5  }
0xaa: {  	[dreg:$0x4] =	wrdreg $0xC0  }
0xab: {  	_ =	task [dreg:s7], $0x5FFFF  }
0xac: {  	[dreg:$0x1] =	wrdreg $0xFFFFFFFF  }
0xad: {  	[dreg:$0x0] =	wrdreg $0x60  }
0xae: {  	[dreg:$0x2] =	wrdreg s24  }
0xaf: {  	[dreg:$0x3] =	wrdreg s2  }
0xb0: {  	[dreg:$0x4] =	wrdreg $0x98000  }
0xb1: {  	[dreg:$0x5] =	wrdreg $0x9  }
0xb2: {  	_ =	task.clear_ibuf [dreg:s7], $0x6FFFF;
	_ =	strace $0x90000049  }
0xb3: {  	s29 =	simm.s32 $0x9;
	_ =	strace $0x8000004B  }
0xb4: {  	_ =	swait.ge [sflag:s29], $0x1  }
0xb5: {  	[sflag:s29] =	ssyncadd.s32 $0xFFFFFFFF  }
0xb6: {  	_ =	strace $0x9000004B  }
0xb7: {  	_ =	sfence  }
0xb8: {  	s30 =	sld [smem:$0x0];
	_ =	sdelay $0x2  }
0xb9: {  	s31 =	sshll.u32 s1, $0xD;
	s1 =	sshrl.u32 s1, $0x2  }
0xba: {  	s3 =	sand.u32 $0x4000, s31;
	s1 =	sadd.s32 s1, s30  }
0xbb: {  	s0 =	sor.u32 s3, s0;
	s1 =	sshll.u32 s1, $0x11  }
0xbc: {  	s0 =	sor.u32 s1, s0  }
0xbd: {  	s0 =	sadd.s32 $0x8F2B, s0  }
0xbe: {  	[sflag:s0] =	ssyncadd.remote.s32 $0x1  }
0xbf: {  	_ =	sfence.sel $0xFFFF  }
0xc0: {  	[dreg:$0x0] =	wrdreg $0xFFFFFFFF;
	(pc) =	sbr.abs _section_cstart, $3  }
0xc1: {  	[dreg:$0x1] =	wrdreg $0xFFFFFFFF  }
0xc2: {  	_ =	task.clear_ibuf [dreg:s7], $0x2FFFF;
	_ =	strace $0x9FFFFFFF  }
0xc3: {  	(tm) =	ssettm $0x7FFFFFFF  }
tec
execute0_lowered:
.L_overlay_start_1:
0x0: {  	(tag) =	ssettag $0x1  }
0x1: {  	s0 =	rddreg [dreg:$0x0]  }
0x2: {  	s1 =	srdreg.scid;
	s5 =	rddreg [dreg:$0x1]  }
0x3: {  	s10 =	stileid.u32;
	s2 =	rddreg [dreg:$0x2];
	s3 =	simm.s32 $0x0  }
0x4: {  	s11 =	simm.s32 $0x880;
	s13 =	simm.s32 $0x900;
	[smem:$0x7FF] =	sst s3  }
0x5: {  	s15 =	simm.s32 $0x1080;
	_ =	strace $0x8000004A;
	[dreg:$0x6] =	wrdreg s11  }
0x6: {  	s16 =	simm.s32 $0x980;
	s18 =	simm.s32 $0x1100;
	[dreg:$0x7] =	wrdreg s13  }
0x7: {  	s19 =	simm.s32 $0xA00;
	s20 =	simm.s32 $0x1180;
	[dreg:$0x8] =	wrdreg s15  }
0x8: {  	s21 =	simm.s32 $0xA80;
	s22 =	simm.s32 $0x1200;
	[dreg:$0x9] =	wrdreg s16  }
0x9: {  	s23 =	simm.s32 $0xB00;
	s24 =	simm.s32 $0x1280;
	[dreg:$0xa] =	wrdreg s18  }
0xa: {  	s25 =	simm.s32 $0xB80;
	s26 =	simm.s32 $0x1300;
	[dreg:$0xb] =	wrdreg s19  }
0xb: {  	s28 =	simm.s32 $0xF00;
	s29 =	simm.s32 $0x1680;
	[dreg:$0xc] =	wrdreg s20  }
0xc: {  	s30 =	simm.s32 $0xF80;
	s4 =	smul.u32 $0x5000, s10;
	[dreg:$0xd] =	wrdreg s21  }
0xd: {  	s31 =	simm.s32 $0x1700;
	s7 =	smul.u32 $0x2800, s10;
	[dreg:$0xe] =	wrdreg s22  }
0xe: {  	s1 =	sand.u32 $0x1, s1;
	s14 =	smul.u32 $0x50000, s10;
	[dreg:$0xf] =	wrdreg s23  }
0xf: {  	s10 =	simm.s32 $0x1000;
	s6 =	smul.u32 $0x2800, s1;
	[dreg:$0x10] =	wrdreg s24  }
0x10: {  	s8 =	smul.u32 $0x28000, s1;
	s1 =	ssub.s32 $0x2, s1;
	[dreg:$0x11] =	wrdreg s25  }
0x11: {  	s11 =	simm.s32 $0x80;
	s13 =	simm.s32 $0x5800;
	[dreg:$0x12] =	wrdreg s26  }
0x12: {  	s15 =	simm.s32 $0xC00;
	s16 =	simm.s32 $0x1380;
	s18 =	simm.s32 $0x1400  }
0x13: {  	s19 =	simm.s32 $0xD00;
	s20 =	simm.s32 $0x1480;
	s21 =	simm.s32 $0xD80  }
0x14: {  	s22 =	simm.s32 $0x1500;
	s23 =	simm.s32 $0xE00;
	s24 =	simm.s32 $0x1580  }
0x15: {  	s25 =	simm.s32 $0xE80;
	s26 =	simm.s32 $0x1600;
	s12 =	sshrl.u32 s1, $0x1  }
0x16: {  	s17 =	sshrl.u32 s14, $0x2;
	s14 =	simm.s32 $0x1;
	s6 =	sadd.s32 s6, s4  }
0x17: {  	s4 =	sadd.s32 $0x5DC00, s0;
	s7 =	sadd.s32 s7, s8;
	s1 =	ssub.s32 s1, s12  }
0x18: {  	s8 =	simm.s32 $0x2;
	s12 =	simm.s32 $0x1800;
	s6 =	sshrl.u32 s6, $0x3  }
0x19: {  	s1 =	smax.u32 s1, $0x1;
	s9 =	sadd.s32 s6, s0;
	s5 =	sadd.s32 s6, s5  }
0x1a: {  	s0 =	sadd.s32 s7, s0;
	[dreg:$0x14] =	wrdreg s1;
	s1 =	simm.s32 $0x1780  }
0x1b: {  	s6 =	simm.s32 $0x0;
	[dreg:$0x4] =	wrdreg s5;
	s9 =	sadd.s32 $0x53C00, s9  }
0x1c: {  	s5 =	sadd.s32 s17, s2;
	s0 =	sadd.s32 $0x85C00, s0;
	[dreg:$0x5] =	wrdreg s9  }
0x1d: {  	v0 =	vimm.f32 $0.0e+00;
	s17 =	simm.s32 $0xC80;
	[dreg:$0x13] =	wrdreg s0;
	s9 =	simm.s32 $0x800  }
.LBB2_1:
0x1e: {  	[tilespmem:$0x0] =	vst v0  }
0x1f: {  	[tilespmem:$0x10] =	vst v0  }
0x20: {  	[tilespmem:$0x20] =	vst v0  }
0x21: {  	[tilespmem:$0x30] =	vst v0  }
0x22: {  	[tilespmem:$0x40] =	vst v0  }
0x23: {  	[tilespmem:$0x50] =	vst v0  }
0x24: {  	[tilespmem:$0x60] =	vst v0  }
0x25: {  	[tilespmem:$0x70] =	vst v0  }
0x26: {  	[tilespmem:$0x80] =	vst v0  }
0x27: {  	[tilespmem:$0x90] =	vst v0  }
0x28: {  	[tilespmem:$0xA0] =	vst v0  }
0x29: {  	[tilespmem:$0xB0] =	vst v0  }
0x2a: {  	[tilespmem:$0xC0] =	vst v0  }
0x2b: {  	[tilespmem:$0xD0] =	vst v0  }
0x2c: {  	[tilespmem:$0xE0] =	vst v0  }
0x2d: {  	[tilespmem:$0xF0] =	vst v0  }
0x2e: {  	[tilespmem:$0x100] =	vst v0  }
0x2f: {  	[tilespmem:$0x110] =	vst v0  }
0x30: {  	[tilespmem:$0x120] =	vst v0  }
0x31: {  	[tilespmem:$0x130] =	vst v0  }
0x32: {  	[tilespmem:$0x140] =	vst v0  }
0x33: {  	[tilespmem:$0x150] =	vst v0  }
0x34: {  	[tilespmem:$0x160] =	vst v0  }
0x35: {  	[tilespmem:$0x170] =	vst v0  }
0x36: {  	[tilespmem:$0x180] =	vst v0  }
0x37: {  	[tilespmem:$0x190] =	vst v0  }
0x38: {  	[tilespmem:$0x1A0] =	vst v0  }
0x39: {  	[tilespmem:$0x1B0] =	vst v0  }
0x3a: {  	[tilespmem:$0x1C0] =	vst v0  }
0x3b: {  	[tilespmem:$0x1D0] =	vst v0  }
0x3c: {  	[tilespmem:$0x1E0] =	vst v0  }
0x3d: {  	[tilespmem:$0x1F0] =	vst v0  }
0x3e: {  	[tilespmem:$0x200] =	vst v0  }
0x3f: {  	[tilespmem:$0x210] =	vst v0  }
0x40: {  	[tilespmem:$0x220] =	vst v0  }
0x41: {  	[tilespmem:$0x230] =	vst v0  }
0x42: {  	[tilespmem:$0x240] =	vst v0  }
0x43: {  	[tilespmem:$0x250] =	vst v0  }
0x44: {  	[tilespmem:$0x260] =	vst v0  }
0x45: {  	[tilespmem:$0x270] =	vst v0  }
0x46: {  	[tilespmem:$0x280] =	vst v0  }
0x47: {  	[tilespmem:$0x290] =	vst v0  }
0x48: {  	[tilespmem:$0x2A0] =	vst v0  }
0x49: {  	[tilespmem:$0x2B0] =	vst v0  }
0x4a: {  	[tilespmem:$0x2C0] =	vst v0  }
0x4b: {  	[tilespmem:$0x2D0] =	vst v0  }
0x4c: {  	[tilespmem:$0x2E0] =	vst v0  }
0x4d: {  	[tilespmem:$0x2F0] =	vst v0  }
0x4e: {  	[tilespmem:$0x300] =	vst v0  }
0x4f: {  	[tilespmem:$0x310] =	vst v0  }
0x50: {  	[tilespmem:$0x320] =	vst v0  }
0x51: {  	[tilespmem:$0x330] =	vst v0  }
0x52: {  	[tilespmem:$0x340] =	vst v0  }
0x53: {  	[tilespmem:$0x350] =	vst v0  }
0x54: {  	[tilespmem:$0x360] =	vst v0  }
0x55: {  	[tilespmem:$0x370] =	vst v0  }
0x56: {  	[tilespmem:$0x380] =	vst v0  }
0x57: {  	[tilespmem:$0x390] =	vst v0  }
0x58: {  	[tilespmem:$0x3A0] =	vst v0  }
0x59: {  	[tilespmem:$0x3B0] =	vst v0  }
0x5a: {  	[tilespmem:$0x3C0] =	vst v0  }
0x5b: {  	[tilespmem:$0x3D0] =	vst v0  }
0x5c: {  	[tilespmem:$0x3E0] =	vst v0  }
0x5d: {  	[tilespmem:$0x3F0] =	vst v0  }
0x5e: {  	[tilespmem:$0x400] =	vst v0  }
0x5f: {  	[tilespmem:$0x410] =	vst v0  }
0x60: {  	[tilespmem:$0x420] =	vst v0  }
0x61: {  	[tilespmem:$0x430] =	vst v0  }
0x62: {  	[tilespmem:$0x440] =	vst v0  }
0x63: {  	[tilespmem:$0x450] =	vst v0  }
0x64: {  	[tilespmem:$0x460] =	vst v0  }
0x65: {  	[tilespmem:$0x470] =	vst v0  }
0x66: {  	[tilespmem:$0x480] =	vst v0  }
0x67: {  	[tilespmem:$0x490] =	vst v0  }
0x68: {  	[tilespmem:$0x4A0] =	vst v0  }
0x69: {  	[tilespmem:$0x4B0] =	vst v0  }
0x6a: {  	[tilespmem:$0x4C0] =	vst v0  }
0x6b: {  	[tilespmem:$0x4D0] =	vst v0  }
0x6c: {  	[tilespmem:$0x4E0] =	vst v0  }
0x6d: {  	[tilespmem:$0x4F0] =	vst v0  }
0x6e: {  	[tilespmem:$0x500] =	vst v0  }
0x6f: {  	[tilespmem:$0x510] =	vst v0  }
0x70: {  	[tilespmem:$0x520] =	vst v0  }
0x71: {  	[tilespmem:$0x530] =	vst v0  }
0x72: {  	[tilespmem:$0x540] =	vst v0  }
0x73: {  	[tilespmem:$0x550] =	vst v0  }
0x74: {  	[tilespmem:$0x560] =	vst v0  }
0x75: {  	[tilespmem:$0x570] =	vst v0  }
0x76: {  	[tilespmem:$0x580] =	vst v0  }
0x77: {  	[tilespmem:$0x590] =	vst v0  }
0x78: {  	[tilespmem:$0x5A0] =	vst v0  }
0x79: {  	[tilespmem:$0x5B0] =	vst v0  }
0x7a: {  	[tilespmem:$0x5C0] =	vst v0  }
0x7b: {  	[tilespmem:$0x5D0] =	vst v0  }
0x7c: {  	[tilespmem:$0x5E0] =	vst v0  }
0x7d: {  	[tilespmem:$0x5F0] =	vst v0  }
0x7e: {  	[tilespmem:$0x600] =	vst v0  }
0x7f: {  	[tilespmem:$0x610] =	vst v0  }
0x80: {  	[tilespmem:$0x620] =	vst v0  }
0x81: {  	[tilespmem:$0x630] =	vst v0  }
0x82: {  	[tilespmem:$0x640] =	vst v0  }
0x83: {  	[tilespmem:$0x650] =	vst v0  }
0x84: {  	[tilespmem:$0x660] =	vst v0  }
0x85: {  	[tilespmem:$0x670] =	vst v0  }
0x86: {  	[tilespmem:$0x680] =	vst v0  }
0x87: {  	[tilespmem:$0x690] =	vst v0  }
0x88: {  	[tilespmem:$0x6A0] =	vst v0  }
0x89: {  	[tilespmem:$0x6B0] =	vst v0  }
0x8a: {  	[tilespmem:$0x6C0] =	vst v0  }
0x8b: {  	[tilespmem:$0x6D0] =	vst v0  }
0x8c: {  	[tilespmem:$0x6E0] =	vst v0  }
0x8d: {  	[tilespmem:$0x6F0] =	vst v0  }
0x8e: {  	[tilespmem:$0x700] =	vst v0  }
0x8f: {  	[tilespmem:$0x710] =	vst v0  }
0x90: {  	[tilespmem:$0x720] =	vst v0  }
0x91: {  	[tilespmem:$0x730] =	vst v0  }
0x92: {  	[tilespmem:$0x740] =	vst v0  }
0x93: {  	[tilespmem:$0x750] =	vst v0  }
0x94: {  	[tilespmem:$0x760] =	vst v0  }
0x95: {  	[tilespmem:$0x770] =	vst v0  }
0x96: {  	[tilespmem:$0x780] =	vst v0  }
0x97: {  	[tilespmem:$0x790] =	vst v0  }
0x98: {  	[tilespmem:$0x7A0] =	vst v0  }
0x99: {  	[tilespmem:$0x7B0] =	vst v0  }
0x9a: {  	[tilespmem:$0x7C0] =	vst v0  }
0x9b: {  	[tilespmem:$0x7D0] =	vst v0  }
0x9c: {  	[tilespmem:$0x7E0] =	vst v0  }
0x9d: {  	[dreg:$0x15] =	wrdreg s6;
	[tilespmem:$0x7F0] =	vst v0;
	s0 =	sadd.s32 $0x0, s5  }
0x9e: {  	[spmem:s0] =	stream.linear.scatter [tilespmem:s3], [sflag:$0x2], $0x800, $0x38;
	[tilespmem:$0x1D800] =	vst v63  }
0x9f: {  	s6 =	simm.s32 $0x2000;
	_ =	swait.ge [sflag:s8], $0x800  }
.LBB2_2:
0xa0: {  	s0 =	sshra.s32 s6, $0x2;
	[sflag:s8] =	ssyncset.done $0x0;
	p0 =	sne.s32 s6, $0x4E000  }
.Ltmp0:
0xa1: {  	s0 =	sadd.s32 s0, s5;
	[sflag:s8] =	ssyncadd.s32 $0xFFFFF800;
	(pc) =	sbr.rel @p0 .LBB2_2-.Ltmp0, $3  }
0xa2: {  	[spmem:s0] =	stream.linear.scatter [tilespmem:s3], [sflag:$0x2], $0x800, $0x38;
	[tilespmem:$0x1D800] =	vst v63  }
0xa3: {  	s6 =	sadd.s32 $0x2000, s6;
	_ =	sdelay $0x1  }
0xa4: {  	_ =	swait.ge [sflag:s8], $0x800  }
0xa5: {  	[sflag:s8] =	ssyncset.done $0x0  }
0xa6: {  	[sflag:s8] =	ssyncadd.s32 $0xFFFFF800  }
0xa7: {  	[bflag:$0x0] =	sbarrier.arrive $0xFFFF  }
0xa8: {  	s0 =	rddreg [dreg:$0x5]  }
0xa9: {  	s0 =	sadd.s32 $0x0, s0  }
0xaa: {  	[tilespmem:s9], [sflag:$0x2] =	stream.linear.gather [hbm4b:s0+s3], $0x800, $0x38;
	[tilespmem:$0x1D800] =	vst v63  }
0xab: {  	_ =	swait.ge [sflag:s8], $0x800  }
0xac: {  	s6 =	rddreg [dreg:$0x4];
	[sflag:s8] =	ssyncset.done $0x0  }
0xad: {  	[sflag:s8] =	ssyncadd.s32 $0xFFFFF800;
	s0 =	sadd.s32 $0x0, s6  }
0xae: {  	[tilespmem:s10], [sflag:$0x2] =	stream.linear.gather [hbm4b:s0+s3], $0x800, $0x38;
	[tilespmem:$0x1D800] =	vst v63  }
0xaf: {  	_ =	swait.ge [sflag:s8], $0x800  }
0xb0: {  	[sflag:s8] =	ssyncset.done $0x0  }
0xb1: {  	[sflag:s8] =	ssyncadd.s32 $0xFFFFF800  }
0xb2: {  	[tilespmem:s12], [sflag:$0x1] =	stream.indirect.gather [hbm4b:s4+s11], $0x80, s9, s11, $0xb8;
	[tilespmem:$0x1D800] =	vst v63  }
0xb3: {  	s7 =	rddreg [dreg:$0x6]  }
0xb4: {  	[tilespmem:s13], [sflag:$0x1] =	stream.indirect.gather [hbm4b:s4+s11], $0x80, s7, s11, $0xb8;
	[tilespmem:$0x1D800] =	vst v63  }
0xb5: {  	_ =	swait.ge [sflag:s14], $0x4000  }
0xb6: {  	[sflag:s14] =	ssyncset.done $0x0  }
0xb7: {  	[sflag:s14] =	ssyncadd.s32 $0xFFFFC000  }
0xb8: {  	[spmem:s2] =	stream.indirect.scatter.add.f32 [tilespmem:s12], [sflag:$0x2], $0x80, s10, s11, $0xb8;
	[tilespmem:$0x1D800] =	vst v63  }
0xb9: {  	_ =	swait.ge [sflag:s8], $0x4000  }
0xba: {  	[sflag:s8] =	ssyncset.done $0x0  }
0xbb: {  	s6 =	rddreg [dreg:$0x7];
	[sflag:s8] =	ssyncadd.s32 $0xFFFFC000  }
0xbc: {  	[tilespmem:s12], [sflag:$0x1] =	stream.indirect.gather [hbm4b:s4+s11], $0x80, s6, s11, $0xb8;
	[tilespmem:$0x1D800] =	vst v63  }
0xbd: {  	_ =	swait.ge [sflag:s14], $0x4000  }
0xbe: {  	[sflag:s14] =	ssyncset.done $0x0  }
0xbf: {  	s7 =	rddreg [dreg:$0x8];
	[sflag:s14] =	ssyncadd.s32 $0xFFFFC000  }
0xc0: {  	[spmem:s2] =	stream.indirect.scatter.add.f32 [tilespmem:s13], [sflag:$0x2], $0x80, s7, s11, $0xb8;
	[tilespmem:$0x1D800] =	vst v63  }
0xc1: {  	_ =	swait.ge [sflag:s8], $0x4000  }
0xc2: {  	[sflag:s8] =	ssyncset.done $0x0  }
0xc3: {  	s6 =	rddreg [dreg:$0x9];
	[sflag:s8] =	ssyncadd.s32 $0xFFFFC000  }
0xc4: {  	[tilespmem:s13], [sflag:$0x1] =	stream.indirect.gather [hbm4b:s4+s11], $0x80, s6, s11, $0xb8;
	[tilespmem:$0x1D800] =	vst v63  }
0xc5: {  	_ =	swait.ge [sflag:s14], $0x4000  }
0xc6: {  	[sflag:s14] =	ssyncset.done $0x0  }
0xc7: {  	s7 =	rddreg [dreg:$0xa];
	[sflag:s14] =	ssyncadd.s32 $0xFFFFC000  }
0xc8: {  	[spmem:s2] =	stream.indirect.scatter.add.f32 [tilespmem:s12], [sflag:$0x2], $0x80, s7, s11, $0xb8;
	[tilespmem:$0x1D800] =	vst v63  }
0xc9: {  	_ =	swait.ge [sflag:s8], $0x4000  }
0xca: {  	[sflag:s8] =	ssyncset.done $0x0  }
0xcb: {  	s6 =	rddreg [dreg:$0xb];
	[sflag:s8] =	ssyncadd.s32 $0xFFFFC000  }
0xcc: {  	[tilespmem:s12], [sflag:$0x1] =	stream.indirect.gather [hbm4b:s4+s11], $0x80, s6, s11, $0xb8;
	[tilespmem:$0x1D800] =	vst v63  }
0xcd: {  	_ =	swait.ge [sflag:s14], $0x4000  }
0xce: {  	[sflag:s14] =	ssyncset.done $0x0  }
0xcf: {  	s7 =	rddreg [dreg:$0xc];
	[sflag:s14] =	ssyncadd.s32 $0xFFFFC000  }
0xd0: {  	[spmem:s2] =	stream.indirect.scatter.add.f32 [tilespmem:s13], [sflag:$0x2], $0x80, s7, s11, $0xb8;
	[tilespmem:$0x1D800] =	vst v63  }
0xd1: {  	_ =	swait.ge [sflag:s8], $0x4000  }
0xd2: {  	[sflag:s8] =	ssyncset.done $0x0  }
0xd3: {  	s6 =	rddreg [dreg:$0xd];
	[sflag:s8] =	ssyncadd.s32 $0xFFFFC000  }
0xd4: {  	[tilespmem:s13], [sflag:$0x1] =	stream.indirect.gather [hbm4b:s4+s11], $0x80, s6, s11, $0xb8;
	[tilespmem:$0x1D800] =	vst v63  }
0xd5: {  	_ =	swait.ge [sflag:s14], $0x4000  }
0xd6: {  	[sflag:s14] =	ssyncset.done $0x0  }
0xd7: {  	s7 =	rddreg [dreg:$0xe];
	[sflag:s14] =	ssyncadd.s32 $0xFFFFC000  }
0xd8: {  	[spmem:s2] =	stream.indirect.scatter.add.f32 [tilespmem:s12], [sflag:$0x2], $0x80, s7, s11, $0xb8;
	[tilespmem:$0x1D800] =	vst v63  }
0xd9: {  	_ =	swait.ge [sflag:s8], $0x4000  }
0xda: {  	[sflag:s8] =	ssyncset.done $0x0  }
0xdb: {  	s6 =	rddreg [dreg:$0xf];
	[sflag:s8] =	ssyncadd.s32 $0xFFFFC000  }
0xdc: {  	[tilespmem:s12], [sflag:$0x1] =	stream.indirect.gather [hbm4b:s4+s11], $0x80, s6, s11, $0xb8;
	[tilespmem:$0x1D800] =	vst v63  }
0xdd: {  	_ =	swait.ge [sflag:s14], $0x4000  }
0xde: {  	[sflag:s14] =	ssyncset.done $0x0  }
0xdf: {  	s7 =	rddreg [dreg:$0x10];
	[sflag:s14] =	ssyncadd.s32 $0xFFFFC000  }
0xe0: {  	[spmem:s2] =	stream.indirect.scatter.add.f32 [tilespmem:s13], [sflag:$0x2], $0x80, s7, s11, $0xb8;
	[tilespmem:$0x1D800] =	vst v63  }
0xe1: {  	_ =	swait.ge [sflag:s8], $0x4000  }
0xe2: {  	[sflag:s8] =	ssyncset.done $0x0  }
0xe3: {  	s6 =	rddreg [dreg:$0x11];
	[sflag:s8] =	ssyncadd.s32 $0xFFFFC000  }
0xe4: {  	[tilespmem:s13], [sflag:$0x1] =	stream.indirect.gather [hbm4b:s4+s11], $0x80, s6, s11, $0xb8;
	[tilespmem:$0x1D800] =	vst v63  }
0xe5: {  	_ =	swait.ge [sflag:s14], $0x4000  }
0xe6: {  	[sflag:s14] =	ssyncset.done $0x0  }
0xe7: {  	s7 =	rddreg [dreg:$0x12];
	[sflag:s14] =	ssyncadd.s32 $0xFFFFC000  }
0xe8: {  	[spmem:s2] =	stream.indirect.scatter.add.f32 [tilespmem:s12], [sflag:$0x2], $0x80, s7, s11, $0xb8;
	[tilespmem:$0x1D800] =	vst v63  }
0xe9: {  	_ =	swait.ge [sflag:s8], $0x4000  }
0xea: {  	[sflag:s8] =	ssyncset.done $0x0  }
0xeb: {  	[sflag:s8] =	ssyncadd.s32 $0xFFFFC000  }
0xec: {  	[tilespmem:s12], [sflag:$0x1] =	stream.indirect.gather [hbm4b:s4+s11], $0x80, s15, s11, $0xb8;
	[tilespmem:$0x1D800] =	vst v63  }
0xed: {  	_ =	swait.ge [sflag:s14], $0x4000  }
0xee: {  	[sflag:s14] =	ssyncset.done $0x0  }
0xef: {  	[sflag:s14] =	ssyncadd.s32 $0xFFFFC000  }
0xf0: {  	[spmem:s2] =	stream.indirect.scatter.add.f32 [tilespmem:s13], [sflag:$0x2], $0x80, s16, s11, $0xb8;
	[tilespmem:$0x1D800] =	vst v63  }
0xf1: {  	_ =	swait.ge [sflag:s8], $0x4000  }
0xf2: {  	[sflag:s8] =	ssyncset.done $0x0  }
0xf3: {  	[sflag:s8] =	ssyncadd.s32 $0xFFFFC000  }
0xf4: {  	[tilespmem:s13], [sflag:$0x1] =	stream.indirect.gather [hbm4b:s4+s11], $0x80, s17, s11, $0xb8;
	[tilespmem:$0x1D800] =	vst v63  }
0xf5: {  	_ =	swait.ge [sflag:s14], $0x4000  }
0xf6: {  	[sflag:s14] =	ssyncset.done $0x0  }
0xf7: {  	[sflag:s14] =	ssyncadd.s32 $0xFFFFC000  }
0xf8: {  	[spmem:s2] =	stream.indirect.scatter.add.f32 [tilespmem:s12], [sflag:$0x2], $0x80, s18, s11, $0xb8;
	[tilespmem:$0x1D800] =	vst v63  }
0xf9: {  	_ =	swait.ge [sflag:s8], $0x4000  }
0xfa: {  	[sflag:s8] =	ssyncset.done $0x0  }
0xfb: {  	[sflag:s8] =	ssyncadd.s32 $0xFFFFC000  }
0xfc: {  	[tilespmem:s12], [sflag:$0x1] =	stream.indirect.gather [hbm4b:s4+s11], $0x80, s19, s11, $0xb8;
	[tilespmem:$0x1D800] =	vst v63  }
0xfd: {  	_ =	swait.ge [sflag:s14], $0x4000  }
0xfe: {  	[sflag:s14] =	ssyncset.done $0x0  }
0xff: {  	[sflag:s14] =	ssyncadd.s32 $0xFFFFC000  }
0x100: {  	[spmem:s2] =	stream.indirect.scatter.add.f32 [tilespmem:s13], [sflag:$0x2], $0x80, s20, s11, $0xb8;
	[tilespmem:$0x1D800] =	vst v63  }
0x101: {  	_ =	swait.ge [sflag:s8], $0x4000  }
0x102: {  	[sflag:s8] =	ssyncset.done $0x0  }
0x103: {  	[sflag:s8] =	ssyncadd.s32 $0xFFFFC000  }
0x104: {  	[tilespmem:s13], [sflag:$0x1] =	stream.indirect.gather [hbm4b:s4+s11], $0x80, s21, s11, $0xb8;
	[tilespmem:$0x1D800] =	vst v63  }
0x105: {  	_ =	swait.ge [sflag:s14], $0x4000  }
0x106: {  	[sflag:s14] =	ssyncset.done $0x0  }
0x107: {  	[sflag:s14] =	ssyncadd.s32 $0xFFFFC000  }
0x108: {  	[spmem:s2] =	stream.indirect.scatter.add.f32 [tilespmem:s12], [sflag:$0x2], $0x80, s22, s11, $0xb8;
	[tilespmem:$0x1D800] =	vst v63  }
0x109: {  	_ =	swait.ge [sflag:s8], $0x4000  }
0x10a: {  	[sflag:s8] =	ssyncset.done $0x0  }
0x10b: {  	[sflag:s8] =	ssyncadd.s32 $0xFFFFC000  }
0x10c: {  	[tilespmem:s12], [sflag:$0x1] =	stream.indirect.gather [hbm4b:s4+s11], $0x80, s23, s11, $0xb8;
	[tilespmem:$0x1D800] =	vst v63  }
0x10d: {  	_ =	swait.ge [sflag:s14], $0x4000  }
0x10e: {  	[sflag:s14] =	ssyncset.done $0x0  }
0x10f: {  	[sflag:s14] =	ssyncadd.s32 $0xFFFFC000  }
0x110: {  	[spmem:s2] =	stream.indirect.scatter.add.f32 [tilespmem:s13], [sflag:$0x2], $0x80, s24, s11, $0xb8;
	[tilespmem:$0x1D800] =	vst v63  }
0x111: {  	_ =	swait.ge [sflag:s8], $0x4000  }
0x112: {  	[sflag:s8] =	ssyncset.done $0x0  }
0x113: {  	[sflag:s8] =	ssyncadd.s32 $0xFFFFC000  }
0x114: {  	[tilespmem:s13], [sflag:$0x1] =	stream.indirect.gather [hbm4b:s4+s11], $0x80, s25, s11, $0xb8;
	[tilespmem:$0x1D800] =	vst v63  }
0x115: {  	_ =	swait.ge [sflag:s14], $0x4000  }
0x116: {  	[sflag:s14] =	ssyncset.done $0x0  }
0x117: {  	[sflag:s14] =	ssyncadd.s32 $0xFFFFC000  }
0x118: {  	[spmem:s2] =	stream.indirect.scatter.add.f32 [tilespmem:s12], [sflag:$0x2], $0x80, s26, s11, $0xb8;
	[tilespmem:$0x1D800] =	vst v63  }
0x119: {  	_ =	swait.ge [sflag:s8], $0x4000  }
0x11a: {  	[sflag:s8] =	ssyncset.done $0x0  }
0x11b: {  	[sflag:s8] =	ssyncadd.s32 $0xFFFFC000  }
0x11c: {  	[tilespmem:s12], [sflag:$0x1] =	stream.indirect.gather [hbm4b:s4+s11], $0x80, s28, s11, $0xb8;
	[tilespmem:$0x1D800] =	vst v63  }
0x11d: {  	_ =	swait.ge [sflag:s14], $0x4000  }
0x11e: {  	[sflag:s14] =	ssyncset.done $0x0  }
0x11f: {  	[sflag:s14] =	ssyncadd.s32 $0xFFFFC000  }
0x120: {  	[spmem:s2] =	stream.indirect.scatter.add.f32 [tilespmem:s13], [sflag:$0x2], $0x80, s29, s11, $0xb8;
	[tilespmem:$0x1D800] =	vst v63  }
0x121: {  	_ =	swait.ge [sflag:s8], $0x4000  }
0x122: {  	[sflag:s8] =	ssyncset.done $0x0  }
0x123: {  	[sflag:s8] =	ssyncadd.s32 $0xFFFFC000  }
0x124: {  	[tilespmem:s13], [sflag:$0x1] =	stream.indirect.gather [hbm4b:s4+s11], $0x80, s30, s11, $0xb8;
	[tilespmem:$0x1D800] =	vst v63  }
0x125: {  	_ =	swait.ge [sflag:s14], $0x4000  }
0x126: {  	[sflag:s14] =	ssyncset.done $0x0  }
0x127: {  	[sflag:s14] =	ssyncadd.s32 $0xFFFFC000  }
0x128: {  	[spmem:s2] =	stream.indirect.scatter.add.f32 [tilespmem:s12], [sflag:$0x2], $0x80, s31, s11, $0xb8;
	[tilespmem:$0x1D800] =	vst v63  }
0x129: {  	_ =	swait.ge [sflag:s8], $0x4000  }
0x12a: {  	[sflag:s8] =	ssyncset.done $0x0  }
0x12b: {  	[sflag:s8] =	ssyncadd.s32 $0xFFFFC000  }
0x12c: {  	_ =	swait.ge [sflag:s14], $0x4000  }
0x12d: {  	[sflag:s14] =	ssyncset.done $0x0  }
0x12e: {  	[sflag:s14] =	ssyncadd.s32 $0xFFFFC000  }
0x12f: {  	[spmem:s2] =	stream.indirect.scatter.add.f32 [tilespmem:s13], [sflag:$0x2], $0x80, s1, s11, $0xb8;
	[tilespmem:$0x1D800] =	vst v63  }
0x130: {  	s6 =	simm.s32 $0x100;
	_ =	swait.ge [sflag:s8], $0x4000  }
0x131: {  	s7 =	simm.s32 $0x200;
	s0 =	rddreg [dreg:$0x5];
	[sflag:s8] =	ssyncset.done $0x0  }
.LBB2_4:
0x132: {  	[sflag:s8] =	ssyncadd.s32 $0xFFFFC000;
	s0 =	sadd.s32 s6, s0  }
0x133: {  	[tilespmem:s9], [sflag:$0x2] =	stream.linear.gather [hbm4b:s0+s3], $0x800, $0x38;
	[tilespmem:$0x1D800] =	vst v63  }
0x134: {  	_ =	swait.ge [sflag:s8], $0x800  }
0x135: {  	s0 =	rddreg [dreg:$0x4];
	[sflag:s8] =	ssyncset.done $0x0  }
0x136: {  	[sflag:s8] =	ssyncadd.s32 $0xFFFFF800;
	s0 =	sadd.s32 s6, s0  }
0x137: {  	[tilespmem:s10], [sflag:$0x2] =	stream.linear.gather [hbm4b:s0+s3], $0x800, $0x38;
	[tilespmem:$0x1D800] =	vst v63  }
0x138: {  	_ =	swait.ge [sflag:s8], $0x800  }
0x139: {  	[sflag:s8] =	ssyncset.done $0x0  }
0x13a: {  	[sflag:s8] =	ssyncadd.s32 $0xFFFFF800  }
0x13b: {  	[tilespmem:s12], [sflag:$0x1] =	stream.indirect.gather [hbm4b:s4+s11], $0x80, s9, s11, $0xb8;
	[tilespmem:$0x1D800] =	vst v63  }
0x13c: {  	s0 =	rddreg [dreg:$0x6]  }
0x13d: {  	[tilespmem:s13], [sflag:$0x1] =	stream.indirect.gather [hbm4b:s4+s11], $0x80, s0, s11, $0xb8;
	[tilespmem:$0x1D800] =	vst v63  }
0x13e: {  	_ =	swait.ge [sflag:s14], $0x4000  }
0x13f: {  	[sflag:s14] =	ssyncset.done $0x0  }
0x140: {  	[sflag:s14] =	ssyncadd.s32 $0xFFFFC000  }
0x141: {  	[spmem:s2] =	stream.indirect.scatter.add.f32 [tilespmem:s12], [sflag:$0x2], $0x80, s10, s11, $0xb8;
	[tilespmem:$0x1D800] =	vst v63  }
0x142: {  	_ =	swait.ge [sflag:s8], $0x4000  }
0x143: {  	[sflag:s8] =	ssyncset.done $0x0  }
0x144: {  	s0 =	rddreg [dreg:$0x7];
	[sflag:s8] =	ssyncadd.s32 $0xFFFFC000  }
0x145: {  	[tilespmem:s12], [sflag:$0x1] =	stream.indirect.gather [hbm4b:s4+s11], $0x80, s0, s11, $0xb8;
	[tilespmem:$0x1D800] =	vst v63  }
0x146: {  	_ =	swait.ge [sflag:s14], $0x4000  }
0x147: {  	[sflag:s14] =	ssyncset.done $0x0  }
0x148: {  	s0 =	rddreg [dreg:$0x8];
	[sflag:s14] =	ssyncadd.s32 $0xFFFFC000  }
0x149: {  	[spmem:s2] =	stream.indirect.scatter.add.f32 [tilespmem:s13], [sflag:$0x2], $0x80, s0, s11, $0xb8;
	[tilespmem:$0x1D800] =	vst v63  }
0x14a: {  	_ =	swait.ge [sflag:s8], $0x4000  }
0x14b: {  	[sflag:s8] =	ssyncset.done $0x0  }
0x14c: {  	s0 =	rddreg [dreg:$0x9];
	[sflag:s8] =	ssyncadd.s32 $0xFFFFC000  }
0x14d: {  	[tilespmem:s13], [sflag:$0x1] =	stream.indirect.gather [hbm4b:s4+s11], $0x80, s0, s11, $0xb8;
	[tilespmem:$0x1D800] =	vst v63  }
0x14e: {  	_ =	swait.ge [sflag:s14], $0x4000  }
0x14f: {  	[sflag:s14] =	ssyncset.done $0x0  }
0x150: {  	s0 =	rddreg [dreg:$0xa];
	[sflag:s14] =	ssyncadd.s32 $0xFFFFC000  }
0x151: {  	[spmem:s2] =	stream.indirect.scatter.add.f32 [tilespmem:s12], [sflag:$0x2], $0x80, s0, s11, $0xb8;
	[tilespmem:$0x1D800] =	vst v63  }
0x152: {  	_ =	swait.ge [sflag:s8], $0x4000  }
0x153: {  	[sflag:s8] =	ssyncset.done $0x0  }
0x154: {  	s0 =	rddreg [dreg:$0xb];
	[sflag:s8] =	ssyncadd.s32 $0xFFFFC000  }
0x155: {  	[tilespmem:s12], [sflag:$0x1] =	stream.indirect.gather [hbm4b:s4+s11], $0x80, s0, s11, $0xb8;
	[tilespmem:$0x1D800] =	vst v63  }
0x156: {  	_ =	swait.ge [sflag:s14], $0x4000  }
0x157: {  	[sflag:s14] =	ssyncset.done $0x0  }
0x158: {  	s0 =	rddreg [dreg:$0xc];
	[sflag:s14] =	ssyncadd.s32 $0xFFFFC000  }
0x159: {  	[spmem:s2] =	stream.indirect.scatter.add.f32 [tilespmem:s13], [sflag:$0x2], $0x80, s0, s11, $0xb8;
	[tilespmem:$0x1D800] =	vst v63  }
0x15a: {  	_ =	swait.ge [sflag:s8], $0x4000  }
0x15b: {  	[sflag:s8] =	ssyncset.done $0x0  }
0x15c: {  	s0 =	rddreg [dreg:$0xd];
	[sflag:s8] =	ssyncadd.s32 $0xFFFFC000  }
0x15d: {  	[tilespmem:s13], [sflag:$0x1] =	stream.indirect.gather [hbm4b:s4+s11], $0x80, s0, s11, $0xb8;
	[tilespmem:$0x1D800] =	vst v63  }
0x15e: {  	_ =	swait.ge [sflag:s14], $0x4000  }
0x15f: {  	[sflag:s14] =	ssyncset.done $0x0  }
0x160: {  	s0 =	rddreg [dreg:$0xe];
	[sflag:s14] =	ssyncadd.s32 $0xFFFFC000  }
0x161: {  	[spmem:s2] =	stream.indirect.scatter.add.f32 [tilespmem:s12], [sflag:$0x2], $0x80, s0, s11, $0xb8;
	[tilespmem:$0x1D800] =	vst v63  }
0x162: {  	_ =	swait.ge [sflag:s8], $0x4000  }
0x163: {  	[sflag:s8] =	ssyncset.done $0x0  }
0x164: {  	s0 =	rddreg [dreg:$0xf];
	[sflag:s8] =	ssyncadd.s32 $0xFFFFC000  }
0x165: {  	[tilespmem:s12], [sflag:$0x1] =	stream.indirect.gather [hbm4b:s4+s11], $0x80, s0, s11, $0xb8;
	[tilespmem:$0x1D800] =	vst v63  }
0x166: {  	_ =	swait.ge [sflag:s14], $0x4000  }
0x167: {  	[sflag:s14] =	ssyncset.done $0x0  }
0x168: {  	s0 =	rddreg [dreg:$0x10];
	[sflag:s14] =	ssyncadd.s32 $0xFFFFC000  }
0x169: {  	[spmem:s2] =	stream.indirect.scatter.add.f32 [tilespmem:s13], [sflag:$0x2], $0x80, s0, s11, $0xb8;
	[tilespmem:$0x1D800] =	vst v63  }
0x16a: {  	_ =	swait.ge [sflag:s8], $0x4000  }
0x16b: {  	[sflag:s8] =	ssyncset.done $0x0  }
0x16c: {  	s0 =	rddreg [dreg:$0x11];
	[sflag:s8] =	ssyncadd.s32 $0xFFFFC000  }
0x16d: {  	[tilespmem:s13], [sflag:$0x1] =	stream.indirect.gather [hbm4b:s4+s11], $0x80, s0, s11, $0xb8;
	[tilespmem:$0x1D800] =	vst v63  }
0x16e: {  	_ =	swait.ge [sflag:s14], $0x4000  }
0x16f: {  	[sflag:s14] =	ssyncset.done $0x0  }
0x170: {  	s0 =	rddreg [dreg:$0x12];
	[sflag:s14] =	ssyncadd.s32 $0xFFFFC000  }
0x171: {  	[spmem:s2] =	stream.indirect.scatter.add.f32 [tilespmem:s12], [sflag:$0x2], $0x80, s0, s11, $0xb8;
	[tilespmem:$0x1D800] =	vst v63  }
0x172: {  	_ =	swait.ge [sflag:s8], $0x4000  }
0x173: {  	s15 =	smov.u32 s7;
	[sflag:s8] =	ssyncset.done $0x0  }
0x174: {  	s6 =	smov.u32 s15;
	s15 =	simm.s32 $0xC00;
	[sflag:s8] =	ssyncadd.s32 $0xFFFFC000  }
0x175: {  	[tilespmem:s12], [sflag:$0x1] =	stream.indirect.gather [hbm4b:s4+s11], $0x80, s15, s11, $0xb8;
	[tilespmem:$0x1D800] =	vst v63  }
0x176: {  	_ =	swait.ge [sflag:s14], $0x4000  }
0x177: {  	[sflag:s14] =	ssyncset.done $0x0  }
0x178: {  	[sflag:s14] =	ssyncadd.s32 $0xFFFFC000  }
0x179: {  	[spmem:s2] =	stream.indirect.scatter.add.f32 [tilespmem:s13], [sflag:$0x2], $0x80, s16, s11, $0xb8;
	[tilespmem:$0x1D800] =	vst v63  }
0x17a: {  	_ =	swait.ge [sflag:s8], $0x4000  }
0x17b: {  	[sflag:s8] =	ssyncset.done $0x0  }
0x17c: {  	[sflag:s8] =	ssyncadd.s32 $0xFFFFC000  }
0x17d: {  	[tilespmem:s13], [sflag:$0x1] =	stream.indirect.gather [hbm4b:s4+s11], $0x80, s17, s11, $0xb8;
	[tilespmem:$0x1D800] =	vst v63  }
0x17e: {  	_ =	swait.ge [sflag:s14], $0x4000  }
0x17f: {  	[sflag:s14] =	ssyncset.done $0x0  }
0x180: {  	[sflag:s14] =	ssyncadd.s32 $0xFFFFC000  }
0x181: {  	[spmem:s2] =	stream.indirect.scatter.add.f32 [tilespmem:s12], [sflag:$0x2], $0x80, s18, s11, $0xb8;
	[tilespmem:$0x1D800] =	vst v63  }
0x182: {  	_ =	swait.ge [sflag:s8], $0x4000  }
0x183: {  	[sflag:s8] =	ssyncset.done $0x0  }
0x184: {  	[sflag:s8] =	ssyncadd.s32 $0xFFFFC000  }
0x185: {  	[tilespmem:s12], [sflag:$0x1] =	stream.indirect.gather [hbm4b:s4+s11], $0x80, s19, s11, $0xb8;
	[tilespmem:$0x1D800] =	vst v63  }
0x186: {  	_ =	swait.ge [sflag:s14], $0x4000  }
0x187: {  	[sflag:s14] =	ssyncset.done $0x0  }
0x188: {  	[sflag:s14] =	ssyncadd.s32 $0xFFFFC000  }
0x189: {  	[spmem:s2] =	stream.indirect.scatter.add.f32 [tilespmem:s13], [sflag:$0x2], $0x80, s20, s11, $0xb8;
	[tilespmem:$0x1D800] =	vst v63  }
0x18a: {  	_ =	swait.ge [sflag:s8], $0x4000  }
0x18b: {  	[sflag:s8] =	ssyncset.done $0x0  }
0x18c: {  	[sflag:s8] =	ssyncadd.s32 $0xFFFFC000  }
0x18d: {  	[tilespmem:s13], [sflag:$0x1] =	stream.indirect.gather [hbm4b:s4+s11], $0x80, s21, s11, $0xb8;
	[tilespmem:$0x1D800] =	vst v63  }
0x18e: {  	_ =	swait.ge [sflag:s14], $0x4000  }
0x18f: {  	[sflag:s14] =	ssyncset.done $0x0  }
0x190: {  	[sflag:s14] =	ssyncadd.s32 $0xFFFFC000  }
0x191: {  	[spmem:s2] =	stream.indirect.scatter.add.f32 [tilespmem:s12], [sflag:$0x2], $0x80, s22, s11, $0xb8;
	[tilespmem:$0x1D800] =	vst v63  }
0x192: {  	_ =	swait.ge [sflag:s8], $0x4000  }
0x193: {  	[sflag:s8] =	ssyncset.done $0x0  }
0x194: {  	[sflag:s8] =	ssyncadd.s32 $0xFFFFC000  }
0x195: {  	[tilespmem:s12], [sflag:$0x1] =	stream.indirect.gather [hbm4b:s4+s11], $0x80, s23, s11, $0xb8;
	[tilespmem:$0x1D800] =	vst v63  }
0x196: {  	_ =	swait.ge [sflag:s14], $0x4000  }
0x197: {  	[sflag:s14] =	ssyncset.done $0x0  }
0x198: {  	[sflag:s14] =	ssyncadd.s32 $0xFFFFC000  }
0x199: {  	[spmem:s2] =	stream.indirect.scatter.add.f32 [tilespmem:s13], [sflag:$0x2], $0x80, s24, s11, $0xb8;
	[tilespmem:$0x1D800] =	vst v63  }
0x19a: {  	_ =	swait.ge [sflag:s8], $0x4000  }
0x19b: {  	[sflag:s8] =	ssyncset.done $0x0  }
0x19c: {  	[sflag:s8] =	ssyncadd.s32 $0xFFFFC000  }
0x19d: {  	[tilespmem:s13], [sflag:$0x1] =	stream.indirect.gather [hbm4b:s4+s11], $0x80, s25, s11, $0xb8;
	[tilespmem:$0x1D800] =	vst v63  }
0x19e: {  	_ =	swait.ge [sflag:s14], $0x4000  }
0x19f: {  	[sflag:s14] =	ssyncset.done $0x0  }
0x1a0: {  	[sflag:s14] =	ssyncadd.s32 $0xFFFFC000  }
0x1a1: {  	[spmem:s2] =	stream.indirect.scatter.add.f32 [tilespmem:s12], [sflag:$0x2], $0x80, s26, s11, $0xb8;
	[tilespmem:$0x1D800] =	vst v63  }
0x1a2: {  	_ =	swait.ge [sflag:s8], $0x4000  }
0x1a3: {  	[sflag:s8] =	ssyncset.done $0x0  }
0x1a4: {  	[sflag:s8] =	ssyncadd.s32 $0xFFFFC000  }
0x1a5: {  	[tilespmem:s12], [sflag:$0x1] =	stream.indirect.gather [hbm4b:s4+s11], $0x80, s28, s11, $0xb8;
	[tilespmem:$0x1D800] =	vst v63  }
0x1a6: {  	_ =	swait.ge [sflag:s14], $0x4000  }
0x1a7: {  	[sflag:s14] =	ssyncset.done $0x0  }
0x1a8: {  	[sflag:s14] =	ssyncadd.s32 $0xFFFFC000  }
0x1a9: {  	[spmem:s2] =	stream.indirect.scatter.add.f32 [tilespmem:s13], [sflag:$0x2], $0x80, s29, s11, $0xb8;
	[tilespmem:$0x1D800] =	vst v63  }
0x1aa: {  	_ =	swait.ge [sflag:s8], $0x4000  }
0x1ab: {  	[sflag:s8] =	ssyncset.done $0x0  }
0x1ac: {  	[sflag:s8] =	ssyncadd.s32 $0xFFFFC000  }
0x1ad: {  	[tilespmem:s13], [sflag:$0x1] =	stream.indirect.gather [hbm4b:s4+s11], $0x80, s30, s11, $0xb8;
	[tilespmem:$0x1D800] =	vst v63  }
0x1ae: {  	_ =	swait.ge [sflag:s14], $0x4000  }
0x1af: {  	[sflag:s14] =	ssyncset.done $0x0  }
0x1b0: {  	[sflag:s14] =	ssyncadd.s32 $0xFFFFC000  }
0x1b1: {  	[spmem:s2] =	stream.indirect.scatter.add.f32 [tilespmem:s12], [sflag:$0x2], $0x80, s31, s11, $0xb8;
	[tilespmem:$0x1D800] =	vst v63  }
0x1b2: {  	_ =	swait.ge [sflag:s8], $0x4000  }
0x1b3: {  	[sflag:s8] =	ssyncset.done $0x0  }
0x1b4: {  	[sflag:s8] =	ssyncadd.s32 $0xFFFFC000  }
0x1b5: {  	p0 =	sne.s32 s7, $0x400;
	_ =	swait.ge [sflag:s14], $0x4000  }
.Ltmp1:
0x1b6: {  	[sflag:s14] =	ssyncset.done $0x0;
	(pc) =	sbr.rel @p0 .LBB2_4-.Ltmp1, $4  }
0x1b7: {  	[sflag:s14] =	ssyncadd.s32 $0xFFFFC000  }
0x1b8: {  	[spmem:s2] =	stream.indirect.scatter.add.f32 [tilespmem:s13], [sflag:$0x2], $0x80, s1, s11, $0xb8;
	[tilespmem:$0x1D800] =	vst v63  }
0x1b9: {  	_ =	swait.ge [sflag:s8], $0x4000  }
0x1ba: {  	s7 =	sadd.s32 $0x100, s7;
	s0 =	rddreg [dreg:$0x5];
	[sflag:s8] =	ssyncset.done $0x0  }
0x1bb: {  	[sflag:s8] =	ssyncadd.s32 $0xFFFFC000;
	s0 =	sadd.s32 s6, s0  }
0x1bc: {  	[tilespmem:s9], [sflag:$0x2] =	stream.linear.gather [hbm4b:s0+s3], $0x800, $0x38;
	[tilespmem:$0x1D800] =	vst v63  }
0x1bd: {  	_ =	swait.ge [sflag:s8], $0x800  }
0x1be: {  	s7 =	rddreg [dreg:$0x4];
	[sflag:s8] =	ssyncset.done $0x0  }
0x1bf: {  	[sflag:s8] =	ssyncadd.s32 $0xFFFFF800;
	s0 =	sadd.s32 s6, s7  }
0x1c0: {  	[tilespmem:s10], [sflag:$0x2] =	stream.linear.gather [hbm4b:s0+s3], $0x800, $0x38;
	[tilespmem:$0x1D800] =	vst v63  }
0x1c1: {  	_ =	swait.ge [sflag:s8], $0x800  }
0x1c2: {  	[sflag:s8] =	ssyncset.done $0x0  }
0x1c3: {  	[sflag:s8] =	ssyncadd.s32 $0xFFFFF800  }
0x1c4: {  	[tilespmem:s12], [sflag:$0x1] =	stream.indirect.gather [hbm4b:s4+s11], $0x80, s9, s11, $0xb8;
	[tilespmem:$0x1D800] =	vst v63  }
0x1c5: {  	s6 =	rddreg [dreg:$0x6]  }
0x1c6: {  	[tilespmem:s13], [sflag:$0x1] =	stream.indirect.gather [hbm4b:s4+s11], $0x80, s6, s11, $0xb8;
	[tilespmem:$0x1D800] =	vst v63  }
0x1c7: {  	_ =	swait.ge [sflag:s14], $0x4000  }
0x1c8: {  	[sflag:s14] =	ssyncset.done $0x0  }
0x1c9: {  	[sflag:s14] =	ssyncadd.s32 $0xFFFFC000  }
0x1ca: {  	[spmem:s2] =	stream.indirect.scatter.add.f32 [tilespmem:s12], [sflag:$0x2], $0x80, s10, s11, $0xb8;
	[tilespmem:$0x1D800] =	vst v63  }
0x1cb: {  	_ =	swait.ge [sflag:s8], $0x4000  }
0x1cc: {  	[sflag:s8] =	ssyncset.done $0x0  }
0x1cd: {  	s7 =	rddreg [dreg:$0x7];
	[sflag:s8] =	ssyncadd.s32 $0xFFFFC000  }
0x1ce: {  	[tilespmem:s12], [sflag:$0x1] =	stream.indirect.gather [hbm4b:s4+s11], $0x80, s7, s11, $0xb8;
	[tilespmem:$0x1D800] =	vst v63  }
0x1cf: {  	_ =	swait.ge [sflag:s14], $0x4000  }
0x1d0: {  	[sflag:s14] =	ssyncset.done $0x0  }
0x1d1: {  	s6 =	rddreg [dreg:$0x8];
	[sflag:s14] =	ssyncadd.s32 $0xFFFFC000  }
0x1d2: {  	[spmem:s2] =	stream.indirect.scatter.add.f32 [tilespmem:s13], [sflag:$0x2], $0x80, s6, s11, $0xb8;
	[tilespmem:$0x1D800] =	vst v63  }
0x1d3: {  	_ =	swait.ge [sflag:s8], $0x4000  }
0x1d4: {  	[sflag:s8] =	ssyncset.done $0x0  }
0x1d5: {  	s7 =	rddreg [dreg:$0x9];
	[sflag:s8] =	ssyncadd.s32 $0xFFFFC000  }
0x1d6: {  	[tilespmem:s13], [sflag:$0x1] =	stream.indirect.gather [hbm4b:s4+s11], $0x80, s7, s11, $0xb8;
	[tilespmem:$0x1D800] =	vst v63  }
0x1d7: {  	_ =	swait.ge [sflag:s14], $0x4000  }
0x1d8: {  	[sflag:s14] =	ssyncset.done $0x0  }
0x1d9: {  	s6 =	rddreg [dreg:$0xa];
	[sflag:s14] =	ssyncadd.s32 $0xFFFFC000  }
0x1da: {  	[spmem:s2] =	stream.indirect.scatter.add.f32 [tilespmem:s12], [sflag:$0x2], $0x80, s6, s11, $0xb8;
	[tilespmem:$0x1D800] =	vst v63  }
0x1db: {  	_ =	swait.ge [sflag:s8], $0x4000  }
0x1dc: {  	[sflag:s8] =	ssyncset.done $0x0  }
0x1dd: {  	s7 =	rddreg [dreg:$0xb];
	[sflag:s8] =	ssyncadd.s32 $0xFFFFC000  }
0x1de: {  	[tilespmem:s12], [sflag:$0x1] =	stream.indirect.gather [hbm4b:s4+s11], $0x80, s7, s11, $0xb8;
	[tilespmem:$0x1D800] =	vst v63  }
0x1df: {  	_ =	swait.ge [sflag:s14], $0x4000  }
0x1e0: {  	[sflag:s14] =	ssyncset.done $0x0  }
0x1e1: {  	s6 =	rddreg [dreg:$0xc];
	[sflag:s14] =	ssyncadd.s32 $0xFFFFC000  }
0x1e2: {  	[spmem:s2] =	stream.indirect.scatter.add.f32 [tilespmem:s13], [sflag:$0x2], $0x80, s6, s11, $0xb8;
	[tilespmem:$0x1D800] =	vst v63  }
0x1e3: {  	_ =	swait.ge [sflag:s8], $0x4000  }
0x1e4: {  	[sflag:s8] =	ssyncset.done $0x0  }
0x1e5: {  	s7 =	rddreg [dreg:$0xd];
	[sflag:s8] =	ssyncadd.s32 $0xFFFFC000  }
0x1e6: {  	[tilespmem:s13], [sflag:$0x1] =	stream.indirect.gather [hbm4b:s4+s11], $0x80, s7, s11, $0xb8;
	[tilespmem:$0x1D800] =	vst v63  }
0x1e7: {  	_ =	swait.ge [sflag:s14], $0x4000  }
0x1e8: {  	[sflag:s14] =	ssyncset.done $0x0  }
0x1e9: {  	s6 =	rddreg [dreg:$0xe];
	[sflag:s14] =	ssyncadd.s32 $0xFFFFC000  }
0x1ea: {  	[spmem:s2] =	stream.indirect.scatter.add.f32 [tilespmem:s12], [sflag:$0x2], $0x80, s6, s11, $0xb8;
	[tilespmem:$0x1D800] =	vst v63  }
0x1eb: {  	_ =	swait.ge [sflag:s8], $0x4000  }
0x1ec: {  	[sflag:s8] =	ssyncset.done $0x0  }
0x1ed: {  	s7 =	rddreg [dreg:$0xf];
	[sflag:s8] =	ssyncadd.s32 $0xFFFFC000  }
0x1ee: {  	[tilespmem:s12], [sflag:$0x1] =	stream.indirect.gather [hbm4b:s4+s11], $0x80, s7, s11, $0xb8;
	[tilespmem:$0x1D800] =	vst v63  }
0x1ef: {  	_ =	swait.ge [sflag:s14], $0x4000  }
0x1f0: {  	[sflag:s14] =	ssyncset.done $0x0  }
0x1f1: {  	s6 =	rddreg [dreg:$0x10];
	[sflag:s14] =	ssyncadd.s32 $0xFFFFC000  }
0x1f2: {  	[spmem:s2] =	stream.indirect.scatter.add.f32 [tilespmem:s13], [sflag:$0x2], $0x80, s6, s11, $0xb8;
	[tilespmem:$0x1D800] =	vst v63  }
0x1f3: {  	_ =	swait.ge [sflag:s8], $0x4000  }
0x1f4: {  	[sflag:s8] =	ssyncset.done $0x0  }
0x1f5: {  	s7 =	rddreg [dreg:$0x11];
	[sflag:s8] =	ssyncadd.s32 $0xFFFFC000  }
0x1f6: {  	[tilespmem:s13], [sflag:$0x1] =	stream.indirect.gather [hbm4b:s4+s11], $0x80, s7, s11, $0xb8;
	[tilespmem:$0x1D800] =	vst v63  }
0x1f7: {  	_ =	swait.ge [sflag:s14], $0x4000  }
0x1f8: {  	[sflag:s14] =	ssyncset.done $0x0  }
0x1f9: {  	s6 =	rddreg [dreg:$0x12];
	[sflag:s14] =	ssyncadd.s32 $0xFFFFC000  }
0x1fa: {  	[spmem:s2] =	stream.indirect.scatter.add.f32 [tilespmem:s12], [sflag:$0x2], $0x80, s6, s11, $0xb8;
	[tilespmem:$0x1D800] =	vst v63  }
0x1fb: {  	_ =	swait.ge [sflag:s8], $0x4000  }
0x1fc: {  	[sflag:s8] =	ssyncset.done $0x0  }
0x1fd: {  	[sflag:s8] =	ssyncadd.s32 $0xFFFFC000  }
0x1fe: {  	[tilespmem:s12], [sflag:$0x1] =	stream.indirect.gather [hbm4b:s4+s11], $0x80, s15, s11, $0xb8;
	[tilespmem:$0x1D800] =	vst v63  }
0x1ff: {  	_ =	swait.ge [sflag:s14], $0x4000  }
0x200: {  	[sflag:s14] =	ssyncset.done $0x0  }
0x201: {  	[sflag:s14] =	ssyncadd.s32 $0xFFFFC000  }
0x202: {  	[spmem:s2] =	stream.indirect.scatter.add.f32 [tilespmem:s13], [sflag:$0x2], $0x80, s16, s11, $0xb8;
	[tilespmem:$0x1D800] =	vst v63  }
0x203: {  	_ =	swait.ge [sflag:s8], $0x4000  }
0x204: {  	[sflag:s8] =	ssyncset.done $0x0  }
0x205: {  	[sflag:s8] =	ssyncadd.s32 $0xFFFFC000  }
0x206: {  	[tilespmem:s13], [sflag:$0x1] =	stream.indirect.gather [hbm4b:s4+s11], $0x80, s17, s11, $0xb8;
	[tilespmem:$0x1D800] =	vst v63  }
0x207: {  	_ =	swait.ge [sflag:s14], $0x4000  }
0x208: {  	[sflag:s14] =	ssyncset.done $0x0  }
0x209: {  	[sflag:s14] =	ssyncadd.s32 $0xFFFFC000  }
0x20a: {  	[spmem:s2] =	stream.indirect.scatter.add.f32 [tilespmem:s12], [sflag:$0x2], $0x80, s18, s11, $0xb8;
	[tilespmem:$0x1D800] =	vst v63  }
0x20b: {  	_ =	swait.ge [sflag:s8], $0x4000  }
0x20c: {  	[sflag:s8] =	ssyncset.done $0x0  }
0x20d: {  	[sflag:s8] =	ssyncadd.s32 $0xFFFFC000  }
0x20e: {  	[tilespmem:s12], [sflag:$0x1] =	stream.indirect.gather [hbm4b:s4+s11], $0x80, s19, s11, $0xb8;
	[tilespmem:$0x1D800] =	vst v63  }
0x20f: {  	_ =	swait.ge [sflag:s14], $0x4000  }
0x210: {  	[sflag:s14] =	ssyncset.done $0x0  }
0x211: {  	[sflag:s14] =	ssyncadd.s32 $0xFFFFC000  }
0x212: {  	[spmem:s2] =	stream.indirect.scatter.add.f32 [tilespmem:s13], [sflag:$0x2], $0x80, s20, s11, $0xb8;
	[tilespmem:$0x1D800] =	vst v63  }
0x213: {  	_ =	swait.ge [sflag:s8], $0x4000  }
0x214: {  	[sflag:s8] =	ssyncset.done $0x0  }
0x215: {  	[sflag:s8] =	ssyncadd.s32 $0xFFFFC000  }
0x216: {  	[tilespmem:s13], [sflag:$0x1] =	stream.indirect.gather [hbm4b:s4+s11], $0x80, s21, s11, $0xb8;
	[tilespmem:$0x1D800] =	vst v63  }
0x217: {  	_ =	swait.ge [sflag:s14], $0x4000  }
0x218: {  	[sflag:s14] =	ssyncset.done $0x0  }
0x219: {  	[sflag:s14] =	ssyncadd.s32 $0xFFFFC000  }
0x21a: {  	[spmem:s2] =	stream.indirect.scatter.add.f32 [tilespmem:s12], [sflag:$0x2], $0x80, s22, s11, $0xb8;
	[tilespmem:$0x1D800] =	vst v63  }
0x21b: {  	_ =	swait.ge [sflag:s8], $0x4000  }
0x21c: {  	[sflag:s8] =	ssyncset.done $0x0  }
0x21d: {  	[sflag:s8] =	ssyncadd.s32 $0xFFFFC000  }
0x21e: {  	[tilespmem:s12], [sflag:$0x1] =	stream.indirect.gather [hbm4b:s4+s11], $0x80, s23, s11, $0xb8;
	[tilespmem:$0x1D800] =	vst v63  }
0x21f: {  	_ =	swait.ge [sflag:s14], $0x4000  }
0x220: {  	[sflag:s14] =	ssyncset.done $0x0  }
0x221: {  	[sflag:s14] =	ssyncadd.s32 $0xFFFFC000  }
0x222: {  	[spmem:s2] =	stream.indirect.scatter.add.f32 [tilespmem:s13], [sflag:$0x2], $0x80, s24, s11, $0xb8;
	[tilespmem:$0x1D800] =	vst v63  }
0x223: {  	_ =	swait.ge [sflag:s8], $0x4000  }
0x224: {  	[sflag:s8] =	ssyncset.done $0x0  }
0x225: {  	[sflag:s8] =	ssyncadd.s32 $0xFFFFC000  }
0x226: {  	[tilespmem:s13], [sflag:$0x1] =	stream.indirect.gather [hbm4b:s4+s11], $0x80, s25, s11, $0xb8;
	[tilespmem:$0x1D800] =	vst v63  }
0x227: {  	_ =	swait.ge [sflag:s14], $0x4000  }
0x228: {  	[sflag:s14] =	ssyncset.done $0x0  }
0x229: {  	[sflag:s14] =	ssyncadd.s32 $0xFFFFC000  }
0x22a: {  	[spmem:s2] =	stream.indirect.scatter.add.f32 [tilespmem:s12], [sflag:$0x2], $0x80, s26, s11, $0xb8;
	[tilespmem:$0x1D800] =	vst v63  }
0x22b: {  	_ =	swait.ge [sflag:s8], $0x4000  }
0x22c: {  	[sflag:s8] =	ssyncset.done $0x0  }
0x22d: {  	[sflag:s8] =	ssyncadd.s32 $0xFFFFC000  }
0x22e: {  	[tilespmem:s12], [sflag:$0x1] =	stream.indirect.gather [hbm4b:s4+s11], $0x80, s28, s11, $0xb8;
	[tilespmem:$0x1D800] =	vst v63  }
0x22f: {  	_ =	swait.ge [sflag:s14], $0x4000  }
0x230: {  	[sflag:s14] =	ssyncset.done $0x0  }
0x231: {  	[sflag:s14] =	ssyncadd.s32 $0xFFFFC000  }
0x232: {  	[spmem:s2] =	stream.indirect.scatter.add.f32 [tilespmem:s13], [sflag:$0x2], $0x80, s29, s11, $0xb8;
	[tilespmem:$0x1D800] =	vst v63  }
0x233: {  	_ =	swait.ge [sflag:s8], $0x4000  }
0x234: {  	[sflag:s8] =	ssyncset.done $0x0  }
0x235: {  	[sflag:s8] =	ssyncadd.s32 $0xFFFFC000  }
0x236: {  	[tilespmem:s13], [sflag:$0x1] =	stream.indirect.gather [hbm4b:s4+s11], $0x80, s30, s11, $0xb8;
	[tilespmem:$0x1D800] =	vst v63  }
0x237: {  	_ =	swait.ge [sflag:s14], $0x4000  }
0x238: {  	[sflag:s14] =	ssyncset.done $0x0  }
0x239: {  	[sflag:s14] =	ssyncadd.s32 $0xFFFFC000  }
0x23a: {  	[spmem:s2] =	stream.indirect.scatter.add.f32 [tilespmem:s12], [sflag:$0x2], $0x80, s31, s11, $0xb8;
	[tilespmem:$0x1D800] =	vst v63  }
0x23b: {  	_ =	swait.ge [sflag:s8], $0x4000  }
0x23c: {  	[sflag:s8] =	ssyncset.done $0x0  }
0x23d: {  	[sflag:s8] =	ssyncadd.s32 $0xFFFFC000  }
0x23e: {  	_ =	swait.ge [sflag:s14], $0x4000  }
0x23f: {  	[sflag:s14] =	ssyncset.done $0x0  }
0x240: {  	[sflag:s14] =	ssyncadd.s32 $0xFFFFC000  }
0x241: {  	[spmem:s2] =	stream.indirect.scatter.add.f32 [tilespmem:s13], [sflag:$0x2], $0x80, s1, s11, $0xb8;
	[tilespmem:$0x1D800] =	vst v63  }
0x242: {  	_ =	swait.ge [sflag:s8], $0x4000  }
0x243: {  	[sflag:s8] =	ssyncset.done $0x0  }
0x244: {  	s7 =	stileid.u32;
	[sflag:s8] =	ssyncadd.s32 $0xFFFFC000  }
0x245: {  	s0 =	sshll.u32 s7, $0x6;
	[bflag:$0x0] =	sbarrier.arrive $0xFFFF  }
0x246: {  	s0 =	sor.u32 $0x1C02, s0;
	s6 =	sshrl.u32 s5, $0x3;
	s7 =	rddreg [dreg:$0x13]  }
0x247: {  	[hbm:s7], [sflag:s0] =	dma.local [spmem:s6], $0x2800  }
0x248: {  	_ =	swait.ge [sflag:s8], $0x2800  }
0x249: {  	s0 =	rddreg [dreg:$0x15]  }
0x24a: {  	s7 =	rddreg [dreg:$0x14];
	s6 =	sadd.s32 $0x1, s0  }
0x24b: {  	p0 =	sne.s32 s6, s7  }
.Ltmp2:
0x24c: {  	_ = 	snop;
	(pc) =	sbr.rel @p0 .LBB2_1-.Ltmp2, $3  }
0x24d: {  	_ =	sdelay $0x1  }
0x24e: {  	[sflag:s8] =	ssyncset.done $0x0  }
0x24f: {  	[sflag:s8] =	ssyncadd.s32 $0xFFFFD800  }
0x250: {  	_ =	sfence.sel $0x180000  }
0x251: {  	[bflag:$0x0] =	sbarrier.arrive $0xFFFF  }
0x252: {  	_ =	strace $0x9000004A  }
0x253: {  	s0 =	stileid.u32;
	[bflag:$0x2] =	sbarrier.arrive $0xFFFF  }
0x254: {  	p0 =	sne.s32 s0, $0x0;
	s0 =	rddreg [dreg:$0x3]  }
0x255: {  	s0 =	sadd.s32 @!p0 $0x100000, s0  }
0x256: {  	[sflag:s0] =	ssyncadd.tile.s32 @!p0 $0x1;
	_ =	shalt  }
.Lfunc_end2:
_tile_overlayer_lowered:
.L_overlay_start_2:
0x257: {  	(tag) =	ssettag $0x2  }
0x258: {  	s0 =	rddreg [dreg:$0x0];
	s2 =	stileid.u32  }
0x259: {  	s1 =	rddreg [dreg:$0x1];
	p0 =	sne.s32 s2, $0x0  }
0x25a: {  	s3 =	rddreg [dreg:$0x2];
	[bflag:$0x3] =	sbarrier.arrive $0xFFFF;
	s2 =	simm.s32 @!p0 $0x1C02  }
0x25b: {  	[timem:s3], [sflag:s2] =	dma.local @!p0 [hbm:s0], s1  }
0x25c: {  	s0 =	simm.s32 @!p0 $0x2  }
0x25d: {  	_ =	swait.ge @!p0 [sflag:s0], s1  }
0x25e: {  	s1 =	ssub.s32 @!p0 $0x0, s1;
	[sflag:s0] =	ssyncset.done @!p0 $0x0  }
0x25f: {  	[sflag:s0] =	ssyncadd.s32 @!p0 s1  }
0x260: {  	[bflag:$0x3] =	sbarrier.arrive $0xFFFF  }
0x261: {  	_ =	shalt  }

// kernel: kernel.15.cloned.1.call-start
scs
__scs_entry_jumppad:
0x0: {  	(pc) =	sbr.rel $0x88, $3  }
0x1: {  	(tag) =	ssettag $0x0;
	lr =	simm.s32 $0x1  }
0x2: {  	[smem:$0x3F99] =	sst lr;
	_ =	strace $0xD0000000  }
0x3: {  	_ = 	snop  }
0x4: {  	_ = 	snop  }
0x5: {  	_ = 	snop  }
0x6: {  	_ = 	snop  }
0x7: {  	_ = 	snop  }
__scs_overlays_trampoline_lowered:
0x8: {  	[smem:$0x3FA8] =	sst s0  }
0x9: {  	[smem:$0x3FA9] =	sst s1  }
0xa: {  	[smem:$0x3FAA] =	sst s2  }
0xb: {  	[smem:$0x3FAB] =	sst s3  }
0xc: {  	[smem:$0x3FAC] =	sst s4  }
0xd: {  	[smem:$0x3FAD] =	sst s5  }
0xe: {  	[smem:$0x3FAE] =	sst s6  }
0xf: {  	[smem:$0x3FAF] =	sst s7  }
0x10: {  	[smem:$0x3FB0] =	sst s8  }
0x11: {  	[smem:$0x3FB1] =	sst s9;
	s0 =	simm.s32 @!p0 $0x0  }
0x12: {  	s1 =	sld [smem:$0x3F97];
	s0 =	simm.s32 @p0 $0x1  }
0x13: {  	[smem:$0x3FB2] =	sst s0;
	s0 =	simm.s32 @!p1 $0x0  }
0x14: {  	s2 =	sld [smem:$0x3F96];
	s0 =	simm.s32 @p1 $0x1  }
0x15: {  	[smem:$0x3FB3] =	sst s0;
	s0 =	simm.s32 @!p2 $0x0  }
0x16: {  	s3 =	sld [smem:$0x3FDB];
	s0 =	simm.s32 @p2 $0x1  }
0x17: {  	s4 =	simm.s32 $0x1BF5;
	[smem:$0x3FB5] =	sst s0  }
0x18: {  	s0 =	sld [smem:$0x3F98];
	_ =	swait.ge [sflag:s4], $0x0  }
0x19: {  	s7 =	sld [smem:$0x3F99]  }
0x1a: {  	s8 =	sadd.s32 $0xFFFFE003, lr  }
0x1b: {  	s9 =	sadd.s32 $0xFFFFFEF7, lr;
	s5 =	simm.s32 $0xFFFFFFFF;
	p2 =	slt.u32 s8, $0xFFFFF086  }
0x1c: {  	p1 =	slt.u32 s9, $0xF7A;
	s5 =	simm.s32 @!p2 $0x0  }
0x1d: {  	s5 =	simm.s32 @p1 $0x1;
	p0 =	seq.s32 s7, s2  }
0x1e: {  	s7 =	smul.u32 @!p0 $0xF7A, s2;
	p2 =	seq.s32 @!p0 s5, $0x0  }
0x1f: {  	s9 =	smul.u32 $0xF7A, s1;
	s8 =	simm.s32 @!p0 $0x1BF5;
	p2 =	por !p2, p0  }
0x20: {  	[sflag:s8] =	ssyncset.s32 @!p0 $0xFFFFF086;
	s6 =	sadd.s32 @!p0 s3, s7;
	s7 =	simm.s32 @!p0 $0x108  }
0x21: {  	s3 =	sadd.s32 s3, s9;
	s6 =	sadd.s32 @!p0 $0x88, s6;
	s7 =	simm.s32 @p2 $0x1082  }
0x22: {  	[simem:s7], [sflag:s8] =	dma.local @!p0 [hbm:s6], $0xF7A  }
0x23: {  	s9 =	sor.u32 $0xD0000000, s2;
	s6 =	simm.s32 $0x108;
	_ =	swait.ge @!p0 [sflag:s8], $0x0  }
0x24: {  	s3 =	sadd.s32 $0x88, s3;
	s6 =	simm.s32 @!p1 $0x1082;
	[sflag:s4] =	ssyncset.s32 $0xFFFFF086  }
0x25: {  	[simem:s6], [sflag:s4] =	dma.local [hbm:s3], $0xF7A  }
0x26: {  	[smem:$0x3F99] =	sst s1;
	(tag) =	ssettag s2;
	_ =	strace s9  }
0x27: {  	s1 =	sld [smem:$0x3FA9]  }
0x28: {  	s2 =	sld [smem:$0x3FAA]  }
0x29: {  	s4 =	sld [smem:$0x3FAC]  }
0x2a: {  	p0 =	seq.s32 s5, $0x0;
	s5 =	sld [smem:$0x3FAD]  }
0x2b: {  	s6 =	sld [smem:$0x3FAE]  }
0x2c: {  	s7 =	sld [smem:$0x3FAF]  }
0x2d: {  	s3 =	simm.s32 $0x108;
	s8 =	sld [smem:$0x3FB0]  }
0x2e: {  	s3 =	simm.s32 @!p0 $0x1082;
	s9 =	sld [smem:$0x3FB1]  }
0x2f: {  	lr =	sadd.s32 s0, s3;
	s0 =	sld [smem:$0x3FA8]  }
0x30: {  	s3 =	sld [smem:$0x3FAB]  }
0x31: {  	[smem:$0x3FB4] =	sst s10  }
0x32: {  	s10 =	sld [smem:$0x3FB2];
	_ =	sdelay $0x3  }
0x33: {  	p0 =	seq.s32 s10, $0x1;
	s10 =	sld [smem:$0x3FB4];
	_ =	sdelay $0x3  }
0x34: {  	[smem:$0x3FB4] =	sst s10  }
0x35: {  	s10 =	sld [smem:$0x3FB3];
	_ =	sdelay $0x3  }
0x36: {  	p1 =	seq.s32 s10, $0x1;
	s10 =	sld [smem:$0x3FB4];
	_ =	sdelay $0x3  }
0x37: {  	[smem:$0x3FB4] =	sst s10  }
0x38: {  	s10 =	sld [smem:$0x3FB5]  }
0x39: {  	_ = 	snop;
	(pc) =	sbr.ind lr, $3  }
0x3a: {  	_ = 	snop  }
0x3b: {  	_ = 	snop  }
0x3c: {  	p2 =	seq.s32 s10, $0x1;
	s10 =	sld [smem:$0x3FB4]  }
0x3d: {  	_ =	shalt  }
0x3e: {  	_ =	shalt  }
0x3f: {  	_ =	shalt  }
0x40: {  	_ =	shalt  }
0x41: {  	_ =	shalt  }
0x42: {  	_ =	shalt  }
0x43: {  	_ =	shalt  }
0x44: {  	_ =	shalt  }
0x45: {  	_ =	shalt  }
0x46: {  	_ =	shalt  }
0x47: {  	_ =	shalt  }
0x48: {  	_ =	shalt  }
0x49: {  	_ =	shalt  }
0x4a: {  	_ =	shalt  }
0x4b: {  	_ =	shalt  }
0x4c: {  	_ =	shalt  }
0x4d: {  	_ =	shalt  }
0x4e: {  	_ =	shalt  }
0x4f: {  	_ =	shalt  }
0x50: {  	_ =	shalt  }
0x51: {  	_ =	shalt  }
0x52: {  	_ =	shalt  }
0x53: {  	_ =	shalt  }
0x54: {  	_ =	shalt  }
0x55: {  	_ =	shalt  }
0x56: {  	_ =	shalt  }
0x57: {  	_ =	shalt  }
0x58: {  	_ =	shalt  }
0x59: {  	_ =	shalt  }
0x5a: {  	_ =	shalt  }
0x5b: {  	_ =	shalt  }
0x5c: {  	_ =	shalt  }
0x5d: {  	_ =	shalt  }
0x5e: {  	_ =	shalt  }
0x5f: {  	_ =	shalt  }
0x60: {  	_ =	shalt  }
0x61: {  	_ =	shalt  }
0x62: {  	_ =	shalt  }
0x63: {  	_ =	shalt  }
0x64: {  	_ =	shalt  }
0x65: {  	_ =	shalt  }
0x66: {  	_ =	shalt  }
0x67: {  	_ =	shalt  }
0x68: {  	_ =	shalt  }
0x69: {  	_ =	shalt  }
0x6a: {  	_ =	shalt  }
0x6b: {  	_ =	shalt  }
0x6c: {  	_ =	shalt  }
0x6d: {  	_ =	shalt  }
0x6e: {  	_ =	shalt  }
0x6f: {  	_ =	shalt  }
0x70: {  	_ =	shalt  }
0x71: {  	_ =	shalt  }
0x72: {  	_ =	shalt  }
0x73: {  	_ =	shalt  }
0x74: {  	_ =	shalt  }
0x75: {  	_ =	shalt  }
0x76: {  	_ =	shalt  }
0x77: {  	_ =	shalt  }
0x78: {  	_ =	shalt  }
0x79: {  	_ =	shalt  }
0x7a: {  	_ =	shalt  }
0x7b: {  	_ =	shalt  }
0x7c: {  	_ =	shalt  }
0x7d: {  	_ =	shalt  }
0x7e: {  	_ =	shalt  }
0x7f: {  	_ =	shalt  }
0x80: {  	_ =	shalt  }
0x81: {  	_ =	shalt  }
0x82: {  	_ =	shalt  }
0x83: {  	_ =	shalt  }
0x84: {  	_ =	shalt  }
0x85: {  	_ =	shalt  }
0x86: {  	_ =	shalt  }
0x87: {  	_ =	shalt  }
.Lfunc_end0:
.L_simem_size_0:
called_computation.2_lowered:
.L_overlay_start_0:
0x88: {  	s2 =	sld [smem:$0x3FD9]  }
0x89: {  	s3 =	sld [smem:$0x3FFE];
	_ =	sdelay $0x1  }
0x8a: {  	s1 =	srdreg.scid  }
0x8b: {  	s0 =	sand.u32 $0x1, s1  }
0x8c: {  	s17 =	sshll.u32 s0, $0xA;
	s2 =	sadd.s32 s3, s2  }
0x8d: {  	s2 =	sadd.s32 s2, s17  }
0x8e: {  	[smem:$0x3FC0] =	sst s2  }
0x8f: {  	_ = 	snop  }
0x90: {  	s2 =	sld [smem:$0x3FD0];
	(tm) =	ssettm $0x1  }
0x91: {  	s18 =	sld [smem:$0x3FFB];
	_ =	sdelay $0x3  }
0x92: {  	_ =	strace s18  }
0x93: {  	s3 =	sld [smem:$0x3FFC];
	_ =	sdelay $0x3  }
0x94: {  	_ =	strace s3  }
0x95: {  	s3 =	sld [smem:$0x3FFD];
	_ =	sdelay $0x3  }
0x96: {  	_ =	strace s3  }
0x97: {  	_ =	strace $0x8FFFFFFF  }
0x98: {  	s19 =	sld [smem:$0x3FDB];
	_ =	sdelay $0x1  }
0x99: {  	s4 =	simm.s32 $_scs_section_size  }
0x9a: {  	s5 =	simm.s32 $_size__tile_overlayer_lowered;
	s6 =	simm.s32 $_tile_overlayer_lowered  }
0x9b: {  	s22 =	simm.s32 $0x1BFF;
	s21 =	sshll.u32 s6, $0x1;
	s3 =	sadd.s32 s4, s19  }
0x9c: {  	s7 =	simm.s32 $0x0;
	s20 =	sshll.u32 s5, $0x1;
	s5 =	sadd.s32 s21, s3  }
0x9d: {  	[timem:s7], [sflag:s22] =	dma.local [hbm:s5], s20  }
0x9e: {  	_ =	swait.ge [sflag:s22], s20  }
0x9f: {  	s4 =	ssub.s32 $0x0, s20;
	[sflag:s22] =	ssyncset.done $0x0  }
0xa0: {  	[sflag:s22] =	ssyncadd.s32 s4;
	_ =	sdelay $0x1  }
0xa1: {  	s23 =	simm.s32 $0x1B8B  }
0xa2: {  	_ =	swait.ge [sflag:s23], $0x1  }
0xa3: {  	[sflag:s23] =	ssyncset.done $0x0  }
0xa4: {  	s25 =	simm.s32 $0x1B8E;
	s24 =	sld [smem:$0x3FFE];
	[sflag:s23] =	ssyncadd.s32 $0xFFFFFFFF  }
0xa5: {  	s26 =	simm.s32 $execute0_lowered;
	[smem:$0x3FD2] =	sst s25  }
0xa6: {  	s5 =	sshll.u32 s26, $0x1;
	_ =	strace $0x8000004C;
	[dreg:$0x1] =	wrdreg $0xFFFFFFFF  }
0xa7: {  	s28 =	simm.s32 $_size_execute0_lowered;
	s3 =	sadd.s32 s3, s5;
	[dreg:$0x0] =	wrdreg $0x0  }
0xa8: {  	s5 =	sshll.u32 s28, $0x1;
	[dreg:$0x2] =	wrdreg s3  }
0xa9: {  	[dreg:$0x3] =	wrdreg s5  }
0xaa: {  	[dreg:$0x4] =	wrdreg $0xC0  }
0xab: {  	_ =	task [dreg:s7], $0x5FFFF  }
0xac: {  	[dreg:$0x1] =	wrdreg $0xFFFFFFFF  }
0xad: {  	[dreg:$0x0] =	wrdreg $0x60  }
0xae: {  	[dreg:$0x2] =	wrdreg s24  }
0xaf: {  	[dreg:$0x3] =	wrdreg s2  }
0xb0: {  	[dreg:$0x4] =	wrdreg $0x43000  }
0xb1: {  	[dreg:$0x5] =	wrdreg $0x9  }
0xb2: {  	_ =	task.clear_ibuf [dreg:s7], $0x6FFFF;
	_ =	strace $0x9000004C  }
0xb3: {  	s29 =	simm.s32 $0x9;
	_ =	strace $0x8000004E  }
0xb4: {  	_ =	swait.ge [sflag:s29], $0x1  }
0xb5: {  	[sflag:s29] =	ssyncadd.s32 $0xFFFFFFFF  }
0xb6: {  	_ =	strace $0x9000004E  }
0xb7: {  	_ =	sfence  }
0xb8: {  	s30 =	sld [smem:$0x0];
	_ =	sdelay $0x2  }
0xb9: {  	s31 =	sshll.u32 s1, $0xD;
	s1 =	sshrl.u32 s1, $0x2  }
0xba: {  	s3 =	sand.u32 $0x4000, s31;
	s1 =	sadd.s32 s1, s30  }
0xbb: {  	s0 =	sor.u32 s3, s0;
	s1 =	sshll.u32 s1, $0x11  }
0xbc: {  	s0 =	sor.u32 s1, s0  }
0xbd: {  	s0 =	sadd.s32 $0x8F2B, s0  }
0xbe: {  	[sflag:s0] =	ssyncadd.remote.s32 $0x1  }
0xbf: {  	_ =	sfence.sel $0xFFFF  }
0xc0: {  	[dreg:$0x0] =	wrdreg $0xFFFFFFFF;
	(pc) =	sbr.abs _section_cstart, $3  }
0xc1: {  	[dreg:$0x1] =	wrdreg $0xFFFFFFFF  }
0xc2: {  	_ =	task.clear_ibuf [dreg:s7], $0x2FFFF;
	_ =	strace $0x9FFFFFFF  }
0xc3: {  	(tm) =	ssettm $0x7FFFFFFF  }
tec
execute0_lowered:
.L_overlay_start_1:
0x0: {  	(tag) =	ssettag $0x1  }
0x1: {  	s1 =	rddreg [dreg:$0x0]  }
0x2: {  	s0 =	srdreg.scid;
	s5 =	rddreg [dreg:$0x1]  }
0x3: {  	s9 =	stileid.u32;
	s2 =	rddreg [dreg:$0x2];
	s3 =	simm.s32 $0x0  }
0x4: {  	s11 =	simm.s32 $0x380;
	s13 =	simm.s32 $0x400;
	[smem:$0x7FF] =	sst s3  }
0x5: {  	s14 =	simm.s32 $0xB80;
	_ =	strace $0x8000004D;
	[dreg:$0x6] =	wrdreg s11  }
0x6: {  	s16 =	simm.s32 $0x480;
	s17 =	simm.s32 $0xC00;
	[dreg:$0x7] =	wrdreg s13  }
0x7: {  	s19 =	simm.s32 $0x500;
	s20 =	simm.s32 $0xC80;
	[dreg:$0x8] =	wrdreg s14  }
0x8: {  	s21 =	simm.s32 $0x580;
	s22 =	simm.s32 $0xD00;
	[dreg:$0x9] =	wrdreg s16  }
0x9: {  	s23 =	simm.s32 $0x600;
	s24 =	simm.s32 $0xD80;
	[dreg:$0xa] =	wrdreg s17  }
0xa: {  	s25 =	simm.s32 $0x680;
	s26 =	simm.s32 $0xE00;
	[dreg:$0xb] =	wrdreg s19  }
0xb: {  	s28 =	simm.s32 $0xA00;
	s29 =	simm.s32 $0x1180;
	[dreg:$0xc] =	wrdreg s20  }
0xc: {  	s30 =	simm.s32 $0xA80;
	s6 =	smul.u32 $0x5000, s9;
	[dreg:$0xd] =	wrdreg s21  }
0xd: {  	s31 =	simm.s32 $0x1200;
	s7 =	smul.u32 $0x280, s9;
	[dreg:$0xe] =	wrdreg s22  }
0xe: {  	s0 =	sand.u32 $0x1, s0;
	s15 =	smul.u32 $0x1E000, s9;
	[dreg:$0xf] =	wrdreg s23  }
0xf: {  	s9 =	simm.s32 $0x300;
	s4 =	smul.u32 $0x2800, s0;
	[dreg:$0x10] =	wrdreg s24  }
0x10: {  	s0 =	ssub.s32 $0x2, s0;
	s11 =	simm.s32 $0x80;
	[dreg:$0x11] =	wrdreg s25  }
0x11: {  	s13 =	simm.s32 $0x2B00;
	s14 =	simm.s32 $0x1;
	[dreg:$0x12] =	wrdreg s26  }
0x12: {  	s16 =	simm.s32 $0xE80;
	s17 =	simm.s32 $0x780;
	s19 =	simm.s32 $0x800  }
0x13: {  	s20 =	simm.s32 $0xF80;
	s21 =	simm.s32 $0x880;
	s22 =	simm.s32 $0x1000  }
0x14: {  	s23 =	simm.s32 $0x900;
	s24 =	simm.s32 $0x1080;
	s25 =	simm.s32 $0x980  }
0x15: {  	s26 =	simm.s32 $0x1100;
	s12 =	sshrl.u32 s0, $0x1;
	s18 =	sshrl.u32 s15, $0x2  }
0x16: {  	s15 =	simm.s32 $0x700;
	s6 =	sadd.s32 s4, s6;
	s4 =	sadd.s32 s7, s4  }
0x17: {  	s0 =	ssub.s32 s0, s12;
	s12 =	simm.s32 $0x1300;
	s6 =	sshrl.u32 s6, $0x3  }
0x18: {  	s7 =	smul.u32 $0x6, s4;
	s4 =	sadd.s32 $0x85C00, s1;
	s0 =	smax.u32 s0, $0x1  }
0x19: {  	s8 =	sadd.s32 s6, s1;
	s5 =	sadd.s32 s6, s5;
	s6 =	sadd.s32 s18, s2  }
0x1a: {  	[dreg:$0x14] =	wrdreg s0;
	s18 =	simm.s32 $0xF00;
	s1 =	sadd.s32 s7, s1  }
0x1b: {  	[dreg:$0x4] =	wrdreg s5;
	s10 =	sadd.s32 $0x53C00, s8;
	s8 =	simm.s32 $0x2  }
0x1c: {  	s5 =	simm.s32 $0x0;
	[dreg:$0x5] =	wrdreg s10;
	s1 =	sadd.s32 $0x94C00, s1  }
0x1d: {  	v0 =	vimm.f32 $0.0e+00;
	s10 =	simm.s32 $0xB00;
	[dreg:$0x13] =	wrdreg s1;
	s1 =	simm.s32 $0x1280  }
.LBB2_1:
0x1e: {  	[tilespmem:$0x0] =	vst v0  }
0x1f: {  	[tilespmem:$0x10] =	vst v0  }
0x20: {  	[tilespmem:$0x20] =	vst v0  }
0x21: {  	[tilespmem:$0x30] =	vst v0  }
0x22: {  	[tilespmem:$0x40] =	vst v0  }
0x23: {  	[tilespmem:$0x50] =	vst v0  }
0x24: {  	[tilespmem:$0x60] =	vst v0  }
0x25: {  	[tilespmem:$0x70] =	vst v0  }
0x26: {  	[tilespmem:$0x80] =	vst v0  }
0x27: {  	[tilespmem:$0x90] =	vst v0  }
0x28: {  	[tilespmem:$0xA0] =	vst v0  }
0x29: {  	[tilespmem:$0xB0] =	vst v0  }
0x2a: {  	[tilespmem:$0xC0] =	vst v0  }
0x2b: {  	[tilespmem:$0xD0] =	vst v0  }
0x2c: {  	[tilespmem:$0xE0] =	vst v0  }
0x2d: {  	[tilespmem:$0xF0] =	vst v0  }
0x2e: {  	[tilespmem:$0x100] =	vst v0  }
0x2f: {  	[tilespmem:$0x110] =	vst v0  }
0x30: {  	[tilespmem:$0x120] =	vst v0  }
0x31: {  	[tilespmem:$0x130] =	vst v0  }
0x32: {  	[tilespmem:$0x140] =	vst v0  }
0x33: {  	[tilespmem:$0x150] =	vst v0  }
0x34: {  	[tilespmem:$0x160] =	vst v0  }
0x35: {  	[tilespmem:$0x170] =	vst v0  }
0x36: {  	[tilespmem:$0x180] =	vst v0  }
0x37: {  	[tilespmem:$0x190] =	vst v0  }
0x38: {  	[tilespmem:$0x1A0] =	vst v0  }
0x39: {  	[tilespmem:$0x1B0] =	vst v0  }
0x3a: {  	[tilespmem:$0x1C0] =	vst v0  }
0x3b: {  	[tilespmem:$0x1D0] =	vst v0  }
0x3c: {  	[tilespmem:$0x1E0] =	vst v0  }
0x3d: {  	[tilespmem:$0x1F0] =	vst v0  }
0x3e: {  	[tilespmem:$0x200] =	vst v0  }
0x3f: {  	[tilespmem:$0x210] =	vst v0  }
0x40: {  	[tilespmem:$0x220] =	vst v0  }
0x41: {  	[tilespmem:$0x230] =	vst v0  }
0x42: {  	[tilespmem:$0x240] =	vst v0  }
0x43: {  	[tilespmem:$0x250] =	vst v0  }
0x44: {  	[tilespmem:$0x260] =	vst v0  }
0x45: {  	[tilespmem:$0x270] =	vst v0  }
0x46: {  	[tilespmem:$0x280] =	vst v0  }
0x47: {  	[tilespmem:$0x290] =	vst v0  }
0x48: {  	[tilespmem:$0x2A0] =	vst v0  }
0x49: {  	[tilespmem:$0x2B0] =	vst v0  }
0x4a: {  	[tilespmem:$0x2C0] =	vst v0  }
0x4b: {  	[tilespmem:$0x2D0] =	vst v0  }
0x4c: {  	[tilespmem:$0x2E0] =	vst v0  }
0x4d: {  	[dreg:$0x15] =	wrdreg s5;
	[tilespmem:$0x2F0] =	vst v0;
	s0 =	sadd.s32 $0x0, s6  }
0x4e: {  	[spmem:s0] =	stream.linear.scatter [tilespmem:s3], [sflag:$0x2], $0x300, $0x38;
	[tilespmem:$0xBB00] =	vst v63  }
0x4f: {  	s5 =	simm.s32 $0xC00;
	_ =	swait.ge [sflag:s8], $0x300  }
.LBB2_2:
0x50: {  	s0 =	sshra.s32 s5, $0x2;
	[sflag:s8] =	ssyncset.done $0x0;
	p0 =	sne.s32 s5, $0x1D400  }
.Ltmp0:
0x51: {  	s0 =	sadd.s32 s0, s6;
	[sflag:s8] =	ssyncadd.s32 $0xFFFFFD00;
	(pc) =	sbr.rel @p0 .LBB2_2-.Ltmp0, $3  }
0x52: {  	[spmem:s0] =	stream.linear.scatter [tilespmem:s3], [sflag:$0x2], $0x300, $0x38;
	[tilespmem:$0xBB00] =	vst v63  }
0x53: {  	s5 =	sadd.s32 $0xC00, s5;
	_ =	sdelay $0x1  }
0x54: {  	_ =	swait.ge [sflag:s8], $0x300  }
0x55: {  	[sflag:s8] =	ssyncset.done $0x0  }
0x56: {  	[sflag:s8] =	ssyncadd.s32 $0xFFFFFD00  }
0x57: {  	[bflag:$0x0] =	sbarrier.arrive $0xFFFF  }
0x58: {  	s0 =	rddreg [dreg:$0x5]  }
0x59: {  	s0 =	sadd.s32 $0x0, s0  }
0x5a: {  	[tilespmem:s9], [sflag:$0x2] =	stream.linear.gather [hbm4b:s0+s3], $0x800, $0x38;
	[tilespmem:$0xBB00] =	vst v63  }
0x5b: {  	_ =	swait.ge [sflag:s8], $0x800  }
0x5c: {  	s5 =	rddreg [dreg:$0x4];
	[sflag:s8] =	ssyncset.done $0x0  }
0x5d: {  	[sflag:s8] =	ssyncadd.s32 $0xFFFFF800;
	s0 =	sadd.s32 $0x0, s5  }
0x5e: {  	[tilespmem:s10], [sflag:$0x2] =	stream.linear.gather [hbm4b:s0+s3], $0x800, $0x38;
	[tilespmem:$0xBB00] =	vst v63  }
0x5f: {  	_ =	swait.ge [sflag:s8], $0x800  }
0x60: {  	[sflag:s8] =	ssyncset.done $0x0  }
0x61: {  	[sflag:s8] =	ssyncadd.s32 $0xFFFFF800  }
0x62: {  	[tilespmem:s12], [sflag:$0x1] =	stream.indirect.gather [hbm4b:s4+s11], $0x30, s9, s11, $0xb8;
	[tilespmem:$0xBB00] =	vst v63  }
0x63: {  	s7 =	rddreg [dreg:$0x6]  }
0x64: {  	[tilespmem:s13], [sflag:$0x1] =	stream.indirect.gather [hbm4b:s4+s11], $0x30, s7, s11, $0xb8;
	[tilespmem:$0xBB00] =	vst v63  }
0x65: {  	_ =	swait.ge [sflag:s14], $0x1800  }
0x66: {  	[sflag:s14] =	ssyncset.done $0x0  }
0x67: {  	[sflag:s14] =	ssyncadd.s32 $0xFFFFE800  }
0x68: {  	[spmem:s2] =	stream.indirect.scatter.add.f32 [tilespmem:s12], [sflag:$0x2], $0x30, s10, s11, $0xb8;
	[tilespmem:$0xBB00] =	vst v63  }
0x69: {  	_ =	swait.ge [sflag:s8], $0x1800  }
0x6a: {  	[sflag:s8] =	ssyncset.done $0x0  }
0x6b: {  	s5 =	rddreg [dreg:$0x7];
	[sflag:s8] =	ssyncadd.s32 $0xFFFFE800  }
0x6c: {  	[tilespmem:s12], [sflag:$0x1] =	stream.indirect.gather [hbm4b:s4+s11], $0x30, s5, s11, $0xb8;
	[tilespmem:$0xBB00] =	vst v63  }
0x6d: {  	_ =	swait.ge [sflag:s14], $0x1800  }
0x6e: {  	[sflag:s14] =	ssyncset.done $0x0  }
0x6f: {  	s7 =	rddreg [dreg:$0x8];
	[sflag:s14] =	ssyncadd.s32 $0xFFFFE800  }
0x70: {  	[spmem:s2] =	stream.indirect.scatter.add.f32 [tilespmem:s13], [sflag:$0x2], $0x30, s7, s11, $0xb8;
	[tilespmem:$0xBB00] =	vst v63  }
0x71: {  	_ =	swait.ge [sflag:s8], $0x1800  }
0x72: {  	[sflag:s8] =	ssyncset.done $0x0  }
0x73: {  	s5 =	rddreg [dreg:$0x9];
	[sflag:s8] =	ssyncadd.s32 $0xFFFFE800  }
0x74: {  	[tilespmem:s13], [sflag:$0x1] =	stream.indirect.gather [hbm4b:s4+s11], $0x30, s5, s11, $0xb8;
	[tilespmem:$0xBB00] =	vst v63  }
0x75: {  	_ =	swait.ge [sflag:s14], $0x1800  }
0x76: {  	[sflag:s14] =	ssyncset.done $0x0  }
0x77: {  	s7 =	rddreg [dreg:$0xa];
	[sflag:s14] =	ssyncadd.s32 $0xFFFFE800  }
0x78: {  	[spmem:s2] =	stream.indirect.scatter.add.f32 [tilespmem:s12], [sflag:$0x2], $0x30, s7, s11, $0xb8;
	[tilespmem:$0xBB00] =	vst v63  }
0x79: {  	_ =	swait.ge [sflag:s8], $0x1800  }
0x7a: {  	[sflag:s8] =	ssyncset.done $0x0  }
0x7b: {  	s5 =	rddreg [dreg:$0xb];
	[sflag:s8] =	ssyncadd.s32 $0xFFFFE800  }
0x7c: {  	[tilespmem:s12], [sflag:$0x1] =	stream.indirect.gather [hbm4b:s4+s11], $0x30, s5, s11, $0xb8;
	[tilespmem:$0xBB00] =	vst v63  }
0x7d: {  	_ =	swait.ge [sflag:s14], $0x1800  }
0x7e: {  	[sflag:s14] =	ssyncset.done $0x0  }
0x7f: {  	s7 =	rddreg [dreg:$0xc];
	[sflag:s14] =	ssyncadd.s32 $0xFFFFE800  }
0x80: {  	[spmem:s2] =	stream.indirect.scatter.add.f32 [tilespmem:s13], [sflag:$0x2], $0x30, s7, s11, $0xb8;
	[tilespmem:$0xBB00] =	vst v63  }
0x81: {  	_ =	swait.ge [sflag:s8], $0x1800  }
0x82: {  	[sflag:s8] =	ssyncset.done $0x0  }
0x83: {  	s5 =	rddreg [dreg:$0xd];
	[sflag:s8] =	ssyncadd.s32 $0xFFFFE800  }
0x84: {  	[tilespmem:s13], [sflag:$0x1] =	stream.indirect.gather [hbm4b:s4+s11], $0x30, s5, s11, $0xb8;
	[tilespmem:$0xBB00] =	vst v63  }
0x85: {  	_ =	swait.ge [sflag:s14], $0x1800  }
0x86: {  	[sflag:s14] =	ssyncset.done $0x0  }
0x87: {  	s7 =	rddreg [dreg:$0xe];
	[sflag:s14] =	ssyncadd.s32 $0xFFFFE800  }
0x88: {  	[spmem:s2] =	stream.indirect.scatter.add.f32 [tilespmem:s12], [sflag:$0x2], $0x30, s7, s11, $0xb8;
	[tilespmem:$0xBB00] =	vst v63  }
0x89: {  	_ =	swait.ge [sflag:s8], $0x1800  }
0x8a: {  	[sflag:s8] =	ssyncset.done $0x0  }
0x8b: {  	s5 =	rddreg [dreg:$0xf];
	[sflag:s8] =	ssyncadd.s32 $0xFFFFE800  }
0x8c: {  	[tilespmem:s12], [sflag:$0x1] =	stream.indirect.gather [hbm4b:s4+s11], $0x30, s5, s11, $0xb8;
	[tilespmem:$0xBB00] =	vst v63  }
0x8d: {  	_ =	swait.ge [sflag:s14], $0x1800  }
0x8e: {  	[sflag:s14] =	ssyncset.done $0x0  }
0x8f: {  	s7 =	rddreg [dreg:$0x10];
	[sflag:s14] =	ssyncadd.s32 $0xFFFFE800  }
0x90: {  	[spmem:s2] =	stream.indirect.scatter.add.f32 [tilespmem:s13], [sflag:$0x2], $0x30, s7, s11, $0xb8;
	[tilespmem:$0xBB00] =	vst v63  }
0x91: {  	_ =	swait.ge [sflag:s8], $0x1800  }
0x92: {  	[sflag:s8] =	ssyncset.done $0x0  }
0x93: {  	s5 =	rddreg [dreg:$0x11];
	[sflag:s8] =	ssyncadd.s32 $0xFFFFE800  }
0x94: {  	[tilespmem:s13], [sflag:$0x1] =	stream.indirect.gather [hbm4b:s4+s11], $0x30, s5, s11, $0xb8;
	[tilespmem:$0xBB00] =	vst v63  }
0x95: {  	_ =	swait.ge [sflag:s14], $0x1800  }
0x96: {  	[sflag:s14] =	ssyncset.done $0x0  }
0x97: {  	s7 =	rddreg [dreg:$0x12];
	[sflag:s14] =	ssyncadd.s32 $0xFFFFE800  }
0x98: {  	[spmem:s2] =	stream.indirect.scatter.add.f32 [tilespmem:s12], [sflag:$0x2], $0x30, s7, s11, $0xb8;
	[tilespmem:$0xBB00] =	vst v63  }
0x99: {  	_ =	swait.ge [sflag:s8], $0x1800  }
0x9a: {  	[sflag:s8] =	ssyncset.done $0x0  }
0x9b: {  	[sflag:s8] =	ssyncadd.s32 $0xFFFFE800  }
0x9c: {  	[tilespmem:s12], [sflag:$0x1] =	stream.indirect.gather [hbm4b:s4+s11], $0x30, s15, s11, $0xb8;
	[tilespmem:$0xBB00] =	vst v63  }
0x9d: {  	_ =	swait.ge [sflag:s14], $0x1800  }
0x9e: {  	[sflag:s14] =	ssyncset.done $0x0  }
0x9f: {  	[sflag:s14] =	ssyncadd.s32 $0xFFFFE800  }
0xa0: {  	[spmem:s2] =	stream.indirect.scatter.add.f32 [tilespmem:s13], [sflag:$0x2], $0x30, s16, s11, $0xb8;
	[tilespmem:$0xBB00] =	vst v63  }
0xa1: {  	_ =	swait.ge [sflag:s8], $0x1800  }
0xa2: {  	[sflag:s8] =	ssyncset.done $0x0  }
0xa3: {  	[sflag:s8] =	ssyncadd.s32 $0xFFFFE800  }
0xa4: {  	[tilespmem:s13], [sflag:$0x1] =	stream.indirect.gather [hbm4b:s4+s11], $0x30, s17, s11, $0xb8;
	[tilespmem:$0xBB00] =	vst v63  }
0xa5: {  	_ =	swait.ge [sflag:s14], $0x1800  }
0xa6: {  	[sflag:s14] =	ssyncset.done $0x0  }
0xa7: {  	[sflag:s14] =	ssyncadd.s32 $0xFFFFE800  }
0xa8: {  	[spmem:s2] =	stream.indirect.scatter.add.f32 [tilespmem:s12], [sflag:$0x2], $0x30, s18, s11, $0xb8;
	[tilespmem:$0xBB00] =	vst v63  }
0xa9: {  	_ =	swait.ge [sflag:s8], $0x1800  }
0xaa: {  	[sflag:s8] =	ssyncset.done $0x0  }
0xab: {  	[sflag:s8] =	ssyncadd.s32 $0xFFFFE800  }
0xac: {  	[tilespmem:s12], [sflag:$0x1] =	stream.indirect.gather [hbm4b:s4+s11], $0x30, s19, s11, $0xb8;
	[tilespmem:$0xBB00] =	vst v63  }
0xad: {  	_ =	swait.ge [sflag:s14], $0x1800  }
0xae: {  	[sflag:s14] =	ssyncset.done $0x0  }
0xaf: {  	[sflag:s14] =	ssyncadd.s32 $0xFFFFE800  }
0xb0: {  	[spmem:s2] =	stream.indirect.scatter.add.f32 [tilespmem:s13], [sflag:$0x2], $0x30, s20, s11, $0xb8;
	[tilespmem:$0xBB00] =	vst v63  }
0xb1: {  	_ =	swait.ge [sflag:s8], $0x1800  }
0xb2: {  	[sflag:s8] =	ssyncset.done $0x0  }
0xb3: {  	[sflag:s8] =	ssyncadd.s32 $0xFFFFE800  }
0xb4: {  	[tilespmem:s13], [sflag:$0x1] =	stream.indirect.gather [hbm4b:s4+s11], $0x30, s21, s11, $0xb8;
	[tilespmem:$0xBB00] =	vst v63  }
0xb5: {  	_ =	swait.ge [sflag:s14], $0x1800  }
0xb6: {  	[sflag:s14] =	ssyncset.done $0x0  }
0xb7: {  	[sflag:s14] =	ssyncadd.s32 $0xFFFFE800  }
0xb8: {  	[spmem:s2] =	stream.indirect.scatter.add.f32 [tilespmem:s12], [sflag:$0x2], $0x30, s22, s11, $0xb8;
	[tilespmem:$0xBB00] =	vst v63  }
0xb9: {  	_ =	swait.ge [sflag:s8], $0x1800  }
0xba: {  	[sflag:s8] =	ssyncset.done $0x0  }
0xbb: {  	[sflag:s8] =	ssyncadd.s32 $0xFFFFE800  }
0xbc: {  	[tilespmem:s12], [sflag:$0x1] =	stream.indirect.gather [hbm4b:s4+s11], $0x30, s23, s11, $0xb8;
	[tilespmem:$0xBB00] =	vst v63  }
0xbd: {  	_ =	swait.ge [sflag:s14], $0x1800  }
0xbe: {  	[sflag:s14] =	ssyncset.done $0x0  }
0xbf: {  	[sflag:s14] =	ssyncadd.s32 $0xFFFFE800  }
0xc0: {  	[spmem:s2] =	stream.indirect.scatter.add.f32 [tilespmem:s13], [sflag:$0x2], $0x30, s24, s11, $0xb8;
	[tilespmem:$0xBB00] =	vst v63  }
0xc1: {  	_ =	swait.ge [sflag:s8], $0x1800  }
0xc2: {  	[sflag:s8] =	ssyncset.done $0x0  }
0xc3: {  	[sflag:s8] =	ssyncadd.s32 $0xFFFFE800  }
0xc4: {  	[tilespmem:s13], [sflag:$0x1] =	stream.indirect.gather [hbm4b:s4+s11], $0x30, s25, s11, $0xb8;
	[tilespmem:$0xBB00] =	vst v63  }
0xc5: {  	_ =	swait.ge [sflag:s14], $0x1800  }
0xc6: {  	[sflag:s14] =	ssyncset.done $0x0  }
0xc7: {  	[sflag:s14] =	ssyncadd.s32 $0xFFFFE800  }
0xc8: {  	[spmem:s2] =	stream.indirect.scatter.add.f32 [tilespmem:s12], [sflag:$0x2], $0x30, s26, s11, $0xb8;
	[tilespmem:$0xBB00] =	vst v63  }
0xc9: {  	_ =	swait.ge [sflag:s8], $0x1800  }
0xca: {  	[sflag:s8] =	ssyncset.done $0x0  }
0xcb: {  	[sflag:s8] =	ssyncadd.s32 $0xFFFFE800  }
0xcc: {  	[tilespmem:s12], [sflag:$0x1] =	stream.indirect.gather [hbm4b:s4+s11], $0x30, s28, s11, $0xb8;
	[tilespmem:$0xBB00] =	vst v63  }
0xcd: {  	_ =	swait.ge [sflag:s14], $0x1800  }
0xce: {  	[sflag:s14] =	ssyncset.done $0x0  }
0xcf: {  	[sflag:s14] =	ssyncadd.s32 $0xFFFFE800  }
0xd0: {  	[spmem:s2] =	stream.indirect.scatter.add.f32 [tilespmem:s13], [sflag:$0x2], $0x30, s29, s11, $0xb8;
	[tilespmem:$0xBB00] =	vst v63  }
0xd1: {  	_ =	swait.ge [sflag:s8], $0x1800  }
0xd2: {  	[sflag:s8] =	ssyncset.done $0x0  }
0xd3: {  	[sflag:s8] =	ssyncadd.s32 $0xFFFFE800  }
0xd4: {  	[tilespmem:s13], [sflag:$0x1] =	stream.indirect.gather [hbm4b:s4+s11], $0x30, s30, s11, $0xb8;
	[tilespmem:$0xBB00] =	vst v63  }
0xd5: {  	_ =	swait.ge [sflag:s14], $0x1800  }
0xd6: {  	[sflag:s14] =	ssyncset.done $0x0  }
0xd7: {  	[sflag:s14] =	ssyncadd.s32 $0xFFFFE800  }
0xd8: {  	[spmem:s2] =	stream.indirect.scatter.add.f32 [tilespmem:s12], [sflag:$0x2], $0x30, s31, s11, $0xb8;
	[tilespmem:$0xBB00] =	vst v63  }
0xd9: {  	_ =	swait.ge [sflag:s8], $0x1800  }
0xda: {  	[sflag:s8] =	ssyncset.done $0x0  }
0xdb: {  	[sflag:s8] =	ssyncadd.s32 $0xFFFFE800  }
0xdc: {  	_ =	swait.ge [sflag:s14], $0x1800  }
0xdd: {  	[sflag:s14] =	ssyncset.done $0x0  }
0xde: {  	[sflag:s14] =	ssyncadd.s32 $0xFFFFE800  }
0xdf: {  	[spmem:s2] =	stream.indirect.scatter.add.f32 [tilespmem:s13], [sflag:$0x2], $0x30, s1, s11, $0xb8;
	[tilespmem:$0xBB00] =	vst v63  }
0xe0: {  	s5 =	simm.s32 $0x100;
	_ =	swait.ge [sflag:s8], $0x1800  }
0xe1: {  	s7 =	simm.s32 $0x200;
	s0 =	rddreg [dreg:$0x5];
	[sflag:s8] =	ssyncset.done $0x0  }
.LBB2_4:
0xe2: {  	[sflag:s8] =	ssyncadd.s32 $0xFFFFE800;
	s0 =	sadd.s32 s5, s0  }
0xe3: {  	[tilespmem:s9], [sflag:$0x2] =	stream.linear.gather [hbm4b:s0+s3], $0x800, $0x38;
	[tilespmem:$0xBB00] =	vst v63  }
0xe4: {  	_ =	swait.ge [sflag:s8], $0x800  }
0xe5: {  	s0 =	rddreg [dreg:$0x4];
	[sflag:s8] =	ssyncset.done $0x0  }
0xe6: {  	[sflag:s8] =	ssyncadd.s32 $0xFFFFF800;
	s0 =	sadd.s32 s5, s0  }
0xe7: {  	[tilespmem:s10], [sflag:$0x2] =	stream.linear.gather [hbm4b:s0+s3], $0x800, $0x38;
	[tilespmem:$0xBB00] =	vst v63  }
0xe8: {  	_ =	swait.ge [sflag:s8], $0x800  }
0xe9: {  	[sflag:s8] =	ssyncset.done $0x0  }
0xea: {  	[sflag:s8] =	ssyncadd.s32 $0xFFFFF800  }
0xeb: {  	[tilespmem:s12], [sflag:$0x1] =	stream.indirect.gather [hbm4b:s4+s11], $0x30, s9, s11, $0xb8;
	[tilespmem:$0xBB00] =	vst v63  }
0xec: {  	s0 =	rddreg [dreg:$0x6]  }
0xed: {  	[tilespmem:s13], [sflag:$0x1] =	stream.indirect.gather [hbm4b:s4+s11], $0x30, s0, s11, $0xb8;
	[tilespmem:$0xBB00] =	vst v63  }
0xee: {  	_ =	swait.ge [sflag:s14], $0x1800  }
0xef: {  	[sflag:s14] =	ssyncset.done $0x0  }
0xf0: {  	[sflag:s14] =	ssyncadd.s32 $0xFFFFE800  }
0xf1: {  	[spmem:s2] =	stream.indirect.scatter.add.f32 [tilespmem:s12], [sflag:$0x2], $0x30, s10, s11, $0xb8;
	[tilespmem:$0xBB00] =	vst v63  }
0xf2: {  	_ =	swait.ge [sflag:s8], $0x1800  }
0xf3: {  	[sflag:s8] =	ssyncset.done $0x0  }
0xf4: {  	s0 =	rddreg [dreg:$0x7];
	[sflag:s8] =	ssyncadd.s32 $0xFFFFE800  }
0xf5: {  	[tilespmem:s12], [sflag:$0x1] =	stream.indirect.gather [hbm4b:s4+s11], $0x30, s0, s11, $0xb8;
	[tilespmem:$0xBB00] =	vst v63  }
0xf6: {  	_ =	swait.ge [sflag:s14], $0x1800  }
0xf7: {  	[sflag:s14] =	ssyncset.done $0x0  }
0xf8: {  	s0 =	rddreg [dreg:$0x8];
	[sflag:s14] =	ssyncadd.s32 $0xFFFFE800  }
0xf9: {  	[spmem:s2] =	stream.indirect.scatter.add.f32 [tilespmem:s13], [sflag:$0x2], $0x30, s0, s11, $0xb8;
	[tilespmem:$0xBB00] =	vst v63  }
0xfa: {  	_ =	swait.ge [sflag:s8], $0x1800  }
0xfb: {  	[sflag:s8] =	ssyncset.done $0x0  }
0xfc: {  	s0 =	rddreg [dreg:$0x9];
	[sflag:s8] =	ssyncadd.s32 $0xFFFFE800  }
0xfd: {  	[tilespmem:s13], [sflag:$0x1] =	stream.indirect.gather [hbm4b:s4+s11], $0x30, s0, s11, $0xb8;
	[tilespmem:$0xBB00] =	vst v63  }
0xfe: {  	_ =	swait.ge [sflag:s14], $0x1800  }
0xff: {  	[sflag:s14] =	ssyncset.done $0x0  }
0x100: {  	s0 =	rddreg [dreg:$0xa];
	[sflag:s14] =	ssyncadd.s32 $0xFFFFE800  }
0x101: {  	[spmem:s2] =	stream.indirect.scatter.add.f32 [tilespmem:s12], [sflag:$0x2], $0x30, s0, s11, $0xb8;
	[tilespmem:$0xBB00] =	vst v63  }
0x102: {  	_ =	swait.ge [sflag:s8], $0x1800  }
0x103: {  	[sflag:s8] =	ssyncset.done $0x0  }
0x104: {  	s0 =	rddreg [dreg:$0xb];
	[sflag:s8] =	ssyncadd.s32 $0xFFFFE800  }
0x105: {  	[tilespmem:s12], [sflag:$0x1] =	stream.indirect.gather [hbm4b:s4+s11], $0x30, s0, s11, $0xb8;
	[tilespmem:$0xBB00] =	vst v63  }
0x106: {  	_ =	swait.ge [sflag:s14], $0x1800  }
0x107: {  	[sflag:s14] =	ssyncset.done $0x0  }
0x108: {  	s0 =	rddreg [dreg:$0xc];
	[sflag:s14] =	ssyncadd.s32 $0xFFFFE800  }
0x109: {  	[spmem:s2] =	stream.indirect.scatter.add.f32 [tilespmem:s13], [sflag:$0x2], $0x30, s0, s11, $0xb8;
	[tilespmem:$0xBB00] =	vst v63  }
0x10a: {  	_ =	swait.ge [sflag:s8], $0x1800  }
0x10b: {  	[sflag:s8] =	ssyncset.done $0x0  }
0x10c: {  	s0 =	rddreg [dreg:$0xd];
	[sflag:s8] =	ssyncadd.s32 $0xFFFFE800  }
0x10d: {  	[tilespmem:s13], [sflag:$0x1] =	stream.indirect.gather [hbm4b:s4+s11], $0x30, s0, s11, $0xb8;
	[tilespmem:$0xBB00] =	vst v63  }
0x10e: {  	_ =	swait.ge [sflag:s14], $0x1800  }
0x10f: {  	[sflag:s14] =	ssyncset.done $0x0  }
0x110: {  	s0 =	rddreg [dreg:$0xe];
	[sflag:s14] =	ssyncadd.s32 $0xFFFFE800  }
0x111: {  	[spmem:s2] =	stream.indirect.scatter.add.f32 [tilespmem:s12], [sflag:$0x2], $0x30, s0, s11, $0xb8;
	[tilespmem:$0xBB00] =	vst v63  }
0x112: {  	_ =	swait.ge [sflag:s8], $0x1800  }
0x113: {  	[sflag:s8] =	ssyncset.done $0x0  }
0x114: {  	s0 =	rddreg [dreg:$0xf];
	[sflag:s8] =	ssyncadd.s32 $0xFFFFE800  }
0x115: {  	[tilespmem:s12], [sflag:$0x1] =	stream.indirect.gather [hbm4b:s4+s11], $0x30, s0, s11, $0xb8;
	[tilespmem:$0xBB00] =	vst v63  }
0x116: {  	_ =	swait.ge [sflag:s14], $0x1800  }
0x117: {  	[sflag:s14] =	ssyncset.done $0x0  }
0x118: {  	s0 =	rddreg [dreg:$0x10];
	[sflag:s14] =	ssyncadd.s32 $0xFFFFE800  }
0x119: {  	[spmem:s2] =	stream.indirect.scatter.add.f32 [tilespmem:s13], [sflag:$0x2], $0x30, s0, s11, $0xb8;
	[tilespmem:$0xBB00] =	vst v63  }
0x11a: {  	_ =	swait.ge [sflag:s8], $0x1800  }
0x11b: {  	[sflag:s8] =	ssyncset.done $0x0  }
0x11c: {  	s0 =	rddreg [dreg:$0x11];
	[sflag:s8] =	ssyncadd.s32 $0xFFFFE800  }
0x11d: {  	[tilespmem:s13], [sflag:$0x1] =	stream.indirect.gather [hbm4b:s4+s11], $0x30, s0, s11, $0xb8;
	[tilespmem:$0xBB00] =	vst v63  }
0x11e: {  	_ =	swait.ge [sflag:s14], $0x1800  }
0x11f: {  	[sflag:s14] =	ssyncset.done $0x0  }
0x120: {  	s0 =	rddreg [dreg:$0x12];
	[sflag:s14] =	ssyncadd.s32 $0xFFFFE800  }
0x121: {  	[spmem:s2] =	stream.indirect.scatter.add.f32 [tilespmem:s12], [sflag:$0x2], $0x30, s0, s11, $0xb8;
	[tilespmem:$0xBB00] =	vst v63  }
0x122: {  	_ =	swait.ge [sflag:s8], $0x1800  }
0x123: {  	s15 =	smov.u32 s7;
	[sflag:s8] =	ssyncset.done $0x0  }
0x124: {  	s5 =	smov.u32 s15;
	s15 =	simm.s32 $0x700;
	[sflag:s8] =	ssyncadd.s32 $0xFFFFE800  }
0x125: {  	[tilespmem:s12], [sflag:$0x1] =	stream.indirect.gather [hbm4b:s4+s11], $0x30, s15, s11, $0xb8;
	[tilespmem:$0xBB00] =	vst v63  }
0x126: {  	_ =	swait.ge [sflag:s14], $0x1800  }
0x127: {  	[sflag:s14] =	ssyncset.done $0x0  }
0x128: {  	[sflag:s14] =	ssyncadd.s32 $0xFFFFE800  }
0x129: {  	[spmem:s2] =	stream.indirect.scatter.add.f32 [tilespmem:s13], [sflag:$0x2], $0x30, s16, s11, $0xb8;
	[tilespmem:$0xBB00] =	vst v63  }
0x12a: {  	_ =	swait.ge [sflag:s8], $0x1800  }
0x12b: {  	[sflag:s8] =	ssyncset.done $0x0  }
0x12c: {  	[sflag:s8] =	ssyncadd.s32 $0xFFFFE800  }
0x12d: {  	[tilespmem:s13], [sflag:$0x1] =	stream.indirect.gather [hbm4b:s4+s11], $0x30, s17, s11, $0xb8;
	[tilespmem:$0xBB00] =	vst v63  }
0x12e: {  	_ =	swait.ge [sflag:s14], $0x1800  }
0x12f: {  	[sflag:s14] =	ssyncset.done $0x0  }
0x130: {  	[sflag:s14] =	ssyncadd.s32 $0xFFFFE800  }
0x131: {  	[spmem:s2] =	stream.indirect.scatter.add.f32 [tilespmem:s12], [sflag:$0x2], $0x30, s18, s11, $0xb8;
	[tilespmem:$0xBB00] =	vst v63  }
0x132: {  	_ =	swait.ge [sflag:s8], $0x1800  }
0x133: {  	[sflag:s8] =	ssyncset.done $0x0  }
0x134: {  	[sflag:s8] =	ssyncadd.s32 $0xFFFFE800  }
0x135: {  	[tilespmem:s12], [sflag:$0x1] =	stream.indirect.gather [hbm4b:s4+s11], $0x30, s19, s11, $0xb8;
	[tilespmem:$0xBB00] =	vst v63  }
0x136: {  	_ =	swait.ge [sflag:s14], $0x1800  }
0x137: {  	[sflag:s14] =	ssyncset.done $0x0  }
0x138: {  	[sflag:s14] =	ssyncadd.s32 $0xFFFFE800  }
0x139: {  	[spmem:s2] =	stream.indirect.scatter.add.f32 [tilespmem:s13], [sflag:$0x2], $0x30, s20, s11, $0xb8;
	[tilespmem:$0xBB00] =	vst v63  }
0x13a: {  	_ =	swait.ge [sflag:s8], $0x1800  }
0x13b: {  	[sflag:s8] =	ssyncset.done $0x0  }
0x13c: {  	[sflag:s8] =	ssyncadd.s32 $0xFFFFE800  }
0x13d: {  	[tilespmem:s13], [sflag:$0x1] =	stream.indirect.gather [hbm4b:s4+s11], $0x30, s21, s11, $0xb8;
	[tilespmem:$0xBB00] =	vst v63  }
0x13e: {  	_ =	swait.ge [sflag:s14], $0x1800  }
0x13f: {  	[sflag:s14] =	ssyncset.done $0x0  }
0x140: {  	[sflag:s14] =	ssyncadd.s32 $0xFFFFE800  }
0x141: {  	[spmem:s2] =	stream.indirect.scatter.add.f32 [tilespmem:s12], [sflag:$0x2], $0x30, s22, s11, $0xb8;
	[tilespmem:$0xBB00] =	vst v63  }
0x142: {  	_ =	swait.ge [sflag:s8], $0x1800  }
0x143: {  	[sflag:s8] =	ssyncset.done $0x0  }
0x144: {  	[sflag:s8] =	ssyncadd.s32 $0xFFFFE800  }
0x145: {  	[tilespmem:s12], [sflag:$0x1] =	stream.indirect.gather [hbm4b:s4+s11], $0x30, s23, s11, $0xb8;
	[tilespmem:$0xBB00] =	vst v63  }
0x146: {  	_ =	swait.ge [sflag:s14], $0x1800  }
0x147: {  	[sflag:s14] =	ssyncset.done $0x0  }
0x148: {  	[sflag:s14] =	ssyncadd.s32 $0xFFFFE800  }
0x149: {  	[spmem:s2] =	stream.indirect.scatter.add.f32 [tilespmem:s13], [sflag:$0x2], $0x30, s24, s11, $0xb8;
	[tilespmem:$0xBB00] =	vst v63  }
0x14a: {  	_ =	swait.ge [sflag:s8], $0x1800  }
0x14b: {  	[sflag:s8] =	ssyncset.done $0x0  }
0x14c: {  	[sflag:s8] =	ssyncadd.s32 $0xFFFFE800  }
0x14d: {  	[tilespmem:s13], [sflag:$0x1] =	stream.indirect.gather [hbm4b:s4+s11], $0x30, s25, s11, $0xb8;
	[tilespmem:$0xBB00] =	vst v63  }
0x14e: {  	_ =	swait.ge [sflag:s14], $0x1800  }
0x14f: {  	[sflag:s14] =	ssyncset.done $0x0  }
0x150: {  	[sflag:s14] =	ssyncadd.s32 $0xFFFFE800  }
0x151: {  	[spmem:s2] =	stream.indirect.scatter.add.f32 [tilespmem:s12], [sflag:$0x2], $0x30, s26, s11, $0xb8;
	[tilespmem:$0xBB00] =	vst v63  }
0x152: {  	_ =	swait.ge [sflag:s8], $0x1800  }
0x153: {  	[sflag:s8] =	ssyncset.done $0x0  }
0x154: {  	[sflag:s8] =	ssyncadd.s32 $0xFFFFE800  }
0x155: {  	[tilespmem:s12], [sflag:$0x1] =	stream.indirect.gather [hbm4b:s4+s11], $0x30, s28, s11, $0xb8;
	[tilespmem:$0xBB00] =	vst v63  }
0x156: {  	_ =	swait.ge [sflag:s14], $0x1800  }
0x157: {  	[sflag:s14] =	ssyncset.done $0x0  }
0x158: {  	[sflag:s14] =	ssyncadd.s32 $0xFFFFE800  }
0x159: {  	[spmem:s2] =	stream.indirect.scatter.add.f32 [tilespmem:s13], [sflag:$0x2], $0x30, s29, s11, $0xb8;
	[tilespmem:$0xBB00] =	vst v63  }
0x15a: {  	_ =	swait.ge [sflag:s8], $0x1800  }
0x15b: {  	[sflag:s8] =	ssyncset.done $0x0  }
0x15c: {  	[sflag:s8] =	ssyncadd.s32 $0xFFFFE800  }
0x15d: {  	[tilespmem:s13], [sflag:$0x1] =	stream.indirect.gather [hbm4b:s4+s11], $0x30, s30, s11, $0xb8;
	[tilespmem:$0xBB00] =	vst v63  }
0x15e: {  	_ =	swait.ge [sflag:s14], $0x1800  }
0x15f: {  	[sflag:s14] =	ssyncset.done $0x0  }
0x160: {  	[sflag:s14] =	ssyncadd.s32 $0xFFFFE800  }
0x161: {  	[spmem:s2] =	stream.indirect.scatter.add.f32 [tilespmem:s12], [sflag:$0x2], $0x30, s31, s11, $0xb8;
	[tilespmem:$0xBB00] =	vst v63  }
0x162: {  	_ =	swait.ge [sflag:s8], $0x1800  }
0x163: {  	[sflag:s8] =	ssyncset.done $0x0  }
0x164: {  	[sflag:s8] =	ssyncadd.s32 $0xFFFFE800  }
0x165: {  	p0 =	sne.s32 s7, $0x400;
	_ =	swait.ge [sflag:s14], $0x1800  }
.Ltmp1:
0x166: {  	[sflag:s14] =	ssyncset.done $0x0;
	(pc) =	sbr.rel @p0 .LBB2_4-.Ltmp1, $4  }
0x167: {  	[sflag:s14] =	ssyncadd.s32 $0xFFFFE800  }
0x168: {  	[spmem:s2] =	stream.indirect.scatter.add.f32 [tilespmem:s13], [sflag:$0x2], $0x30, s1, s11, $0xb8;
	[tilespmem:$0xBB00] =	vst v63  }
0x169: {  	_ =	swait.ge [sflag:s8], $0x1800  }
0x16a: {  	s7 =	sadd.s32 $0x100, s7;
	s0 =	rddreg [dreg:$0x5];
	[sflag:s8] =	ssyncset.done $0x0  }
0x16b: {  	[sflag:s8] =	ssyncadd.s32 $0xFFFFE800;
	s0 =	sadd.s32 s5, s0  }
0x16c: {  	[tilespmem:s9], [sflag:$0x2] =	stream.linear.gather [hbm4b:s0+s3], $0x800, $0x38;
	[tilespmem:$0xBB00] =	vst v63  }
0x16d: {  	_ =	swait.ge [sflag:s8], $0x800  }
0x16e: {  	s7 =	rddreg [dreg:$0x4];
	[sflag:s8] =	ssyncset.done $0x0  }
0x16f: {  	[sflag:s8] =	ssyncadd.s32 $0xFFFFF800;
	s0 =	sadd.s32 s5, s7  }
0x170: {  	[tilespmem:s10], [sflag:$0x2] =	stream.linear.gather [hbm4b:s0+s3], $0x800, $0x38;
	[tilespmem:$0xBB00] =	vst v63  }
0x171: {  	_ =	swait.ge [sflag:s8], $0x800  }
0x172: {  	[sflag:s8] =	ssyncset.done $0x0  }
0x173: {  	[sflag:s8] =	ssyncadd.s32 $0xFFFFF800  }
0x174: {  	[tilespmem:s12], [sflag:$0x1] =	stream.indirect.gather [hbm4b:s4+s11], $0x30, s9, s11, $0xb8;
	[tilespmem:$0xBB00] =	vst v63  }
0x175: {  	s5 =	rddreg [dreg:$0x6]  }
0x176: {  	[tilespmem:s13], [sflag:$0x1] =	stream.indirect.gather [hbm4b:s4+s11], $0x30, s5, s11, $0xb8;
	[tilespmem:$0xBB00] =	vst v63  }
0x177: {  	_ =	swait.ge [sflag:s14], $0x1800  }
0x178: {  	[sflag:s14] =	ssyncset.done $0x0  }
0x179: {  	[sflag:s14] =	ssyncadd.s32 $0xFFFFE800  }
0x17a: {  	[spmem:s2] =	stream.indirect.scatter.add.f32 [tilespmem:s12], [sflag:$0x2], $0x30, s10, s11, $0xb8;
	[tilespmem:$0xBB00] =	vst v63  }
0x17b: {  	_ =	swait.ge [sflag:s8], $0x1800  }
0x17c: {  	[sflag:s8] =	ssyncset.done $0x0  }
0x17d: {  	s7 =	rddreg [dreg:$0x7];
	[sflag:s8] =	ssyncadd.s32 $0xFFFFE800  }
0x17e: {  	[tilespmem:s12], [sflag:$0x1] =	stream.indirect.gather [hbm4b:s4+s11], $0x30, s7, s11, $0xb8;
	[tilespmem:$0xBB00] =	vst v63  }
0x17f: {  	_ =	swait.ge [sflag:s14], $0x1800  }
0x180: {  	[sflag:s14] =	ssyncset.done $0x0  }
0x181: {  	s5 =	rddreg [dreg:$0x8];
	[sflag:s14] =	ssyncadd.s32 $0xFFFFE800  }
0x182: {  	[spmem:s2] =	stream.indirect.scatter.add.f32 [tilespmem:s13], [sflag:$0x2], $0x30, s5, s11, $0xb8;
	[tilespmem:$0xBB00] =	vst v63  }
0x183: {  	_ =	swait.ge [sflag:s8], $0x1800  }
0x184: {  	[sflag:s8] =	ssyncset.done $0x0  }
0x185: {  	s7 =	rddreg [dreg:$0x9];
	[sflag:s8] =	ssyncadd.s32 $0xFFFFE800  }
0x186: {  	[tilespmem:s13], [sflag:$0x1] =	stream.indirect.gather [hbm4b:s4+s11], $0x30, s7, s11, $0xb8;
	[tilespmem:$0xBB00] =	vst v63  }
0x187: {  	_ =	swait.ge [sflag:s14], $0x1800  }
0x188: {  	[sflag:s14] =	ssyncset.done $0x0  }
0x189: {  	s5 =	rddreg [dreg:$0xa];
	[sflag:s14] =	ssyncadd.s32 $0xFFFFE800  }
0x18a: {  	[spmem:s2] =	stream.indirect.scatter.add.f32 [tilespmem:s12], [sflag:$0x2], $0x30, s5, s11, $0xb8;
	[tilespmem:$0xBB00] =	vst v63  }
0x18b: {  	_ =	swait.ge [sflag:s8], $0x1800  }
0x18c: {  	[sflag:s8] =	ssyncset.done $0x0  }
0x18d: {  	s7 =	rddreg [dreg:$0xb];
	[sflag:s8] =	ssyncadd.s32 $0xFFFFE800  }
0x18e: {  	[tilespmem:s12], [sflag:$0x1] =	stream.indirect.gather [hbm4b:s4+s11], $0x30, s7, s11, $0xb8;
	[tilespmem:$0xBB00] =	vst v63  }
0x18f: {  	_ =	swait.ge [sflag:s14], $0x1800  }
0x190: {  	[sflag:s14] =	ssyncset.done $0x0  }
0x191: {  	s5 =	rddreg [dreg:$0xc];
	[sflag:s14] =	ssyncadd.s32 $0xFFFFE800  }
0x192: {  	[spmem:s2] =	stream.indirect.scatter.add.f32 [tilespmem:s13], [sflag:$0x2], $0x30, s5, s11, $0xb8;
	[tilespmem:$0xBB00] =	vst v63  }
0x193: {  	_ =	swait.ge [sflag:s8], $0x1800  }
0x194: {  	[sflag:s8] =	ssyncset.done $0x0  }
0x195: {  	s7 =	rddreg [dreg:$0xd];
	[sflag:s8] =	ssyncadd.s32 $0xFFFFE800  }
0x196: {  	[tilespmem:s13], [sflag:$0x1] =	stream.indirect.gather [hbm4b:s4+s11], $0x30, s7, s11, $0xb8;
	[tilespmem:$0xBB00] =	vst v63  }
0x197: {  	_ =	swait.ge [sflag:s14], $0x1800  }
0x198: {  	[sflag:s14] =	ssyncset.done $0x0  }
0x199: {  	s5 =	rddreg [dreg:$0xe];
	[sflag:s14] =	ssyncadd.s32 $0xFFFFE800  }
0x19a: {  	[spmem:s2] =	stream.indirect.scatter.add.f32 [tilespmem:s12], [sflag:$0x2], $0x30, s5, s11, $0xb8;
	[tilespmem:$0xBB00] =	vst v63  }
0x19b: {  	_ =	swait.ge [sflag:s8], $0x1800  }
0x19c: {  	[sflag:s8] =	ssyncset.done $0x0  }
0x19d: {  	s7 =	rddreg [dreg:$0xf];
	[sflag:s8] =	ssyncadd.s32 $0xFFFFE800  }
0x19e: {  	[tilespmem:s12], [sflag:$0x1] =	stream.indirect.gather [hbm4b:s4+s11], $0x30, s7, s11, $0xb8;
	[tilespmem:$0xBB00] =	vst v63  }
0x19f: {  	_ =	swait.ge [sflag:s14], $0x1800  }
0x1a0: {  	[sflag:s14] =	ssyncset.done $0x0  }
0x1a1: {  	s5 =	rddreg [dreg:$0x10];
	[sflag:s14] =	ssyncadd.s32 $0xFFFFE800  }
0x1a2: {  	[spmem:s2] =	stream.indirect.scatter.add.f32 [tilespmem:s13], [sflag:$0x2], $0x30, s5, s11, $0xb8;
	[tilespmem:$0xBB00] =	vst v63  }
0x1a3: {  	_ =	swait.ge [sflag:s8], $0x1800  }
0x1a4: {  	[sflag:s8] =	ssyncset.done $0x0  }
0x1a5: {  	s7 =	rddreg [dreg:$0x11];
	[sflag:s8] =	ssyncadd.s32 $0xFFFFE800  }
0x1a6: {  	[tilespmem:s13], [sflag:$0x1] =	stream.indirect.gather [hbm4b:s4+s11], $0x30, s7, s11, $0xb8;
	[tilespmem:$0xBB00] =	vst v63  }
0x1a7: {  	_ =	swait.ge [sflag:s14], $0x1800  }
0x1a8: {  	[sflag:s14] =	ssyncset.done $0x0  }
0x1a9: {  	s5 =	rddreg [dreg:$0x12];
	[sflag:s14] =	ssyncadd.s32 $0xFFFFE800  }
0x1aa: {  	[spmem:s2] =	stream.indirect.scatter.add.f32 [tilespmem:s12], [sflag:$0x2], $0x30, s5, s11, $0xb8;
	[tilespmem:$0xBB00] =	vst v63  }
0x1ab: {  	_ =	swait.ge [sflag:s8], $0x1800  }
0x1ac: {  	[sflag:s8] =	ssyncset.done $0x0  }
0x1ad: {  	[sflag:s8] =	ssyncadd.s32 $0xFFFFE800  }
0x1ae: {  	[tilespmem:s12], [sflag:$0x1] =	stream.indirect.gather [hbm4b:s4+s11], $0x30, s15, s11, $0xb8;
	[tilespmem:$0xBB00] =	vst v63  }
0x1af: {  	_ =	swait.ge [sflag:s14], $0x1800  }
0x1b0: {  	[sflag:s14] =	ssyncset.done $0x0  }
0x1b1: {  	[sflag:s14] =	ssyncadd.s32 $0xFFFFE800  }
0x1b2: {  	[spmem:s2] =	stream.indirect.scatter.add.f32 [tilespmem:s13], [sflag:$0x2], $0x30, s16, s11, $0xb8;
	[tilespmem:$0xBB00] =	vst v63  }
0x1b3: {  	_ =	swait.ge [sflag:s8], $0x1800  }
0x1b4: {  	[sflag:s8] =	ssyncset.done $0x0  }
0x1b5: {  	[sflag:s8] =	ssyncadd.s32 $0xFFFFE800  }
0x1b6: {  	[tilespmem:s13], [sflag:$0x1] =	stream.indirect.gather [hbm4b:s4+s11], $0x30, s17, s11, $0xb8;
	[tilespmem:$0xBB00] =	vst v63  }
0x1b7: {  	_ =	swait.ge [sflag:s14], $0x1800  }
0x1b8: {  	[sflag:s14] =	ssyncset.done $0x0  }
0x1b9: {  	[sflag:s14] =	ssyncadd.s32 $0xFFFFE800  }
0x1ba: {  	[spmem:s2] =	stream.indirect.scatter.add.f32 [tilespmem:s12], [sflag:$0x2], $0x30, s18, s11, $0xb8;
	[tilespmem:$0xBB00] =	vst v63  }
0x1bb: {  	_ =	swait.ge [sflag:s8], $0x1800  }
0x1bc: {  	[sflag:s8] =	ssyncset.done $0x0  }
0x1bd: {  	[sflag:s8] =	ssyncadd.s32 $0xFFFFE800  }
0x1be: {  	[tilespmem:s12], [sflag:$0x1] =	stream.indirect.gather [hbm4b:s4+s11], $0x30, s19, s11, $0xb8;
	[tilespmem:$0xBB00] =	vst v63  }
0x1bf: {  	_ =	swait.ge [sflag:s14], $0x1800  }
0x1c0: {  	[sflag:s14] =	ssyncset.done $0x0  }
0x1c1: {  	[sflag:s14] =	ssyncadd.s32 $0xFFFFE800  }
0x1c2: {  	[spmem:s2] =	stream.indirect.scatter.add.f32 [tilespmem:s13], [sflag:$0x2], $0x30, s20, s11, $0xb8;
	[tilespmem:$0xBB00] =	vst v63  }
0x1c3: {  	_ =	swait.ge [sflag:s8], $0x1800  }
0x1c4: {  	[sflag:s8] =	ssyncset.done $0x0  }
0x1c5: {  	[sflag:s8] =	ssyncadd.s32 $0xFFFFE800  }
0x1c6: {  	[tilespmem:s13], [sflag:$0x1] =	stream.indirect.gather [hbm4b:s4+s11], $0x30, s21, s11, $0xb8;
	[tilespmem:$0xBB00] =	vst v63  }
0x1c7: {  	_ =	swait.ge [sflag:s14], $0x1800  }
0x1c8: {  	[sflag:s14] =	ssyncset.done $0x0  }
0x1c9: {  	[sflag:s14] =	ssyncadd.s32 $0xFFFFE800  }
0x1ca: {  	[spmem:s2] =	stream.indirect.scatter.add.f32 [tilespmem:s12], [sflag:$0x2], $0x30, s22, s11, $0xb8;
	[tilespmem:$0xBB00] =	vst v63  }
0x1cb: {  	_ =	swait.ge [sflag:s8], $0x1800  }
0x1cc: {  	[sflag:s8] =	ssyncset.done $0x0  }
0x1cd: {  	[sflag:s8] =	ssyncadd.s32 $0xFFFFE800  }
0x1ce: {  	[tilespmem:s12], [sflag:$0x1] =	stream.indirect.gather [hbm4b:s4+s11], $0x30, s23, s11, $0xb8;
	[tilespmem:$0xBB00] =	vst v63  }
0x1cf: {  	_ =	swait.ge [sflag:s14], $0x1800  }
0x1d0: {  	[sflag:s14] =	ssyncset.done $0x0  }
0x1d1: {  	[sflag:s14] =	ssyncadd.s32 $0xFFFFE800  }
0x1d2: {  	[spmem:s2] =	stream.indirect.scatter.add.f32 [tilespmem:s13], [sflag:$0x2], $0x30, s24, s11, $0xb8;
	[tilespmem:$0xBB00] =	vst v63  }
0x1d3: {  	_ =	swait.ge [sflag:s8], $0x1800  }
0x1d4: {  	[sflag:s8] =	ssyncset.done $0x0  }
0x1d5: {  	[sflag:s8] =	ssyncadd.s32 $0xFFFFE800  }
0x1d6: {  	[tilespmem:s13], [sflag:$0x1] =	stream.indirect.gather [hbm4b:s4+s11], $0x30, s25, s11, $0xb8;
	[tilespmem:$0xBB00] =	vst v63  }
0x1d7: {  	_ =	swait.ge [sflag:s14], $0x1800  }
0x1d8: {  	[sflag:s14] =	ssyncset.done $0x0  }
0x1d9: {  	[sflag:s14] =	ssyncadd.s32 $0xFFFFE800  }
0x1da: {  	[spmem:s2] =	stream.indirect.scatter.add.f32 [tilespmem:s12], [sflag:$0x2], $0x30, s26, s11, $0xb8;
	[tilespmem:$0xBB00] =	vst v63  }
0x1db: {  	_ =	swait.ge [sflag:s8], $0x1800  }
0x1dc: {  	[sflag:s8] =	ssyncset.done $0x0  }
0x1dd: {  	[sflag:s8] =	ssyncadd.s32 $0xFFFFE800  }
0x1de: {  	[tilespmem:s12], [sflag:$0x1] =	stream.indirect.gather [hbm4b:s4+s11], $0x30, s28, s11, $0xb8;
	[tilespmem:$0xBB00] =	vst v63  }
0x1df: {  	_ =	swait.ge [sflag:s14], $0x1800  }
0x1e0: {  	[sflag:s14] =	ssyncset.done $0x0  }
0x1e1: {  	[sflag:s14] =	ssyncadd.s32 $0xFFFFE800  }
0x1e2: {  	[spmem:s2] =	stream.indirect.scatter.add.f32 [tilespmem:s13], [sflag:$0x2], $0x30, s29, s11, $0xb8;
	[tilespmem:$0xBB00] =	vst v63  }
0x1e3: {  	_ =	swait.ge [sflag:s8], $0x1800  }
0x1e4: {  	[sflag:s8] =	ssyncset.done $0x0  }
0x1e5: {  	[sflag:s8] =	ssyncadd.s32 $0xFFFFE800  }
0x1e6: {  	[tilespmem:s13], [sflag:$0x1] =	stream.indirect.gather [hbm4b:s4+s11], $0x30, s30, s11, $0xb8;
	[tilespmem:$0xBB00] =	vst v63  }
0x1e7: {  	_ =	swait.ge [sflag:s14], $0x1800  }
0x1e8: {  	[sflag:s14] =	ssyncset.done $0x0  }
0x1e9: {  	[sflag:s14] =	ssyncadd.s32 $0xFFFFE800  }
0x1ea: {  	[spmem:s2] =	stream.indirect.scatter.add.f32 [tilespmem:s12], [sflag:$0x2], $0x30, s31, s11, $0xb8;
	[tilespmem:$0xBB00] =	vst v63  }
0x1eb: {  	_ =	swait.ge [sflag:s8], $0x1800  }
0x1ec: {  	[sflag:s8] =	ssyncset.done $0x0  }
0x1ed: {  	[sflag:s8] =	ssyncadd.s32 $0xFFFFE800  }
0x1ee: {  	_ =	swait.ge [sflag:s14], $0x1800  }
0x1ef: {  	[sflag:s14] =	ssyncset.done $0x0  }
0x1f0: {  	[sflag:s14] =	ssyncadd.s32 $0xFFFFE800  }
0x1f1: {  	[spmem:s2] =	stream.indirect.scatter.add.f32 [tilespmem:s13], [sflag:$0x2], $0x30, s1, s11, $0xb8;
	[tilespmem:$0xBB00] =	vst v63  }
0x1f2: {  	_ =	swait.ge [sflag:s8], $0x1800  }
0x1f3: {  	[sflag:s8] =	ssyncset.done $0x0  }
0x1f4: {  	s7 =	stileid.u32;
	[sflag:s8] =	ssyncadd.s32 $0xFFFFE800  }
0x1f5: {  	s0 =	sshll.u32 s7, $0x6;
	[bflag:$0x0] =	sbarrier.arrive $0xFFFF  }
0x1f6: {  	s0 =	sor.u32 $0x1C02, s0;
	s5 =	sshrl.u32 s6, $0x3;
	s7 =	rddreg [dreg:$0x13]  }
0x1f7: {  	[hbm:s7], [sflag:s0] =	dma.local [spmem:s5], $0xF00  }
0x1f8: {  	_ =	swait.ge [sflag:s8], $0xF00  }
0x1f9: {  	s0 =	rddreg [dreg:$0x15]  }
0x1fa: {  	s7 =	rddreg [dreg:$0x14];
	s5 =	sadd.s32 $0x1, s0  }
0x1fb: {  	p0 =	sne.s32 s5, s7  }
.Ltmp2:
0x1fc: {  	_ = 	snop;
	(pc) =	sbr.rel @p0 .LBB2_1-.Ltmp2, $3  }
0x1fd: {  	_ =	sdelay $0x1  }
0x1fe: {  	[sflag:s8] =	ssyncset.done $0x0  }
0x1ff: {  	[sflag:s8] =	ssyncadd.s32 $0xFFFFF100  }
0x200: {  	_ =	sfence.sel $0x180000  }
0x201: {  	[bflag:$0x0] =	sbarrier.arrive $0xFFFF  }
0x202: {  	_ =	strace $0x9000004D  }
0x203: {  	s0 =	stileid.u32;
	[bflag:$0x2] =	sbarrier.arrive $0xFFFF  }
0x204: {  	p0 =	sne.s32 s0, $0x0;
	s0 =	rddreg [dreg:$0x3]  }
0x205: {  	s0 =	sadd.s32 @!p0 $0x100000, s0  }
0x206: {  	[sflag:s0] =	ssyncadd.tile.s32 @!p0 $0x1;
	_ =	shalt  }
.Lfunc_end2:
_tile_overlayer_lowered:
.L_overlay_start_2:
0x207: {  	(tag) =	ssettag $0x2  }
0x208: {  	s0 =	rddreg [dreg:$0x0];
	s2 =	stileid.u32  }
0x209: {  	s1 =	rddreg [dreg:$0x1];
	p0 =	sne.s32 s2, $0x0  }
0x20a: {  	s3 =	rddreg [dreg:$0x2];
	[bflag:$0x3] =	sbarrier.arrive $0xFFFF;
	s2 =	simm.s32 @!p0 $0x1C02  }
0x20b: {  	[timem:s3], [sflag:s2] =	dma.local @!p0 [hbm:s0], s1  }
0x20c: {  	s0 =	simm.s32 @!p0 $0x2  }
0x20d: {  	_ =	swait.ge @!p0 [sflag:s0], s1  }
0x20e: {  	s1 =	ssub.s32 @!p0 $0x0, s1;
	[sflag:s0] =	ssyncset.done @!p0 $0x0  }
0x20f: {  	[sflag:s0] =	ssyncadd.s32 @!p0 s1  }
0x210: {  	[bflag:$0x3] =	sbarrier.arrive $0xFFFF  }
0x211: {  	_ =	shalt  }

// kernel: kernel.9.cloned.1.call-start
scs
__scs_entry_jumppad:
0x0: {  	(pc) =	sbr.rel $0x88, $3  }
0x1: {  	(tag) =	ssettag $0x0;
	lr =	simm.s32 $0x1  }
0x2: {  	[smem:$0x3F99] =	sst lr;
	_ =	strace $0xD0000000  }
0x3: {  	_ = 	snop  }
0x4: {  	_ = 	snop  }
0x5: {  	_ = 	snop  }
0x6: {  	_ = 	snop  }
0x7: {  	_ = 	snop  }
__scs_overlays_trampoline_lowered:
0x8: {  	[smem:$0x3FA8] =	sst s0  }
0x9: {  	[smem:$0x3FA9] =	sst s1  }
0xa: {  	[smem:$0x3FAA] =	sst s2  }
0xb: {  	[smem:$0x3FAB] =	sst s3  }
0xc: {  	[smem:$0x3FAC] =	sst s4  }
0xd: {  	[smem:$0x3FAD] =	sst s5  }
0xe: {  	[smem:$0x3FAE] =	sst s6  }
0xf: {  	[smem:$0x3FAF] =	sst s7  }
0x10: {  	[smem:$0x3FB0] =	sst s8  }
0x11: {  	[smem:$0x3FB1] =	sst s9;
	s0 =	simm.s32 @!p0 $0x0  }
0x12: {  	s1 =	sld [smem:$0x3F97];
	s0 =	simm.s32 @p0 $0x1  }
0x13: {  	[smem:$0x3FB2] =	sst s0;
	s0 =	simm.s32 @!p1 $0x0  }
0x14: {  	s2 =	sld [smem:$0x3F96];
	s0 =	simm.s32 @p1 $0x1  }
0x15: {  	[smem:$0x3FB3] =	sst s0;
	s0 =	simm.s32 @!p2 $0x0  }
0x16: {  	s3 =	sld [smem:$0x3FDB];
	s0 =	simm.s32 @p2 $0x1  }
0x17: {  	s4 =	simm.s32 $0x1BF5;
	[smem:$0x3FB5] =	sst s0  }
0x18: {  	s0 =	sld [smem:$0x3F98];
	_ =	swait.ge [sflag:s4], $0x0  }
0x19: {  	s7 =	sld [smem:$0x3F99]  }
0x1a: {  	s8 =	sadd.s32 $0xFFFFE003, lr  }
0x1b: {  	s9 =	sadd.s32 $0xFFFFFEF7, lr;
	s5 =	simm.s32 $0xFFFFFFFF;
	p2 =	slt.u32 s8, $0xFFFFF086  }
0x1c: {  	p1 =	slt.u32 s9, $0xF7A;
	s5 =	simm.s32 @!p2 $0x0  }
0x1d: {  	s5 =	simm.s32 @p1 $0x1;
	p0 =	seq.s32 s7, s2  }
0x1e: {  	s7 =	smul.u32 @!p0 $0xF7A, s2;
	p2 =	seq.s32 @!p0 s5, $0x0  }
0x1f: {  	s9 =	smul.u32 $0xF7A, s1;
	s8 =	simm.s32 @!p0 $0x1BF5;
	p2 =	por !p2, p0  }
0x20: {  	[sflag:s8] =	ssyncset.s32 @!p0 $0xFFFFF086;
	s6 =	sadd.s32 @!p0 s3, s7;
	s7 =	simm.s32 @!p0 $0x108  }
0x21: {  	s3 =	sadd.s32 s3, s9;
	s6 =	sadd.s32 @!p0 $0x88, s6;
	s7 =	simm.s32 @p2 $0x1082  }
0x22: {  	[simem:s7], [sflag:s8] =	dma.local @!p0 [hbm:s6], $0xF7A  }
0x23: {  	s9 =	sor.u32 $0xD0000000, s2;
	s6 =	simm.s32 $0x108;
	_ =	swait.ge @!p0 [sflag:s8], $0x0  }
0x24: {  	s3 =	sadd.s32 $0x88, s3;
	s6 =	simm.s32 @!p1 $0x1082;
	[sflag:s4] =	ssyncset.s32 $0xFFFFF086  }
0x25: {  	[simem:s6], [sflag:s4] =	dma.local [hbm:s3], $0xF7A  }
0x26: {  	[smem:$0x3F99] =	sst s1;
	(tag) =	ssettag s2;
	_ =	strace s9  }
0x27: {  	s1 =	sld [smem:$0x3FA9]  }
0x28: {  	s2 =	sld [smem:$0x3FAA]  }
0x29: {  	s4 =	sld [smem:$0x3FAC]  }
0x2a: {  	p0 =	seq.s32 s5, $0x0;
	s5 =	sld [smem:$0x3FAD]  }
0x2b: {  	s6 =	sld [smem:$0x3FAE]  }
0x2c: {  	s7 =	sld [smem:$0x3FAF]  }
0x2d: {  	s3 =	simm.s32 $0x108;
	s8 =	sld [smem:$0x3FB0]  }
0x2e: {  	s3 =	simm.s32 @!p0 $0x1082;
	s9 =	sld [smem:$0x3FB1]  }
0x2f: {  	lr =	sadd.s32 s0, s3;
	s0 =	sld [smem:$0x3FA8]  }
0x30: {  	s3 =	sld [smem:$0x3FAB]  }
0x31: {  	[smem:$0x3FB4] =	sst s10  }
0x32: {  	s10 =	sld [smem:$0x3FB2];
	_ =	sdelay $0x3  }
0x33: {  	p0 =	seq.s32 s10, $0x1;
	s10 =	sld [smem:$0x3FB4];
	_ =	sdelay $0x3  }
0x34: {  	[smem:$0x3FB4] =	sst s10  }
0x35: {  	s10 =	sld [smem:$0x3FB3];
	_ =	sdelay $0x3  }
0x36: {  	p1 =	seq.s32 s10, $0x1;
	s10 =	sld [smem:$0x3FB4];
	_ =	sdelay $0x3  }
0x37: {  	[smem:$0x3FB4] =	sst s10  }
0x38: {  	s10 =	sld [smem:$0x3FB5]  }
0x39: {  	_ = 	snop;
	(pc) =	sbr.ind lr, $3  }
0x3a: {  	_ = 	snop  }
0x3b: {  	_ = 	snop  }
0x3c: {  	p2 =	seq.s32 s10, $0x1;
	s10 =	sld [smem:$0x3FB4]  }
0x3d: {  	_ =	shalt  }
0x3e: {  	_ =	shalt  }
0x3f: {  	_ =	shalt  }
0x40: {  	_ =	shalt  }
0x41: {  	_ =	shalt  }
0x42: {  	_ =	shalt  }
0x43: {  	_ =	shalt  }
0x44: {  	_ =	shalt  }
0x45: {  	_ =	shalt  }
0x46: {  	_ =	shalt  }
0x47: {  	_ =	shalt  }
0x48: {  	_ =	shalt  }
0x49: {  	_ =	shalt  }
0x4a: {  	_ =	shalt  }
0x4b: {  	_ =	shalt  }
0x4c: {  	_ =	shalt  }
0x4d: {  	_ =	shalt  }
0x4e: {  	_ =	shalt  }
0x4f: {  	_ =	shalt  }
0x50: {  	_ =	shalt  }
0x51: {  	_ =	shalt  }
0x52: {  	_ =	shalt  }
0x53: {  	_ =	shalt  }
0x54: {  	_ =	shalt  }
0x55: {  	_ =	shalt  }
0x56: {  	_ =	shalt  }
0x57: {  	_ =	shalt  }
0x58: {  	_ =	shalt  }
0x59: {  	_ =	shalt  }
0x5a: {  	_ =	shalt  }
0x5b: {  	_ =	shalt  }
0x5c: {  	_ =	shalt  }
0x5d: {  	_ =	shalt  }
0x5e: {  	_ =	shalt  }
0x5f: {  	_ =	shalt  }
0x60: {  	_ =	shalt  }
0x61: {  	_ =	shalt  }
0x62: {  	_ =	shalt  }
0x63: {  	_ =	shalt  }
0x64: {  	_ =	shalt  }
0x65: {  	_ =	shalt  }
0x66: {  	_ =	shalt  }
0x67: {  	_ =	shalt  }
0x68: {  	_ =	shalt  }
0x69: {  	_ =	shalt  }
0x6a: {  	_ =	shalt  }
0x6b: {  	_ =	shalt  }
0x6c: {  	_ =	shalt  }
0x6d: {  	_ =	shalt  }
0x6e: {  	_ =	shalt  }
0x6f: {  	_ =	shalt  }
0x70: {  	_ =	shalt  }
0x71: {  	_ =	shalt  }
0x72: {  	_ =	shalt  }
0x73: {  	_ =	shalt  }
0x74: {  	_ =	shalt  }
0x75: {  	_ =	shalt  }
0x76: {  	_ =	shalt  }
0x77: {  	_ =	shalt  }
0x78: {  	_ =	shalt  }
0x79: {  	_ =	shalt  }
0x7a: {  	_ =	shalt  }
0x7b: {  	_ =	shalt  }
0x7c: {  	_ =	shalt  }
0x7d: {  	_ =	shalt  }
0x7e: {  	_ =	shalt  }
0x7f: {  	_ =	shalt  }
0x80: {  	_ =	shalt  }
0x81: {  	_ =	shalt  }
0x82: {  	_ =	shalt  }
0x83: {  	_ =	shalt  }
0x84: {  	_ =	shalt  }
0x85: {  	_ =	shalt  }
0x86: {  	_ =	shalt  }
0x87: {  	_ =	shalt  }
.Lfunc_end0:
.L_simem_size_0:
called_computation_lowered:
.L_overlay_start_0:
0x88: {  	s2 =	sld [smem:$0x3FD9]  }
0x89: {  	s3 =	sld [smem:$0x3FFE];
	_ =	sdelay $0x1  }
0x8a: {  	s1 =	srdreg.scid  }
0x8b: {  	s0 =	sand.u32 $0x1, s1  }
0x8c: {  	s17 =	sshll.u32 s0, $0xA;
	s2 =	sadd.s32 s3, s2  }
0x8d: {  	s2 =	sadd.s32 s2, s17  }
0x8e: {  	[smem:$0x3FC0] =	sst s2  }
0x8f: {  	_ = 	snop  }
0x90: {  	s2 =	sld [smem:$0x3FD0];
	(tm) =	ssettm $0x1  }
0x91: {  	s18 =	sld [smem:$0x3FFB];
	_ =	sdelay $0x3  }
0x92: {  	_ =	strace s18  }
0x93: {  	s3 =	sld [smem:$0x3FFC];
	_ =	sdelay $0x3  }
0x94: {  	_ =	strace s3  }
0x95: {  	s3 =	sld [smem:$0x3FFD];
	_ =	sdelay $0x3  }
0x96: {  	_ =	strace s3  }
0x97: {  	_ =	strace $0x8FFFFFFF  }
0x98: {  	s19 =	sld [smem:$0x3FDB];
	_ =	sdelay $0x1  }
0x99: {  	s4 =	simm.s32 $_scs_section_size  }
0x9a: {  	s5 =	simm.s32 $_size__tile_overlayer_lowered;
	s6 =	simm.s32 $_tile_overlayer_lowered  }
0x9b: {  	s22 =	simm.s32 $0x1BFF;
	s21 =	sshll.u32 s6, $0x1;
	s3 =	sadd.s32 s4, s19  }
0x9c: {  	s7 =	simm.s32 $0x0;
	s20 =	sshll.u32 s5, $0x1;
	s5 =	sadd.s32 s21, s3  }
0x9d: {  	[timem:s7], [sflag:s22] =	dma.local [hbm:s5], s20  }
0x9e: {  	_ =	swait.ge [sflag:s22], s20  }
0x9f: {  	s4 =	ssub.s32 $0x0, s20;
	[sflag:s22] =	ssyncset.done $0x0  }
0xa0: {  	[sflag:s22] =	ssyncadd.s32 s4;
	_ =	sdelay $0x1  }
0xa1: {  	s23 =	simm.s32 $0x1B8B  }
0xa2: {  	_ =	swait.ge [sflag:s23], $0x1  }
0xa3: {  	[sflag:s23] =	ssyncset.done $0x0  }
0xa4: {  	s25 =	simm.s32 $0x1B8E;
	s24 =	sld [smem:$0x3FFE];
	[sflag:s23] =	ssyncadd.s32 $0xFFFFFFFF  }
0xa5: {  	s26 =	simm.s32 $execute0_lowered;
	[smem:$0x3FD2] =	sst s25  }
0xa6: {  	s5 =	sshll.u32 s26, $0x1;
	_ =	strace $0x80000046;
	[dreg:$0x1] =	wrdreg $0xFFFFFFFF  }
0xa7: {  	s28 =	simm.s32 $_size_execute0_lowered;
	s3 =	sadd.s32 s3, s5;
	[dreg:$0x0] =	wrdreg $0x0  }
0xa8: {  	s5 =	sshll.u32 s28, $0x1;
	[dreg:$0x2] =	wrdreg s3  }
0xa9: {  	[dreg:$0x3] =	wrdreg s5  }
0xaa: {  	[dreg:$0x4] =	wrdreg $0xC0  }
0xab: {  	_ =	task [dreg:s7], $0x5FFFF  }
0xac: {  	[dreg:$0x1] =	wrdreg $0xFFFFFFFF  }
0xad: {  	[dreg:$0x0] =	wrdreg $0x60  }
0xae: {  	[dreg:$0x2] =	wrdreg s2  }
0xaf: {  	[dreg:$0x3] =	wrdreg s24  }
0xb0: {  	[dreg:$0x4] =	wrdreg $0x70000  }
0xb1: {  	[dreg:$0x5] =	wrdreg $0x9  }
0xb2: {  	_ =	task.clear_ibuf [dreg:s7], $0x6FFFF;
	_ =	strace $0x90000046  }
0xb3: {  	s29 =	simm.s32 $0x9;
	_ =	strace $0x80000048  }
0xb4: {  	_ =	swait.ge [sflag:s29], $0x1  }
0xb5: {  	[sflag:s29] =	ssyncadd.s32 $0xFFFFFFFF  }
0xb6: {  	_ =	strace $0x90000048  }
0xb7: {  	_ =	sfence  }
0xb8: {  	s30 =	sld [smem:$0x0];
	_ =	sdelay $0x2  }
0xb9: {  	s31 =	sshll.u32 s1, $0xD;
	s1 =	sshrl.u32 s1, $0x2  }
0xba: {  	s3 =	sand.u32 $0x4000, s31;
	s1 =	sadd.s32 s1, s30  }
0xbb: {  	s0 =	sor.u32 s3, s0;
	s1 =	sshll.u32 s1, $0x11  }
0xbc: {  	s0 =	sor.u32 s1, s0  }
0xbd: {  	s0 =	sadd.s32 $0x8F2B, s0  }
0xbe: {  	[sflag:s0] =	ssyncadd.remote.s32 $0x1  }
0xbf: {  	_ =	sfence.sel $0xFFFF  }
0xc0: {  	[dreg:$0x0] =	wrdreg $0xFFFFFFFF;
	(pc) =	sbr.abs _section_cstart, $3  }
0xc1: {  	[dreg:$0x1] =	wrdreg $0xFFFFFFFF  }
0xc2: {  	_ =	task.clear_ibuf [dreg:s7], $0x2FFFF;
	_ =	strace $0x9FFFFFFF  }
0xc3: {  	(tm) =	ssettm $0x7FFFFFFF  }
tec
execute0_lowered:
.L_overlay_start_1:
0x0: {  	(tag) =	ssettag $0x1  }
0x1: {  	s5 =	rddreg [dreg:$0x0]  }
0x2: {  	s4 =	rddreg [dreg:$0x1]  }
0x3: {  	s2 =	rddreg [dreg:$0x2]  }
0x4: {  	s0 =	rddreg [dreg:$0x3];
	s6 =	srdreg.scid  }
0x5: {  	s1 =	stileid.u32;
	s3 =	simm.s32 $0x0;
	s11 =	simm.s32 $0x800  }
0x6: {  	s12 =	simm.s32 $0x1;
	s15 =	simm.s32 $0x0;
	s7 =	smul.u32 $0x2800, s1  }
0x7: {  	s6 =	sand.u32 $0x1, s6;
	[smem:$0x7FF] =	sst s3;
	s10 =	smul.u32 $0x50000, s1  }
0x8: {  	s9 =	sshll.u32 s1, $0x1;
	s13 =	sshll.u32 s1, $0x6;
	s8 =	smul.u32 $0x28000, s6  }
0x9: {  	_ =	strace $0x80000047;
	s30 =	ssub.s32 $0x2, s6;
	s6 =	sor.u32 s6, s9  }
0xa: {  	s9 =	simm.s32 $0x4800;
	s13 =	sor.u32 $0x1C02, s13;
	s31 =	sshrl.u32 s30, $0x1  }
0xb: {  	s10 =	sshrl.u32 s10, $0x2;
	s6 =	smul.u32 $0x500, s6;
	s7 =	sadd.s32 s7, s8  }
0xc: {  	s8 =	ssub.s32 s30, s31;
	s7 =	sadd.s32 s7, s4;
	s4 =	sadd.s32 s10, s2  }
0xd: {  	s5 =	sadd.s32 s5, s6;
	s10 =	simm.s32 $0x80;
	s6 =	sadd.s32 $0x3C00, s7  }
0xe: {  	v0 =	vimm.f32 $0.0e+00;
	v1 =	vimm.f32 $1.000000000e+00;
	s7 =	smax.u32 s8, $0x1;
	s8 =	simm.s32 $0x2;
	s14 =	sshrl.u32 s4, $0x3  }
.LBB2_1:
0xf: {  	[tilespmem:$0x0] =	vst v0  }
0x10: {  	[tilespmem:$0x80] =	vst v0  }
0x11: {  	[tilespmem:$0x100] =	vst v0  }
0x12: {  	[tilespmem:$0x180] =	vst v0  }
0x13: {  	[tilespmem:$0x200] =	vst v0  }
0x14: {  	[tilespmem:$0x280] =	vst v0  }
0x15: {  	[tilespmem:$0x300] =	vst v0  }
0x16: {  	[tilespmem:$0x380] =	vst v0  }
0x17: {  	[tilespmem:$0x400] =	vst v0  }
0x18: {  	[tilespmem:$0x480] =	vst v0  }
0x19: {  	[tilespmem:$0x500] =	vst v0  }
0x1a: {  	[tilespmem:$0x580] =	vst v0  }
0x1b: {  	[tilespmem:$0x600] =	vst v0  }
0x1c: {  	[tilespmem:$0x680] =	vst v0  }
0x1d: {  	[tilespmem:$0x700] =	vst v0  }
0x1e: {  	[tilespmem:$0x780] =	vst v0;
	s16 =	sadd.s32 $0x0, s4  }
0x1f: {  	[spmem:s16] =	stream.linear.scatter [tilespmem:s3], [sflag:$0x2], $0x800, $0x38;
	[tilespmem:$0x9800] =	vst v63  }
0x20: {  	s16 =	simm.s32 $0x2000;
	_ =	swait.ge [sflag:s8], $0x800  }
.LBB2_2:
0x21: {  	s17 =	sshra.s32 s16, $0x2;
	[sflag:s8] =	ssyncset.done $0x0;
	p0 =	sne.s32 s16, $0x4E000  }
.Ltmp0:
0x22: {  	s17 =	sadd.s32 s17, s4;
	[sflag:s8] =	ssyncadd.s32 $0xFFFFF800;
	(pc) =	sbr.rel @p0 .LBB2_2-.Ltmp0, $3  }
0x23: {  	[spmem:s17] =	stream.linear.scatter [tilespmem:s3], [sflag:$0x2], $0x800, $0x38;
	[tilespmem:$0x9800] =	vst v63  }
0x24: {  	s16 =	sadd.s32 $0x2000, s16;
	_ =	sdelay $0x1  }
0x25: {  	_ =	swait.ge [sflag:s8], $0x800  }
0x26: {  	[sflag:s8] =	ssyncset.done $0x0  }
0x27: {  	[sflag:s8] =	ssyncadd.s32 $0xFFFFF800  }
0x28: {  	[tilespmem:$0x800] =	vst v1  }
0x29: {  	[tilespmem:$0x880] =	vst v1  }
0x2a: {  	[tilespmem:$0x900] =	vst v1  }
0x2b: {  	[tilespmem:$0x980] =	vst v1  }
0x2c: {  	[tilespmem:$0xA00] =	vst v1  }
0x2d: {  	[tilespmem:$0xA80] =	vst v1  }
0x2e: {  	[tilespmem:$0xB00] =	vst v1  }
0x2f: {  	[tilespmem:$0xB80] =	vst v1  }
0x30: {  	[tilespmem:$0xC00] =	vst v1  }
0x31: {  	[tilespmem:$0xC80] =	vst v1  }
0x32: {  	[tilespmem:$0xD00] =	vst v1  }
0x33: {  	[tilespmem:$0xD80] =	vst v1  }
0x34: {  	[tilespmem:$0xE00] =	vst v1  }
0x35: {  	[tilespmem:$0xE80] =	vst v1  }
0x36: {  	[tilespmem:$0xF00] =	vst v1  }
0x37: {  	[tilespmem:$0xF80] =	vst v1  }
0x38: {  	[tilespmem:$0x1000] =	vst v1  }
0x39: {  	[tilespmem:$0x1080] =	vst v1  }
0x3a: {  	[tilespmem:$0x1100] =	vst v1  }
0x3b: {  	[tilespmem:$0x1180] =	vst v1  }
0x3c: {  	[tilespmem:$0x1200] =	vst v1  }
0x3d: {  	[tilespmem:$0x1280] =	vst v1  }
0x3e: {  	[tilespmem:$0x1300] =	vst v1  }
0x3f: {  	[tilespmem:$0x1380] =	vst v1  }
0x40: {  	[tilespmem:$0x1400] =	vst v1  }
0x41: {  	[tilespmem:$0x1480] =	vst v1  }
0x42: {  	[tilespmem:$0x1500] =	vst v1  }
0x43: {  	[tilespmem:$0x1580] =	vst v1  }
0x44: {  	[tilespmem:$0x1600] =	vst v1  }
0x45: {  	[tilespmem:$0x1680] =	vst v1  }
0x46: {  	[tilespmem:$0x1700] =	vst v1  }
0x47: {  	[tilespmem:$0x1780] =	vst v1  }
0x48: {  	[tilespmem:$0x1800] =	vst v1  }
0x49: {  	[tilespmem:$0x1880] =	vst v1  }
0x4a: {  	[tilespmem:$0x1900] =	vst v1  }
0x4b: {  	[tilespmem:$0x1980] =	vst v1  }
0x4c: {  	[tilespmem:$0x1A00] =	vst v1  }
0x4d: {  	[tilespmem:$0x1A80] =	vst v1  }
0x4e: {  	[tilespmem:$0x1B00] =	vst v1  }
0x4f: {  	[tilespmem:$0x1B80] =	vst v1  }
0x50: {  	[tilespmem:$0x1C00] =	vst v1  }
0x51: {  	[tilespmem:$0x1C80] =	vst v1  }
0x52: {  	[tilespmem:$0x1D00] =	vst v1  }
0x53: {  	[tilespmem:$0x1D80] =	vst v1  }
0x54: {  	[tilespmem:$0x1E00] =	vst v1  }
0x55: {  	[tilespmem:$0x1E80] =	vst v1  }
0x56: {  	[tilespmem:$0x1F00] =	vst v1  }
0x57: {  	[tilespmem:$0x1F80] =	vst v1  }
0x58: {  	[tilespmem:$0x2000] =	vst v1  }
0x59: {  	[tilespmem:$0x2080] =	vst v1  }
0x5a: {  	[tilespmem:$0x2100] =	vst v1  }
0x5b: {  	[tilespmem:$0x2180] =	vst v1  }
0x5c: {  	[tilespmem:$0x2200] =	vst v1  }
0x5d: {  	[tilespmem:$0x2280] =	vst v1  }
0x5e: {  	[tilespmem:$0x2300] =	vst v1  }
0x5f: {  	[tilespmem:$0x2380] =	vst v1  }
0x60: {  	[tilespmem:$0x2400] =	vst v1  }
0x61: {  	[tilespmem:$0x2480] =	vst v1  }
0x62: {  	[tilespmem:$0x2500] =	vst v1  }
0x63: {  	[tilespmem:$0x2580] =	vst v1  }
0x64: {  	[tilespmem:$0x2600] =	vst v1  }
0x65: {  	[tilespmem:$0x2680] =	vst v1  }
0x66: {  	[tilespmem:$0x2700] =	vst v1  }
0x67: {  	[tilespmem:$0x2780] =	vst v1  }
0x68: {  	[tilespmem:$0x2800] =	vst v1  }
0x69: {  	[tilespmem:$0x2880] =	vst v1  }
0x6a: {  	[tilespmem:$0x2900] =	vst v1  }
0x6b: {  	[tilespmem:$0x2980] =	vst v1  }
0x6c: {  	[tilespmem:$0x2A00] =	vst v1  }
0x6d: {  	[tilespmem:$0x2A80] =	vst v1  }
0x6e: {  	[tilespmem:$0x2B00] =	vst v1  }
0x6f: {  	[tilespmem:$0x2B80] =	vst v1  }
0x70: {  	[tilespmem:$0x2C00] =	vst v1  }
0x71: {  	[tilespmem:$0x2C80] =	vst v1  }
0x72: {  	[tilespmem:$0x2D00] =	vst v1  }
0x73: {  	[tilespmem:$0x2D80] =	vst v1  }
0x74: {  	[tilespmem:$0x2E00] =	vst v1  }
0x75: {  	[tilespmem:$0x2E80] =	vst v1  }
0x76: {  	[tilespmem:$0x2F00] =	vst v1  }
0x77: {  	[tilespmem:$0x2F80] =	vst v1  }
0x78: {  	[tilespmem:$0x3000] =	vst v1  }
0x79: {  	[tilespmem:$0x3080] =	vst v1  }
0x7a: {  	[tilespmem:$0x3100] =	vst v1  }
0x7b: {  	[tilespmem:$0x3180] =	vst v1  }
0x7c: {  	[tilespmem:$0x3200] =	vst v1  }
0x7d: {  	[tilespmem:$0x3280] =	vst v1  }
0x7e: {  	[tilespmem:$0x3300] =	vst v1  }
0x7f: {  	[tilespmem:$0x3380] =	vst v1  }
0x80: {  	[tilespmem:$0x3400] =	vst v1  }
0x81: {  	[tilespmem:$0x3480] =	vst v1  }
0x82: {  	[tilespmem:$0x3500] =	vst v1  }
0x83: {  	[tilespmem:$0x3580] =	vst v1  }
0x84: {  	[tilespmem:$0x3600] =	vst v1  }
0x85: {  	[tilespmem:$0x3680] =	vst v1  }
0x86: {  	[tilespmem:$0x3700] =	vst v1  }
0x87: {  	[tilespmem:$0x3780] =	vst v1  }
0x88: {  	[tilespmem:$0x3800] =	vst v1  }
0x89: {  	[tilespmem:$0x3880] =	vst v1  }
0x8a: {  	[tilespmem:$0x3900] =	vst v1  }
0x8b: {  	[tilespmem:$0x3980] =	vst v1  }
0x8c: {  	[tilespmem:$0x3A00] =	vst v1  }
0x8d: {  	[tilespmem:$0x3A80] =	vst v1  }
0x8e: {  	[tilespmem:$0x3B00] =	vst v1  }
0x8f: {  	[tilespmem:$0x3B80] =	vst v1  }
0x90: {  	[tilespmem:$0x3C00] =	vst v1  }
0x91: {  	[tilespmem:$0x3C80] =	vst v1  }
0x92: {  	[tilespmem:$0x3D00] =	vst v1  }
0x93: {  	[tilespmem:$0x3D80] =	vst v1  }
0x94: {  	[tilespmem:$0x3E00] =	vst v1  }
0x95: {  	[tilespmem:$0x3E80] =	vst v1  }
0x96: {  	[tilespmem:$0x3F00] =	vst v1  }
0x97: {  	[tilespmem:$0x3F80] =	vst v1  }
0x98: {  	[tilespmem:$0x4000] =	vst v1  }
0x99: {  	[tilespmem:$0x4080] =	vst v1  }
0x9a: {  	[tilespmem:$0x4100] =	vst v1  }
0x9b: {  	[tilespmem:$0x4180] =	vst v1  }
0x9c: {  	[tilespmem:$0x4200] =	vst v1  }
0x9d: {  	[tilespmem:$0x4280] =	vst v1  }
0x9e: {  	[tilespmem:$0x4300] =	vst v1  }
0x9f: {  	[tilespmem:$0x4380] =	vst v1  }
0xa0: {  	[tilespmem:$0x4400] =	vst v1  }
0xa1: {  	[tilespmem:$0x4480] =	vst v1  }
0xa2: {  	[tilespmem:$0x4500] =	vst v1  }
0xa3: {  	[tilespmem:$0x4580] =	vst v1  }
0xa4: {  	[tilespmem:$0x4600] =	vst v1  }
0xa5: {  	[tilespmem:$0x4680] =	vst v1  }
0xa6: {  	[tilespmem:$0x4700] =	vst v1  }
0xa7: {  	s16 =	simm.s32 $0x0;
	[tilespmem:$0x4780] =	vst v1  }
0xa8: {  	[tilespmem:s9], [sflag:$0x2] =	stream.linear.gather [hbm4b:s5+s16], $0x2800, $0x38;
	[tilespmem:$0x9800] =	vst v63  }
0xa9: {  	_ =	swait.ge [sflag:s8], $0x2800  }
0xaa: {  	[sflag:s8] =	ssyncset.done $0x0  }
0xab: {  	[sflag:s8] =	ssyncadd.s32 $0xFFFFD800  }
0xac: {  	[bflag:$0x0] =	sbarrier.arrive $0xFFFF  }
.LBB2_4:
0xad: {  	p0 =	sne.s32 s16, $0x9E00  }
.Ltmp1:
0xae: {  	_ = 	snop;
	(pc) =	sbr.rel @p0 .LBB2_4-.Ltmp1, $4  }
0xaf: {  	_ = 	snop  }
0xb0: {  	s17 =	sshra.s32 s16, $0x2  }
0xb1: {  	s16 =	sadd.s32 $0x200, s16;
	s17 =	sadd.s32 $0x4800, s17  }
0xb2: {  	[spmem:s2] =	stream.indirect.scatter.add.f32 [tilespmem:s11], [sflag:$0x1], $0x10, s17, s10, $0xb8;
	[tilespmem:$0x9800] =	vst v63  }
0xb3: {  	_ =	swait.ge [sflag:s12], $0x800  }
0xb4: {  	s16 =	simm.s32 $0x4F;
	[sflag:s12] =	ssyncset.done $0x0  }
.LBB2_6:
0xb5: {  	p0 =	sne.s32 s16, $0x1;
	s16 =	sadd.s32 $0xFFFFFFFF, s16;
	[sflag:s12] =	ssyncadd.s32 $0xFFFFF800  }
.Ltmp2:
0xb6: {  	(pc) =	sbr.rel @p0 .LBB2_6-.Ltmp2, $3  }
0xb7: {  	_ =	sdelay $0x1  }
0xb8: {  	_ =	swait.ge [sflag:s12], $0x800  }
0xb9: {  	[sflag:s12] =	ssyncset.done $0x0  }
0xba: {  	s15 =	sadd.s32 $0x1, s15  }
0xbb: {  	[sflag:s12] =	ssyncadd.s32 $0xFFFFF800;
	p0 =	sne.s32 s15, s7  }
.Ltmp3:
0xbc: {  	[bflag:$0x0] =	sbarrier.arrive $0xFFFF;
	(pc) =	sbr.rel @p0 .LBB2_1-.Ltmp3, $4  }
0xbd: {  	[hbm:s6], [sflag:s13] =	dma.local [spmem:s14], $0x2800  }
0xbe: {  	_ =	swait.ge [sflag:s8], $0x2800  }
0xbf: {  	[sflag:s8] =	ssyncset.done $0x0  }
0xc0: {  	[sflag:s8] =	ssyncadd.s32 $0xFFFFD800  }
0xc1: {  	_ =	sfence.sel $0x180000  }
0xc2: {  	[bflag:$0x0] =	sbarrier.arrive $0xFFFF  }
0xc3: {  	p0 =	sne.s32 s1, $0x0;
	_ =	strace $0x90000047  }
0xc4: {  	s0 =	sadd.s32 @!p0 $0x100000, s0;
	[bflag:$0x2] =	sbarrier.arrive $0xFFFF  }
0xc5: {  	[sflag:s0] =	ssyncadd.tile.s32 @!p0 $0x1;
	_ =	shalt  }
.Lfunc_end2:
_tile_overlayer_lowered:
.L_overlay_start_2:
0xc6: {  	(tag) =	ssettag $0x2  }
0xc7: {  	s0 =	rddreg [dreg:$0x0];
	s2 =	stileid.u32  }
0xc8: {  	s1 =	rddreg [dreg:$0x1];
	p0 =	sne.s32 s2, $0x0  }
0xc9: {  	s3 =	rddreg [dreg:$0x2];
	[bflag:$0x3] =	sbarrier.arrive $0xFFFF;
	s2 =	simm.s32 @!p0 $0x1C02  }
0xca: {  	[timem:s3], [sflag:s2] =	dma.local @!p0 [hbm:s0], s1  }
0xcb: {  	s0 =	simm.s32 @!p0 $0x2  }
0xcc: {  	_ =	swait.ge @!p0 [sflag:s0], s1  }
0xcd: {  	s1 =	ssub.s32 @!p0 $0x0, s1;
	[sflag:s0] =	ssyncset.done @!p0 $0x0  }
0xce: {  	[sflag:s0] =	ssyncadd.s32 @!p0 s1  }
0xcf: {  	[bflag:$0x3] =	sbarrier.arrive $0xFFFF  }
0xd0: {  	_ =	shalt  }

</sc_bundles>
